<compile_context>
chip_gen: v7x
topology: tpu7x:2x2x1
jax: 0.10.2.dev20260603
libtpu: 0.0.44.dev20260713+nightly
codegen_flags: <defaults>
</compile_context>

<pallas_src>
import functools

import jax
import jax.numpy as jnp
from jax import lax
from jax.experimental import pallas as pl
from jax.experimental.pallas import tpu as pltpu
from jax.experimental.pallas import tpu_sc as plsc

EMB_DIM = 128
N_NEG = 5
NC = 2
NS = 16
L = 16
NW = NC * NS
CH = 16
NBUF = 4


def _sc_scores(target, context, neg_flat, syn0, syn1):
    B = target.shape[0]
    BW = B // NW
    nchunk = BW // CH
    mesh = plsc.VectorSubcoreMesh(core_axis_name="c", subcore_axis_name="s")

    @functools.partial(
        pl.kernel,
        out_type=jax.ShapeDtypeStruct((NW, L), jnp.float32),
        mesh=mesh,
        compiler_params=pltpu.CompilerParams(needs_layout_passes=False),
        scratch_types=[
            pltpu.VMEM((BW,), jnp.int32),
            pltpu.VMEM((BW,), jnp.int32),
            pltpu.VMEM((N_NEG, BW), jnp.int32),
            [pltpu.VMEM((CH * N_NEG,), jnp.int32)] * NBUF,
            [pltpu.VMEM((CH, EMB_DIM), jnp.float32)] * NBUF,
            [pltpu.VMEM((CH, EMB_DIM), jnp.float32)] * NBUF,
            [pltpu.VMEM((CH * N_NEG, EMB_DIM), jnp.float32)] * NBUF,
            pltpu.VMEM((L,), jnp.float32),
            [pltpu.SemaphoreType.DMA] * NBUF,
        ],
    )
    def k(t_hbm, c_hbm, n_hbm, syn0_hbm, syn1_hbm, out_hbm,
          t_idx, c_idx, n_idx2, nfs, ts, cs, ns, acc_v, sems):
        wid = lax.axis_index("s") * NC + lax.axis_index("c")
        base = wid * BW
        pltpu.sync_copy(t_hbm.at[pl.ds(base, BW)], t_idx)
        pltpu.sync_copy(c_hbm.at[pl.ds(base, BW)], c_idx)
        pltpu.sync_copy(n_hbm.at[:, pl.ds(base, BW)], n_idx2)

        lane = lax.iota(jnp.int32, L)

        def copies(ch, t_r, c_r, n_r, n_f, sem):
            e0 = ch * CH
            return (
                pltpu.make_async_copy(
                    syn0_hbm.at[t_idx.at[pl.ds(e0, CH)]], t_r, sem),
                pltpu.make_async_copy(
                    syn1_hbm.at[c_idx.at[pl.ds(e0, CH)]], c_r, sem),
                pltpu.make_async_copy(syn1_hbm.at[n_f], n_r, sem),
            )

        def issue(ch, t_r, c_r, n_r, n_f, sem):
            e0 = ch * CH
            for j in range(N_NEG):
                n_f[pl.ds(j * CH, CH)] = n_idx2[j, pl.ds(e0, CH)]
            for cp in copies(ch, t_r, c_r, n_r, n_f, sem):
                cp.start()

        def drain(ch, t_r, c_r, n_r, n_f, sem):
            for cp in copies(ch, t_r, c_r, n_r, n_f, sem):
                cp.wait()

        def log_sigmoid(x):
            z = jnp.exp(-jnp.abs(x))
            s = z / (2.0 + z)
            s2 = s * s
            p = 1.0 / 7.0 + s2 * (1.0 / 9.0)
            p = 1.0 / 5.0 + s2 * p
            p = 1.0 / 3.0 + s2 * p
            log1p_z = 2.0 * s * (1.0 + s2 * p)
            return jnp.minimum(x, 0.0) - log1p_z

        def compute(ch, t_rows, c_rows, n_rows):
            def elem_body(i, svecs):
                tv = [t_rows[i, pl.ds(16 * q, 16)] for q in range(EMB_DIM // L)]

                def dot(rows_ref, r):
                    acc = tv[0] * rows_ref[r, pl.ds(0, 16)]
                    for q in range(1, EMB_DIM // L):
                        acc = acc + tv[q] * rows_ref[r, pl.ds(16 * q, 16)]
                    return jnp.sum(acc)

                m = lane == i
                out = [jnp.where(m, dot(c_rows, i), svecs[0])]
                for j in range(N_NEG):
                    out.append(
                        jnp.where(m, -dot(n_rows, j * CH + i), svecs[1 + j]))
                return out

            svecs = lax.fori_loop(
                0, CH, elem_body, [jnp.zeros((L,), jnp.float32)] * 6)
            part = log_sigmoid(svecs[0])
            for j in range(N_NEG):
                part = part + log_sigmoid(svecs[1 + j])
            return part

        for b in range(NBUF):
            issue(b, ts[b], cs[b], ns[b], nfs[b], sems[b])

        def pipe_body(g, carry):
            for b in range(NBUF):
                ch = NBUF * g + b
                drain(ch, ts[b], cs[b], ns[b], nfs[b], sems[b])
                carry = carry + compute(ch, ts[b], cs[b], ns[b])

                @pl.when(g < nchunk // NBUF - 1)
                def _():
                    issue(ch + NBUF, ts[b], cs[b], ns[b], nfs[b], sems[b])

            return carry

        acc = lax.fori_loop(
            0, nchunk // NBUF, pipe_body, jnp.zeros((L,), jnp.float32))
        acc_v[...] = acc
        pltpu.sync_copy(acc_v, out_hbm.at[wid])

    return k(target, context, neg_flat, syn0, syn1)


def _tc_loss(partials):
    def body(x_ref, o_ref):
        o_ref[...] = jnp.full((1, 1), -jnp.sum(x_ref[...]), jnp.float32)

    return pl.pallas_call(
        body,
        out_shape=jax.ShapeDtypeStruct((1, 1), jnp.float32),
    )(partials)


def kernel(target, context, negatives, syn0, syn1):
    partials = _sc_scores(
        target.astype(jnp.int32),
        context.astype(jnp.int32),
        jnp.swapaxes(negatives, 0, 1).astype(jnp.int32),
        syn0, syn1)
    return jnp.reshape(_tc_loss(partials), ())

# --- scband reference (transcript-rebuilt; emitter-appended) ---
"""Pipeline reference for scband-sg-24008867184818 (READ-ONLY COPY).

The authoritative reference and input builder live on the scoring server;
editing this copy changes nothing except your own understanding.
"""

import jax, jax.numpy as jnp
import numpy as np

EMB_SIZE = 1000000
EMB_DIM = 128
BATCH = 16384
N_NEG = 5

def setup_inputs(seed: int = 0) -> dict:
    key = jax.random.key(seed)
    k1, k2, k3, k4 = jax.random.split(key, 4)
    target = jax.random.randint(k1, (BATCH,), 0, EMB_SIZE, dtype=jnp.int64 if jax.config.jax_enable_x64 else jnp.int32)
    context = jax.random.randint(k2, (BATCH,), 0, EMB_SIZE, dtype=jnp.int64 if jax.config.jax_enable_x64 else jnp.int32)
    negatives = jax.random.randint(k3, (BATCH, N_NEG), 0, EMB_SIZE, dtype=jnp.int64 if jax.config.jax_enable_x64 else jnp.int32)
    init_range = 0.5 / EMB_DIM
    syn0 = jax.random.uniform(k4, (EMB_SIZE, EMB_DIM), dtype=jnp.float32, minval=-init_range, maxval=init_range)
    syn0 = syn0.at[0, :].set(0.0)  # padding_idx=0 zeroed
    syn1 = jnp.zeros((EMB_SIZE, EMB_DIM), dtype=jnp.float32)
    return {"target": target, "context": context, "negatives": negatives, "syn0": syn0, "syn1": syn1}

def reference(target, context, negatives, syn0, syn1):
    # embedding lookups (gathers)
    t = jnp.take(syn0, target, axis=0)               # [B, D]
    c = jnp.take(syn1, context, axis=0)              # [B, D]
    score = jnp.sum(t * c, axis=1)                   # [B]
    score = jax.nn.log_sigmoid(score)
    n = jnp.take(syn1, negatives, axis=0)            # [B, N_NEG, D]
    neg_score = jnp.einsum('bnd,bd->bn', n, t)       # bmm(n, t.unsqueeze(2)).squeeze()
    neg_score = jax.nn.log_sigmoid(-1.0 * neg_score)
    return -1.0 * (jnp.sum(score) + jnp.sum(neg_score))

if __name__ == "__main__":
    import jax
    _d = setup_inputs()
    print(jax.jit(kernel)(*tuple(_d.values())))

</pallas_src>

<mosaic_0001>
#map = affine_map<(d0, d1) -> (0)>
#map1 = affine_map<(d0, d1) -> (0, 0)>
module attributes {stable_mosaic.version = 14 : i64} {
  func.func @k(%arg0: i32, %arg1: i32, %arg2: memref<16384xi32, #tpu.memory_space<hbm>>, %arg3: memref<16384xi32, #tpu.memory_space<hbm>>, %arg4: memref<5x16384xi32, #tpu.memory_space<hbm>>, %arg5: memref<1000000x128xf32, #tpu.memory_space<hbm>>, %arg6: memref<1000000x128xf32, #tpu.memory_space<hbm>>, %arg7: memref<32x16xf32, #tpu.memory_space<hbm>>, %arg8: memref<512xi32, #tpu.memory_space<vmem>>, %arg9: memref<512xi32, #tpu.memory_space<vmem>>, %arg10: memref<5x512xi32, #tpu.memory_space<vmem>>, %arg11: memref<80xi32, #tpu.memory_space<vmem>>, %arg12: memref<80xi32, #tpu.memory_space<vmem>>, %arg13: memref<80xi32, #tpu.memory_space<vmem>>, %arg14: memref<80xi32, #tpu.memory_space<vmem>>, %arg15: memref<16x128xf32, #tpu.memory_space<vmem>>, %arg16: memref<16x128xf32, #tpu.memory_space<vmem>>, %arg17: memref<16x128xf32, #tpu.memory_space<vmem>>, %arg18: memref<16x128xf32, #tpu.memory_space<vmem>>, %arg19: memref<16x128xf32, #tpu.memory_space<vmem>>, %arg20: memref<16x128xf32, #tpu.memory_space<vmem>>, %arg21: memref<16x128xf32, #tpu.memory_space<vmem>>, %arg22: memref<16x128xf32, #tpu.memory_space<vmem>>, %arg23: memref<80x128xf32, #tpu.memory_space<vmem>>, %arg24: memref<80x128xf32, #tpu.memory_space<vmem>>, %arg25: memref<80x128xf32, #tpu.memory_space<vmem>>, %arg26: memref<80x128xf32, #tpu.memory_space<vmem>>, %arg27: memref<16xf32, #tpu.memory_space<vmem>>, %arg28: memref<!tpu.dma_semaphore, #tpu.memory_space<semaphore_mem>>, %arg29: memref<!tpu.dma_semaphore, #tpu.memory_space<semaphore_mem>>, %arg30: memref<!tpu.dma_semaphore, #tpu.memory_space<semaphore_mem>>, %arg31: memref<!tpu.dma_semaphore, #tpu.memory_space<semaphore_mem>>) attributes {dimension_semantics = [#tpu.dimension_semantics<core_parallel>, #tpu.dimension_semantics<subcore_parallel>], iteration_bounds = array<i64: 2, 16>, scalar_prefetch = 0 : i64, scratch_operands = 24 : i64, tpu.core_type = #tpu.core_type<sc_vector_subcore>, window_params = [{transform_indices = #map}, {transform_indices = #map}, {transform_indices = #map1}, {transform_indices = #map1}, {transform_indices = #map1}, {transform_indices = #map1}]} {
    %mul3A = arith.constant 2 : i32
    %mul3A_0 = arith.muli %arg1, %mul3A : i32
    %add3A = arith.addi %mul3A_0, %arg0 : i32
    %mul3A_1 = arith.constant 512 : i32
    %mul3A_2 = arith.muli %add3A, %mul3A_1 : i32
    "tpu.region"() ({
      %run_scoped3A = tpu.sem_alloc : memref<!tpu.dma_semaphore, #tpu.memory_space<semaphore_mem>>
      %dma_start3A_180 = tpu.memref_slice %arg2[%mul3A_2] : memref<16384xi32, #tpu.memory_space<hbm>> -> memref<512xi32, #tpu.memory_space<hbm>>
      %dma_start3A_181 = tpu.memref_slice %arg2[%mul3A_2] : memref<16384xi32, #tpu.memory_space<hbm>> -> memref<512xi32, #tpu.memory_space<hbm>>
      tpu.enqueue_dma source(%dma_start3A_181 : memref<512xi32, #tpu.memory_space<hbm>>) target(%arg8 : memref<512xi32, #tpu.memory_space<vmem>>) target_semaphore(%run_scoped3A : memref<!tpu.dma_semaphore, #tpu.memory_space<semaphore_mem>>)
      %dma_wait3A = tpu.memref_slice %arg2[%mul3A_2] : memref<16384xi32, #tpu.memory_space<hbm>> -> memref<512xi32, #tpu.memory_space<hbm>>
      %dma_wait3A_182 = tpu.memref_slice %arg2[%mul3A_2] : memref<16384xi32, #tpu.memory_space<hbm>> -> memref<512xi32, #tpu.memory_space<hbm>>
      tpu.wait_dma2 semaphore(%run_scoped3A : memref<!tpu.dma_semaphore, #tpu.memory_space<semaphore_mem>>) src(%dma_wait3A_182 : memref<512xi32, #tpu.memory_space<hbm>>) dst(%arg8 : memref<512xi32, #tpu.memory_space<vmem>>)
      tpu.yield
    }) : () -> ()
    "tpu.region"() ({
      %run_scoped3A = tpu.sem_alloc : memref<!tpu.dma_semaphore, #tpu.memory_space<semaphore_mem>>
      %dma_start3A_180 = tpu.memref_slice %arg3[%mul3A_2] : memref<16384xi32, #tpu.memory_space<hbm>> -> memref<512xi32, #tpu.memory_space<hbm>>
      %dma_start3A_181 = tpu.memref_slice %arg3[%mul3A_2] : memref<16384xi32, #tpu.memory_space<hbm>> -> memref<512xi32, #tpu.memory_space<hbm>>
      tpu.enqueue_dma source(%dma_start3A_181 : memref<512xi32, #tpu.memory_space<hbm>>) target(%arg9 : memref<512xi32, #tpu.memory_space<vmem>>) target_semaphore(%run_scoped3A : memref<!tpu.dma_semaphore, #tpu.memory_space<semaphore_mem>>)
      %dma_wait3A = tpu.memref_slice %arg3[%mul3A_2] : memref<16384xi32, #tpu.memory_space<hbm>> -> memref<512xi32, #tpu.memory_space<hbm>>
      %dma_wait3A_182 = tpu.memref_slice %arg3[%mul3A_2] : memref<16384xi32, #tpu.memory_space<hbm>> -> memref<512xi32, #tpu.memory_space<hbm>>
      tpu.wait_dma2 semaphore(%run_scoped3A : memref<!tpu.dma_semaphore, #tpu.memory_space<semaphore_mem>>) src(%dma_wait3A_182 : memref<512xi32, #tpu.memory_space<hbm>>) dst(%arg9 : memref<512xi32, #tpu.memory_space<vmem>>)
      tpu.yield
    }) : () -> ()
    "tpu.region"() ({
      %run_scoped3A = tpu.sem_alloc : memref<!tpu.dma_semaphore, #tpu.memory_space<semaphore_mem>>
      %dma_start3A_180 = arith.constant 0 : i32
      %dma_start3A_181 = tpu.memref_slice %arg4[%dma_start3A_180, %mul3A_2] : memref<5x16384xi32, #tpu.memory_space<hbm>> -> memref<5x512xi32, #tpu.memory_space<hbm>>
      %dma_start3A_182 = arith.constant 0 : i32
      %dma_start3A_183 = tpu.memref_slice %arg4[%dma_start3A_182, %mul3A_2] : memref<5x16384xi32, #tpu.memory_space<hbm>> -> memref<5x512xi32, #tpu.memory_space<hbm>>
      tpu.enqueue_dma source(%dma_start3A_183 : memref<5x512xi32, #tpu.memory_space<hbm>>) target(%arg10 : memref<5x512xi32, #tpu.memory_space<vmem>>) target_semaphore(%run_scoped3A : memref<!tpu.dma_semaphore, #tpu.memory_space<semaphore_mem>>)
      %dma_wait3A = arith.constant 0 : i32
      %dma_wait3A_184 = tpu.memref_slice %arg4[%dma_wait3A, %mul3A_2] : memref<5x16384xi32, #tpu.memory_space<hbm>> -> memref<5x512xi32, #tpu.memory_space<hbm>>
      %dma_wait3A_185 = arith.constant 0 : i32
      %dma_wait3A_186 = tpu.memref_slice %arg4[%dma_wait3A_185, %mul3A_2] : memref<5x16384xi32, #tpu.memory_space<hbm>> -> memref<5x512xi32, #tpu.memory_space<hbm>>
      tpu.wait_dma2 semaphore(%run_scoped3A : memref<!tpu.dma_semaphore, #tpu.memory_space<semaphore_mem>>) src(%dma_wait3A_186 : memref<5x512xi32, #tpu.memory_space<hbm>>) dst(%arg10 : memref<5x512xi32, #tpu.memory_space<vmem>>)
      tpu.yield
    }) : () -> ()
    %iota3A = tpu.iota {dimensions = array<i32: 0>} : vector<16xi32>
    %get3A = arith.constant 0 : i32
    %get3A_3 = arith.index_cast %get3A : i32 to index
    %get3A_4 = arith.constant 0 : index
    %get3A_5 = tpu.vector_load %arg10[%get3A_3, %get3A_4] {strides = array<i32>} : memref<5x512xi32, #tpu.memory_space<vmem>>, vector<16xi32>,
    %swap3A = arith.constant 0 : index
    %swap3A_6 = tpu.vector_load %arg11[%swap3A] {strides = array<i32>} : memref<80xi32, #tpu.memory_space<vmem>>, vector<16xi32>,
    tpu.vector_store %arg11[%swap3A], %get3A_5 {strides = array<i32>} : memref<80xi32, #tpu.memory_space<vmem>>, vector<16xi32>,
    %get3A_7 = arith.constant 1 : i32
    %get3A_8 = arith.index_cast %get3A_7 : i32 to index
    %get3A_9 = arith.constant 0 : index
    %get3A_10 = tpu.vector_load %arg10[%get3A_8, %get3A_9] {strides = array<i32>} : memref<5x512xi32, #tpu.memory_space<vmem>>, vector<16xi32>,
    %swap3A_11 = arith.constant 16 : index
    %swap3A_12 = tpu.vector_load %arg11[%swap3A_11] {strides = array<i32>} : memref<80xi32, #tpu.memory_space<vmem>>, vector<16xi32>,
    tpu.vector_store %arg11[%swap3A_11], %get3A_10 {strides = array<i32>} : memref<80xi32, #tpu.memory_space<vmem>>, vector<16xi32>,
    %get3A_13 = arith.constant 2 : i32
    %get3A_14 = arith.index_cast %get3A_13 : i32 to index
    %get3A_15 = arith.constant 0 : index
    %get3A_16 = tpu.vector_load %arg10[%get3A_14, %get3A_15] {strides = array<i32>} : memref<5x512xi32, #tpu.memory_space<vmem>>, vector<16xi32>,
    %swap3A_17 = arith.constant 32 : index
    %swap3A_18 = tpu.vector_load %arg11[%swap3A_17] {strides = array<i32>} : memref<80xi32, #tpu.memory_space<vmem>>, vector<16xi32>,
    tpu.vector_store %arg11[%swap3A_17], %get3A_16 {strides = array<i32>} : memref<80xi32, #tpu.memory_space<vmem>>, vector<16xi32>,
    %get3A_19 = arith.constant 3 : i32
    %get3A_20 = arith.index_cast %get3A_19 : i32 to index
    %get3A_21 = arith.constant 0 : index
    %get3A_22 = tpu.vector_load %arg10[%get3A_20, %get3A_21] {strides = array<i32>} : memref<5x512xi32, #tpu.memory_space<vmem>>, vector<16xi32>,
    %swap3A_23 = arith.constant 48 : index
    %swap3A_24 = tpu.vector_load %arg11[%swap3A_23] {strides = array<i32>} : memref<80xi32, #tpu.memory_space<vmem>>, vector<16xi32>,
    tpu.vector_store %arg11[%swap3A_23], %get3A_22 {strides = array<i32>} : memref<80xi32, #tpu.memory_space<vmem>>, vector<16xi32>,
    %get3A_25 = arith.constant 4 : i32
    %get3A_26 = arith.index_cast %get3A_25 : i32 to index
    %get3A_27 = arith.constant 0 : index
    %get3A_28 = tpu.vector_load %arg10[%get3A_26, %get3A_27] {strides = array<i32>} : memref<5x512xi32, #tpu.memory_space<vmem>>, vector<16xi32>,
    %swap3A_29 = arith.constant 64 : index
    %swap3A_30 = tpu.vector_load %arg11[%swap3A_29] {strides = array<i32>} : memref<80xi32, #tpu.memory_space<vmem>>, vector<16xi32>,
    tpu.vector_store %arg11[%swap3A_29], %get3A_28 {strides = array<i32>} : memref<80xi32, #tpu.memory_space<vmem>>, vector<16xi32>,
    %dma_start3A = arith.constant 0 : i32
    %dma_start3A_31 = tpu.memref_slice %arg8[%dma_start3A] : memref<512xi32, #tpu.memory_space<vmem>> -> memref<16xi32, #tpu.memory_space<vmem>>
    %dma_start3A_32 = arith.constant 0 : i32
    %dma_start3A_33 = arith.constant 0 : i32
    %dma_start3A_34 = tpu.memref_slice %arg5[%dma_start3A_32, %dma_start3A_33] : memref<1000000x128xf32, #tpu.memory_space<hbm>> -> memref<1000000x128xf32, #tpu.memory_space<hbm>>
    tpu.enqueue_indirect_dma source(%dma_start3A_34 : memref<1000000x128xf32, #tpu.memory_space<hbm>>) target(%arg15 : memref<16x128xf32, #tpu.memory_space<vmem>>) offsets(%dma_start3A_31 : memref<16xi32, #tpu.memory_space<vmem>>) semaphore(%arg28 : memref<!tpu.dma_semaphore, #tpu.memory_space<semaphore_mem>>)
    %dma_start3A_35 = arith.constant 0 : i32
    %dma_start3A_36 = tpu.memref_slice %arg9[%dma_start3A_35] : memref<512xi32, #tpu.memory_space<vmem>> -> memref<16xi32, #tpu.memory_space<vmem>>
    %dma_start3A_37 = arith.constant 0 : i32
    %dma_start3A_38 = arith.constant 0 : i32
    %dma_start3A_39 = tpu.memref_slice %arg6[%dma_start3A_37, %dma_start3A_38] : memref<1000000x128xf32, #tpu.memory_space<hbm>> -> memref<1000000x128xf32, #tpu.memory_space<hbm>>
    tpu.enqueue_indirect_dma source(%dma_start3A_39 : memref<1000000x128xf32, #tpu.memory_space<hbm>>) target(%arg19 : memref<16x128xf32, #tpu.memory_space<vmem>>) offsets(%dma_start3A_36 : memref<16xi32, #tpu.memory_space<vmem>>) semaphore(%arg28 : memref<!tpu.dma_semaphore, #tpu.memory_space<semaphore_mem>>)
    %dma_start3A_40 = arith.constant 0 : i32
    %dma_start3A_41 = arith.constant 0 : i32
    %dma_start3A_42 = tpu.memref_slice %arg6[%dma_start3A_40, %dma_start3A_41] : memref<1000000x128xf32, #tpu.memory_space<hbm>> -> memref<1000000x128xf32, #tpu.memory_space<hbm>>
    tpu.enqueue_indirect_dma source(%dma_start3A_42 : memref<1000000x128xf32, #tpu.memory_space<hbm>>) target(%arg23 : memref<80x128xf32, #tpu.memory_space<vmem>>) offsets(%arg11 : memref<80xi32, #tpu.memory_space<vmem>>) semaphore(%arg28 : memref<!tpu.dma_semaphore, #tpu.memory_space<semaphore_mem>>)
    %get3A_43 = arith.constant 0 : i32
    %get3A_44 = arith.index_cast %get3A_43 : i32 to index
    %get3A_45 = arith.constant 16 : index
    %get3A_46 = tpu.vector_load %arg10[%get3A_44, %get3A_45] {strides = array<i32>} : memref<5x512xi32, #tpu.memory_space<vmem>>, vector<16xi32>,
    %swap3A_47 = arith.constant 0 : index
    %swap3A_48 = tpu.vector_load %arg12[%swap3A_47] {strides = array<i32>} : memref<80xi32, #tpu.memory_space<vmem>>, vector<16xi32>,
    tpu.vector_store %arg12[%swap3A_47], %get3A_46 {strides = array<i32>} : memref<80xi32, #tpu.memory_space<vmem>>, vector<16xi32>,
    %get3A_49 = arith.constant 1 : i32
    %get3A_50 = arith.index_cast %get3A_49 : i32 to index
    %get3A_51 = arith.constant 16 : index
    %get3A_52 = tpu.vector_load %arg10[%get3A_50, %get3A_51] {strides = array<i32>} : memref<5x512xi32, #tpu.memory_space<vmem>>, vector<16xi32>,
    %swap3A_53 = arith.constant 16 : index
    %swap3A_54 = tpu.vector_load %arg12[%swap3A_53] {strides = array<i32>} : memref<80xi32, #tpu.memory_space<vmem>>, vector<16xi32>,
    tpu.vector_store %arg12[%swap3A_53], %get3A_52 {strides = array<i32>} : memref<80xi32, #tpu.memory_space<vmem>>, vector<16xi32>,
    %get3A_55 = arith.constant 2 : i32
    %get3A_56 = arith.index_cast %get3A_55 : i32 to index
    %get3A_57 = arith.constant 16 : index
    %get3A_58 = tpu.vector_load %arg10[%get3A_56, %get3A_57] {strides = array<i32>} : memref<5x512xi32, #tpu.memory_space<vmem>>, vector<16xi32>,
    %swap3A_59 = arith.constant 32 : index
    %swap3A_60 = tpu.vector_load %arg12[%swap3A_59] {strides = array<i32>} : memref<80xi32, #tpu.memory_space<vmem>>, vector<16xi32>,
    tpu.vector_store %arg12[%swap3A_59], %get3A_58 {strides = array<i32>} : memref<80xi32, #tpu.memory_space<vmem>>, vector<16xi32>,
    %get3A_61 = arith.constant 3 : i32
    %get3A_62 = arith.index_cast %get3A_61 : i32 to index
    %get3A_63 = arith.constant 16 : index
    %get3A_64 = tpu.vector_load %arg10[%get3A_62, %get3A_63] {strides = array<i32>} : memref<5x512xi32, #tpu.memory_space<vmem>>, vector<16xi32>,
    %swap3A_65 = arith.constant 48 : index
    %swap3A_66 = tpu.vector_load %arg12[%swap3A_65] {strides = array<i32>} : memref<80xi32, #tpu.memory_space<vmem>>, vector<16xi32>,
    tpu.vector_store %arg12[%swap3A_65], %get3A_64 {strides = array<i32>} : memref<80xi32, #tpu.memory_space<vmem>>, vector<16xi32>,
    %get3A_67 = arith.constant 4 : i32
    %get3A_68 = arith.index_cast %get3A_67 : i32 to index
    %get3A_69 = arith.constant 16 : index
    %get3A_70 = tpu.vector_load %arg10[%get3A_68, %get3A_69] {strides = array<i32>} : memref<5x512xi32, #tpu.memory_space<vmem>>, vector<16xi32>,
    %swap3A_71 = arith.constant 64 : index
    %swap3A_72 = tpu.vector_load %arg12[%swap3A_71] {strides = array<i32>} : memref<80xi32, #tpu.memory_space<vmem>>, vector<16xi32>,
    tpu.vector_store %arg12[%swap3A_71], %get3A_70 {strides = array<i32>} : memref<80xi32, #tpu.memory_space<vmem>>, vector<16xi32>,
    %dma_start3A_73 = arith.constant 16 : i32
    %dma_start3A_74 = tpu.memref_slice %arg8[%dma_start3A_73] : memref<512xi32, #tpu.memory_space<vmem>> -> memref<16xi32, #tpu.memory_space<vmem>>
    %dma_start3A_75 = arith.constant 0 : i32
    %dma_start3A_76 = arith.constant 0 : i32
    %dma_start3A_77 = tpu.memref_slice %arg5[%dma_start3A_75, %dma_start3A_76] : memref<1000000x128xf32, #tpu.memory_space<hbm>> -> memref<1000000x128xf32, #tpu.memory_space<hbm>>
    tpu.enqueue_indirect_dma source(%dma_start3A_77 : memref<1000000x128xf32, #tpu.memory_space<hbm>>) target(%arg16 : memref<16x128xf32, #tpu.memory_space<vmem>>) offsets(%dma_start3A_74 : memref<16xi32, #tpu.memory_space<vmem>>) semaphore(%arg29 : memref<!tpu.dma_semaphore, #tpu.memory_space<semaphore_mem>>)
    %dma_start3A_78 = arith.constant 16 : i32
    %dma_start3A_79 = tpu.memref_slice %arg9[%dma_start3A_78] : memref<512xi32, #tpu.memory_space<vmem>> -> memref<16xi32, #tpu.memory_space<vmem>>
    %dma_start3A_80 = arith.constant 0 : i32
    %dma_start3A_81 = arith.constant 0 : i32
    %dma_start3A_82 = tpu.memref_slice %arg6[%dma_start3A_80, %dma_start3A_81] : memref<1000000x128xf32, #tpu.memory_space<hbm>> -> memref<1000000x128xf32, #tpu.memory_space<hbm>>
    tpu.enqueue_indirect_dma source(%dma_start3A_82 : memref<1000000x128xf32, #tpu.memory_space<hbm>>) target(%arg20 : memref<16x128xf32, #tpu.memory_space<vmem>>) offsets(%dma_start3A_79 : memref<16xi32, #tpu.memory_space<vmem>>) semaphore(%arg29 : memref<!tpu.dma_semaphore, #tpu.memory_space<semaphore_mem>>)
    %dma_start3A_83 = arith.constant 0 : i32
    %dma_start3A_84 = arith.constant 0 : i32
    %dma_start3A_85 = tpu.memref_slice %arg6[%dma_start3A_83, %dma_start3A_84] : memref<1000000x128xf32, #tpu.memory_space<hbm>> -> memref<1000000x128xf32, #tpu.memory_space<hbm>>
    tpu.enqueue_indirect_dma source(%dma_start3A_85 : memref<1000000x128xf32, #tpu.memory_space<hbm>>) target(%arg24 : memref<80x128xf32, #tpu.memory_space<vmem>>) offsets(%arg12 : memref<80xi32, #tpu.memory_space<vmem>>) semaphore(%arg29 : memref<!tpu.dma_semaphore, #tpu.memory_space<semaphore_mem>>)
    %get3A_86 = arith.constant 0 : i32
    %get3A_87 = arith.index_cast %get3A_86 : i32 to index
    %get3A_88 = arith.constant 32 : index
    %get3A_89 = tpu.vector_load %arg10[%get3A_87, %get3A_88] {strides = array<i32>} : memref<5x512xi32, #tpu.memory_space<vmem>>, vector<16xi32>,
    %swap3A_90 = arith.constant 0 : index
    %swap3A_91 = tpu.vector_load %arg13[%swap3A_90] {strides = array<i32>} : memref<80xi32, #tpu.memory_space<vmem>>, vector<16xi32>,
    tpu.vector_store %arg13[%swap3A_90], %get3A_89 {strides = array<i32>} : memref<80xi32, #tpu.memory_space<vmem>>, vector<16xi32>,
    %get3A_92 = arith.constant 1 : i32
    %get3A_93 = arith.index_cast %get3A_92 : i32 to index
    %get3A_94 = arith.constant 32 : index
    %get3A_95 = tpu.vector_load %arg10[%get3A_93, %get3A_94] {strides = array<i32>} : memref<5x512xi32, #tpu.memory_space<vmem>>, vector<16xi32>,
    %swap3A_96 = arith.constant 16 : index
    %swap3A_97 = tpu.vector_load %arg13[%swap3A_96] {strides = array<i32>} : memref<80xi32, #tpu.memory_space<vmem>>, vector<16xi32>,
    tpu.vector_store %arg13[%swap3A_96], %get3A_95 {strides = array<i32>} : memref<80xi32, #tpu.memory_space<vmem>>, vector<16xi32>,
    %get3A_98 = arith.constant 2 : i32
    %get3A_99 = arith.index_cast %get3A_98 : i32 to index
    %get3A_100 = arith.constant 32 : index
    %get3A_101 = tpu.vector_load %arg10[%get3A_99, %get3A_100] {strides = array<i32>} : memref<5x512xi32, #tpu.memory_space<vmem>>, vector<16xi32>,
    %swap3A_102 = arith.constant 32 : index
    %swap3A_103 = tpu.vector_load %arg13[%swap3A_102] {strides = array<i32>} : memref<80xi32, #tpu.memory_space<vmem>>, vector<16xi32>,
    tpu.vector_store %arg13[%swap3A_102], %get3A_101 {strides = array<i32>} : memref<80xi32, #tpu.memory_space<vmem>>, vector<16xi32>,
    %get3A_104 = arith.constant 3 : i32
    %get3A_105 = arith.index_cast %get3A_104 : i32 to index
    %get3A_106 = arith.constant 32 : index
    %get3A_107 = tpu.vector_load %arg10[%get3A_105, %get3A_106] {strides = array<i32>} : memref<5x512xi32, #tpu.memory_space<vmem>>, vector<16xi32>,
    %swap3A_108 = arith.constant 48 : index
    %swap3A_109 = tpu.vector_load %arg13[%swap3A_108] {strides = array<i32>} : memref<80xi32, #tpu.memory_space<vmem>>, vector<16xi32>,
    tpu.vector_store %arg13[%swap3A_108], %get3A_107 {strides = array<i32>} : memref<80xi32, #tpu.memory_space<vmem>>, vector<16xi32>,
    %get3A_110 = arith.constant 4 : i32
    %get3A_111 = arith.index_cast %get3A_110 : i32 to index
    %get3A_112 = arith.constant 32 : index
    %get3A_113 = tpu.vector_load %arg10[%get3A_111, %get3A_112] {strides = array<i32>} : memref<5x512xi32, #tpu.memory_space<vmem>>, vector<16xi32>,
    %swap3A_114 = arith.constant 64 : index
    %swap3A_115 = tpu.vector_load %arg13[%swap3A_114] {strides = array<i32>} : memref<80xi32, #tpu.memory_space<vmem>>, vector<16xi32>,
    tpu.vector_store %arg13[%swap3A_114], %get3A_113 {strides = array<i32>} : memref<80xi32, #tpu.memory_space<vmem>>, vector<16xi32>,
    %dma_start3A_116 = arith.constant 32 : i32
    %dma_start3A_117 = tpu.memref_slice %arg8[%dma_start3A_116] : memref<512xi32, #tpu.memory_space<vmem>> -> memref<16xi32, #tpu.memory_space<vmem>>
    %dma_start3A_118 = arith.constant 0 : i32
    %dma_start3A_119 = arith.constant 0 : i32
    %dma_start3A_120 = tpu.memref_slice %arg5[%dma_start3A_118, %dma_start3A_119] : memref<1000000x128xf32, #tpu.memory_space<hbm>> -> memref<1000000x128xf32, #tpu.memory_space<hbm>>
    tpu.enqueue_indirect_dma source(%dma_start3A_120 : memref<1000000x128xf32, #tpu.memory_space<hbm>>) target(%arg17 : memref<16x128xf32, #tpu.memory_space<vmem>>) offsets(%dma_start3A_117 : memref<16xi32, #tpu.memory_space<vmem>>) semaphore(%arg30 : memref<!tpu.dma_semaphore, #tpu.memory_space<semaphore_mem>>)
    %dma_start3A_121 = arith.constant 32 : i32
    %dma_start3A_122 = tpu.memref_slice %arg9[%dma_start3A_121] : memref<512xi32, #tpu.memory_space<vmem>> -> memref<16xi32, #tpu.memory_space<vmem>>
    %dma_start3A_123 = arith.constant 0 : i32
    %dma_start3A_124 = arith.constant 0 : i32
    %dma_start3A_125 = tpu.memref_slice %arg6[%dma_start3A_123, %dma_start3A_124] : memref<1000000x128xf32, #tpu.memory_space<hbm>> -> memref<1000000x128xf32, #tpu.memory_space<hbm>>
    tpu.enqueue_indirect_dma source(%dma_start3A_125 : memref<1000000x128xf32, #tpu.memory_space<hbm>>) target(%arg21 : memref<16x128xf32, #tpu.memory_space<vmem>>) offsets(%dma_start3A_122 : memref<16xi32, #tpu.memory_space<vmem>>) semaphore(%arg30 : memref<!tpu.dma_semaphore, #tpu.memory_space<semaphore_mem>>)
    %dma_start3A_126 = arith.constant 0 : i32
    %dma_start3A_127 = arith.constant 0 : i32
    %dma_start3A_128 = tpu.memref_slice %arg6[%dma_start3A_126, %dma_start3A_127] : memref<1000000x128xf32, #tpu.memory_space<hbm>> -> memref<1000000x128xf32, #tpu.memory_space<hbm>>
    tpu.enqueue_indirect_dma source(%dma_start3A_128 : memref<1000000x128xf32, #tpu.memory_space<hbm>>) target(%arg25 : memref<80x128xf32, #tpu.memory_space<vmem>>) offsets(%arg13 : memref<80xi32, #tpu.memory_space<vmem>>) semaphore(%arg30 : memref<!tpu.dma_semaphore, #tpu.memory_space<semaphore_mem>>)
    %get3A_129 = arith.constant 0 : i32
    %get3A_130 = arith.index_cast %get3A_129 : i32 to index
    %get3A_131 = arith.constant 48 : index
    %get3A_132 = tpu.vector_load %arg10[%get3A_130, %get3A_131] {strides = array<i32>} : memref<5x512xi32, #tpu.memory_space<vmem>>, vector<16xi32>,
    %swap3A_133 = arith.constant 0 : index
    %swap3A_134 = tpu.vector_load %arg14[%swap3A_133] {strides = array<i32>} : memref<80xi32, #tpu.memory_space<vmem>>, vector<16xi32>,
    tpu.vector_store %arg14[%swap3A_133], %get3A_132 {strides = array<i32>} : memref<80xi32, #tpu.memory_space<vmem>>, vector<16xi32>,
    %get3A_135 = arith.constant 1 : i32
    %get3A_136 = arith.index_cast %get3A_135 : i32 to index
    %get3A_137 = arith.constant 48 : index
    %get3A_138 = tpu.vector_load %arg10[%get3A_136, %get3A_137] {strides = array<i32>} : memref<5x512xi32, #tpu.memory_space<vmem>>, vector<16xi32>,
    %swap3A_139 = arith.constant 16 : index
    %swap3A_140 = tpu.vector_load %arg14[%swap3A_139] {strides = array<i32>} : memref<80xi32, #tpu.memory_space<vmem>>, vector<16xi32>,
    tpu.vector_store %arg14[%swap3A_139], %get3A_138 {strides = array<i32>} : memref<80xi32, #tpu.memory_space<vmem>>, vector<16xi32>,
    %get3A_141 = arith.constant 2 : i32
    %get3A_142 = arith.index_cast %get3A_141 : i32 to index
    %get3A_143 = arith.constant 48 : index
    %get3A_144 = tpu.vector_load %arg10[%get3A_142, %get3A_143] {strides = array<i32>} : memref<5x512xi32, #tpu.memory_space<vmem>>, vector<16xi32>,
    %swap3A_145 = arith.constant 32 : index
    %swap3A_146 = tpu.vector_load %arg14[%swap3A_145] {strides = array<i32>} : memref<80xi32, #tpu.memory_space<vmem>>, vector<16xi32>,
    tpu.vector_store %arg14[%swap3A_145], %get3A_144 {strides = array<i32>} : memref<80xi32, #tpu.memory_space<vmem>>, vector<16xi32>,
    %get3A_147 = arith.constant 3 : i32
    %get3A_148 = arith.index_cast %get3A_147 : i32 to index
    %get3A_149 = arith.constant 48 : index
    %get3A_150 = tpu.vector_load %arg10[%get3A_148, %get3A_149] {strides = array<i32>} : memref<5x512xi32, #tpu.memory_space<vmem>>, vector<16xi32>,
    %swap3A_151 = arith.constant 48 : index
    %swap3A_152 = tpu.vector_load %arg14[%swap3A_151] {strides = array<i32>} : memref<80xi32, #tpu.memory_space<vmem>>, vector<16xi32>,
    tpu.vector_store %arg14[%swap3A_151], %get3A_150 {strides = array<i32>} : memref<80xi32, #tpu.memory_space<vmem>>, vector<16xi32>,
    %get3A_153 = arith.constant 4 : i32
    %get3A_154 = arith.index_cast %get3A_153 : i32 to index
    %get3A_155 = arith.constant 48 : index
    %get3A_156 = tpu.vector_load %arg10[%get3A_154, %get3A_155] {strides = array<i32>} : memref<5x512xi32, #tpu.memory_space<vmem>>, vector<16xi32>,
    %swap3A_157 = arith.constant 64 : index
    %swap3A_158 = tpu.vector_load %arg14[%swap3A_157] {strides = array<i32>} : memref<80xi32, #tpu.memory_space<vmem>>, vector<16xi32>,
    tpu.vector_store %arg14[%swap3A_157], %get3A_156 {strides = array<i32>} : memref<80xi32, #tpu.memory_space<vmem>>, vector<16xi32>,
    %dma_start3A_159 = arith.constant 48 : i32
    %dma_start3A_160 = tpu.memref_slice %arg8[%dma_start3A_159] : memref<512xi32, #tpu.memory_space<vmem>> -> memref<16xi32, #tpu.memory_space<vmem>>
    %dma_start3A_161 = arith.constant 0 : i32
    %dma_start3A_162 = arith.constant 0 : i32
    %dma_start3A_163 = tpu.memref_slice %arg5[%dma_start3A_161, %dma_start3A_162] : memref<1000000x128xf32, #tpu.memory_space<hbm>> -> memref<1000000x128xf32, #tpu.memory_space<hbm>>
    tpu.enqueue_indirect_dma source(%dma_start3A_163 : memref<1000000x128xf32, #tpu.memory_space<hbm>>) target(%arg18 : memref<16x128xf32, #tpu.memory_space<vmem>>) offsets(%dma_start3A_160 : memref<16xi32, #tpu.memory_space<vmem>>) semaphore(%arg31 : memref<!tpu.dma_semaphore, #tpu.memory_space<semaphore_mem>>)
    %dma_start3A_164 = arith.constant 48 : i32
    %dma_start3A_165 = tpu.memref_slice %arg9[%dma_start3A_164] : memref<512xi32, #tpu.memory_space<vmem>> -> memref<16xi32, #tpu.memory_space<vmem>>
    %dma_start3A_166 = arith.constant 0 : i32
    %dma_start3A_167 = arith.constant 0 : i32
    %dma_start3A_168 = tpu.memref_slice %arg6[%dma_start3A_166, %dma_start3A_167] : memref<1000000x128xf32, #tpu.memory_space<hbm>> -> memref<1000000x128xf32, #tpu.memory_space<hbm>>
    tpu.enqueue_indirect_dma source(%dma_start3A_168 : memref<1000000x128xf32, #tpu.memory_space<hbm>>) target(%arg22 : memref<16x128xf32, #tpu.memory_space<vmem>>) offsets(%dma_start3A_165 : memref<16xi32, #tpu.memory_space<vmem>>) semaphore(%arg31 : memref<!tpu.dma_semaphore, #tpu.memory_space<semaphore_mem>>)
    %dma_start3A_169 = arith.constant 0 : i32
    %dma_start3A_170 = arith.constant 0 : i32
    %dma_start3A_171 = tpu.memref_slice %arg6[%dma_start3A_169, %dma_start3A_170] : memref<1000000x128xf32, #tpu.memory_space<hbm>> -> memref<1000000x128xf32, #tpu.memory_space<hbm>>
    tpu.enqueue_indirect_dma source(%dma_start3A_171 : memref<1000000x128xf32, #tpu.memory_space<hbm>>) target(%arg26 : memref<80x128xf32, #tpu.memory_space<vmem>>) offsets(%arg14 : memref<80xi32, #tpu.memory_space<vmem>>) semaphore(%arg31 : memref<!tpu.dma_semaphore, #tpu.memory_space<semaphore_mem>>)
    %broadcast_in_dim3A = arith.constant 0.000000e+00 : f32
    %broadcast_in_dim3A_172 = vector.broadcast %broadcast_in_dim3A : f32 to vector<16xf32>
    %scan3A = arith.constant 0 : i32
    %scan3A_173 = arith.constant 8 : i32
    %scan3A_174 = arith.addi %scan3A, %scan3A_173 : i32
    %scan3A_175 = arith.constant 1 : i32
    %scan3A_176 = scf.for %scan3A_180 = %scan3A to %scan3A_174 step %scan3A_175 iter_args(%scan3A_181 = %broadcast_in_dim3A_172) -> (vector<16xf32>)  : i32 {
      %mul3A_182 = arith.constant 4 : i32
      %mul3A_183 = arith.muli %mul3A_182, %scan3A_180 : i32
      %add3A_184 = arith.constant 0 : i32
      %add3A_185 = arith.addi %mul3A_183, %add3A_184 : i32
      %mul3A_186 = arith.constant 16 : i32
      %mul3A_187 = arith.muli %add3A_185, %mul3A_186 : i32
      %dma_wait3A = tpu.memref_slice %arg8[%mul3A_187] : memref<512xi32, #tpu.memory_space<vmem>> -> memref<16xi32, #tpu.memory_space<vmem>>
      %dma_wait3A_188 = arith.constant 0 : i32
      %dma_wait3A_189 = arith.constant 0 : i32
      %dma_wait3A_190 = tpu.memref_slice %arg5[%dma_wait3A_188, %dma_wait3A_189] : memref<1000000x128xf32, #tpu.memory_space<hbm>> -> memref<1000000x128xf32, #tpu.memory_space<hbm>>
      tpu.wait_indirect_dma semaphore(%arg28 : memref<!tpu.dma_semaphore, #tpu.memory_space<semaphore_mem>>) src(%dma_wait3A_190 : memref<1000000x128xf32, #tpu.memory_space<hbm>>) dst(%arg15 : memref<16x128xf32, #tpu.memory_space<vmem>>)
      %dma_wait3A_191 = tpu.memref_slice %arg9[%mul3A_187] : memref<512xi32, #tpu.memory_space<vmem>> -> memref<16xi32, #tpu.memory_space<vmem>>
      %dma_wait3A_192 = arith.constant 0 : i32
      %dma_wait3A_193 = arith.constant 0 : i32
      %dma_wait3A_194 = tpu.memref_slice %arg6[%dma_wait3A_192, %dma_wait3A_193] : memref<1000000x128xf32, #tpu.memory_space<hbm>> -> memref<1000000x128xf32, #tpu.memory_space<hbm>>
      tpu.wait_indirect_dma semaphore(%arg28 : memref<!tpu.dma_semaphore, #tpu.memory_space<semaphore_mem>>) src(%dma_wait3A_194 : memref<1000000x128xf32, #tpu.memory_space<hbm>>) dst(%arg19 : memref<16x128xf32, #tpu.memory_space<vmem>>)
      %dma_wait3A_195 = arith.constant 0 : i32
      %dma_wait3A_196 = arith.constant 0 : i32
      %dma_wait3A_197 = tpu.memref_slice %arg6[%dma_wait3A_195, %dma_wait3A_196] : memref<1000000x128xf32, #tpu.memory_space<hbm>> -> memref<1000000x128xf32, #tpu.memory_space<hbm>>
      tpu.wait_indirect_dma semaphore(%arg28 : memref<!tpu.dma_semaphore, #tpu.memory_space<semaphore_mem>>) src(%dma_wait3A_197 : memref<1000000x128xf32, #tpu.memory_space<hbm>>) dst(%arg23 : memref<80x128xf32, #tpu.memory_space<vmem>>)
      %broadcast_in_dim3A_198 = arith.constant 0.000000e+00 : f32
      %broadcast_in_dim3A_199 = vector.broadcast %broadcast_in_dim3A_198 : f32 to vector<16xf32>
      %scan3A_200 = arith.constant 0 : i32
      %scan3A_201 = arith.constant 16 : i32
      %scan3A_202 = arith.addi %scan3A_200, %scan3A_201 : i32
      %scan3A_203 = arith.constant 1 : i32
      %scan3A_204:6 = scf.for %scan3A_1180 = %scan3A_200 to %scan3A_202 step %scan3A_203 iter_args(%scan3A_1181 = %broadcast_in_dim3A_199, %scan3A_1182 = %broadcast_in_dim3A_199, %scan3A_1183 = %broadcast_in_dim3A_199, %scan3A_1184 = %broadcast_in_dim3A_199, %scan3A_1185 = %broadcast_in_dim3A_199, %scan3A_1186 = %broadcast_in_dim3A_199) -> (vector<16xf32>, vector<16xf32>, vector<16xf32>, vector<16xf32>, vector<16xf32>, vector<16xf32>)  : i32 {
        %get3A_1187 = arith.index_cast %scan3A_1180 : i32 to index
        %get3A_1188 = arith.constant 0 : index
        %get3A_1189 = tpu.vector_load %arg15[%get3A_1187, %get3A_1188] {strides = array<i32>} : memref<16x128xf32, #tpu.memory_space<vmem>>, vector<16xf32>,
        %get3A_1190 = arith.index_cast %scan3A_1180 : i32 to index
        %get3A_1191 = arith.constant 16 : index
        %get3A_1192 = tpu.vector_load %arg15[%get3A_1190, %get3A_1191] {strides = array<i32>} : memref<16x128xf32, #tpu.memory_space<vmem>>, vector<16xf32>,
        %get3A_1193 = arith.index_cast %scan3A_1180 : i32 to index
        %get3A_1194 = arith.constant 32 : index
        %get3A_1195 = tpu.vector_load %arg15[%get3A_1193, %get3A_1194] {strides = array<i32>} : memref<16x128xf32, #tpu.memory_space<vmem>>, vector<16xf32>,
        %get3A_1196 = arith.index_cast %scan3A_1180 : i32 to index
        %get3A_1197 = arith.constant 48 : index
        %get3A_1198 = tpu.vector_load %arg15[%get3A_1196, %get3A_1197] {strides = array<i32>} : memref<16x128xf32, #tpu.memory_space<vmem>>, vector<16xf32>,
        %get3A_1199 = arith.index_cast %scan3A_1180 : i32 to index
        %get3A_1200 = arith.constant 64 : index
        %get3A_1201 = tpu.vector_load %arg15[%get3A_1199, %get3A_1200] {strides = array<i32>} : memref<16x128xf32, #tpu.memory_space<vmem>>, vector<16xf32>,
        %get3A_1202 = arith.index_cast %scan3A_1180 : i32 to index
        %get3A_1203 = arith.constant 80 : index
        %get3A_1204 = tpu.vector_load %arg15[%get3A_1202, %get3A_1203] {strides = array<i32>} : memref<16x128xf32, #tpu.memory_space<vmem>>, vector<16xf32>,
        %get3A_1205 = arith.index_cast %scan3A_1180 : i32 to index
        %get3A_1206 = arith.constant 96 : index
        %get3A_1207 = tpu.vector_load %arg15[%get3A_1205, %get3A_1206] {strides = array<i32>} : memref<16x128xf32, #tpu.memory_space<vmem>>, vector<16xf32>,
        %get3A_1208 = arith.index_cast %scan3A_1180 : i32 to index
        %get3A_1209 = arith.constant 112 : index
        %get3A_1210 = tpu.vector_load %arg15[%get3A_1208, %get3A_1209] {strides = array<i32>} : memref<16x128xf32, #tpu.memory_space<vmem>>, vector<16xf32>,
        %eq3A = vector.broadcast %scan3A_1180 : i32 to vector<16xi32>
        %eq3A_1211 = arith.cmpi eq, %iota3A, %eq3A : vector<16xi32>
        %get3A_1212 = arith.index_cast %scan3A_1180 : i32 to index
        %get3A_1213 = arith.constant 0 : index
        %get3A_1214 = tpu.vector_load %arg19[%get3A_1212, %get3A_1213] {strides = array<i32>} : memref<16x128xf32, #tpu.memory_space<vmem>>, vector<16xf32>,
        %mul3A_1215 = arith.mulf %get3A_1189, %get3A_1214 : vector<16xf32>
        %get3A_1216 = arith.index_cast %scan3A_1180 : i32 to index
        %get3A_1217 = arith.constant 16 : index
        %get3A_1218 = tpu.vector_load %arg19[%get3A_1216, %get3A_1217] {strides = array<i32>} : memref<16x128xf32, #tpu.memory_space<vmem>>, vector<16xf32>,
        %mul3A_1219 = arith.mulf %get3A_1192, %get3A_1218 : vector<16xf32>
        %add3A_1220 = arith.addf %mul3A_1215, %mul3A_1219 : vector<16xf32>
        %get3A_1221 = arith.index_cast %scan3A_1180 : i32 to index
        %get3A_1222 = arith.constant 32 : index
        %get3A_1223 = tpu.vector_load %arg19[%get3A_1221, %get3A_1222] {strides = array<i32>} : memref<16x128xf32, #tpu.memory_space<vmem>>, vector<16xf32>,
        %mul3A_1224 = arith.mulf %get3A_1195, %get3A_1223 : vector<16xf32>
        %add3A_1225 = arith.addf %add3A_1220, %mul3A_1224 : vector<16xf32>
        %get3A_1226 = arith.index_cast %scan3A_1180 : i32 to index
        %get3A_1227 = arith.constant 48 : index
        %get3A_1228 = tpu.vector_load %arg19[%get3A_1226, %get3A_1227] {strides = array<i32>} : memref<16x128xf32, #tpu.memory_space<vmem>>, vector<16xf32>,
        %mul3A_1229 = arith.mulf %get3A_1198, %get3A_1228 : vector<16xf32>
        %add3A_1230 = arith.addf %add3A_1225, %mul3A_1229 : vector<16xf32>
        %get3A_1231 = arith.index_cast %scan3A_1180 : i32 to index
        %get3A_1232 = arith.constant 64 : index
        %get3A_1233 = tpu.vector_load %arg19[%get3A_1231, %get3A_1232] {strides = array<i32>} : memref<16x128xf32, #tpu.memory_space<vmem>>, vector<16xf32>,
        %mul3A_1234 = arith.mulf %get3A_1201, %get3A_1233 : vector<16xf32>
        %add3A_1235 = arith.addf %add3A_1230, %mul3A_1234 : vector<16xf32>
        %get3A_1236 = arith.index_cast %scan3A_1180 : i32 to index
        %get3A_1237 = arith.constant 80 : index
        %get3A_1238 = tpu.vector_load %arg19[%get3A_1236, %get3A_1237] {strides = array<i32>} : memref<16x128xf32, #tpu.memory_space<vmem>>, vector<16xf32>,
        %mul3A_1239 = arith.mulf %get3A_1204, %get3A_1238 : vector<16xf32>
        %add3A_1240 = arith.addf %add3A_1235, %mul3A_1239 : vector<16xf32>
        %get3A_1241 = arith.index_cast %scan3A_1180 : i32 to index
        %get3A_1242 = arith.constant 96 : index
        %get3A_1243 = tpu.vector_load %arg19[%get3A_1241, %get3A_1242] {strides = array<i32>} : memref<16x128xf32, #tpu.memory_space<vmem>>, vector<16xf32>,
        %mul3A_1244 = arith.mulf %get3A_1207, %get3A_1243 : vector<16xf32>
        %add3A_1245 = arith.addf %add3A_1240, %mul3A_1244 : vector<16xf32>
        %get3A_1246 = arith.index_cast %scan3A_1180 : i32 to index
        %get3A_1247 = arith.constant 112 : index
        %get3A_1248 = tpu.vector_load %arg19[%get3A_1246, %get3A_1247] {strides = array<i32>} : memref<16x128xf32, #tpu.memory_space<vmem>>, vector<16xf32>,
        %mul3A_1249 = arith.mulf %get3A_1210, %get3A_1248 : vector<16xf32>
        %add3A_1250 = arith.addf %add3A_1245, %mul3A_1249 : vector<16xf32>
        %reduce_sum3A = arith.constant true
        %reduce_sum3A_1251 = vector.broadcast %reduce_sum3A : i1 to vector<16xi1>
        %reduce_sum3A_1252 = tpu.scan <sum>, %add3A_1250 masked %reduce_sum3A_1251 : vector<16xf32>, vector<16xi1> -> vector<16xf32>
        %reduce_sum3A_1253 = vector.extract %reduce_sum3A_1252[15] : f32 from vector<16xf32>
        %broadcast_in_dim3A_1254 = vector.broadcast %reduce_sum3A_1253 : f32 to vector<16xf32>
        %select_n3A = arith.select %eq3A_1211, %broadcast_in_dim3A_1254, %scan3A_1181 : vector<16xi1>, vector<16xf32>
        %add3A_1255 = arith.constant 0 : i32
        %add3A_1256 = arith.addi %add3A_1255, %scan3A_1180 : i32
        %get3A_1257 = arith.index_cast %add3A_1256 : i32 to index
        %get3A_1258 = arith.constant 0 : index
        %get3A_1259 = tpu.vector_load %arg23[%get3A_1257, %get3A_1258] {strides = array<i32>} : memref<80x128xf32, #tpu.memory_space<vmem>>, vector<16xf32>,
        %mul3A_1260 = arith.mulf %get3A_1189, %get3A_1259 : vector<16xf32>
        %get3A_1261 = arith.index_cast %add3A_1256 : i32 to index
        %get3A_1262 = arith.constant 16 : index
        %get3A_1263 = tpu.vector_load %arg23[%get3A_1261, %get3A_1262] {strides = array<i32>} : memref<80x128xf32, #tpu.memory_space<vmem>>, vector<16xf32>,
        %mul3A_1264 = arith.mulf %get3A_1192, %get3A_1263 : vector<16xf32>
        %add3A_1265 = arith.addf %mul3A_1260, %mul3A_1264 : vector<16xf32>
        %get3A_1266 = arith.index_cast %add3A_1256 : i32 to index
        %get3A_1267 = arith.constant 32 : index
        %get3A_1268 = tpu.vector_load %arg23[%get3A_1266, %get3A_1267] {strides = array<i32>} : memref<80x128xf32, #tpu.memory_space<vmem>>, vector<16xf32>,
        %mul3A_1269 = arith.mulf %get3A_1195, %get3A_1268 : vector<16xf32>
        %add3A_1270 = arith.addf %add3A_1265, %mul3A_1269 : vector<16xf32>
        %get3A_1271 = arith.index_cast %add3A_1256 : i32 to index
        %get3A_1272 = arith.constant 48 : index
        %get3A_1273 = tpu.vector_load %arg23[%get3A_1271, %get3A_1272] {strides = array<i32>} : memref<80x128xf32, #tpu.memory_space<vmem>>, vector<16xf32>,
        %mul3A_1274 = arith.mulf %get3A_1198, %get3A_1273 : vector<16xf32>
        %add3A_1275 = arith.addf %add3A_1270, %mul3A_1274 : vector<16xf32>
        %get3A_1276 = arith.index_cast %add3A_1256 : i32 to index
        %get3A_1277 = arith.constant 64 : index
        %get3A_1278 = tpu.vector_load %arg23[%get3A_1276, %get3A_1277] {strides = array<i32>} : memref<80x128xf32, #tpu.memory_space<vmem>>, vector<16xf32>,
        %mul3A_1279 = arith.mulf %get3A_1201, %get3A_1278 : vector<16xf32>
        %add3A_1280 = arith.addf %add3A_1275, %mul3A_1279 : vector<16xf32>
        %get3A_1281 = arith.index_cast %add3A_1256 : i32 to index
        %get3A_1282 = arith.constant 80 : index
        %get3A_1283 = tpu.vector_load %arg23[%get3A_1281, %get3A_1282] {strides = array<i32>} : memref<80x128xf32, #tpu.memory_space<vmem>>, vector<16xf32>,
        %mul3A_1284 = arith.mulf %get3A_1204, %get3A_1283 : vector<16xf32>
        %add3A_1285 = arith.addf %add3A_1280, %mul3A_1284 : vector<16xf32>
        %get3A_1286 = arith.index_cast %add3A_1256 : i32 to index
        %get3A_1287 = arith.constant 96 : index
        %get3A_1288 = tpu.vector_load %arg23[%get3A_1286, %get3A_1287] {strides = array<i32>} : memref<80x128xf32, #tpu.memory_space<vmem>>, vector<16xf32>,
        %mul3A_1289 = arith.mulf %get3A_1207, %get3A_1288 : vector<16xf32>
        %add3A_1290 = arith.addf %add3A_1285, %mul3A_1289 : vector<16xf32>
        %get3A_1291 = arith.index_cast %add3A_1256 : i32 to index
        %get3A_1292 = arith.constant 112 : index
        %get3A_1293 = tpu.vector_load %arg23[%get3A_1291, %get3A_1292] {strides = array<i32>} : memref<80x128xf32, #tpu.memory_space<vmem>>, vector<16xf32>,
        %mul3A_1294 = arith.mulf %get3A_1210, %get3A_1293 : vector<16xf32>
        %add3A_1295 = arith.addf %add3A_1290, %mul3A_1294 : vector<16xf32>
        %reduce_sum3A_1296 = arith.constant true
        %reduce_sum3A_1297 = vector.broadcast %reduce_sum3A_1296 : i1 to vector<16xi1>
        %reduce_sum3A_1298 = tpu.scan <sum>, %add3A_1295 masked %reduce_sum3A_1297 : vector<16xf32>, vector<16xi1> -> vector<16xf32>
        %reduce_sum3A_1299 = vector.extract %reduce_sum3A_1298[15] : f32 from vector<16xf32>
        %neg3A_1300 = arith.constant 0.000000e+00 : f32
        %neg3A_1301 = arith.subf %neg3A_1300, %reduce_sum3A_1299 : f32
        %broadcast_in_dim3A_1302 = vector.broadcast %neg3A_1301 : f32 to vector<16xf32>
        %select_n3A_1303 = arith.select %eq3A_1211, %broadcast_in_dim3A_1302, %scan3A_1182 : vector<16xi1>, vector<16xf32>
        %add3A_1304 = arith.constant 16 : i32
        %add3A_1305 = arith.addi %add3A_1304, %scan3A_1180 : i32
        %get3A_1306 = arith.index_cast %add3A_1305 : i32 to index
        %get3A_1307 = arith.constant 0 : index
        %get3A_1308 = tpu.vector_load %arg23[%get3A_1306, %get3A_1307] {strides = array<i32>} : memref<80x128xf32, #tpu.memory_space<vmem>>, vector<16xf32>,
        %mul3A_1309 = arith.mulf %get3A_1189, %get3A_1308 : vector<16xf32>
        %get3A_1310 = arith.index_cast %add3A_1305 : i32 to index
        %get3A_1311 = arith.constant 16 : index
        %get3A_1312 = tpu.vector_load %arg23[%get3A_1310, %get3A_1311] {strides = array<i32>} : memref<80x128xf32, #tpu.memory_space<vmem>>, vector<16xf32>,
        %mul3A_1313 = arith.mulf %get3A_1192, %get3A_1312 : vector<16xf32>
        %add3A_1314 = arith.addf %mul3A_1309, %mul3A_1313 : vector<16xf32>
        %get3A_1315 = arith.index_cast %add3A_1305 : i32 to index
        %get3A_1316 = arith.constant 32 : index
        %get3A_1317 = tpu.vector_load %arg23[%get3A_1315, %get3A_1316] {strides = array<i32>} : memref<80x128xf32, #tpu.memory_space<vmem>>, vector<16xf32>,
        %mul3A_1318 = arith.mulf %get3A_1195, %get3A_1317 : vector<16xf32>
        %add3A_1319 = arith.addf %add3A_1314, %mul3A_1318 : vector<16xf32>
        %get3A_1320 = arith.index_cast %add3A_1305 : i32 to index
        %get3A_1321 = arith.constant 48 : index
        %get3A_1322 = tpu.vector_load %arg23[%get3A_1320, %get3A_1321] {strides = array<i32>} : memref<80x128xf32, #tpu.memory_space<vmem>>, vector<16xf32>,
        %mul3A_1323 = arith.mulf %get3A_1198, %get3A_1322 : vector<16xf32>
        %add3A_1324 = arith.addf %add3A_1319, %mul3A_1323 : vector<16xf32>
        %get3A_1325 = arith.index_cast %add3A_1305 : i32 to index
        %get3A_1326 = arith.constant 64 : index
        %get3A_1327 = tpu.vector_load %arg23[%get3A_1325, %get3A_1326] {strides = array<i32>} : memref<80x128xf32, #tpu.memory_space<vmem>>, vector<16xf32>,
        %mul3A_1328 = arith.mulf %get3A_1201, %get3A_1327 : vector<16xf32>
        %add3A_1329 = arith.addf %add3A_1324, %mul3A_1328 : vector<16xf32>
        %get3A_1330 = arith.index_cast %add3A_1305 : i32 to index
        %get3A_1331 = arith.constant 80 : index
        %get3A_1332 = tpu.vector_load %arg23[%get3A_1330, %get3A_1331] {strides = array<i32>} : memref<80x128xf32, #tpu.memory_space<vmem>>, vector<16xf32>,
        %mul3A_1333 = arith.mulf %get3A_1204, %get3A_1332 : vector<16xf32>
        %add3A_1334 = arith.addf %add3A_1329, %mul3A_1333 : vector<16xf32>
        %get3A_1335 = arith.index_cast %add3A_1305 : i32 to index
        %get3A_1336 = arith.constant 96 : index
        %get3A_1337 = tpu.vector_load %arg23[%get3A_1335, %get3A_1336] {strides = array<i32>} : memref<80x128xf32, #tpu.memory_space<vmem>>, vector<16xf32>,
        %mul3A_1338 = arith.mulf %get3A_1207, %get3A_1337 : vector<16xf32>
        %add3A_1339 = arith.addf %add3A_1334, %mul3A_1338 : vector<16xf32>
        %get3A_1340 = arith.index_cast %add3A_1305 : i32 to index
        %get3A_1341 = arith.constant 112 : index
        %get3A_1342 = tpu.vector_load %arg23[%get3A_1340, %get3A_1341] {strides = array<i32>} : memref<80x128xf32, #tpu.memory_space<vmem>>, vector<16xf32>,
        %mul3A_1343 = arith.mulf %get3A_1210, %get3A_1342 : vector<16xf32>
        %add3A_1344 = arith.addf %add3A_1339, %mul3A_1343 : vector<16xf32>
        %reduce_sum3A_1345 = arith.constant true
        %reduce_sum3A_1346 = vector.broadcast %reduce_sum3A_1345 : i1 to vector<16xi1>
        %reduce_sum3A_1347 = tpu.scan <sum>, %add3A_1344 masked %reduce_sum3A_1346 : vector<16xf32>, vector<16xi1> -> vector<16xf32>
        %reduce_sum3A_1348 = vector.extract %reduce_sum3A_1347[15] : f32 from vector<16xf32>
        %neg3A_1349 = arith.constant 0.000000e+00 : f32
        %neg3A_1350 = arith.subf %neg3A_1349, %reduce_sum3A_1348 : f32
        %broadcast_in_dim3A_1351 = vector.broadcast %neg3A_1350 : f32 to vector<16xf32>
        %select_n3A_1352 = arith.select %eq3A_1211, %broadcast_in_dim3A_1351, %scan3A_1183 : vector<16xi1>, vector<16xf32>
        %add3A_1353 = arith.constant 32 : i32
        %add3A_1354 = arith.addi %add3A_1353, %scan3A_1180 : i32
        %get3A_1355 = arith.index_cast %add3A_1354 : i32 to index
        %get3A_1356 = arith.constant 0 : index
        %get3A_1357 = tpu.vector_load %arg23[%get3A_1355, %get3A_1356] {strides = array<i32>} : memref<80x128xf32, #tpu.memory_space<vmem>>, vector<16xf32>,
        %mul3A_1358 = arith.mulf %get3A_1189, %get3A_1357 : vector<16xf32>
        %get3A_1359 = arith.index_cast %add3A_1354 : i32 to index
        %get3A_1360 = arith.constant 16 : index
        %get3A_1361 = tpu.vector_load %arg23[%get3A_1359, %get3A_1360] {strides = array<i32>} : memref<80x128xf32, #tpu.memory_space<vmem>>, vector<16xf32>,
        %mul3A_1362 = arith.mulf %get3A_1192, %get3A_1361 : vector<16xf32>
        %add3A_1363 = arith.addf %mul3A_1358, %mul3A_1362 : vector<16xf32>
        %get3A_1364 = arith.index_cast %add3A_1354 : i32 to index
        %get3A_1365 = arith.constant 32 : index
        %get3A_1366 = tpu.vector_load %arg23[%get3A_1364, %get3A_1365] {strides = array<i32>} : memref<80x128xf32, #tpu.memory_space<vmem>>, vector<16xf32>,
        %mul3A_1367 = arith.mulf %get3A_1195, %get3A_1366 : vector<16xf32>
        %add3A_1368 = arith.addf %add3A_1363, %mul3A_1367 : vector<16xf32>
        %get3A_1369 = arith.index_cast %add3A_1354 : i32 to index
        %get3A_1370 = arith.constant 48 : index
        %get3A_1371 = tpu.vector_load %arg23[%get3A_1369, %get3A_1370] {strides = array<i32>} : memref<80x128xf32, #tpu.memory_space<vmem>>, vector<16xf32>,
        %mul3A_1372 = arith.mulf %get3A_1198, %get3A_1371 : vector<16xf32>
        %add3A_1373 = arith.addf %add3A_1368, %mul3A_1372 : vector<16xf32>
        %get3A_1374 = arith.index_cast %add3A_1354 : i32 to index
        %get3A_1375 = arith.constant 64 : index
        %get3A_1376 = tpu.vector_load %arg23[%get3A_1374, %get3A_1375] {strides = array<i32>} : memref<80x128xf32, #tpu.memory_space<vmem>>, vector<16xf32>,
        %mul3A_1377 = arith.mulf %get3A_1201, %get3A_1376 : vector<16xf32>
        %add3A_1378 = arith.addf %add3A_1373, %mul3A_1377 : vector<16xf32>
        %get3A_1379 = arith.index_cast %add3A_1354 : i32 to index
        %get3A_1380 = arith.constant 80 : index
        %get3A_1381 = tpu.vector_load %arg23[%get3A_1379, %get3A_1380] {strides = array<i32>} : memref<80x128xf32, #tpu.memory_space<vmem>>, vector<16xf32>,
        %mul3A_1382 = arith.mulf %get3A_1204, %get3A_1381 : vector<16xf32>
        %add3A_1383 = arith.addf %add3A_1378, %mul3A_1382 : vector<16xf32>
        %get3A_1384 = arith.index_cast %add3A_1354 : i32 to index
        %get3A_1385 = arith.constant 96 : index
        %get3A_1386 = tpu.vector_load %arg23[%get3A_1384, %get3A_1385] {strides = array<i32>} : memref<80x128xf32, #tpu.memory_space<vmem>>, vector<16xf32>,
        %mul3A_1387 = arith.mulf %get3A_1207, %get3A_1386 : vector<16xf32>
        %add3A_1388 = arith.addf %add3A_1383, %mul3A_1387 : vector<16xf32>
        %get3A_1389 = arith.index_cast %add3A_1354 : i32 to index
        %get3A_1390 = arith.constant 112 : index
        %get3A_1391 = tpu.vector_load %arg23[%get3A_1389, %get3A_1390] {strides = array<i32>} : memref<80x128xf32, #tpu.memory_space<vmem>>, vector<16xf32>,
        %mul3A_1392 = arith.mulf %get3A_1210, %get3A_1391 : vector<16xf32>
        %add3A_1393 = arith.addf %add3A_1388, %mul3A_1392 : vector<16xf32>
        %reduce_sum3A_1394 = arith.constant true
        %reduce_sum3A_1395 = vector.broadcast %reduce_sum3A_1394 : i1 to vector<16xi1>
        %reduce_sum3A_1396 = tpu.scan <sum>, %add3A_1393 masked %reduce_sum3A_1395 : vector<16xf32>, vector<16xi1> -> vector<16xf32>
        %reduce_sum3A_1397 = vector.extract %reduce_sum3A_1396[15] : f32 from vector<16xf32>
        %neg3A_1398 = arith.constant 0.000000e+00 : f32
        %neg3A_1399 = arith.subf %neg3A_1398, %reduce_sum3A_1397 : f32
        %broadcast_in_dim3A_1400 = vector.broadcast %neg3A_1399 : f32 to vector<16xf32>
        %select_n3A_1401 = arith.select %eq3A_1211, %broadcast_in_dim3A_1400, %scan3A_1184 : vector<16xi1>, vector<16xf32>
        %add3A_1402 = arith.constant 48 : i32
        %add3A_1403 = arith.addi %add3A_1402, %scan3A_1180 : i32
        %get3A_1404 = arith.index_cast %add3A_1403 : i32 to index
        %get3A_1405 = arith.constant 0 : index
        %get3A_1406 = tpu.vector_load %arg23[%get3A_1404, %get3A_1405] {strides = array<i32>} : memref<80x128xf32, #tpu.memory_space<vmem>>, vector<16xf32>,
        %mul3A_1407 = arith.mulf %get3A_1189, %get3A_1406 : vector<16xf32>
        %get3A_1408 = arith.index_cast %add3A_1403 : i32 to index
        %get3A_1409 = arith.constant 16 : index
        %get3A_1410 = tpu.vector_load %arg23[%get3A_1408, %get3A_1409] {strides = array<i32>} : memref<80x128xf32, #tpu.memory_space<vmem>>, vector<16xf32>,
        %mul3A_1411 = arith.mulf %get3A_1192, %get3A_1410 : vector<16xf32>
        %add3A_1412 = arith.addf %mul3A_1407, %mul3A_1411 : vector<16xf32>
        %get3A_1413 = arith.index_cast %add3A_1403 : i32 to index
        %get3A_1414 = arith.constant 32 : index
        %get3A_1415 = tpu.vector_load %arg23[%get3A_1413, %get3A_1414] {strides = array<i32>} : memref<80x128xf32, #tpu.memory_space<vmem>>, vector<16xf32>,
        %mul3A_1416 = arith.mulf %get3A_1195, %get3A_1415 : vector<16xf32>
        %add3A_1417 = arith.addf %add3A_1412, %mul3A_1416 : vector<16xf32>
        %get3A_1418 = arith.index_cast %add3A_1403 : i32 to index
        %get3A_1419 = arith.constant 48 : index
        %get3A_1420 = tpu.vector_load %arg23[%get3A_1418, %get3A_1419] {strides = array<i32>} : memref<80x128xf32, #tpu.memory_space<vmem>>, vector<16xf32>,
        %mul3A_1421 = arith.mulf %get3A_1198, %get3A_1420 : vector<16xf32>
        %add3A_1422 = arith.addf %add3A_1417, %mul3A_1421 : vector<16xf32>
        %get3A_1423 = arith.index_cast %add3A_1403 : i32 to index
        %get3A_1424 = arith.constant 64 : index
        %get3A_1425 = tpu.vector_load %arg23[%get3A_1423, %get3A_1424] {strides = array<i32>} : memref<80x128xf32, #tpu.memory_space<vmem>>, vector<16xf32>,
        %mul3A_1426 = arith.mulf %get3A_1201, %get3A_1425 : vector<16xf32>
        %add3A_1427 = arith.addf %add3A_1422, %mul3A_1426 : vector<16xf32>
        %get3A_1428 = arith.index_cast %add3A_1403 : i32 to index
        %get3A_1429 = arith.constant 80 : index
        %get3A_1430 = tpu.vector_load %arg23[%get3A_1428, %get3A_1429] {strides = array<i32>} : memref<80x128xf32, #tpu.memory_space<vmem>>, vector<16xf32>,
        %mul3A_1431 = arith.mulf %get3A_1204, %get3A_1430 : vector<16xf32>
        %add3A_1432 = arith.addf %add3A_1427, %mul3A_1431 : vector<16xf32>
        %get3A_1433 = arith.index_cast %add3A_1403 : i32 to index
        %get3A_1434 = arith.constant 96 : index
        %get3A_1435 = tpu.vector_load %arg23[%get3A_1433, %get3A_1434] {strides = array<i32>} : memref<80x128xf32, #tpu.memory_space<vmem>>, vector<16xf32>,
        %mul3A_1436 = arith.mulf %get3A_1207, %get3A_1435 : vector<16xf32>
        %add3A_1437 = arith.addf %add3A_1432, %mul3A_1436 : vector<16xf32>
        %get3A_1438 = arith.index_cast %add3A_1403 : i32 to index
        %get3A_1439 = arith.constant 112 : index
        %get3A_1440 = tpu.vector_load %arg23[%get3A_1438, %get3A_1439] {strides = array<i32>} : memref<80x128xf32, #tpu.memory_space<vmem>>, vector<16xf32>,
        %mul3A_1441 = arith.mulf %get3A_1210, %get3A_1440 : vector<16xf32>
        %add3A_1442 = arith.addf %add3A_1437, %mul3A_1441 : vector<16xf32>
        %reduce_sum3A_1443 = arith.constant true
        %reduce_sum3A_1444 = vector.broadcast %reduce_sum3A_1443 : i1 to vector<16xi1>
        %reduce_sum3A_1445 = tpu.scan <sum>, %add3A_1442 masked %reduce_sum3A_1444 : vector<16xf32>, vector<16xi1> -> vector<16xf32>
        %reduce_sum3A_1446 = vector.extract %reduce_sum3A_1445[15] : f32 from vector<16xf32>
        %neg3A_1447 = arith.constant 0.000000e+00 : f32
        %neg3A_1448 = arith.subf %neg3A_1447, %reduce_sum3A_1446 : f32
        %broadcast_in_dim3A_1449 = vector.broadcast %neg3A_1448 : f32 to vector<16xf32>
        %select_n3A_1450 = arith.select %eq3A_1211, %broadcast_in_dim3A_1449, %scan3A_1185 : vector<16xi1>, vector<16xf32>
        %add3A_1451 = arith.constant 64 : i32
        %add3A_1452 = arith.addi %add3A_1451, %scan3A_1180 : i32
        %get3A_1453 = arith.index_cast %add3A_1452 : i32 to index
        %get3A_1454 = arith.constant 0 : index
        %get3A_1455 = tpu.vector_load %arg23[%get3A_1453, %get3A_1454] {strides = array<i32>} : memref<80x128xf32, #tpu.memory_space<vmem>>, vector<16xf32>,
        %mul3A_1456 = arith.mulf %get3A_1189, %get3A_1455 : vector<16xf32>
        %get3A_1457 = arith.index_cast %add3A_1452 : i32 to index
        %get3A_1458 = arith.constant 16 : index
        %get3A_1459 = tpu.vector_load %arg23[%get3A_1457, %get3A_1458] {strides = array<i32>} : memref<80x128xf32, #tpu.memory_space<vmem>>, vector<16xf32>,
        %mul3A_1460 = arith.mulf %get3A_1192, %get3A_1459 : vector<16xf32>
        %add3A_1461 = arith.addf %mul3A_1456, %mul3A_1460 : vector<16xf32>
        %get3A_1462 = arith.index_cast %add3A_1452 : i32 to index
        %get3A_1463 = arith.constant 32 : index
        %get3A_1464 = tpu.vector_load %arg23[%get3A_1462, %get3A_1463] {strides = array<i32>} : memref<80x128xf32, #tpu.memory_space<vmem>>, vector<16xf32>,
        %mul3A_1465 = arith.mulf %get3A_1195, %get3A_1464 : vector<16xf32>
        %add3A_1466 = arith.addf %add3A_1461, %mul3A_1465 : vector<16xf32>
        %get3A_1467 = arith.index_cast %add3A_1452 : i32 to index
        %get3A_1468 = arith.constant 48 : index
        %get3A_1469 = tpu.vector_load %arg23[%get3A_1467, %get3A_1468] {strides = array<i32>} : memref<80x128xf32, #tpu.memory_space<vmem>>, vector<16xf32>,
        %mul3A_1470 = arith.mulf %get3A_1198, %get3A_1469 : vector<16xf32>
        %add3A_1471 = arith.addf %add3A_1466, %mul3A_1470 : vector<16xf32>
        %get3A_1472 = arith.index_cast %add3A_1452 : i32 to index
        %get3A_1473 = arith.constant 64 : index
        %get3A_1474 = tpu.vector_load %arg23[%get3A_1472, %get3A_1473] {strides = array<i32>} : memref<80x128xf32, #tpu.memory_space<vmem>>, vector<16xf32>,
        %mul3A_1475 = arith.mulf %get3A_1201, %get3A_1474 : vector<16xf32>
        %add3A_1476 = arith.addf %add3A_1471, %mul3A_1475 : vector<16xf32>
        %get3A_1477 = arith.index_cast %add3A_1452 : i32 to index
        %get3A_1478 = arith.constant 80 : index
        %get3A_1479 = tpu.vector_load %arg23[%get3A_1477, %get3A_1478] {strides = array<i32>} : memref<80x128xf32, #tpu.memory_space<vmem>>, vector<16xf32>,
        %mul3A_1480 = arith.mulf %get3A_1204, %get3A_1479 : vector<16xf32>
        %add3A_1481 = arith.addf %add3A_1476, %mul3A_1480 : vector<16xf32>
        %get3A_1482 = arith.index_cast %add3A_1452 : i32 to index
        %get3A_1483 = arith.constant 96 : index
        %get3A_1484 = tpu.vector_load %arg23[%get3A_1482, %get3A_1483] {strides = array<i32>} : memref<80x128xf32, #tpu.memory_space<vmem>>, vector<16xf32>,
        %mul3A_1485 = arith.mulf %get3A_1207, %get3A_1484 : vector<16xf32>
        %add3A_1486 = arith.addf %add3A_1481, %mul3A_1485 : vector<16xf32>
        %get3A_1487 = arith.index_cast %add3A_1452 : i32 to index
        %get3A_1488 = arith.constant 112 : index
        %get3A_1489 = tpu.vector_load %arg23[%get3A_1487, %get3A_1488] {strides = array<i32>} : memref<80x128xf32, #tpu.memory_space<vmem>>, vector<16xf32>,
        %mul3A_1490 = arith.mulf %get3A_1210, %get3A_1489 : vector<16xf32>
        %add3A_1491 = arith.addf %add3A_1486, %mul3A_1490 : vector<16xf32>
        %reduce_sum3A_1492 = arith.constant true
        %reduce_sum3A_1493 = vector.broadcast %reduce_sum3A_1492 : i1 to vector<16xi1>
        %reduce_sum3A_1494 = tpu.scan <sum>, %add3A_1491 masked %reduce_sum3A_1493 : vector<16xf32>, vector<16xi1> -> vector<16xf32>
        %reduce_sum3A_1495 = vector.extract %reduce_sum3A_1494[15] : f32 from vector<16xf32>
        %neg3A_1496 = arith.constant 0.000000e+00 : f32
        %neg3A_1497 = arith.subf %neg3A_1496, %reduce_sum3A_1495 : f32
        %broadcast_in_dim3A_1498 = vector.broadcast %neg3A_1497 : f32 to vector<16xf32>
        %select_n3A_1499 = arith.select %eq3A_1211, %broadcast_in_dim3A_1498, %scan3A_1186 : vector<16xi1>, vector<16xf32>
        scf.yield %select_n3A, %select_n3A_1303, %select_n3A_1352, %select_n3A_1401, %select_n3A_1450, %select_n3A_1499 : vector<16xf32>, vector<16xf32>, vector<16xf32>, vector<16xf32>, vector<16xf32>, vector<16xf32>
      }
      %scan3A_205 = arith.constant 16 : i32
      %abs3A = math.absf %scan3A_204#0 : vector<16xf32>
      %neg3A = arith.constant 0.000000e+00 : f32
      %neg3A_206 = vector.broadcast %neg3A : f32 to vector<16xf32>
      %neg3A_207 = arith.subf %neg3A_206, %abs3A : vector<16xf32>
      %exp3A = math.exp %neg3A_207 : vector<16xf32>
      %add3A_208 = arith.constant 2.000000e+00 : f32
      %add3A_209 = vector.broadcast %add3A_208 : f32 to vector<16xf32>
      %add3A_210 = arith.addf %add3A_209, %exp3A : vector<16xf32>
      %div3A = arith.divf %exp3A, %add3A_210 : vector<16xf32>
      %mul3A_211 = arith.mulf %div3A, %div3A : vector<16xf32>
      %mul3A_212 = arith.constant 0.111111112 : f32
      %mul3A_213 = vector.broadcast %mul3A_212 : f32 to vector<16xf32>
      %mul3A_214 = arith.mulf %mul3A_211, %mul3A_213 : vector<16xf32>
      %add3A_215 = arith.constant 0.142857149 : f32
      %add3A_216 = vector.broadcast %add3A_215 : f32 to vector<16xf32>
      %add3A_217 = arith.addf %add3A_216, %mul3A_214 : vector<16xf32>
      %mul3A_218 = arith.mulf %mul3A_211, %add3A_217 : vector<16xf32>
      %add3A_219 = arith.constant 2.000000e-01 : f32
      %add3A_220 = vector.broadcast %add3A_219 : f32 to vector<16xf32>
      %add3A_221 = arith.addf %add3A_220, %mul3A_218 : vector<16xf32>
      %mul3A_222 = arith.mulf %mul3A_211, %add3A_221 : vector<16xf32>
      %add3A_223 = arith.constant 0.333333343 : f32
      %add3A_224 = vector.broadcast %add3A_223 : f32 to vector<16xf32>
      %add3A_225 = arith.addf %add3A_224, %mul3A_222 : vector<16xf32>
      %mul3A_226 = arith.constant 2.000000e+00 : f32
      %mul3A_227 = vector.broadcast %mul3A_226 : f32 to vector<16xf32>
      %mul3A_228 = arith.mulf %mul3A_227, %div3A : vector<16xf32>
      %mul3A_229 = arith.mulf %mul3A_211, %add3A_225 : vector<16xf32>
      %add3A_230 = arith.constant 1.000000e+00 : f32
      %add3A_231 = vector.broadcast %add3A_230 : f32 to vector<16xf32>
      %add3A_232 = arith.addf %add3A_231, %mul3A_229 : vector<16xf32>
      %mul3A_233 = arith.mulf %mul3A_228, %add3A_232 : vector<16xf32>
      %min3A = arith.constant 0.000000e+00 : f32
      %min3A_234 = vector.broadcast %min3A : f32 to vector<16xf32>
      %min3A_235 = arith.minimumf %scan3A_204#0, %min3A_234 : vector<16xf32>
      %sub3A = arith.subf %min3A_235, %mul3A_233 : vector<16xf32>
      %abs3A_236 = math.absf %scan3A_204#1 : vector<16xf32>
      %neg3A_237 = arith.constant 0.000000e+00 : f32
      %neg3A_238 = vector.broadcast %neg3A_237 : f32 to vector<16xf32>
      %neg3A_239 = arith.subf %neg3A_238, %abs3A_236 : vector<16xf32>
      %exp3A_240 = math.exp %neg3A_239 : vector<16xf32>
      %add3A_241 = arith.constant 2.000000e+00 : f32
      %add3A_242 = vector.broadcast %add3A_241 : f32 to vector<16xf32>
      %add3A_243 = arith.addf %add3A_242, %exp3A_240 : vector<16xf32>
      %div3A_244 = arith.divf %exp3A_240, %add3A_243 : vector<16xf32>
      %mul3A_245 = arith.mulf %div3A_244, %div3A_244 : vector<16xf32>
      %mul3A_246 = arith.constant 0.111111112 : f32
      %mul3A_247 = vector.broadcast %mul3A_246 : f32 to vector<16xf32>
      %mul3A_248 = arith.mulf %mul3A_245, %mul3A_247 : vector<16xf32>
      %add3A_249 = arith.constant 0.142857149 : f32
      %add3A_250 = vector.broadcast %add3A_249 : f32 to vector<16xf32>
      %add3A_251 = arith.addf %add3A_250, %mul3A_248 : vector<16xf32>
      %mul3A_252 = arith.mulf %mul3A_245, %add3A_251 : vector<16xf32>
      %add3A_253 = arith.constant 2.000000e-01 : f32
      %add3A_254 = vector.broadcast %add3A_253 : f32 to vector<16xf32>
      %add3A_255 = arith.addf %add3A_254, %mul3A_252 : vector<16xf32>
      %mul3A_256 = arith.mulf %mul3A_245, %add3A_255 : vector<16xf32>
      %add3A_257 = arith.constant 0.333333343 : f32
      %add3A_258 = vector.broadcast %add3A_257 : f32 to vector<16xf32>
      %add3A_259 = arith.addf %add3A_258, %mul3A_256 : vector<16xf32>
      %mul3A_260 = arith.constant 2.000000e+00 : f32
      %mul3A_261 = vector.broadcast %mul3A_260 : f32 to vector<16xf32>
      %mul3A_262 = arith.mulf %mul3A_261, %div3A_244 : vector<16xf32>
      %mul3A_263 = arith.mulf %mul3A_245, %add3A_259 : vector<16xf32>
      %add3A_264 = arith.constant 1.000000e+00 : f32
      %add3A_265 = vector.broadcast %add3A_264 : f32 to vector<16xf32>
      %add3A_266 = arith.addf %add3A_265, %mul3A_263 : vector<16xf32>
      %mul3A_267 = arith.mulf %mul3A_262, %add3A_266 : vector<16xf32>
      %min3A_268 = arith.constant 0.000000e+00 : f32
      %min3A_269 = vector.broadcast %min3A_268 : f32 to vector<16xf32>
      %min3A_270 = arith.minimumf %scan3A_204#1, %min3A_269 : vector<16xf32>
      %sub3A_271 = arith.subf %min3A_270, %mul3A_267 : vector<16xf32>
      %add3A_272 = arith.addf %sub3A, %sub3A_271 : vector<16xf32>
      %abs3A_273 = math.absf %scan3A_204#2 : vector<16xf32>
      %neg3A_274 = arith.constant 0.000000e+00 : f32
      %neg3A_275 = vector.broadcast %neg3A_274 : f32 to vector<16xf32>
      %neg3A_276 = arith.subf %neg3A_275, %abs3A_273 : vector<16xf32>
      %exp3A_277 = math.exp %neg3A_276 : vector<16xf32>
      %add3A_278 = arith.constant 2.000000e+00 : f32
      %add3A_279 = vector.broadcast %add3A_278 : f32 to vector<16xf32>
      %add3A_280 = arith.addf %add3A_279, %exp3A_277 : vector<16xf32>
      %div3A_281 = arith.divf %exp3A_277, %add3A_280 : vector<16xf32>
      %mul3A_282 = arith.mulf %div3A_281, %div3A_281 : vector<16xf32>
      %mul3A_283 = arith.constant 0.111111112 : f32
      %mul3A_284 = vector.broadcast %mul3A_283 : f32 to vector<16xf32>
      %mul3A_285 = arith.mulf %mul3A_282, %mul3A_284 : vector<16xf32>
      %add3A_286 = arith.constant 0.142857149 : f32
      %add3A_287 = vector.broadcast %add3A_286 : f32 to vector<16xf32>
      %add3A_288 = arith.addf %add3A_287, %mul3A_285 : vector<16xf32>
      %mul3A_289 = arith.mulf %mul3A_282, %add3A_288 : vector<16xf32>
      %add3A_290 = arith.constant 2.000000e-01 : f32
      %add3A_291 = vector.broadcast %add3A_290 : f32 to vector<16xf32>
      %add3A_292 = arith.addf %add3A_291, %mul3A_289 : vector<16xf32>
      %mul3A_293 = arith.mulf %mul3A_282, %add3A_292 : vector<16xf32>
      %add3A_294 = arith.constant 0.333333343 : f32
      %add3A_295 = vector.broadcast %add3A_294 : f32 to vector<16xf32>
      %add3A_296 = arith.addf %add3A_295, %mul3A_293 : vector<16xf32>
      %mul3A_297 = arith.constant 2.000000e+00 : f32
      %mul3A_298 = vector.broadcast %mul3A_297 : f32 to vector<16xf32>
      %mul3A_299 = arith.mulf %mul3A_298, %div3A_281 : vector<16xf32>
      %mul3A_300 = arith.mulf %mul3A_282, %add3A_296 : vector<16xf32>
      %add3A_301 = arith.constant 1.000000e+00 : f32
      %add3A_302 = vector.broadcast %add3A_301 : f32 to vector<16xf32>
      %add3A_303 = arith.addf %add3A_302, %mul3A_300 : vector<16xf32>
      %mul3A_304 = arith.mulf %mul3A_299, %add3A_303 : vector<16xf32>
      %min3A_305 = arith.constant 0.000000e+00 : f32
      %min3A_306 = vector.broadcast %min3A_305 : f32 to vector<16xf32>
      %min3A_307 = arith.minimumf %scan3A_204#2, %min3A_306 : vector<16xf32>
      %sub3A_308 = arith.subf %min3A_307, %mul3A_304 : vector<16xf32>
      %add3A_309 = arith.addf %add3A_272, %sub3A_308 : vector<16xf32>
      %abs3A_310 = math.absf %scan3A_204#3 : vector<16xf32>
      %neg3A_311 = arith.constant 0.000000e+00 : f32
      %neg3A_312 = vector.broadcast %neg3A_311 : f32 to vector<16xf32>
      %neg3A_313 = arith.subf %neg3A_312, %abs3A_310 : vector<16xf32>
      %exp3A_314 = math.exp %neg3A_313 : vector<16xf32>
      %add3A_315 = arith.constant 2.000000e+00 : f32
      %add3A_316 = vector.broadcast %add3A_315 : f32 to vector<16xf32>
      %add3A_317 = arith.addf %add3A_316, %exp3A_314 : vector<16xf32>
      %div3A_318 = arith.divf %exp3A_314, %add3A_317 : vector<16xf32>
      %mul3A_319 = arith.mulf %div3A_318, %div3A_318 : vector<16xf32>
      %mul3A_320 = arith.constant 0.111111112 : f32
      %mul3A_321 = vector.broadcast %mul3A_320 : f32 to vector<16xf32>
      %mul3A_322 = arith.mulf %mul3A_319, %mul3A_321 : vector<16xf32>
      %add3A_323 = arith.constant 0.142857149 : f32
      %add3A_324 = vector.broadcast %add3A_323 : f32 to vector<16xf32>
      %add3A_325 = arith.addf %add3A_324, %mul3A_322 : vector<16xf32>
      %mul3A_326 = arith.mulf %mul3A_319, %add3A_325 : vector<16xf32>
      %add3A_327 = arith.constant 2.000000e-01 : f32
      %add3A_328 = vector.broadcast %add3A_327 : f32 to vector<16xf32>
      %add3A_329 = arith.addf %add3A_328, %mul3A_326 : vector<16xf32>
      %mul3A_330 = arith.mulf %mul3A_319, %add3A_329 : vector<16xf32>
      %add3A_331 = arith.constant 0.333333343 : f32
      %add3A_332 = vector.broadcast %add3A_331 : f32 to vector<16xf32>
      %add3A_333 = arith.addf %add3A_332, %mul3A_330 : vector<16xf32>
      %mul3A_334 = arith.constant 2.000000e+00 : f32
      %mul3A_335 = vector.broadcast %mul3A_334 : f32 to vector<16xf32>
      %mul3A_336 = arith.mulf %mul3A_335, %div3A_318 : vector<16xf32>
      %mul3A_337 = arith.mulf %mul3A_319, %add3A_333 : vector<16xf32>
      %add3A_338 = arith.constant 1.000000e+00 : f32
      %add3A_339 = vector.broadcast %add3A_338 : f32 to vector<16xf32>
      %add3A_340 = arith.addf %add3A_339, %mul3A_337 : vector<16xf32>
      %mul3A_341 = arith.mulf %mul3A_336, %add3A_340 : vector<16xf32>
      %min3A_342 = arith.constant 0.000000e+00 : f32
      %min3A_343 = vector.broadcast %min3A_342 : f32 to vector<16xf32>
      %min3A_344 = arith.minimumf %scan3A_204#3, %min3A_343 : vector<16xf32>
      %sub3A_345 = arith.subf %min3A_344, %mul3A_341 : vector<16xf32>
      %add3A_346 = arith.addf %add3A_309, %sub3A_345 : vector<16xf32>
      %abs3A_347 = math.absf %scan3A_204#4 : vector<16xf32>
      %neg3A_348 = arith.constant 0.000000e+00 : f32
      %neg3A_349 = vector.broadcast %neg3A_348 : f32 to vector<16xf32>
      %neg3A_350 = arith.subf %neg3A_349, %abs3A_347 : vector<16xf32>
      %exp3A_351 = math.exp %neg3A_350 : vector<16xf32>
      %add3A_352 = arith.constant 2.000000e+00 : f32
      %add3A_353 = vector.broadcast %add3A_352 : f32 to vector<16xf32>
      %add3A_354 = arith.addf %add3A_353, %exp3A_351 : vector<16xf32>
      %div3A_355 = arith.divf %exp3A_351, %add3A_354 : vector<16xf32>
      %mul3A_356 = arith.mulf %div3A_355, %div3A_355 : vector<16xf32>
      %mul3A_357 = arith.constant 0.111111112 : f32
      %mul3A_358 = vector.broadcast %mul3A_357 : f32 to vector<16xf32>
      %mul3A_359 = arith.mulf %mul3A_356, %mul3A_358 : vector<16xf32>
      %add3A_360 = arith.constant 0.142857149 : f32
      %add3A_361 = vector.broadcast %add3A_360 : f32 to vector<16xf32>
      %add3A_362 = arith.addf %add3A_361, %mul3A_359 : vector<16xf32>
      %mul3A_363 = arith.mulf %mul3A_356, %add3A_362 : vector<16xf32>
      %add3A_364 = arith.constant 2.000000e-01 : f32
      %add3A_365 = vector.broadcast %add3A_364 : f32 to vector<16xf32>
      %add3A_366 = arith.addf %add3A_365, %mul3A_363 : vector<16xf32>
      %mul3A_367 = arith.mulf %mul3A_356, %add3A_366 : vector<16xf32>
      %add3A_368 = arith.constant 0.333333343 : f32
      %add3A_369 = vector.broadcast %add3A_368 : f32 to vector<16xf32>
      %add3A_370 = arith.addf %add3A_369, %mul3A_367 : vector<16xf32>
      %mul3A_371 = arith.constant 2.000000e+00 : f32
      %mul3A_372 = vector.broadcast %mul3A_371 : f32 to vector<16xf32>
      %mul3A_373 = arith.mulf %mul3A_372, %div3A_355 : vector<16xf32>
      %mul3A_374 = arith.mulf %mul3A_356, %add3A_370 : vector<16xf32>
      %add3A_375 = arith.constant 1.000000e+00 : f32
      %add3A_376 = vector.broadcast %add3A_375 : f32 to vector<16xf32>
      %add3A_377 = arith.addf %add3A_376, %mul3A_374 : vector<16xf32>
      %mul3A_378 = arith.mulf %mul3A_373, %add3A_377 : vector<16xf32>
      %min3A_379 = arith.constant 0.000000e+00 : f32
      %min3A_380 = vector.broadcast %min3A_379 : f32 to vector<16xf32>
      %min3A_381 = arith.minimumf %scan3A_204#4, %min3A_380 : vector<16xf32>
      %sub3A_382 = arith.subf %min3A_381, %mul3A_378 : vector<16xf32>
      %add3A_383 = arith.addf %add3A_346, %sub3A_382 : vector<16xf32>
      %abs3A_384 = math.absf %scan3A_204#5 : vector<16xf32>
      %neg3A_385 = arith.constant 0.000000e+00 : f32
      %neg3A_386 = vector.broadcast %neg3A_385 : f32 to vector<16xf32>
      %neg3A_387 = arith.subf %neg3A_386, %abs3A_384 : vector<16xf32>
      %exp3A_388 = math.exp %neg3A_387 : vector<16xf32>
      %add3A_389 = arith.constant 2.000000e+00 : f32
      %add3A_390 = vector.broadcast %add3A_389 : f32 to vector<16xf32>
      %add3A_391 = arith.addf %add3A_390, %exp3A_388 : vector<16xf32>
      %div3A_392 = arith.divf %exp3A_388, %add3A_391 : vector<16xf32>
      %mul3A_393 = arith.mulf %div3A_392, %div3A_392 : vector<16xf32>
      %mul3A_394 = arith.constant 0.111111112 : f32
      %mul3A_395 = vector.broadcast %mul3A_394 : f32 to vector<16xf32>
      %mul3A_396 = arith.mulf %mul3A_393, %mul3A_395 : vector<16xf32>
      %add3A_397 = arith.constant 0.142857149 : f32
      %add3A_398 = vector.broadcast %add3A_397 : f32 to vector<16xf32>
      %add3A_399 = arith.addf %add3A_398, %mul3A_396 : vector<16xf32>
      %mul3A_400 = arith.mulf %mul3A_393, %add3A_399 : vector<16xf32>
      %add3A_401 = arith.constant 2.000000e-01 : f32
      %add3A_402 = vector.broadcast %add3A_401 : f32 to vector<16xf32>
      %add3A_403 = arith.addf %add3A_402, %mul3A_400 : vector<16xf32>
      %mul3A_404 = arith.mulf %mul3A_393, %add3A_403 : vector<16xf32>
      %add3A_405 = arith.constant 0.333333343 : f32
      %add3A_406 = vector.broadcast %add3A_405 : f32 to vector<16xf32>
      %add3A_407 = arith.addf %add3A_406, %mul3A_404 : vector<16xf32>
      %mul3A_408 = arith.constant 2.000000e+00 : f32
      %mul3A_409 = vector.broadcast %mul3A_408 : f32 to vector<16xf32>
      %mul3A_410 = arith.mulf %mul3A_409, %div3A_392 : vector<16xf32>
      %mul3A_411 = arith.mulf %mul3A_393, %add3A_407 : vector<16xf32>
      %add3A_412 = arith.constant 1.000000e+00 : f32
      %add3A_413 = vector.broadcast %add3A_412 : f32 to vector<16xf32>
      %add3A_414 = arith.addf %add3A_413, %mul3A_411 : vector<16xf32>
      %mul3A_415 = arith.mulf %mul3A_410, %add3A_414 : vector<16xf32>
      %min3A_416 = arith.constant 0.000000e+00 : f32
      %min3A_417 = vector.broadcast %min3A_416 : f32 to vector<16xf32>
      %min3A_418 = arith.minimumf %scan3A_204#5, %min3A_417 : vector<16xf32>
      %sub3A_419 = arith.subf %min3A_418, %mul3A_415 : vector<16xf32>
      %add3A_420 = arith.addf %add3A_383, %sub3A_419 : vector<16xf32>
      %add3A_421 = arith.addf %scan3A_181, %add3A_420 : vector<16xf32>
      %lt3A = arith.constant 7 : i32
      %lt3A_422 = arith.cmpi slt, %scan3A_180, %lt3A : i32
      %convert_element_type3A = arith.extui %lt3A_422 : i1 to i32
      %cond3A = arith.constant 0 : i32
      %cond3A_423 = arith.cmpi ne, %convert_element_type3A, %cond3A : i32
      scf.if %cond3A_423 {
        %add3A_1180 = arith.constant 4 : i32
        %add3A_1181 = arith.addi %add3A_185, %add3A_1180 : i32
        %mul3A_1182 = arith.constant 16 : i32
        %mul3A_1183 = arith.muli %add3A_1181, %mul3A_1182 : i32
        %get3A_1184 = arith.constant 0 : i32
        %get3A_1185 = arith.index_cast %get3A_1184 : i32 to index
        %get3A_1186 = arith.index_cast %mul3A_1183 : i32 to index
        %get3A_1187 = tpu.vector_load %arg10[%get3A_1185, %get3A_1186] {strides = array<i32>} : memref<5x512xi32, #tpu.memory_space<vmem>>, vector<16xi32>,
        %swap3A_1188 = arith.constant 0 : index
        %swap3A_1189 = tpu.vector_load %arg11[%swap3A_1188] {strides = array<i32>} : memref<80xi32, #tpu.memory_space<vmem>>, vector<16xi32>,
        tpu.vector_store %arg11[%swap3A_1188], %get3A_1187 {strides = array<i32>} : memref<80xi32, #tpu.memory_space<vmem>>, vector<16xi32>,
        %get3A_1190 = arith.constant 1 : i32
        %get3A_1191 = arith.index_cast %get3A_1190 : i32 to index
        %get3A_1192 = arith.index_cast %mul3A_1183 : i32 to index
        %get3A_1193 = tpu.vector_load %arg10[%get3A_1191, %get3A_1192] {strides = array<i32>} : memref<5x512xi32, #tpu.memory_space<vmem>>, vector<16xi32>,
        %swap3A_1194 = arith.constant 16 : index
        %swap3A_1195 = tpu.vector_load %arg11[%swap3A_1194] {strides = array<i32>} : memref<80xi32, #tpu.memory_space<vmem>>, vector<16xi32>,
        tpu.vector_store %arg11[%swap3A_1194], %get3A_1193 {strides = array<i32>} : memref<80xi32, #tpu.memory_space<vmem>>, vector<16xi32>,
        %get3A_1196 = arith.constant 2 : i32
        %get3A_1197 = arith.index_cast %get3A_1196 : i32 to index
        %get3A_1198 = arith.index_cast %mul3A_1183 : i32 to index
        %get3A_1199 = tpu.vector_load %arg10[%get3A_1197, %get3A_1198] {strides = array<i32>} : memref<5x512xi32, #tpu.memory_space<vmem>>, vector<16xi32>,
        %swap3A_1200 = arith.constant 32 : index
        %swap3A_1201 = tpu.vector_load %arg11[%swap3A_1200] {strides = array<i32>} : memref<80xi32, #tpu.memory_space<vmem>>, vector<16xi32>,
        tpu.vector_store %arg11[%swap3A_1200], %get3A_1199 {strides = array<i32>} : memref<80xi32, #tpu.memory_space<vmem>>, vector<16xi32>,
        %get3A_1202 = arith.constant 3 : i32
        %get3A_1203 = arith.index_cast %get3A_1202 : i32 to index
        %get3A_1204 = arith.index_cast %mul3A_1183 : i32 to index
        %get3A_1205 = tpu.vector_load %arg10[%get3A_1203, %get3A_1204] {strides = array<i32>} : memref<5x512xi32, #tpu.memory_space<vmem>>, vector<16xi32>,
        %swap3A_1206 = arith.constant 48 : index
        %swap3A_1207 = tpu.vector_load %arg11[%swap3A_1206] {strides = array<i32>} : memref<80xi32, #tpu.memory_space<vmem>>, vector<16xi32>,
        tpu.vector_store %arg11[%swap3A_1206], %get3A_1205 {strides = array<i32>} : memref<80xi32, #tpu.memory_space<vmem>>, vector<16xi32>,
        %get3A_1208 = arith.constant 4 : i32
        %get3A_1209 = arith.index_cast %get3A_1208 : i32 to index
        %get3A_1210 = arith.index_cast %mul3A_1183 : i32 to index
        %get3A_1211 = tpu.vector_load %arg10[%get3A_1209, %get3A_1210] {strides = array<i32>} : memref<5x512xi32, #tpu.memory_space<vmem>>, vector<16xi32>,
        %swap3A_1212 = arith.constant 64 : index
        %swap3A_1213 = tpu.vector_load %arg11[%swap3A_1212] {strides = array<i32>} : memref<80xi32, #tpu.memory_space<vmem>>, vector<16xi32>,
        tpu.vector_store %arg11[%swap3A_1212], %get3A_1211 {strides = array<i32>} : memref<80xi32, #tpu.memory_space<vmem>>, vector<16xi32>,
        %mul3A_1214 = arith.constant 16 : i32
        %mul3A_1215 = arith.muli %add3A_1181, %mul3A_1214 : i32
        %dma_start3A_1216 = tpu.memref_slice %arg8[%mul3A_1215] : memref<512xi32, #tpu.memory_space<vmem>> -> memref<16xi32, #tpu.memory_space<vmem>>
        %dma_start3A_1217 = arith.constant 0 : i32
        %dma_start3A_1218 = arith.constant 0 : i32
        %dma_start3A_1219 = tpu.memref_slice %arg5[%dma_start3A_1217, %dma_start3A_1218] : memref<1000000x128xf32, #tpu.memory_space<hbm>> -> memref<1000000x128xf32, #tpu.memory_space<hbm>>
        tpu.enqueue_indirect_dma source(%dma_start3A_1219 : memref<1000000x128xf32, #tpu.memory_space<hbm>>) target(%arg15 : memref<16x128xf32, #tpu.memory_space<vmem>>) offsets(%dma_start3A_1216 : memref<16xi32, #tpu.memory_space<vmem>>) semaphore(%arg28 : memref<!tpu.dma_semaphore, #tpu.memory_space<semaphore_mem>>)
        %dma_start3A_1220 = tpu.memref_slice %arg9[%mul3A_1215] : memref<512xi32, #tpu.memory_space<vmem>> -> memref<16xi32, #tpu.memory_space<vmem>>
        %dma_start3A_1221 = arith.constant 0 : i32
        %dma_start3A_1222 = arith.constant 0 : i32
        %dma_start3A_1223 = tpu.memref_slice %arg6[%dma_start3A_1221, %dma_start3A_1222] : memref<1000000x128xf32, #tpu.memory_space<hbm>> -> memref<1000000x128xf32, #tpu.memory_space<hbm>>
        tpu.enqueue_indirect_dma source(%dma_start3A_1223 : memref<1000000x128xf32, #tpu.memory_space<hbm>>) target(%arg19 : memref<16x128xf32, #tpu.memory_space<vmem>>) offsets(%dma_start3A_1220 : memref<16xi32, #tpu.memory_space<vmem>>) semaphore(%arg28 : memref<!tpu.dma_semaphore, #tpu.memory_space<semaphore_mem>>)
        %dma_start3A_1224 = arith.constant 0 : i32
        %dma_start3A_1225 = arith.constant 0 : i32
        %dma_start3A_1226 = tpu.memref_slice %arg6[%dma_start3A_1224, %dma_start3A_1225] : memref<1000000x128xf32, #tpu.memory_space<hbm>> -> memref<1000000x128xf32, #tpu.memory_space<hbm>>
        tpu.enqueue_indirect_dma source(%dma_start3A_1226 : memref<1000000x128xf32, #tpu.memory_space<hbm>>) target(%arg23 : memref<80x128xf32, #tpu.memory_space<vmem>>) offsets(%arg11 : memref<80xi32, #tpu.memory_space<vmem>>) semaphore(%arg28 : memref<!tpu.dma_semaphore, #tpu.memory_space<semaphore_mem>>)
      } else {
      }
      %mul3A_424 = arith.constant 4 : i32
      %mul3A_425 = arith.muli %mul3A_424, %scan3A_180 : i32
      %add3A_426 = arith.constant 1 : i32
      %add3A_427 = arith.addi %mul3A_425, %add3A_426 : i32
      %mul3A_428 = arith.constant 16 : i32
      %mul3A_429 = arith.muli %add3A_427, %mul3A_428 : i32
      %dma_wait3A_430 = tpu.memref_slice %arg8[%mul3A_429] : memref<512xi32, #tpu.memory_space<vmem>> -> memref<16xi32, #tpu.memory_space<vmem>>
      %dma_wait3A_431 = arith.constant 0 : i32
      %dma_wait3A_432 = arith.constant 0 : i32
      %dma_wait3A_433 = tpu.memref_slice %arg5[%dma_wait3A_431, %dma_wait3A_432] : memref<1000000x128xf32, #tpu.memory_space<hbm>> -> memref<1000000x128xf32, #tpu.memory_space<hbm>>
      tpu.wait_indirect_dma semaphore(%arg29 : memref<!tpu.dma_semaphore, #tpu.memory_space<semaphore_mem>>) src(%dma_wait3A_433 : memref<1000000x128xf32, #tpu.memory_space<hbm>>) dst(%arg16 : memref<16x128xf32, #tpu.memory_space<vmem>>)
      %dma_wait3A_434 = tpu.memref_slice %arg9[%mul3A_429] : memref<512xi32, #tpu.memory_space<vmem>> -> memref<16xi32, #tpu.memory_space<vmem>>
      %dma_wait3A_435 = arith.constant 0 : i32
      %dma_wait3A_436 = arith.constant 0 : i32
      %dma_wait3A_437 = tpu.memref_slice %arg6[%dma_wait3A_435, %dma_wait3A_436] : memref<1000000x128xf32, #tpu.memory_space<hbm>> -> memref<1000000x128xf32, #tpu.memory_space<hbm>>
      tpu.wait_indirect_dma semaphore(%arg29 : memref<!tpu.dma_semaphore, #tpu.memory_space<semaphore_mem>>) src(%dma_wait3A_437 : memref<1000000x128xf32, #tpu.memory_space<hbm>>) dst(%arg20 : memref<16x128xf32, #tpu.memory_space<vmem>>)
      %dma_wait3A_438 = arith.constant 0 : i32
      %dma_wait3A_439 = arith.constant 0 : i32
      %dma_wait3A_440 = tpu.memref_slice %arg6[%dma_wait3A_438, %dma_wait3A_439] : memref<1000000x128xf32, #tpu.memory_space<hbm>> -> memref<1000000x128xf32, #tpu.memory_space<hbm>>
      tpu.wait_indirect_dma semaphore(%arg29 : memref<!tpu.dma_semaphore, #tpu.memory_space<semaphore_mem>>) src(%dma_wait3A_440 : memref<1000000x128xf32, #tpu.memory_space<hbm>>) dst(%arg24 : memref<80x128xf32, #tpu.memory_space<vmem>>)
      %broadcast_in_dim3A_441 = arith.constant 0.000000e+00 : f32
      %broadcast_in_dim3A_442 = vector.broadcast %broadcast_in_dim3A_441 : f32 to vector<16xf32>
      %scan3A_443 = arith.constant 0 : i32
      %scan3A_444 = arith.constant 16 : i32
      %scan3A_445 = arith.addi %scan3A_443, %scan3A_444 : i32
      %scan3A_446 = arith.constant 1 : i32
      %scan3A_447:6 = scf.for %scan3A_1180 = %scan3A_443 to %scan3A_445 step %scan3A_446 iter_args(%scan3A_1181 = %broadcast_in_dim3A_442, %scan3A_1182 = %broadcast_in_dim3A_442, %scan3A_1183 = %broadcast_in_dim3A_442, %scan3A_1184 = %broadcast_in_dim3A_442, %scan3A_1185 = %broadcast_in_dim3A_442, %scan3A_1186 = %broadcast_in_dim3A_442) -> (vector<16xf32>, vector<16xf32>, vector<16xf32>, vector<16xf32>, vector<16xf32>, vector<16xf32>)  : i32 {
        %get3A_1187 = arith.index_cast %scan3A_1180 : i32 to index
        %get3A_1188 = arith.constant 0 : index
        %get3A_1189 = tpu.vector_load %arg16[%get3A_1187, %get3A_1188] {strides = array<i32>} : memref<16x128xf32, #tpu.memory_space<vmem>>, vector<16xf32>,
        %get3A_1190 = arith.index_cast %scan3A_1180 : i32 to index
        %get3A_1191 = arith.constant 16 : index
        %get3A_1192 = tpu.vector_load %arg16[%get3A_1190, %get3A_1191] {strides = array<i32>} : memref<16x128xf32, #tpu.memory_space<vmem>>, vector<16xf32>,
        %get3A_1193 = arith.index_cast %scan3A_1180 : i32 to index
        %get3A_1194 = arith.constant 32 : index
        %get3A_1195 = tpu.vector_load %arg16[%get3A_1193, %get3A_1194] {strides = array<i32>} : memref<16x128xf32, #tpu.memory_space<vmem>>, vector<16xf32>,
        %get3A_1196 = arith.index_cast %scan3A_1180 : i32 to index
        %get3A_1197 = arith.constant 48 : index
        %get3A_1198 = tpu.vector_load %arg16[%get3A_1196, %get3A_1197] {strides = array<i32>} : memref<16x128xf32, #tpu.memory_space<vmem>>, vector<16xf32>,
        %get3A_1199 = arith.index_cast %scan3A_1180 : i32 to index
        %get3A_1200 = arith.constant 64 : index
        %get3A_1201 = tpu.vector_load %arg16[%get3A_1199, %get3A_1200] {strides = array<i32>} : memref<16x128xf32, #tpu.memory_space<vmem>>, vector<16xf32>,
        %get3A_1202 = arith.index_cast %scan3A_1180 : i32 to index
        %get3A_1203 = arith.constant 80 : index
        %get3A_1204 = tpu.vector_load %arg16[%get3A_1202, %get3A_1203] {strides = array<i32>} : memref<16x128xf32, #tpu.memory_space<vmem>>, vector<16xf32>,
        %get3A_1205 = arith.index_cast %scan3A_1180 : i32 to index
        %get3A_1206 = arith.constant 96 : index
        %get3A_1207 = tpu.vector_load %arg16[%get3A_1205, %get3A_1206] {strides = array<i32>} : memref<16x128xf32, #tpu.memory_space<vmem>>, vector<16xf32>,
        %get3A_1208 = arith.index_cast %scan3A_1180 : i32 to index
        %get3A_1209 = arith.constant 112 : index
        %get3A_1210 = tpu.vector_load %arg16[%get3A_1208, %get3A_1209] {strides = array<i32>} : memref<16x128xf32, #tpu.memory_space<vmem>>, vector<16xf32>,
        %eq3A = vector.broadcast %scan3A_1180 : i32 to vector<16xi32>
        %eq3A_1211 = arith.cmpi eq, %iota3A, %eq3A : vector<16xi32>
        %get3A_1212 = arith.index_cast %scan3A_1180 : i32 to index
        %get3A_1213 = arith.constant 0 : index
        %get3A_1214 = tpu.vector_load %arg20[%get3A_1212, %get3A_1213] {strides = array<i32>} : memref<16x128xf32, #tpu.memory_space<vmem>>, vector<16xf32>,
        %mul3A_1215 = arith.mulf %get3A_1189, %get3A_1214 : vector<16xf32>
        %get3A_1216 = arith.index_cast %scan3A_1180 : i32 to index
        %get3A_1217 = arith.constant 16 : index
        %get3A_1218 = tpu.vector_load %arg20[%get3A_1216, %get3A_1217] {strides = array<i32>} : memref<16x128xf32, #tpu.memory_space<vmem>>, vector<16xf32>,
        %mul3A_1219 = arith.mulf %get3A_1192, %get3A_1218 : vector<16xf32>
        %add3A_1220 = arith.addf %mul3A_1215, %mul3A_1219 : vector<16xf32>
        %get3A_1221 = arith.index_cast %scan3A_1180 : i32 to index
        %get3A_1222 = arith.constant 32 : index
        %get3A_1223 = tpu.vector_load %arg20[%get3A_1221, %get3A_1222] {strides = array<i32>} : memref<16x128xf32, #tpu.memory_space<vmem>>, vector<16xf32>,
        %mul3A_1224 = arith.mulf %get3A_1195, %get3A_1223 : vector<16xf32>
        %add3A_1225 = arith.addf %add3A_1220, %mul3A_1224 : vector<16xf32>
        %get3A_1226 = arith.index_cast %scan3A_1180 : i32 to index
        %get3A_1227 = arith.constant 48 : index
        %get3A_1228 = tpu.vector_load %arg20[%get3A_1226, %get3A_1227] {strides = array<i32>} : memref<16x128xf32, #tpu.memory_space<vmem>>, vector<16xf32>,
        %mul3A_1229 = arith.mulf %get3A_1198, %get3A_1228 : vector<16xf32>
        %add3A_1230 = arith.addf %add3A_1225, %mul3A_1229 : vector<16xf32>
        %get3A_1231 = arith.index_cast %scan3A_1180 : i32 to index
        %get3A_1232 = arith.constant 64 : index
        %get3A_1233 = tpu.vector_load %arg20[%get3A_1231, %get3A_1232] {strides = array<i32>} : memref<16x128xf32, #tpu.memory_space<vmem>>, vector<16xf32>,
        %mul3A_1234 = arith.mulf %get3A_1201, %get3A_1233 : vector<16xf32>
        %add3A_1235 = arith.addf %add3A_1230, %mul3A_1234 : vector<16xf32>
        %get3A_1236 = arith.index_cast %scan3A_1180 : i32 to index
        %get3A_1237 = arith.constant 80 : index
        %get3A_1238 = tpu.vector_load %arg20[%get3A_1236, %get3A_1237] {strides = array<i32>} : memref<16x128xf32, #tpu.memory_space<vmem>>, vector<16xf32>,
        %mul3A_1239 = arith.mulf %get3A_1204, %get3A_1238 : vector<16xf32>
        %add3A_1240 = arith.addf %add3A_1235, %mul3A_1239 : vector<16xf32>
        %get3A_1241 = arith.index_cast %scan3A_1180 : i32 to index
        %get3A_1242 = arith.constant 96 : index
        %get3A_1243 = tpu.vector_load %arg20[%get3A_1241, %get3A_1242] {strides = array<i32>} : memref<16x128xf32, #tpu.memory_space<vmem>>, vector<16xf32>,
        %mul3A_1244 = arith.mulf %get3A_1207, %get3A_1243 : vector<16xf32>
        %add3A_1245 = arith.addf %add3A_1240, %mul3A_1244 : vector<16xf32>
        %get3A_1246 = arith.index_cast %scan3A_1180 : i32 to index
        %get3A_1247 = arith.constant 112 : index
        %get3A_1248 = tpu.vector_load %arg20[%get3A_1246, %get3A_1247] {strides = array<i32>} : memref<16x128xf32, #tpu.memory_space<vmem>>, vector<16xf32>,
        %mul3A_1249 = arith.mulf %get3A_1210, %get3A_1248 : vector<16xf32>
        %add3A_1250 = arith.addf %add3A_1245, %mul3A_1249 : vector<16xf32>
        %reduce_sum3A = arith.constant true
        %reduce_sum3A_1251 = vector.broadcast %reduce_sum3A : i1 to vector<16xi1>
        %reduce_sum3A_1252 = tpu.scan <sum>, %add3A_1250 masked %reduce_sum3A_1251 : vector<16xf32>, vector<16xi1> -> vector<16xf32>
        %reduce_sum3A_1253 = vector.extract %reduce_sum3A_1252[15] : f32 from vector<16xf32>
        %broadcast_in_dim3A_1254 = vector.broadcast %reduce_sum3A_1253 : f32 to vector<16xf32>
        %select_n3A = arith.select %eq3A_1211, %broadcast_in_dim3A_1254, %scan3A_1181 : vector<16xi1>, vector<16xf32>
        %add3A_1255 = arith.constant 0 : i32
        %add3A_1256 = arith.addi %add3A_1255, %scan3A_1180 : i32
        %get3A_1257 = arith.index_cast %add3A_1256 : i32 to index
        %get3A_1258 = arith.constant 0 : index
        %get3A_1259 = tpu.vector_load %arg24[%get3A_1257, %get3A_1258] {strides = array<i32>} : memref<80x128xf32, #tpu.memory_space<vmem>>, vector<16xf32>,
        %mul3A_1260 = arith.mulf %get3A_1189, %get3A_1259 : vector<16xf32>
        %get3A_1261 = arith.index_cast %add3A_1256 : i32 to index
        %get3A_1262 = arith.constant 16 : index
        %get3A_1263 = tpu.vector_load %arg24[%get3A_1261, %get3A_1262] {strides = array<i32>} : memref<80x128xf32, #tpu.memory_space<vmem>>, vector<16xf32>,
        %mul3A_1264 = arith.mulf %get3A_1192, %get3A_1263 : vector<16xf32>
        %add3A_1265 = arith.addf %mul3A_1260, %mul3A_1264 : vector<16xf32>
        %get3A_1266 = arith.index_cast %add3A_1256 : i32 to index
        %get3A_1267 = arith.constant 32 : index
        %get3A_1268 = tpu.vector_load %arg24[%get3A_1266, %get3A_1267] {strides = array<i32>} : memref<80x128xf32, #tpu.memory_space<vmem>>, vector<16xf32>,
        %mul3A_1269 = arith.mulf %get3A_1195, %get3A_1268 : vector<16xf32>
        %add3A_1270 = arith.addf %add3A_1265, %mul3A_1269 : vector<16xf32>
        %get3A_1271 = arith.index_cast %add3A_1256 : i32 to index
        %get3A_1272 = arith.constant 48 : index
        %get3A_1273 = tpu.vector_load %arg24[%get3A_1271, %get3A_1272] {strides = array<i32>} : memref<80x128xf32, #tpu.memory_space<vmem>>, vector<16xf32>,
        %mul3A_1274 = arith.mulf %get3A_1198, %get3A_1273 : vector<16xf32>
        %add3A_1275 = arith.addf %add3A_1270, %mul3A_1274 : vector<16xf32>
        %get3A_1276 = arith.index_cast %add3A_1256 : i32 to index
        %get3A_1277 = arith.constant 64 : index
        %get3A_1278 = tpu.vector_load %arg24[%get3A_1276, %get3A_1277] {strides = array<i32>} : memref<80x128xf32, #tpu.memory_space<vmem>>, vector<16xf32>,
        %mul3A_1279 = arith.mulf %get3A_1201, %get3A_1278 : vector<16xf32>
        %add3A_1280 = arith.addf %add3A_1275, %mul3A_1279 : vector<16xf32>
        %get3A_1281 = arith.index_cast %add3A_1256 : i32 to index
        %get3A_1282 = arith.constant 80 : index
        %get3A_1283 = tpu.vector_load %arg24[%get3A_1281, %get3A_1282] {strides = array<i32>} : memref<80x128xf32, #tpu.memory_space<vmem>>, vector<16xf32>,
        %mul3A_1284 = arith.mulf %get3A_1204, %get3A_1283 : vector<16xf32>
        %add3A_1285 = arith.addf %add3A_1280, %mul3A_1284 : vector<16xf32>
        %get3A_1286 = arith.index_cast %add3A_1256 : i32 to index
        %get3A_1287 = arith.constant 96 : index
        %get3A_1288 = tpu.vector_load %arg24[%get3A_1286, %get3A_1287] {strides = array<i32>} : memref<80x128xf32, #tpu.memory_space<vmem>>, vector<16xf32>,
        %mul3A_1289 = arith.mulf %get3A_1207, %get3A_1288 : vector<16xf32>
        %add3A_1290 = arith.addf %add3A_1285, %mul3A_1289 : vector<16xf32>
        %get3A_1291 = arith.index_cast %add3A_1256 : i32 to index
        %get3A_1292 = arith.constant 112 : index
        %get3A_1293 = tpu.vector_load %arg24[%get3A_1291, %get3A_1292] {strides = array<i32>} : memref<80x128xf32, #tpu.memory_space<vmem>>, vector<16xf32>,
        %mul3A_1294 = arith.mulf %get3A_1210, %get3A_1293 : vector<16xf32>
        %add3A_1295 = arith.addf %add3A_1290, %mul3A_1294 : vector<16xf32>
        %reduce_sum3A_1296 = arith.constant true
        %reduce_sum3A_1297 = vector.broadcast %reduce_sum3A_1296 : i1 to vector<16xi1>
        %reduce_sum3A_1298 = tpu.scan <sum>, %add3A_1295 masked %reduce_sum3A_1297 : vector<16xf32>, vector<16xi1> -> vector<16xf32>
        %reduce_sum3A_1299 = vector.extract %reduce_sum3A_1298[15] : f32 from vector<16xf32>
        %neg3A_1300 = arith.constant 0.000000e+00 : f32
        %neg3A_1301 = arith.subf %neg3A_1300, %reduce_sum3A_1299 : f32
        %broadcast_in_dim3A_1302 = vector.broadcast %neg3A_1301 : f32 to vector<16xf32>
        %select_n3A_1303 = arith.select %eq3A_1211, %broadcast_in_dim3A_1302, %scan3A_1182 : vector<16xi1>, vector<16xf32>
        %add3A_1304 = arith.constant 16 : i32
        %add3A_1305 = arith.addi %add3A_1304, %scan3A_1180 : i32
        %get3A_1306 = arith.index_cast %add3A_1305 : i32 to index
        %get3A_1307 = arith.constant 0 : index
        %get3A_1308 = tpu.vector_load %arg24[%get3A_1306, %get3A_1307] {strides = array<i32>} : memref<80x128xf32, #tpu.memory_space<vmem>>, vector<16xf32>,
        %mul3A_1309 = arith.mulf %get3A_1189, %get3A_1308 : vector<16xf32>
        %get3A_1310 = arith.index_cast %add3A_1305 : i32 to index
        %get3A_1311 = arith.constant 16 : index
        %get3A_1312 = tpu.vector_load %arg24[%get3A_1310, %get3A_1311] {strides = array<i32>} : memref<80x128xf32, #tpu.memory_space<vmem>>, vector<16xf32>,
        %mul3A_1313 = arith.mulf %get3A_1192, %get3A_1312 : vector<16xf32>
        %add3A_1314 = arith.addf %mul3A_1309, %mul3A_1313 : vector<16xf32>
        %get3A_1315 = arith.index_cast %add3A_1305 : i32 to index
        %get3A_1316 = arith.constant 32 : index
        %get3A_1317 = tpu.vector_load %arg24[%get3A_1315, %get3A_1316] {strides = array<i32>} : memref<80x128xf32, #tpu.memory_space<vmem>>, vector<16xf32>,
        %mul3A_1318 = arith.mulf %get3A_1195, %get3A_1317 : vector<16xf32>
        %add3A_1319 = arith.addf %add3A_1314, %mul3A_1318 : vector<16xf32>
        %get3A_1320 = arith.index_cast %add3A_1305 : i32 to index
        %get3A_1321 = arith.constant 48 : index
        %get3A_1322 = tpu.vector_load %arg24[%get3A_1320, %get3A_1321] {strides = array<i32>} : memref<80x128xf32, #tpu.memory_space<vmem>>, vector<16xf32>,
        %mul3A_1323 = arith.mulf %get3A_1198, %get3A_1322 : vector<16xf32>
        %add3A_1324 = arith.addf %add3A_1319, %mul3A_1323 : vector<16xf32>
        %get3A_1325 = arith.index_cast %add3A_1305 : i32 to index
        %get3A_1326 = arith.constant 64 : index
        %get3A_1327 = tpu.vector_load %arg24[%get3A_1325, %get3A_1326] {strides = array<i32>} : memref<80x128xf32, #tpu.memory_space<vmem>>, vector<16xf32>,
        %mul3A_1328 = arith.mulf %get3A_1201, %get3A_1327 : vector<16xf32>
        %add3A_1329 = arith.addf %add3A_1324, %mul3A_1328 : vector<16xf32>
        %get3A_1330 = arith.index_cast %add3A_1305 : i32 to index
        %get3A_1331 = arith.constant 80 : index
        %get3A_1332 = tpu.vector_load %arg24[%get3A_1330, %get3A_1331] {strides = array<i32>} : memref<80x128xf32, #tpu.memory_space<vmem>>, vector<16xf32>,
        %mul3A_1333 = arith.mulf %get3A_1204, %get3A_1332 : vector<16xf32>
        %add3A_1334 = arith.addf %add3A_1329, %mul3A_1333 : vector<16xf32>
        %get3A_1335 = arith.index_cast %add3A_1305 : i32 to index
        %get3A_1336 = arith.constant 96 : index
        %get3A_1337 = tpu.vector_load %arg24[%get3A_1335, %get3A_1336] {strides = array<i32>} : memref<80x128xf32, #tpu.memory_space<vmem>>, vector<16xf32>,
        %mul3A_1338 = arith.mulf %get3A_1207, %get3A_1337 : vector<16xf32>
        %add3A_1339 = arith.addf %add3A_1334, %mul3A_1338 : vector<16xf32>
        %get3A_1340 = arith.index_cast %add3A_1305 : i32 to index
        %get3A_1341 = arith.constant 112 : index
        %get3A_1342 = tpu.vector_load %arg24[%get3A_1340, %get3A_1341] {strides = array<i32>} : memref<80x128xf32, #tpu.memory_space<vmem>>, vector<16xf32>,
        %mul3A_1343 = arith.mulf %get3A_1210, %get3A_1342 : vector<16xf32>
        %add3A_1344 = arith.addf %add3A_1339, %mul3A_1343 : vector<16xf32>
        %reduce_sum3A_1345 = arith.constant true
        %reduce_sum3A_1346 = vector.broadcast %reduce_sum3A_1345 : i1 to vector<16xi1>
        %reduce_sum3A_1347 = tpu.scan <sum>, %add3A_1344 masked %reduce_sum3A_1346 : vector<16xf32>, vector<16xi1> -> vector<16xf32>
        %reduce_sum3A_1348 = vector.extract %reduce_sum3A_1347[15] : f32 from vector<16xf32>
        %neg3A_1349 = arith.constant 0.000000e+00 : f32
        %neg3A_1350 = arith.subf %neg3A_1349, %reduce_sum3A_1348 : f32
        %broadcast_in_dim3A_1351 = vector.broadcast %neg3A_1350 : f32 to vector<16xf32>
        %select_n3A_1352 = arith.select %eq3A_1211, %broadcast_in_dim3A_1351, %scan3A_1183 : vector<16xi1>, vector<16xf32>
        %add3A_1353 = arith.constant 32 : i32
        %add3A_1354 = arith.addi %add3A_1353, %scan3A_1180 : i32
        %get3A_1355 = arith.index_cast %add3A_1354 : i32 to index
        %get3A_1356 = arith.constant 0 : index
        %get3A_1357 = tpu.vector_load %arg24[%get3A_1355, %get3A_1356] {strides = array<i32>} : memref<80x128xf32, #tpu.memory_space<vmem>>, vector<16xf32>,
        %mul3A_1358 = arith.mulf %get3A_1189, %get3A_1357 : vector<16xf32>
        %get3A_1359 = arith.index_cast %add3A_1354 : i32 to index
        %get3A_1360 = arith.constant 16 : index
        %get3A_1361 = tpu.vector_load %arg24[%get3A_1359, %get3A_1360] {strides = array<i32>} : memref<80x128xf32, #tpu.memory_space<vmem>>, vector<16xf32>,
        %mul3A_1362 = arith.mulf %get3A_1192, %get3A_1361 : vector<16xf32>
        %add3A_1363 = arith.addf %mul3A_1358, %mul3A_1362 : vector<16xf32>
        %get3A_1364 = arith.index_cast %add3A_1354 : i32 to index
        %get3A_1365 = arith.constant 32 : index
        %get3A_1366 = tpu.vector_load %arg24[%get3A_1364, %get3A_1365] {strides = array<i32>} : memref<80x128xf32, #tpu.memory_space<vmem>>, vector<16xf32>,
        %mul3A_1367 = arith.mulf %get3A_1195, %get3A_1366 : vector<16xf32>
        %add3A_1368 = arith.addf %add3A_1363, %mul3A_1367 : vector<16xf32>
        %get3A_1369 = arith.index_cast %add3A_1354 : i32 to index
        %get3A_1370 = arith.constant 48 : index
        %get3A_1371 = tpu.vector_load %arg24[%get3A_1369, %get3A_1370] {strides = array<i32>} : memref<80x128xf32, #tpu.memory_space<vmem>>, vector<16xf32>,
        %mul3A_1372 = arith.mulf %get3A_1198, %get3A_1371 : vector<16xf32>
        %add3A_1373 = arith.addf %add3A_1368, %mul3A_1372 : vector<16xf32>
        %get3A_1374 = arith.index_cast %add3A_1354 : i32 to index
        %get3A_1375 = arith.constant 64 : index
        %get3A_1376 = tpu.vector_load %arg24[%get3A_1374, %get3A_1375] {strides = array<i32>} : memref<80x128xf32, #tpu.memory_space<vmem>>, vector<16xf32>,
        %mul3A_1377 = arith.mulf %get3A_1201, %get3A_1376 : vector<16xf32>
        %add3A_1378 = arith.addf %add3A_1373, %mul3A_1377 : vector<16xf32>
        %get3A_1379 = arith.index_cast %add3A_1354 : i32 to index
        %get3A_1380 = arith.constant 80 : index
        %get3A_1381 = tpu.vector_load %arg24[%get3A_1379, %get3A_1380] {strides = array<i32>} : memref<80x128xf32, #tpu.memory_space<vmem>>, vector<16xf32>,
        %mul3A_1382 = arith.mulf %get3A_1204, %get3A_1381 : vector<16xf32>
        %add3A_1383 = arith.addf %add3A_1378, %mul3A_1382 : vector<16xf32>
        %get3A_1384 = arith.index_cast %add3A_1354 : i32 to index
        %get3A_1385 = arith.constant 96 : index
        %get3A_1386 = tpu.vector_load %arg24[%get3A_1384, %get3A_1385] {strides = array<i32>} : memref<80x128xf32, #tpu.memory_space<vmem>>, vector<16xf32>,
        %mul3A_1387 = arith.mulf %get3A_1207, %get3A_1386 : vector<16xf32>
        %add3A_1388 = arith.addf %add3A_1383, %mul3A_1387 : vector<16xf32>
        %get3A_1389 = arith.index_cast %add3A_1354 : i32 to index
        %get3A_1390 = arith.constant 112 : index
        %get3A_1391 = tpu.vector_load %arg24[%get3A_1389, %get3A_1390] {strides = array<i32>} : memref<80x128xf32, #tpu.memory_space<vmem>>, vector<16xf32>,
        %mul3A_1392 = arith.mulf %get3A_1210, %get3A_1391 : vector<16xf32>
        %add3A_1393 = arith.addf %add3A_1388, %mul3A_1392 : vector<16xf32>
        %reduce_sum3A_1394 = arith.constant true
        %reduce_sum3A_1395 = vector.broadcast %reduce_sum3A_1394 : i1 to vector<16xi1>
        %reduce_sum3A_1396 = tpu.scan <sum>, %add3A_1393 masked %reduce_sum3A_1395 : vector<16xf32>, vector<16xi1> -> vector<16xf32>
        %reduce_sum3A_1397 = vector.extract %reduce_sum3A_1396[15] : f32 from vector<16xf32>
        %neg3A_1398 = arith.constant 0.000000e+00 : f32
        %neg3A_1399 = arith.subf %neg3A_1398, %reduce_sum3A_1397 : f32
        %broadcast_in_dim3A_1400 = vector.broadcast %neg3A_1399 : f32 to vector<16xf32>
        %select_n3A_1401 = arith.select %eq3A_1211, %broadcast_in_dim3A_1400, %scan3A_1184 : vector<16xi1>, vector<16xf32>
        %add3A_1402 = arith.constant 48 : i32
        %add3A_1403 = arith.addi %add3A_1402, %scan3A_1180 : i32
        %get3A_1404 = arith.index_cast %add3A_1403 : i32 to index
        %get3A_1405 = arith.constant 0 : index
        %get3A_1406 = tpu.vector_load %arg24[%get3A_1404, %get3A_1405] {strides = array<i32>} : memref<80x128xf32, #tpu.memory_space<vmem>>, vector<16xf32>,
        %mul3A_1407 = arith.mulf %get3A_1189, %get3A_1406 : vector<16xf32>
        %get3A_1408 = arith.index_cast %add3A_1403 : i32 to index
        %get3A_1409 = arith.constant 16 : index
        %get3A_1410 = tpu.vector_load %arg24[%get3A_1408, %get3A_1409] {strides = array<i32>} : memref<80x128xf32, #tpu.memory_space<vmem>>, vector<16xf32>,
        %mul3A_1411 = arith.mulf %get3A_1192, %get3A_1410 : vector<16xf32>
        %add3A_1412 = arith.addf %mul3A_1407, %mul3A_1411 : vector<16xf32>
        %get3A_1413 = arith.index_cast %add3A_1403 : i32 to index
        %get3A_1414 = arith.constant 32 : index
        %get3A_1415 = tpu.vector_load %arg24[%get3A_1413, %get3A_1414] {strides = array<i32>} : memref<80x128xf32, #tpu.memory_space<vmem>>, vector<16xf32>,
        %mul3A_1416 = arith.mulf %get3A_1195, %get3A_1415 : vector<16xf32>
        %add3A_1417 = arith.addf %add3A_1412, %mul3A_1416 : vector<16xf32>
        %get3A_1418 = arith.index_cast %add3A_1403 : i32 to index
        %get3A_1419 = arith.constant 48 : index
        %get3A_1420 = tpu.vector_load %arg24[%get3A_1418, %get3A_1419] {strides = array<i32>} : memref<80x128xf32, #tpu.memory_space<vmem>>, vector<16xf32>,
        %mul3A_1421 = arith.mulf %get3A_1198, %get3A_1420 : vector<16xf32>
        %add3A_1422 = arith.addf %add3A_1417, %mul3A_1421 : vector<16xf32>
        %get3A_1423 = arith.index_cast %add3A_1403 : i32 to index
        %get3A_1424 = arith.constant 64 : index
        %get3A_1425 = tpu.vector_load %arg24[%get3A_1423, %get3A_1424] {strides = array<i32>} : memref<80x128xf32, #tpu.memory_space<vmem>>, vector<16xf32>,
        %mul3A_1426 = arith.mulf %get3A_1201, %get3A_1425 : vector<16xf32>
        %add3A_1427 = arith.addf %add3A_1422, %mul3A_1426 : vector<16xf32>
        %get3A_1428 = arith.index_cast %add3A_1403 : i32 to index
        %get3A_1429 = arith.constant 80 : index
        %get3A_1430 = tpu.vector_load %arg24[%get3A_1428, %get3A_1429] {strides = array<i32>} : memref<80x128xf32, #tpu.memory_space<vmem>>, vector<16xf32>,
        %mul3A_1431 = arith.mulf %get3A_1204, %get3A_1430 : vector<16xf32>
        %add3A_1432 = arith.addf %add3A_1427, %mul3A_1431 : vector<16xf32>
        %get3A_1433 = arith.index_cast %add3A_1403 : i32 to index
        %get3A_1434 = arith.constant 96 : index
        %get3A_1435 = tpu.vector_load %arg24[%get3A_1433, %get3A_1434] {strides = array<i32>} : memref<80x128xf32, #tpu.memory_space<vmem>>, vector<16xf32>,
        %mul3A_1436 = arith.mulf %get3A_1207, %get3A_1435 : vector<16xf32>
        %add3A_1437 = arith.addf %add3A_1432, %mul3A_1436 : vector<16xf32>
        %get3A_1438 = arith.index_cast %add3A_1403 : i32 to index
        %get3A_1439 = arith.constant 112 : index
        %get3A_1440 = tpu.vector_load %arg24[%get3A_1438, %get3A_1439] {strides = array<i32>} : memref<80x128xf32, #tpu.memory_space<vmem>>, vector<16xf32>,
        %mul3A_1441 = arith.mulf %get3A_1210, %get3A_1440 : vector<16xf32>
        %add3A_1442 = arith.addf %add3A_1437, %mul3A_1441 : vector<16xf32>
        %reduce_sum3A_1443 = arith.constant true
        %reduce_sum3A_1444 = vector.broadcast %reduce_sum3A_1443 : i1 to vector<16xi1>
        %reduce_sum3A_1445 = tpu.scan <sum>, %add3A_1442 masked %reduce_sum3A_1444 : vector<16xf32>, vector<16xi1> -> vector<16xf32>
        %reduce_sum3A_1446 = vector.extract %reduce_sum3A_1445[15] : f32 from vector<16xf32>
        %neg3A_1447 = arith.constant 0.000000e+00 : f32
        %neg3A_1448 = arith.subf %neg3A_1447, %reduce_sum3A_1446 : f32
        %broadcast_in_dim3A_1449 = vector.broadcast %neg3A_1448 : f32 to vector<16xf32>
        %select_n3A_1450 = arith.select %eq3A_1211, %broadcast_in_dim3A_1449, %scan3A_1185 : vector<16xi1>, vector<16xf32>
        %add3A_1451 = arith.constant 64 : i32
        %add3A_1452 = arith.addi %add3A_1451, %scan3A_1180 : i32
        %get3A_1453 = arith.index_cast %add3A_1452 : i32 to index
        %get3A_1454 = arith.constant 0 : index
        %get3A_1455 = tpu.vector_load %arg24[%get3A_1453, %get3A_1454] {strides = array<i32>} : memref<80x128xf32, #tpu.memory_space<vmem>>, vector<16xf32>,
        %mul3A_1456 = arith.mulf %get3A_1189, %get3A_1455 : vector<16xf32>
        %get3A_1457 = arith.index_cast %add3A_1452 : i32 to index
        %get3A_1458 = arith.constant 16 : index
        %get3A_1459 = tpu.vector_load %arg24[%get3A_1457, %get3A_1458] {strides = array<i32>} : memref<80x128xf32, #tpu.memory_space<vmem>>, vector<16xf32>,
        %mul3A_1460 = arith.mulf %get3A_1192, %get3A_1459 : vector<16xf32>
        %add3A_1461 = arith.addf %mul3A_1456, %mul3A_1460 : vector<16xf32>
        %get3A_1462 = arith.index_cast %add3A_1452 : i32 to index
        %get3A_1463 = arith.constant 32 : index
        %get3A_1464 = tpu.vector_load %arg24[%get3A_1462, %get3A_1463] {strides = array<i32>} : memref<80x128xf32, #tpu.memory_space<vmem>>, vector<16xf32>,
        %mul3A_1465 = arith.mulf %get3A_1195, %get3A_1464 : vector<16xf32>
        %add3A_1466 = arith.addf %add3A_1461, %mul3A_1465 : vector<16xf32>
        %get3A_1467 = arith.index_cast %add3A_1452 : i32 to index
        %get3A_1468 = arith.constant 48 : index
        %get3A_1469 = tpu.vector_load %arg24[%get3A_1467, %get3A_1468] {strides = array<i32>} : memref<80x128xf32, #tpu.memory_space<vmem>>, vector<16xf32>,
        %mul3A_1470 = arith.mulf %get3A_1198, %get3A_1469 : vector<16xf32>
        %add3A_1471 = arith.addf %add3A_1466, %mul3A_1470 : vector<16xf32>
        %get3A_1472 = arith.index_cast %add3A_1452 : i32 to index
        %get3A_1473 = arith.constant 64 : index
        %get3A_1474 = tpu.vector_load %arg24[%get3A_1472, %get3A_1473] {strides = array<i32>} : memref<80x128xf32, #tpu.memory_space<vmem>>, vector<16xf32>,
        %mul3A_1475 = arith.mulf %get3A_1201, %get3A_1474 : vector<16xf32>
        %add3A_1476 = arith.addf %add3A_1471, %mul3A_1475 : vector<16xf32>
        %get3A_1477 = arith.index_cast %add3A_1452 : i32 to index
        %get3A_1478 = arith.constant 80 : index
        %get3A_1479 = tpu.vector_load %arg24[%get3A_1477, %get3A_1478] {strides = array<i32>} : memref<80x128xf32, #tpu.memory_space<vmem>>, vector<16xf32>,
        %mul3A_1480 = arith.mulf %get3A_1204, %get3A_1479 : vector<16xf32>
        %add3A_1481 = arith.addf %add3A_1476, %mul3A_1480 : vector<16xf32>
        %get3A_1482 = arith.index_cast %add3A_1452 : i32 to index
        %get3A_1483 = arith.constant 96 : index
        %get3A_1484 = tpu.vector_load %arg24[%get3A_1482, %get3A_1483] {strides = array<i32>} : memref<80x128xf32, #tpu.memory_space<vmem>>, vector<16xf32>,
        %mul3A_1485 = arith.mulf %get3A_1207, %get3A_1484 : vector<16xf32>
        %add3A_1486 = arith.addf %add3A_1481, %mul3A_1485 : vector<16xf32>
        %get3A_1487 = arith.index_cast %add3A_1452 : i32 to index
        %get3A_1488 = arith.constant 112 : index
        %get3A_1489 = tpu.vector_load %arg24[%get3A_1487, %get3A_1488] {strides = array<i32>} : memref<80x128xf32, #tpu.memory_space<vmem>>, vector<16xf32>,
        %mul3A_1490 = arith.mulf %get3A_1210, %get3A_1489 : vector<16xf32>
        %add3A_1491 = arith.addf %add3A_1486, %mul3A_1490 : vector<16xf32>
        %reduce_sum3A_1492 = arith.constant true
        %reduce_sum3A_1493 = vector.broadcast %reduce_sum3A_1492 : i1 to vector<16xi1>
        %reduce_sum3A_1494 = tpu.scan <sum>, %add3A_1491 masked %reduce_sum3A_1493 : vector<16xf32>, vector<16xi1> -> vector<16xf32>
        %reduce_sum3A_1495 = vector.extract %reduce_sum3A_1494[15] : f32 from vector<16xf32>
        %neg3A_1496 = arith.constant 0.000000e+00 : f32
        %neg3A_1497 = arith.subf %neg3A_1496, %reduce_sum3A_1495 : f32
        %broadcast_in_dim3A_1498 = vector.broadcast %neg3A_1497 : f32 to vector<16xf32>
        %select_n3A_1499 = arith.select %eq3A_1211, %broadcast_in_dim3A_1498, %scan3A_1186 : vector<16xi1>, vector<16xf32>
        scf.yield %select_n3A, %select_n3A_1303, %select_n3A_1352, %select_n3A_1401, %select_n3A_1450, %select_n3A_1499 : vector<16xf32>, vector<16xf32>, vector<16xf32>, vector<16xf32>, vector<16xf32>, vector<16xf32>
      }
      %scan3A_448 = arith.constant 16 : i32
      %abs3A_449 = math.absf %scan3A_447#0 : vector<16xf32>
      %neg3A_450 = arith.constant 0.000000e+00 : f32
      %neg3A_451 = vector.broadcast %neg3A_450 : f32 to vector<16xf32>
      %neg3A_452 = arith.subf %neg3A_451, %abs3A_449 : vector<16xf32>
      %exp3A_453 = math.exp %neg3A_452 : vector<16xf32>
      %add3A_454 = arith.constant 2.000000e+00 : f32
      %add3A_455 = vector.broadcast %add3A_454 : f32 to vector<16xf32>
      %add3A_456 = arith.addf %add3A_455, %exp3A_453 : vector<16xf32>
      %div3A_457 = arith.divf %exp3A_453, %add3A_456 : vector<16xf32>
      %mul3A_458 = arith.mulf %div3A_457, %div3A_457 : vector<16xf32>
      %mul3A_459 = arith.constant 0.111111112 : f32
      %mul3A_460 = vector.broadcast %mul3A_459 : f32 to vector<16xf32>
      %mul3A_461 = arith.mulf %mul3A_458, %mul3A_460 : vector<16xf32>
      %add3A_462 = arith.constant 0.142857149 : f32
      %add3A_463 = vector.broadcast %add3A_462 : f32 to vector<16xf32>
      %add3A_464 = arith.addf %add3A_463, %mul3A_461 : vector<16xf32>
      %mul3A_465 = arith.mulf %mul3A_458, %add3A_464 : vector<16xf32>
      %add3A_466 = arith.constant 2.000000e-01 : f32
      %add3A_467 = vector.broadcast %add3A_466 : f32 to vector<16xf32>
      %add3A_468 = arith.addf %add3A_467, %mul3A_465 : vector<16xf32>
      %mul3A_469 = arith.mulf %mul3A_458, %add3A_468 : vector<16xf32>
      %add3A_470 = arith.constant 0.333333343 : f32
      %add3A_471 = vector.broadcast %add3A_470 : f32 to vector<16xf32>
      %add3A_472 = arith.addf %add3A_471, %mul3A_469 : vector<16xf32>
      %mul3A_473 = arith.constant 2.000000e+00 : f32
      %mul3A_474 = vector.broadcast %mul3A_473 : f32 to vector<16xf32>
      %mul3A_475 = arith.mulf %mul3A_474, %div3A_457 : vector<16xf32>
      %mul3A_476 = arith.mulf %mul3A_458, %add3A_472 : vector<16xf32>
      %add3A_477 = arith.constant 1.000000e+00 : f32
      %add3A_478 = vector.broadcast %add3A_477 : f32 to vector<16xf32>
      %add3A_479 = arith.addf %add3A_478, %mul3A_476 : vector<16xf32>
      %mul3A_480 = arith.mulf %mul3A_475, %add3A_479 : vector<16xf32>
      %min3A_481 = arith.constant 0.000000e+00 : f32
      %min3A_482 = vector.broadcast %min3A_481 : f32 to vector<16xf32>
      %min3A_483 = arith.minimumf %scan3A_447#0, %min3A_482 : vector<16xf32>
      %sub3A_484 = arith.subf %min3A_483, %mul3A_480 : vector<16xf32>
      %abs3A_485 = math.absf %scan3A_447#1 : vector<16xf32>
      %neg3A_486 = arith.constant 0.000000e+00 : f32
      %neg3A_487 = vector.broadcast %neg3A_486 : f32 to vector<16xf32>
      %neg3A_488 = arith.subf %neg3A_487, %abs3A_485 : vector<16xf32>
      %exp3A_489 = math.exp %neg3A_488 : vector<16xf32>
      %add3A_490 = arith.constant 2.000000e+00 : f32
      %add3A_491 = vector.broadcast %add3A_490 : f32 to vector<16xf32>
      %add3A_492 = arith.addf %add3A_491, %exp3A_489 : vector<16xf32>
      %div3A_493 = arith.divf %exp3A_489, %add3A_492 : vector<16xf32>
      %mul3A_494 = arith.mulf %div3A_493, %div3A_493 : vector<16xf32>
      %mul3A_495 = arith.constant 0.111111112 : f32
      %mul3A_496 = vector.broadcast %mul3A_495 : f32 to vector<16xf32>
      %mul3A_497 = arith.mulf %mul3A_494, %mul3A_496 : vector<16xf32>
      %add3A_498 = arith.constant 0.142857149 : f32
      %add3A_499 = vector.broadcast %add3A_498 : f32 to vector<16xf32>
      %add3A_500 = arith.addf %add3A_499, %mul3A_497 : vector<16xf32>
      %mul3A_501 = arith.mulf %mul3A_494, %add3A_500 : vector<16xf32>
      %add3A_502 = arith.constant 2.000000e-01 : f32
      %add3A_503 = vector.broadcast %add3A_502 : f32 to vector<16xf32>
      %add3A_504 = arith.addf %add3A_503, %mul3A_501 : vector<16xf32>
      %mul3A_505 = arith.mulf %mul3A_494, %add3A_504 : vector<16xf32>
      %add3A_506 = arith.constant 0.333333343 : f32
      %add3A_507 = vector.broadcast %add3A_506 : f32 to vector<16xf32>
      %add3A_508 = arith.addf %add3A_507, %mul3A_505 : vector<16xf32>
      %mul3A_509 = arith.constant 2.000000e+00 : f32
      %mul3A_510 = vector.broadcast %mul3A_509 : f32 to vector<16xf32>
      %mul3A_511 = arith.mulf %mul3A_510, %div3A_493 : vector<16xf32>
      %mul3A_512 = arith.mulf %mul3A_494, %add3A_508 : vector<16xf32>
      %add3A_513 = arith.constant 1.000000e+00 : f32
      %add3A_514 = vector.broadcast %add3A_513 : f32 to vector<16xf32>
      %add3A_515 = arith.addf %add3A_514, %mul3A_512 : vector<16xf32>
      %mul3A_516 = arith.mulf %mul3A_511, %add3A_515 : vector<16xf32>
      %min3A_517 = arith.constant 0.000000e+00 : f32
      %min3A_518 = vector.broadcast %min3A_517 : f32 to vector<16xf32>
      %min3A_519 = arith.minimumf %scan3A_447#1, %min3A_518 : vector<16xf32>
      %sub3A_520 = arith.subf %min3A_519, %mul3A_516 : vector<16xf32>
      %add3A_521 = arith.addf %sub3A_484, %sub3A_520 : vector<16xf32>
      %abs3A_522 = math.absf %scan3A_447#2 : vector<16xf32>
      %neg3A_523 = arith.constant 0.000000e+00 : f32
      %neg3A_524 = vector.broadcast %neg3A_523 : f32 to vector<16xf32>
      %neg3A_525 = arith.subf %neg3A_524, %abs3A_522 : vector<16xf32>
      %exp3A_526 = math.exp %neg3A_525 : vector<16xf32>
      %add3A_527 = arith.constant 2.000000e+00 : f32
      %add3A_528 = vector.broadcast %add3A_527 : f32 to vector<16xf32>
      %add3A_529 = arith.addf %add3A_528, %exp3A_526 : vector<16xf32>
      %div3A_530 = arith.divf %exp3A_526, %add3A_529 : vector<16xf32>
      %mul3A_531 = arith.mulf %div3A_530, %div3A_530 : vector<16xf32>
      %mul3A_532 = arith.constant 0.111111112 : f32
      %mul3A_533 = vector.broadcast %mul3A_532 : f32 to vector<16xf32>
      %mul3A_534 = arith.mulf %mul3A_531, %mul3A_533 : vector<16xf32>
      %add3A_535 = arith.constant 0.142857149 : f32
      %add3A_536 = vector.broadcast %add3A_535 : f32 to vector<16xf32>
      %add3A_537 = arith.addf %add3A_536, %mul3A_534 : vector<16xf32>
      %mul3A_538 = arith.mulf %mul3A_531, %add3A_537 : vector<16xf32>
      %add3A_539 = arith.constant 2.000000e-01 : f32
      %add3A_540 = vector.broadcast %add3A_539 : f32 to vector<16xf32>
      %add3A_541 = arith.addf %add3A_540, %mul3A_538 : vector<16xf32>
      %mul3A_542 = arith.mulf %mul3A_531, %add3A_541 : vector<16xf32>
      %add3A_543 = arith.constant 0.333333343 : f32
      %add3A_544 = vector.broadcast %add3A_543 : f32 to vector<16xf32>
      %add3A_545 = arith.addf %add3A_544, %mul3A_542 : vector<16xf32>
      %mul3A_546 = arith.constant 2.000000e+00 : f32
      %mul3A_547 = vector.broadcast %mul3A_546 : f32 to vector<16xf32>
      %mul3A_548 = arith.mulf %mul3A_547, %div3A_530 : vector<16xf32>
      %mul3A_549 = arith.mulf %mul3A_531, %add3A_545 : vector<16xf32>
      %add3A_550 = arith.constant 1.000000e+00 : f32
      %add3A_551 = vector.broadcast %add3A_550 : f32 to vector<16xf32>
      %add3A_552 = arith.addf %add3A_551, %mul3A_549 : vector<16xf32>
      %mul3A_553 = arith.mulf %mul3A_548, %add3A_552 : vector<16xf32>
      %min3A_554 = arith.constant 0.000000e+00 : f32
      %min3A_555 = vector.broadcast %min3A_554 : f32 to vector<16xf32>
      %min3A_556 = arith.minimumf %scan3A_447#2, %min3A_555 : vector<16xf32>
      %sub3A_557 = arith.subf %min3A_556, %mul3A_553 : vector<16xf32>
      %add3A_558 = arith.addf %add3A_521, %sub3A_557 : vector<16xf32>
      %abs3A_559 = math.absf %scan3A_447#3 : vector<16xf32>
      %neg3A_560 = arith.constant 0.000000e+00 : f32
      %neg3A_561 = vector.broadcast %neg3A_560 : f32 to vector<16xf32>
      %neg3A_562 = arith.subf %neg3A_561, %abs3A_559 : vector<16xf32>
      %exp3A_563 = math.exp %neg3A_562 : vector<16xf32>
      %add3A_564 = arith.constant 2.000000e+00 : f32
      %add3A_565 = vector.broadcast %add3A_564 : f32 to vector<16xf32>
      %add3A_566 = arith.addf %add3A_565, %exp3A_563 : vector<16xf32>
      %div3A_567 = arith.divf %exp3A_563, %add3A_566 : vector<16xf32>
      %mul3A_568 = arith.mulf %div3A_567, %div3A_567 : vector<16xf32>
      %mul3A_569 = arith.constant 0.111111112 : f32
      %mul3A_570 = vector.broadcast %mul3A_569 : f32 to vector<16xf32>
      %mul3A_571 = arith.mulf %mul3A_568, %mul3A_570 : vector<16xf32>
      %add3A_572 = arith.constant 0.142857149 : f32
      %add3A_573 = vector.broadcast %add3A_572 : f32 to vector<16xf32>
      %add3A_574 = arith.addf %add3A_573, %mul3A_571 : vector<16xf32>
      %mul3A_575 = arith.mulf %mul3A_568, %add3A_574 : vector<16xf32>
      %add3A_576 = arith.constant 2.000000e-01 : f32
      %add3A_577 = vector.broadcast %add3A_576 : f32 to vector<16xf32>
      %add3A_578 = arith.addf %add3A_577, %mul3A_575 : vector<16xf32>
      %mul3A_579 = arith.mulf %mul3A_568, %add3A_578 : vector<16xf32>
      %add3A_580 = arith.constant 0.333333343 : f32
      %add3A_581 = vector.broadcast %add3A_580 : f32 to vector<16xf32>
      %add3A_582 = arith.addf %add3A_581, %mul3A_579 : vector<16xf32>
      %mul3A_583 = arith.constant 2.000000e+00 : f32
      %mul3A_584 = vector.broadcast %mul3A_583 : f32 to vector<16xf32>
      %mul3A_585 = arith.mulf %mul3A_584, %div3A_567 : vector<16xf32>
      %mul3A_586 = arith.mulf %mul3A_568, %add3A_582 : vector<16xf32>
      %add3A_587 = arith.constant 1.000000e+00 : f32
      %add3A_588 = vector.broadcast %add3A_587 : f32 to vector<16xf32>
      %add3A_589 = arith.addf %add3A_588, %mul3A_586 : vector<16xf32>
      %mul3A_590 = arith.mulf %mul3A_585, %add3A_589 : vector<16xf32>
      %min3A_591 = arith.constant 0.000000e+00 : f32
      %min3A_592 = vector.broadcast %min3A_591 : f32 to vector<16xf32>
      %min3A_593 = arith.minimumf %scan3A_447#3, %min3A_592 : vector<16xf32>
      %sub3A_594 = arith.subf %min3A_593, %mul3A_590 : vector<16xf32>
      %add3A_595 = arith.addf %add3A_558, %sub3A_594 : vector<16xf32>
      %abs3A_596 = math.absf %scan3A_447#4 : vector<16xf32>
      %neg3A_597 = arith.constant 0.000000e+00 : f32
      %neg3A_598 = vector.broadcast %neg3A_597 : f32 to vector<16xf32>
      %neg3A_599 = arith.subf %neg3A_598, %abs3A_596 : vector<16xf32>
      %exp3A_600 = math.exp %neg3A_599 : vector<16xf32>
      %add3A_601 = arith.constant 2.000000e+00 : f32
      %add3A_602 = vector.broadcast %add3A_601 : f32 to vector<16xf32>
      %add3A_603 = arith.addf %add3A_602, %exp3A_600 : vector<16xf32>
      %div3A_604 = arith.divf %exp3A_600, %add3A_603 : vector<16xf32>
      %mul3A_605 = arith.mulf %div3A_604, %div3A_604 : vector<16xf32>
      %mul3A_606 = arith.constant 0.111111112 : f32
      %mul3A_607 = vector.broadcast %mul3A_606 : f32 to vector<16xf32>
      %mul3A_608 = arith.mulf %mul3A_605, %mul3A_607 : vector<16xf32>
      %add3A_609 = arith.constant 0.142857149 : f32
      %add3A_610 = vector.broadcast %add3A_609 : f32 to vector<16xf32>
      %add3A_611 = arith.addf %add3A_610, %mul3A_608 : vector<16xf32>
      %mul3A_612 = arith.mulf %mul3A_605, %add3A_611 : vector<16xf32>
      %add3A_613 = arith.constant 2.000000e-01 : f32
      %add3A_614 = vector.broadcast %add3A_613 : f32 to vector<16xf32>
      %add3A_615 = arith.addf %add3A_614, %mul3A_612 : vector<16xf32>
      %mul3A_616 = arith.mulf %mul3A_605, %add3A_615 : vector<16xf32>
      %add3A_617 = arith.constant 0.333333343 : f32
      %add3A_618 = vector.broadcast %add3A_617 : f32 to vector<16xf32>
      %add3A_619 = arith.addf %add3A_618, %mul3A_616 : vector<16xf32>
      %mul3A_620 = arith.constant 2.000000e+00 : f32
      %mul3A_621 = vector.broadcast %mul3A_620 : f32 to vector<16xf32>
      %mul3A_622 = arith.mulf %mul3A_621, %div3A_604 : vector<16xf32>
      %mul3A_623 = arith.mulf %mul3A_605, %add3A_619 : vector<16xf32>
      %add3A_624 = arith.constant 1.000000e+00 : f32
      %add3A_625 = vector.broadcast %add3A_624 : f32 to vector<16xf32>
      %add3A_626 = arith.addf %add3A_625, %mul3A_623 : vector<16xf32>
      %mul3A_627 = arith.mulf %mul3A_622, %add3A_626 : vector<16xf32>
      %min3A_628 = arith.constant 0.000000e+00 : f32
      %min3A_629 = vector.broadcast %min3A_628 : f32 to vector<16xf32>
      %min3A_630 = arith.minimumf %scan3A_447#4, %min3A_629 : vector<16xf32>
      %sub3A_631 = arith.subf %min3A_630, %mul3A_627 : vector<16xf32>
      %add3A_632 = arith.addf %add3A_595, %sub3A_631 : vector<16xf32>
      %abs3A_633 = math.absf %scan3A_447#5 : vector<16xf32>
      %neg3A_634 = arith.constant 0.000000e+00 : f32
      %neg3A_635 = vector.broadcast %neg3A_634 : f32 to vector<16xf32>
      %neg3A_636 = arith.subf %neg3A_635, %abs3A_633 : vector<16xf32>
      %exp3A_637 = math.exp %neg3A_636 : vector<16xf32>
      %add3A_638 = arith.constant 2.000000e+00 : f32
      %add3A_639 = vector.broadcast %add3A_638 : f32 to vector<16xf32>
      %add3A_640 = arith.addf %add3A_639, %exp3A_637 : vector<16xf32>
      %div3A_641 = arith.divf %exp3A_637, %add3A_640 : vector<16xf32>
      %mul3A_642 = arith.mulf %div3A_641, %div3A_641 : vector<16xf32>
      %mul3A_643 = arith.constant 0.111111112 : f32
      %mul3A_644 = vector.broadcast %mul3A_643 : f32 to vector<16xf32>
      %mul3A_645 = arith.mulf %mul3A_642, %mul3A_644 : vector<16xf32>
      %add3A_646 = arith.constant 0.142857149 : f32
      %add3A_647 = vector.broadcast %add3A_646 : f32 to vector<16xf32>
      %add3A_648 = arith.addf %add3A_647, %mul3A_645 : vector<16xf32>
      %mul3A_649 = arith.mulf %mul3A_642, %add3A_648 : vector<16xf32>
      %add3A_650 = arith.constant 2.000000e-01 : f32
      %add3A_651 = vector.broadcast %add3A_650 : f32 to vector<16xf32>
      %add3A_652 = arith.addf %add3A_651, %mul3A_649 : vector<16xf32>
      %mul3A_653 = arith.mulf %mul3A_642, %add3A_652 : vector<16xf32>
      %add3A_654 = arith.constant 0.333333343 : f32
      %add3A_655 = vector.broadcast %add3A_654 : f32 to vector<16xf32>
      %add3A_656 = arith.addf %add3A_655, %mul3A_653 : vector<16xf32>
      %mul3A_657 = arith.constant 2.000000e+00 : f32
      %mul3A_658 = vector.broadcast %mul3A_657 : f32 to vector<16xf32>
      %mul3A_659 = arith.mulf %mul3A_658, %div3A_641 : vector<16xf32>
      %mul3A_660 = arith.mulf %mul3A_642, %add3A_656 : vector<16xf32>
      %add3A_661 = arith.constant 1.000000e+00 : f32
      %add3A_662 = vector.broadcast %add3A_661 : f32 to vector<16xf32>
      %add3A_663 = arith.addf %add3A_662, %mul3A_660 : vector<16xf32>
      %mul3A_664 = arith.mulf %mul3A_659, %add3A_663 : vector<16xf32>
      %min3A_665 = arith.constant 0.000000e+00 : f32
      %min3A_666 = vector.broadcast %min3A_665 : f32 to vector<16xf32>
      %min3A_667 = arith.minimumf %scan3A_447#5, %min3A_666 : vector<16xf32>
      %sub3A_668 = arith.subf %min3A_667, %mul3A_664 : vector<16xf32>
      %add3A_669 = arith.addf %add3A_632, %sub3A_668 : vector<16xf32>
      %add3A_670 = arith.addf %add3A_421, %add3A_669 : vector<16xf32>
      %lt3A_671 = arith.constant 7 : i32
      %lt3A_672 = arith.cmpi slt, %scan3A_180, %lt3A_671 : i32
      %convert_element_type3A_673 = arith.extui %lt3A_672 : i1 to i32
      %cond3A_674 = arith.constant 0 : i32
      %cond3A_675 = arith.cmpi ne, %convert_element_type3A_673, %cond3A_674 : i32
      scf.if %cond3A_675 {
        %add3A_1180 = arith.constant 4 : i32
        %add3A_1181 = arith.addi %add3A_427, %add3A_1180 : i32
        %mul3A_1182 = arith.constant 16 : i32
        %mul3A_1183 = arith.muli %add3A_1181, %mul3A_1182 : i32
        %get3A_1184 = arith.constant 0 : i32
        %get3A_1185 = arith.index_cast %get3A_1184 : i32 to index
        %get3A_1186 = arith.index_cast %mul3A_1183 : i32 to index
        %get3A_1187 = tpu.vector_load %arg10[%get3A_1185, %get3A_1186] {strides = array<i32>} : memref<5x512xi32, #tpu.memory_space<vmem>>, vector<16xi32>,
        %swap3A_1188 = arith.constant 0 : index
        %swap3A_1189 = tpu.vector_load %arg12[%swap3A_1188] {strides = array<i32>} : memref<80xi32, #tpu.memory_space<vmem>>, vector<16xi32>,
        tpu.vector_store %arg12[%swap3A_1188], %get3A_1187 {strides = array<i32>} : memref<80xi32, #tpu.memory_space<vmem>>, vector<16xi32>,
        %get3A_1190 = arith.constant 1 : i32
        %get3A_1191 = arith.index_cast %get3A_1190 : i32 to index
        %get3A_1192 = arith.index_cast %mul3A_1183 : i32 to index
        %get3A_1193 = tpu.vector_load %arg10[%get3A_1191, %get3A_1192] {strides = array<i32>} : memref<5x512xi32, #tpu.memory_space<vmem>>, vector<16xi32>,
        %swap3A_1194 = arith.constant 16 : index
        %swap3A_1195 = tpu.vector_load %arg12[%swap3A_1194] {strides = array<i32>} : memref<80xi32, #tpu.memory_space<vmem>>, vector<16xi32>,
        tpu.vector_store %arg12[%swap3A_1194], %get3A_1193 {strides = array<i32>} : memref<80xi32, #tpu.memory_space<vmem>>, vector<16xi32>,
        %get3A_1196 = arith.constant 2 : i32
        %get3A_1197 = arith.index_cast %get3A_1196 : i32 to index
        %get3A_1198 = arith.index_cast %mul3A_1183 : i32 to index
        %get3A_1199 = tpu.vector_load %arg10[%get3A_1197, %get3A_1198] {strides = array<i32>} : memref<5x512xi32, #tpu.memory_space<vmem>>, vector<16xi32>,
        %swap3A_1200 = arith.constant 32 : index
        %swap3A_1201 = tpu.vector_load %arg12[%swap3A_1200] {strides = array<i32>} : memref<80xi32, #tpu.memory_space<vmem>>, vector<16xi32>,
        tpu.vector_store %arg12[%swap3A_1200], %get3A_1199 {strides = array<i32>} : memref<80xi32, #tpu.memory_space<vmem>>, vector<16xi32>,
        %get3A_1202 = arith.constant 3 : i32
        %get3A_1203 = arith.index_cast %get3A_1202 : i32 to index
        %get3A_1204 = arith.index_cast %mul3A_1183 : i32 to index
        %get3A_1205 = tpu.vector_load %arg10[%get3A_1203, %get3A_1204] {strides = array<i32>} : memref<5x512xi32, #tpu.memory_space<vmem>>, vector<16xi32>,
        %swap3A_1206 = arith.constant 48 : index
        %swap3A_1207 = tpu.vector_load %arg12[%swap3A_1206] {strides = array<i32>} : memref<80xi32, #tpu.memory_space<vmem>>, vector<16xi32>,
        tpu.vector_store %arg12[%swap3A_1206], %get3A_1205 {strides = array<i32>} : memref<80xi32, #tpu.memory_space<vmem>>, vector<16xi32>,
        %get3A_1208 = arith.constant 4 : i32
        %get3A_1209 = arith.index_cast %get3A_1208 : i32 to index
        %get3A_1210 = arith.index_cast %mul3A_1183 : i32 to index
        %get3A_1211 = tpu.vector_load %arg10[%get3A_1209, %get3A_1210] {strides = array<i32>} : memref<5x512xi32, #tpu.memory_space<vmem>>, vector<16xi32>,
        %swap3A_1212 = arith.constant 64 : index
        %swap3A_1213 = tpu.vector_load %arg12[%swap3A_1212] {strides = array<i32>} : memref<80xi32, #tpu.memory_space<vmem>>, vector<16xi32>,
        tpu.vector_store %arg12[%swap3A_1212], %get3A_1211 {strides = array<i32>} : memref<80xi32, #tpu.memory_space<vmem>>, vector<16xi32>,
        %mul3A_1214 = arith.constant 16 : i32
        %mul3A_1215 = arith.muli %add3A_1181, %mul3A_1214 : i32
        %dma_start3A_1216 = tpu.memref_slice %arg8[%mul3A_1215] : memref<512xi32, #tpu.memory_space<vmem>> -> memref<16xi32, #tpu.memory_space<vmem>>
        %dma_start3A_1217 = arith.constant 0 : i32
        %dma_start3A_1218 = arith.constant 0 : i32
        %dma_start3A_1219 = tpu.memref_slice %arg5[%dma_start3A_1217, %dma_start3A_1218] : memref<1000000x128xf32, #tpu.memory_space<hbm>> -> memref<1000000x128xf32, #tpu.memory_space<hbm>>
        tpu.enqueue_indirect_dma source(%dma_start3A_1219 : memref<1000000x128xf32, #tpu.memory_space<hbm>>) target(%arg16 : memref<16x128xf32, #tpu.memory_space<vmem>>) offsets(%dma_start3A_1216 : memref<16xi32, #tpu.memory_space<vmem>>) semaphore(%arg29 : memref<!tpu.dma_semaphore, #tpu.memory_space<semaphore_mem>>)
        %dma_start3A_1220 = tpu.memref_slice %arg9[%mul3A_1215] : memref<512xi32, #tpu.memory_space<vmem>> -> memref<16xi32, #tpu.memory_space<vmem>>
        %dma_start3A_1221 = arith.constant 0 : i32
        %dma_start3A_1222 = arith.constant 0 : i32
        %dma_start3A_1223 = tpu.memref_slice %arg6[%dma_start3A_1221, %dma_start3A_1222] : memref<1000000x128xf32, #tpu.memory_space<hbm>> -> memref<1000000x128xf32, #tpu.memory_space<hbm>>
        tpu.enqueue_indirect_dma source(%dma_start3A_1223 : memref<1000000x128xf32, #tpu.memory_space<hbm>>) target(%arg20 : memref<16x128xf32, #tpu.memory_space<vmem>>) offsets(%dma_start3A_1220 : memref<16xi32, #tpu.memory_space<vmem>>) semaphore(%arg29 : memref<!tpu.dma_semaphore, #tpu.memory_space<semaphore_mem>>)
        %dma_start3A_1224 = arith.constant 0 : i32
        %dma_start3A_1225 = arith.constant 0 : i32
        %dma_start3A_1226 = tpu.memref_slice %arg6[%dma_start3A_1224, %dma_start3A_1225] : memref<1000000x128xf32, #tpu.memory_space<hbm>> -> memref<1000000x128xf32, #tpu.memory_space<hbm>>
        tpu.enqueue_indirect_dma source(%dma_start3A_1226 : memref<1000000x128xf32, #tpu.memory_space<hbm>>) target(%arg24 : memref<80x128xf32, #tpu.memory_space<vmem>>) offsets(%arg12 : memref<80xi32, #tpu.memory_space<vmem>>) semaphore(%arg29 : memref<!tpu.dma_semaphore, #tpu.memory_space<semaphore_mem>>)
      } else {
      }
      %mul3A_676 = arith.constant 4 : i32
      %mul3A_677 = arith.muli %mul3A_676, %scan3A_180 : i32
      %add3A_678 = arith.constant 2 : i32
      %add3A_679 = arith.addi %mul3A_677, %add3A_678 : i32
      %mul3A_680 = arith.constant 16 : i32
      %mul3A_681 = arith.muli %add3A_679, %mul3A_680 : i32
      %dma_wait3A_682 = tpu.memref_slice %arg8[%mul3A_681] : memref<512xi32, #tpu.memory_space<vmem>> -> memref<16xi32, #tpu.memory_space<vmem>>
      %dma_wait3A_683 = arith.constant 0 : i32
      %dma_wait3A_684 = arith.constant 0 : i32
      %dma_wait3A_685 = tpu.memref_slice %arg5[%dma_wait3A_683, %dma_wait3A_684] : memref<1000000x128xf32, #tpu.memory_space<hbm>> -> memref<1000000x128xf32, #tpu.memory_space<hbm>>
      tpu.wait_indirect_dma semaphore(%arg30 : memref<!tpu.dma_semaphore, #tpu.memory_space<semaphore_mem>>) src(%dma_wait3A_685 : memref<1000000x128xf32, #tpu.memory_space<hbm>>) dst(%arg17 : memref<16x128xf32, #tpu.memory_space<vmem>>)
      %dma_wait3A_686 = tpu.memref_slice %arg9[%mul3A_681] : memref<512xi32, #tpu.memory_space<vmem>> -> memref<16xi32, #tpu.memory_space<vmem>>
      %dma_wait3A_687 = arith.constant 0 : i32
      %dma_wait3A_688 = arith.constant 0 : i32
      %dma_wait3A_689 = tpu.memref_slice %arg6[%dma_wait3A_687, %dma_wait3A_688] : memref<1000000x128xf32, #tpu.memory_space<hbm>> -> memref<1000000x128xf32, #tpu.memory_space<hbm>>
      tpu.wait_indirect_dma semaphore(%arg30 : memref<!tpu.dma_semaphore, #tpu.memory_space<semaphore_mem>>) src(%dma_wait3A_689 : memref<1000000x128xf32, #tpu.memory_space<hbm>>) dst(%arg21 : memref<16x128xf32, #tpu.memory_space<vmem>>)
      %dma_wait3A_690 = arith.constant 0 : i32
      %dma_wait3A_691 = arith.constant 0 : i32
      %dma_wait3A_692 = tpu.memref_slice %arg6[%dma_wait3A_690, %dma_wait3A_691] : memref<1000000x128xf32, #tpu.memory_space<hbm>> -> memref<1000000x128xf32, #tpu.memory_space<hbm>>
      tpu.wait_indirect_dma semaphore(%arg30 : memref<!tpu.dma_semaphore, #tpu.memory_space<semaphore_mem>>) src(%dma_wait3A_692 : memref<1000000x128xf32, #tpu.memory_space<hbm>>) dst(%arg25 : memref<80x128xf32, #tpu.memory_space<vmem>>)
      %broadcast_in_dim3A_693 = arith.constant 0.000000e+00 : f32
      %broadcast_in_dim3A_694 = vector.broadcast %broadcast_in_dim3A_693 : f32 to vector<16xf32>
      %scan3A_695 = arith.constant 0 : i32
      %scan3A_696 = arith.constant 16 : i32
      %scan3A_697 = arith.addi %scan3A_695, %scan3A_696 : i32
      %scan3A_698 = arith.constant 1 : i32
      %scan3A_699:6 = scf.for %scan3A_1180 = %scan3A_695 to %scan3A_697 step %scan3A_698 iter_args(%scan3A_1181 = %broadcast_in_dim3A_694, %scan3A_1182 = %broadcast_in_dim3A_694, %scan3A_1183 = %broadcast_in_dim3A_694, %scan3A_1184 = %broadcast_in_dim3A_694, %scan3A_1185 = %broadcast_in_dim3A_694, %scan3A_1186 = %broadcast_in_dim3A_694) -> (vector<16xf32>, vector<16xf32>, vector<16xf32>, vector<16xf32>, vector<16xf32>, vector<16xf32>)  : i32 {
        %get3A_1187 = arith.index_cast %scan3A_1180 : i32 to index
        %get3A_1188 = arith.constant 0 : index
        %get3A_1189 = tpu.vector_load %arg17[%get3A_1187, %get3A_1188] {strides = array<i32>} : memref<16x128xf32, #tpu.memory_space<vmem>>, vector<16xf32>,
        %get3A_1190 = arith.index_cast %scan3A_1180 : i32 to index
        %get3A_1191 = arith.constant 16 : index
        %get3A_1192 = tpu.vector_load %arg17[%get3A_1190, %get3A_1191] {strides = array<i32>} : memref<16x128xf32, #tpu.memory_space<vmem>>, vector<16xf32>,
        %get3A_1193 = arith.index_cast %scan3A_1180 : i32 to index
        %get3A_1194 = arith.constant 32 : index
        %get3A_1195 = tpu.vector_load %arg17[%get3A_1193, %get3A_1194] {strides = array<i32>} : memref<16x128xf32, #tpu.memory_space<vmem>>, vector<16xf32>,
        %get3A_1196 = arith.index_cast %scan3A_1180 : i32 to index
        %get3A_1197 = arith.constant 48 : index
        %get3A_1198 = tpu.vector_load %arg17[%get3A_1196, %get3A_1197] {strides = array<i32>} : memref<16x128xf32, #tpu.memory_space<vmem>>, vector<16xf32>,
        %get3A_1199 = arith.index_cast %scan3A_1180 : i32 to index
        %get3A_1200 = arith.constant 64 : index
        %get3A_1201 = tpu.vector_load %arg17[%get3A_1199, %get3A_1200] {strides = array<i32>} : memref<16x128xf32, #tpu.memory_space<vmem>>, vector<16xf32>,
        %get3A_1202 = arith.index_cast %scan3A_1180 : i32 to index
        %get3A_1203 = arith.constant 80 : index
        %get3A_1204 = tpu.vector_load %arg17[%get3A_1202, %get3A_1203] {strides = array<i32>} : memref<16x128xf32, #tpu.memory_space<vmem>>, vector<16xf32>,
        %get3A_1205 = arith.index_cast %scan3A_1180 : i32 to index
        %get3A_1206 = arith.constant 96 : index
        %get3A_1207 = tpu.vector_load %arg17[%get3A_1205, %get3A_1206] {strides = array<i32>} : memref<16x128xf32, #tpu.memory_space<vmem>>, vector<16xf32>,
        %get3A_1208 = arith.index_cast %scan3A_1180 : i32 to index
        %get3A_1209 = arith.constant 112 : index
        %get3A_1210 = tpu.vector_load %arg17[%get3A_1208, %get3A_1209] {strides = array<i32>} : memref<16x128xf32, #tpu.memory_space<vmem>>, vector<16xf32>,
        %eq3A = vector.broadcast %scan3A_1180 : i32 to vector<16xi32>
        %eq3A_1211 = arith.cmpi eq, %iota3A, %eq3A : vector<16xi32>
        %get3A_1212 = arith.index_cast %scan3A_1180 : i32 to index
        %get3A_1213 = arith.constant 0 : index
        %get3A_1214 = tpu.vector_load %arg21[%get3A_1212, %get3A_1213] {strides = array<i32>} : memref<16x128xf32, #tpu.memory_space<vmem>>, vector<16xf32>,
        %mul3A_1215 = arith.mulf %get3A_1189, %get3A_1214 : vector<16xf32>
        %get3A_1216 = arith.index_cast %scan3A_1180 : i32 to index
        %get3A_1217 = arith.constant 16 : index
        %get3A_1218 = tpu.vector_load %arg21[%get3A_1216, %get3A_1217] {strides = array<i32>} : memref<16x128xf32, #tpu.memory_space<vmem>>, vector<16xf32>,
        %mul3A_1219 = arith.mulf %get3A_1192, %get3A_1218 : vector<16xf32>
        %add3A_1220 = arith.addf %mul3A_1215, %mul3A_1219 : vector<16xf32>
        %get3A_1221 = arith.index_cast %scan3A_1180 : i32 to index
        %get3A_1222 = arith.constant 32 : index
        %get3A_1223 = tpu.vector_load %arg21[%get3A_1221, %get3A_1222] {strides = array<i32>} : memref<16x128xf32, #tpu.memory_space<vmem>>, vector<16xf32>,
        %mul3A_1224 = arith.mulf %get3A_1195, %get3A_1223 : vector<16xf32>
        %add3A_1225 = arith.addf %add3A_1220, %mul3A_1224 : vector<16xf32>
        %get3A_1226 = arith.index_cast %scan3A_1180 : i32 to index
        %get3A_1227 = arith.constant 48 : index
        %get3A_1228 = tpu.vector_load %arg21[%get3A_1226, %get3A_1227] {strides = array<i32>} : memref<16x128xf32, #tpu.memory_space<vmem>>, vector<16xf32>,
        %mul3A_1229 = arith.mulf %get3A_1198, %get3A_1228 : vector<16xf32>
        %add3A_1230 = arith.addf %add3A_1225, %mul3A_1229 : vector<16xf32>
        %get3A_1231 = arith.index_cast %scan3A_1180 : i32 to index
        %get3A_1232 = arith.constant 64 : index
        %get3A_1233 = tpu.vector_load %arg21[%get3A_1231, %get3A_1232] {strides = array<i32>} : memref<16x128xf32, #tpu.memory_space<vmem>>, vector<16xf32>,
        %mul3A_1234 = arith.mulf %get3A_1201, %get3A_1233 : vector<16xf32>
        %add3A_1235 = arith.addf %add3A_1230, %mul3A_1234 : vector<16xf32>
        %get3A_1236 = arith.index_cast %scan3A_1180 : i32 to index
        %get3A_1237 = arith.constant 80 : index
        %get3A_1238 = tpu.vector_load %arg21[%get3A_1236, %get3A_1237] {strides = array<i32>} : memref<16x128xf32, #tpu.memory_space<vmem>>, vector<16xf32>,
        %mul3A_1239 = arith.mulf %get3A_1204, %get3A_1238 : vector<16xf32>
        %add3A_1240 = arith.addf %add3A_1235, %mul3A_1239 : vector<16xf32>
        %get3A_1241 = arith.index_cast %scan3A_1180 : i32 to index
        %get3A_1242 = arith.constant 96 : index
        %get3A_1243 = tpu.vector_load %arg21[%get3A_1241, %get3A_1242] {strides = array<i32>} : memref<16x128xf32, #tpu.memory_space<vmem>>, vector<16xf32>,
        %mul3A_1244 = arith.mulf %get3A_1207, %get3A_1243 : vector<16xf32>
        %add3A_1245 = arith.addf %add3A_1240, %mul3A_1244 : vector<16xf32>
        %get3A_1246 = arith.index_cast %scan3A_1180 : i32 to index
        %get3A_1247 = arith.constant 112 : index
        %get3A_1248 = tpu.vector_load %arg21[%get3A_1246, %get3A_1247] {strides = array<i32>} : memref<16x128xf32, #tpu.memory_space<vmem>>, vector<16xf32>,
        %mul3A_1249 = arith.mulf %get3A_1210, %get3A_1248 : vector<16xf32>
        %add3A_1250 = arith.addf %add3A_1245, %mul3A_1249 : vector<16xf32>
        %reduce_sum3A = arith.constant true
        %reduce_sum3A_1251 = vector.broadcast %reduce_sum3A : i1 to vector<16xi1>
        %reduce_sum3A_1252 = tpu.scan <sum>, %add3A_1250 masked %reduce_sum3A_1251 : vector<16xf32>, vector<16xi1> -> vector<16xf32>
        %reduce_sum3A_1253 = vector.extract %reduce_sum3A_1252[15] : f32 from vector<16xf32>
        %broadcast_in_dim3A_1254 = vector.broadcast %reduce_sum3A_1253 : f32 to vector<16xf32>
        %select_n3A = arith.select %eq3A_1211, %broadcast_in_dim3A_1254, %scan3A_1181 : vector<16xi1>, vector<16xf32>
        %add3A_1255 = arith.constant 0 : i32
        %add3A_1256 = arith.addi %add3A_1255, %scan3A_1180 : i32
        %get3A_1257 = arith.index_cast %add3A_1256 : i32 to index
        %get3A_1258 = arith.constant 0 : index
        %get3A_1259 = tpu.vector_load %arg25[%get3A_1257, %get3A_1258] {strides = array<i32>} : memref<80x128xf32, #tpu.memory_space<vmem>>, vector<16xf32>,
        %mul3A_1260 = arith.mulf %get3A_1189, %get3A_1259 : vector<16xf32>
        %get3A_1261 = arith.index_cast %add3A_1256 : i32 to index
        %get3A_1262 = arith.constant 16 : index
        %get3A_1263 = tpu.vector_load %arg25[%get3A_1261, %get3A_1262] {strides = array<i32>} : memref<80x128xf32, #tpu.memory_space<vmem>>, vector<16xf32>,
        %mul3A_1264 = arith.mulf %get3A_1192, %get3A_1263 : vector<16xf32>
        %add3A_1265 = arith.addf %mul3A_1260, %mul3A_1264 : vector<16xf32>
        %get3A_1266 = arith.index_cast %add3A_1256 : i32 to index
        %get3A_1267 = arith.constant 32 : index
        %get3A_1268 = tpu.vector_load %arg25[%get3A_1266, %get3A_1267] {strides = array<i32>} : memref<80x128xf32, #tpu.memory_space<vmem>>, vector<16xf32>,
        %mul3A_1269 = arith.mulf %get3A_1195, %get3A_1268 : vector<16xf32>
        %add3A_1270 = arith.addf %add3A_1265, %mul3A_1269 : vector<16xf32>
        %get3A_1271 = arith.index_cast %add3A_1256 : i32 to index
        %get3A_1272 = arith.constant 48 : index
        %get3A_1273 = tpu.vector_load %arg25[%get3A_1271, %get3A_1272] {strides = array<i32>} : memref<80x128xf32, #tpu.memory_space<vmem>>, vector<16xf32>,
        %mul3A_1274 = arith.mulf %get3A_1198, %get3A_1273 : vector<16xf32>
        %add3A_1275 = arith.addf %add3A_1270, %mul3A_1274 : vector<16xf32>
        %get3A_1276 = arith.index_cast %add3A_1256 : i32 to index
        %get3A_1277 = arith.constant 64 : index
        %get3A_1278 = tpu.vector_load %arg25[%get3A_1276, %get3A_1277] {strides = array<i32>} : memref<80x128xf32, #tpu.memory_space<vmem>>, vector<16xf32>,
        %mul3A_1279 = arith.mulf %get3A_1201, %get3A_1278 : vector<16xf32>
        %add3A_1280 = arith.addf %add3A_1275, %mul3A_1279 : vector<16xf32>
        %get3A_1281 = arith.index_cast %add3A_1256 : i32 to index
        %get3A_1282 = arith.constant 80 : index
        %get3A_1283 = tpu.vector_load %arg25[%get3A_1281, %get3A_1282] {strides = array<i32>} : memref<80x128xf32, #tpu.memory_space<vmem>>, vector<16xf32>,
        %mul3A_1284 = arith.mulf %get3A_1204, %get3A_1283 : vector<16xf32>
        %add3A_1285 = arith.addf %add3A_1280, %mul3A_1284 : vector<16xf32>
        %get3A_1286 = arith.index_cast %add3A_1256 : i32 to index
        %get3A_1287 = arith.constant 96 : index
        %get3A_1288 = tpu.vector_load %arg25[%get3A_1286, %get3A_1287] {strides = array<i32>} : memref<80x128xf32, #tpu.memory_space<vmem>>, vector<16xf32>,
        %mul3A_1289 = arith.mulf %get3A_1207, %get3A_1288 : vector<16xf32>
        %add3A_1290 = arith.addf %add3A_1285, %mul3A_1289 : vector<16xf32>
        %get3A_1291 = arith.index_cast %add3A_1256 : i32 to index
        %get3A_1292 = arith.constant 112 : index
        %get3A_1293 = tpu.vector_load %arg25[%get3A_1291, %get3A_1292] {strides = array<i32>} : memref<80x128xf32, #tpu.memory_space<vmem>>, vector<16xf32>,
        %mul3A_1294 = arith.mulf %get3A_1210, %get3A_1293 : vector<16xf32>
        %add3A_1295 = arith.addf %add3A_1290, %mul3A_1294 : vector<16xf32>
        %reduce_sum3A_1296 = arith.constant true
        %reduce_sum3A_1297 = vector.broadcast %reduce_sum3A_1296 : i1 to vector<16xi1>
        %reduce_sum3A_1298 = tpu.scan <sum>, %add3A_1295 masked %reduce_sum3A_1297 : vector<16xf32>, vector<16xi1> -> vector<16xf32>
        %reduce_sum3A_1299 = vector.extract %reduce_sum3A_1298[15] : f32 from vector<16xf32>
        %neg3A_1300 = arith.constant 0.000000e+00 : f32
        %neg3A_1301 = arith.subf %neg3A_1300, %reduce_sum3A_1299 : f32
        %broadcast_in_dim3A_1302 = vector.broadcast %neg3A_1301 : f32 to vector<16xf32>
        %select_n3A_1303 = arith.select %eq3A_1211, %broadcast_in_dim3A_1302, %scan3A_1182 : vector<16xi1>, vector<16xf32>
        %add3A_1304 = arith.constant 16 : i32
        %add3A_1305 = arith.addi %add3A_1304, %scan3A_1180 : i32
        %get3A_1306 = arith.index_cast %add3A_1305 : i32 to index
        %get3A_1307 = arith.constant 0 : index
        %get3A_1308 = tpu.vector_load %arg25[%get3A_1306, %get3A_1307] {strides = array<i32>} : memref<80x128xf32, #tpu.memory_space<vmem>>, vector<16xf32>,
        %mul3A_1309 = arith.mulf %get3A_1189, %get3A_1308 : vector<16xf32>
        %get3A_1310 = arith.index_cast %add3A_1305 : i32 to index
        %get3A_1311 = arith.constant 16 : index
        %get3A_1312 = tpu.vector_load %arg25[%get3A_1310, %get3A_1311] {strides = array<i32>} : memref<80x128xf32, #tpu.memory_space<vmem>>, vector<16xf32>,
        %mul3A_1313 = arith.mulf %get3A_1192, %get3A_1312 : vector<16xf32>
        %add3A_1314 = arith.addf %mul3A_1309, %mul3A_1313 : vector<16xf32>
        %get3A_1315 = arith.index_cast %add3A_1305 : i32 to index
        %get3A_1316 = arith.constant 32 : index
        %get3A_1317 = tpu.vector_load %arg25[%get3A_1315, %get3A_1316] {strides = array<i32>} : memref<80x128xf32, #tpu.memory_space<vmem>>, vector<16xf32>,
        %mul3A_1318 = arith.mulf %get3A_1195, %get3A_1317 : vector<16xf32>
        %add3A_1319 = arith.addf %add3A_1314, %mul3A_1318 : vector<16xf32>
        %get3A_1320 = arith.index_cast %add3A_1305 : i32 to index
        %get3A_1321 = arith.constant 48 : index
        %get3A_1322 = tpu.vector_load %arg25[%get3A_1320, %get3A_1321] {strides = array<i32>} : memref<80x128xf32, #tpu.memory_space<vmem>>, vector<16xf32>,
        %mul3A_1323 = arith.mulf %get3A_1198, %get3A_1322 : vector<16xf32>
        %add3A_1324 = arith.addf %add3A_1319, %mul3A_1323 : vector<16xf32>
        %get3A_1325 = arith.index_cast %add3A_1305 : i32 to index
        %get3A_1326 = arith.constant 64 : index
        %get3A_1327 = tpu.vector_load %arg25[%get3A_1325, %get3A_1326] {strides = array<i32>} : memref<80x128xf32, #tpu.memory_space<vmem>>, vector<16xf32>,
        %mul3A_1328 = arith.mulf %get3A_1201, %get3A_1327 : vector<16xf32>
        %add3A_1329 = arith.addf %add3A_1324, %mul3A_1328 : vector<16xf32>
        %get3A_1330 = arith.index_cast %add3A_1305 : i32 to index
        %get3A_1331 = arith.constant 80 : index
        %get3A_1332 = tpu.vector_load %arg25[%get3A_1330, %get3A_1331] {strides = array<i32>} : memref<80x128xf32, #tpu.memory_space<vmem>>, vector<16xf32>,
        %mul3A_1333 = arith.mulf %get3A_1204, %get3A_1332 : vector<16xf32>
        %add3A_1334 = arith.addf %add3A_1329, %mul3A_1333 : vector<16xf32>
        %get3A_1335 = arith.index_cast %add3A_1305 : i32 to index
        %get3A_1336 = arith.constant 96 : index
        %get3A_1337 = tpu.vector_load %arg25[%get3A_1335, %get3A_1336] {strides = array<i32>} : memref<80x128xf32, #tpu.memory_space<vmem>>, vector<16xf32>,
        %mul3A_1338 = arith.mulf %get3A_1207, %get3A_1337 : vector<16xf32>
        %add3A_1339 = arith.addf %add3A_1334, %mul3A_1338 : vector<16xf32>
        %get3A_1340 = arith.index_cast %add3A_1305 : i32 to index
        %get3A_1341 = arith.constant 112 : index
        %get3A_1342 = tpu.vector_load %arg25[%get3A_1340, %get3A_1341] {strides = array<i32>} : memref<80x128xf32, #tpu.memory_space<vmem>>, vector<16xf32>,
        %mul3A_1343 = arith.mulf %get3A_1210, %get3A_1342 : vector<16xf32>
        %add3A_1344 = arith.addf %add3A_1339, %mul3A_1343 : vector<16xf32>
        %reduce_sum3A_1345 = arith.constant true
        %reduce_sum3A_1346 = vector.broadcast %reduce_sum3A_1345 : i1 to vector<16xi1>
        %reduce_sum3A_1347 = tpu.scan <sum>, %add3A_1344 masked %reduce_sum3A_1346 : vector<16xf32>, vector<16xi1> -> vector<16xf32>
        %reduce_sum3A_1348 = vector.extract %reduce_sum3A_1347[15] : f32 from vector<16xf32>
        %neg3A_1349 = arith.constant 0.000000e+00 : f32
        %neg3A_1350 = arith.subf %neg3A_1349, %reduce_sum3A_1348 : f32
        %broadcast_in_dim3A_1351 = vector.broadcast %neg3A_1350 : f32 to vector<16xf32>
        %select_n3A_1352 = arith.select %eq3A_1211, %broadcast_in_dim3A_1351, %scan3A_1183 : vector<16xi1>, vector<16xf32>
        %add3A_1353 = arith.constant 32 : i32
        %add3A_1354 = arith.addi %add3A_1353, %scan3A_1180 : i32
        %get3A_1355 = arith.index_cast %add3A_1354 : i32 to index
        %get3A_1356 = arith.constant 0 : index
        %get3A_1357 = tpu.vector_load %arg25[%get3A_1355, %get3A_1356] {strides = array<i32>} : memref<80x128xf32, #tpu.memory_space<vmem>>, vector<16xf32>,
        %mul3A_1358 = arith.mulf %get3A_1189, %get3A_1357 : vector<16xf32>
        %get3A_1359 = arith.index_cast %add3A_1354 : i32 to index
        %get3A_1360 = arith.constant 16 : index
        %get3A_1361 = tpu.vector_load %arg25[%get3A_1359, %get3A_1360] {strides = array<i32>} : memref<80x128xf32, #tpu.memory_space<vmem>>, vector<16xf32>,
        %mul3A_1362 = arith.mulf %get3A_1192, %get3A_1361 : vector<16xf32>
        %add3A_1363 = arith.addf %mul3A_1358, %mul3A_1362 : vector<16xf32>
        %get3A_1364 = arith.index_cast %add3A_1354 : i32 to index
        %get3A_1365 = arith.constant 32 : index
        %get3A_1366 = tpu.vector_load %arg25[%get3A_1364, %get3A_1365] {strides = array<i32>} : memref<80x128xf32, #tpu.memory_space<vmem>>, vector<16xf32>,
        %mul3A_1367 = arith.mulf %get3A_1195, %get3A_1366 : vector<16xf32>
        %add3A_1368 = arith.addf %add3A_1363, %mul3A_1367 : vector<16xf32>
        %get3A_1369 = arith.index_cast %add3A_1354 : i32 to index
        %get3A_1370 = arith.constant 48 : index
        %get3A_1371 = tpu.vector_load %arg25[%get3A_1369, %get3A_1370] {strides = array<i32>} : memref<80x128xf32, #tpu.memory_space<vmem>>, vector<16xf32>,
        %mul3A_1372 = arith.mulf %get3A_1198, %get3A_1371 : vector<16xf32>
        %add3A_1373 = arith.addf %add3A_1368, %mul3A_1372 : vector<16xf32>
        %get3A_1374 = arith.index_cast %add3A_1354 : i32 to index
        %get3A_1375 = arith.constant 64 : index
        %get3A_1376 = tpu.vector_load %arg25[%get3A_1374, %get3A_1375] {strides = array<i32>} : memref<80x128xf32, #tpu.memory_space<vmem>>, vector<16xf32>,
        %mul3A_1377 = arith.mulf %get3A_1201, %get3A_1376 : vector<16xf32>
        %add3A_1378 = arith.addf %add3A_1373, %mul3A_1377 : vector<16xf32>
        %get3A_1379 = arith.index_cast %add3A_1354 : i32 to index
        %get3A_1380 = arith.constant 80 : index
        %get3A_1381 = tpu.vector_load %arg25[%get3A_1379, %get3A_1380] {strides = array<i32>} : memref<80x128xf32, #tpu.memory_space<vmem>>, vector<16xf32>,
        %mul3A_1382 = arith.mulf %get3A_1204, %get3A_1381 : vector<16xf32>
        %add3A_1383 = arith.addf %add3A_1378, %mul3A_1382 : vector<16xf32>
        %get3A_1384 = arith.index_cast %add3A_1354 : i32 to index
        %get3A_1385 = arith.constant 96 : index
        %get3A_1386 = tpu.vector_load %arg25[%get3A_1384, %get3A_1385] {strides = array<i32>} : memref<80x128xf32, #tpu.memory_space<vmem>>, vector<16xf32>,
        %mul3A_1387 = arith.mulf %get3A_1207, %get3A_1386 : vector<16xf32>
        %add3A_1388 = arith.addf %add3A_1383, %mul3A_1387 : vector<16xf32>
        %get3A_1389 = arith.index_cast %add3A_1354 : i32 to index
        %get3A_1390 = arith.constant 112 : index
        %get3A_1391 = tpu.vector_load %arg25[%get3A_1389, %get3A_1390] {strides = array<i32>} : memref<80x128xf32, #tpu.memory_space<vmem>>, vector<16xf32>,
        %mul3A_1392 = arith.mulf %get3A_1210, %get3A_1391 : vector<16xf32>
        %add3A_1393 = arith.addf %add3A_1388, %mul3A_1392 : vector<16xf32>
        %reduce_sum3A_1394 = arith.constant true
        %reduce_sum3A_1395 = vector.broadcast %reduce_sum3A_1394 : i1 to vector<16xi1>
        %reduce_sum3A_1396 = tpu.scan <sum>, %add3A_1393 masked %reduce_sum3A_1395 : vector<16xf32>, vector<16xi1> -> vector<16xf32>
        %reduce_sum3A_1397 = vector.extract %reduce_sum3A_1396[15] : f32 from vector<16xf32>
        %neg3A_1398 = arith.constant 0.000000e+00 : f32
        %neg3A_1399 = arith.subf %neg3A_1398, %reduce_sum3A_1397 : f32
        %broadcast_in_dim3A_1400 = vector.broadcast %neg3A_1399 : f32 to vector<16xf32>
        %select_n3A_1401 = arith.select %eq3A_1211, %broadcast_in_dim3A_1400, %scan3A_1184 : vector<16xi1>, vector<16xf32>
        %add3A_1402 = arith.constant 48 : i32
        %add3A_1403 = arith.addi %add3A_1402, %scan3A_1180 : i32
        %get3A_1404 = arith.index_cast %add3A_1403 : i32 to index
        %get3A_1405 = arith.constant 0 : index
        %get3A_1406 = tpu.vector_load %arg25[%get3A_1404, %get3A_1405] {strides = array<i32>} : memref<80x128xf32, #tpu.memory_space<vmem>>, vector<16xf32>,
        %mul3A_1407 = arith.mulf %get3A_1189, %get3A_1406 : vector<16xf32>
        %get3A_1408 = arith.index_cast %add3A_1403 : i32 to index
        %get3A_1409 = arith.constant 16 : index
        %get3A_1410 = tpu.vector_load %arg25[%get3A_1408, %get3A_1409] {strides = array<i32>} : memref<80x128xf32, #tpu.memory_space<vmem>>, vector<16xf32>,
        %mul3A_1411 = arith.mulf %get3A_1192, %get3A_1410 : vector<16xf32>
        %add3A_1412 = arith.addf %mul3A_1407, %mul3A_1411 : vector<16xf32>
        %get3A_1413 = arith.index_cast %add3A_1403 : i32 to index
        %get3A_1414 = arith.constant 32 : index
        %get3A_1415 = tpu.vector_load %arg25[%get3A_1413, %get3A_1414] {strides = array<i32>} : memref<80x128xf32, #tpu.memory_space<vmem>>, vector<16xf32>,
        %mul3A_1416 = arith.mulf %get3A_1195, %get3A_1415 : vector<16xf32>
        %add3A_1417 = arith.addf %add3A_1412, %mul3A_1416 : vector<16xf32>
        %get3A_1418 = arith.index_cast %add3A_1403 : i32 to index
        %get3A_1419 = arith.constant 48 : index
        %get3A_1420 = tpu.vector_load %arg25[%get3A_1418, %get3A_1419] {strides = array<i32>} : memref<80x128xf32, #tpu.memory_space<vmem>>, vector<16xf32>,
        %mul3A_1421 = arith.mulf %get3A_1198, %get3A_1420 : vector<16xf32>
        %add3A_1422 = arith.addf %add3A_1417, %mul3A_1421 : vector<16xf32>
        %get3A_1423 = arith.index_cast %add3A_1403 : i32 to index
        %get3A_1424 = arith.constant 64 : index
        %get3A_1425 = tpu.vector_load %arg25[%get3A_1423, %get3A_1424] {strides = array<i32>} : memref<80x128xf32, #tpu.memory_space<vmem>>, vector<16xf32>,
        %mul3A_1426 = arith.mulf %get3A_1201, %get3A_1425 : vector<16xf32>
        %add3A_1427 = arith.addf %add3A_1422, %mul3A_1426 : vector<16xf32>
        %get3A_1428 = arith.index_cast %add3A_1403 : i32 to index
        %get3A_1429 = arith.constant 80 : index
        %get3A_1430 = tpu.vector_load %arg25[%get3A_1428, %get3A_1429] {strides = array<i32>} : memref<80x128xf32, #tpu.memory_space<vmem>>, vector<16xf32>,
        %mul3A_1431 = arith.mulf %get3A_1204, %get3A_1430 : vector<16xf32>
        %add3A_1432 = arith.addf %add3A_1427, %mul3A_1431 : vector<16xf32>
        %get3A_1433 = arith.index_cast %add3A_1403 : i32 to index
        %get3A_1434 = arith.constant 96 : index
        %get3A_1435 = tpu.vector_load %arg25[%get3A_1433, %get3A_1434] {strides = array<i32>} : memref<80x128xf32, #tpu.memory_space<vmem>>, vector<16xf32>,
        %mul3A_1436 = arith.mulf %get3A_1207, %get3A_1435 : vector<16xf32>
        %add3A_1437 = arith.addf %add3A_1432, %mul3A_1436 : vector<16xf32>
        %get3A_1438 = arith.index_cast %add3A_1403 : i32 to index
        %get3A_1439 = arith.constant 112 : index
        %get3A_1440 = tpu.vector_load %arg25[%get3A_1438, %get3A_1439] {strides = array<i32>} : memref<80x128xf32, #tpu.memory_space<vmem>>, vector<16xf32>,
        %mul3A_1441 = arith.mulf %get3A_1210, %get3A_1440 : vector<16xf32>
        %add3A_1442 = arith.addf %add3A_1437, %mul3A_1441 : vector<16xf32>
        %reduce_sum3A_1443 = arith.constant true
        %reduce_sum3A_1444 = vector.broadcast %reduce_sum3A_1443 : i1 to vector<16xi1>
        %reduce_sum3A_1445 = tpu.scan <sum>, %add3A_1442 masked %reduce_sum3A_1444 : vector<16xf32>, vector<16xi1> -> vector<16xf32>
        %reduce_sum3A_1446 = vector.extract %reduce_sum3A_1445[15] : f32 from vector<16xf32>
        %neg3A_1447 = arith.constant 0.000000e+00 : f32
        %neg3A_1448 = arith.subf %neg3A_1447, %reduce_sum3A_1446 : f32
        %broadcast_in_dim3A_1449 = vector.broadcast %neg3A_1448 : f32 to vector<16xf32>
        %select_n3A_1450 = arith.select %eq3A_1211, %broadcast_in_dim3A_1449, %scan3A_1185 : vector<16xi1>, vector<16xf32>
        %add3A_1451 = arith.constant 64 : i32
        %add3A_1452 = arith.addi %add3A_1451, %scan3A_1180 : i32
        %get3A_1453 = arith.index_cast %add3A_1452 : i32 to index
        %get3A_1454 = arith.constant 0 : index
        %get3A_1455 = tpu.vector_load %arg25[%get3A_1453, %get3A_1454] {strides = array<i32>} : memref<80x128xf32, #tpu.memory_space<vmem>>, vector<16xf32>,
        %mul3A_1456 = arith.mulf %get3A_1189, %get3A_1455 : vector<16xf32>
        %get3A_1457 = arith.index_cast %add3A_1452 : i32 to index
        %get3A_1458 = arith.constant 16 : index
        %get3A_1459 = tpu.vector_load %arg25[%get3A_1457, %get3A_1458] {strides = array<i32>} : memref<80x128xf32, #tpu.memory_space<vmem>>, vector<16xf32>,
        %mul3A_1460 = arith.mulf %get3A_1192, %get3A_1459 : vector<16xf32>
        %add3A_1461 = arith.addf %mul3A_1456, %mul3A_1460 : vector<16xf32>
        %get3A_1462 = arith.index_cast %add3A_1452 : i32 to index
        %get3A_1463 = arith.constant 32 : index
        %get3A_1464 = tpu.vector_load %arg25[%get3A_1462, %get3A_1463] {strides = array<i32>} : memref<80x128xf32, #tpu.memory_space<vmem>>, vector<16xf32>,
        %mul3A_1465 = arith.mulf %get3A_1195, %get3A_1464 : vector<16xf32>
        %add3A_1466 = arith.addf %add3A_1461, %mul3A_1465 : vector<16xf32>
        %get3A_1467 = arith.index_cast %add3A_1452 : i32 to index
        %get3A_1468 = arith.constant 48 : index
        %get3A_1469 = tpu.vector_load %arg25[%get3A_1467, %get3A_1468] {strides = array<i32>} : memref<80x128xf32, #tpu.memory_space<vmem>>, vector<16xf32>,
        %mul3A_1470 = arith.mulf %get3A_1198, %get3A_1469 : vector<16xf32>
        %add3A_1471 = arith.addf %add3A_1466, %mul3A_1470 : vector<16xf32>
        %get3A_1472 = arith.index_cast %add3A_1452 : i32 to index
        %get3A_1473 = arith.constant 64 : index
        %get3A_1474 = tpu.vector_load %arg25[%get3A_1472, %get3A_1473] {strides = array<i32>} : memref<80x128xf32, #tpu.memory_space<vmem>>, vector<16xf32>,
        %mul3A_1475 = arith.mulf %get3A_1201, %get3A_1474 : vector<16xf32>
        %add3A_1476 = arith.addf %add3A_1471, %mul3A_1475 : vector<16xf32>
        %get3A_1477 = arith.index_cast %add3A_1452 : i32 to index
        %get3A_1478 = arith.constant 80 : index
        %get3A_1479 = tpu.vector_load %arg25[%get3A_1477, %get3A_1478] {strides = array<i32>} : memref<80x128xf32, #tpu.memory_space<vmem>>, vector<16xf32>,
        %mul3A_1480 = arith.mulf %get3A_1204, %get3A_1479 : vector<16xf32>
        %add3A_1481 = arith.addf %add3A_1476, %mul3A_1480 : vector<16xf32>
        %get3A_1482 = arith.index_cast %add3A_1452 : i32 to index
        %get3A_1483 = arith.constant 96 : index
        %get3A_1484 = tpu.vector_load %arg25[%get3A_1482, %get3A_1483] {strides = array<i32>} : memref<80x128xf32, #tpu.memory_space<vmem>>, vector<16xf32>,
        %mul3A_1485 = arith.mulf %get3A_1207, %get3A_1484 : vector<16xf32>
        %add3A_1486 = arith.addf %add3A_1481, %mul3A_1485 : vector<16xf32>
        %get3A_1487 = arith.index_cast %add3A_1452 : i32 to index
        %get3A_1488 = arith.constant 112 : index
        %get3A_1489 = tpu.vector_load %arg25[%get3A_1487, %get3A_1488] {strides = array<i32>} : memref<80x128xf32, #tpu.memory_space<vmem>>, vector<16xf32>,
        %mul3A_1490 = arith.mulf %get3A_1210, %get3A_1489 : vector<16xf32>
        %add3A_1491 = arith.addf %add3A_1486, %mul3A_1490 : vector<16xf32>
        %reduce_sum3A_1492 = arith.constant true
        %reduce_sum3A_1493 = vector.broadcast %reduce_sum3A_1492 : i1 to vector<16xi1>
        %reduce_sum3A_1494 = tpu.scan <sum>, %add3A_1491 masked %reduce_sum3A_1493 : vector<16xf32>, vector<16xi1> -> vector<16xf32>
        %reduce_sum3A_1495 = vector.extract %reduce_sum3A_1494[15] : f32 from vector<16xf32>
        %neg3A_1496 = arith.constant 0.000000e+00 : f32
        %neg3A_1497 = arith.subf %neg3A_1496, %reduce_sum3A_1495 : f32
        %broadcast_in_dim3A_1498 = vector.broadcast %neg3A_1497 : f32 to vector<16xf32>
        %select_n3A_1499 = arith.select %eq3A_1211, %broadcast_in_dim3A_1498, %scan3A_1186 : vector<16xi1>, vector<16xf32>
        scf.yield %select_n3A, %select_n3A_1303, %select_n3A_1352, %select_n3A_1401, %select_n3A_1450, %select_n3A_1499 : vector<16xf32>, vector<16xf32>, vector<16xf32>, vector<16xf32>, vector<16xf32>, vector<16xf32>
      }
      %scan3A_700 = arith.constant 16 : i32
      %abs3A_701 = math.absf %scan3A_699#0 : vector<16xf32>
      %neg3A_702 = arith.constant 0.000000e+00 : f32
      %neg3A_703 = vector.broadcast %neg3A_702 : f32 to vector<16xf32>
      %neg3A_704 = arith.subf %neg3A_703, %abs3A_701 : vector<16xf32>
      %exp3A_705 = math.exp %neg3A_704 : vector<16xf32>
      %add3A_706 = arith.constant 2.000000e+00 : f32
      %add3A_707 = vector.broadcast %add3A_706 : f32 to vector<16xf32>
      %add3A_708 = arith.addf %add3A_707, %exp3A_705 : vector<16xf32>
      %div3A_709 = arith.divf %exp3A_705, %add3A_708 : vector<16xf32>
      %mul3A_710 = arith.mulf %div3A_709, %div3A_709 : vector<16xf32>
      %mul3A_711 = arith.constant 0.111111112 : f32
      %mul3A_712 = vector.broadcast %mul3A_711 : f32 to vector<16xf32>
      %mul3A_713 = arith.mulf %mul3A_710, %mul3A_712 : vector<16xf32>
      %add3A_714 = arith.constant 0.142857149 : f32
      %add3A_715 = vector.broadcast %add3A_714 : f32 to vector<16xf32>
      %add3A_716 = arith.addf %add3A_715, %mul3A_713 : vector<16xf32>
      %mul3A_717 = arith.mulf %mul3A_710, %add3A_716 : vector<16xf32>
      %add3A_718 = arith.constant 2.000000e-01 : f32
      %add3A_719 = vector.broadcast %add3A_718 : f32 to vector<16xf32>
      %add3A_720 = arith.addf %add3A_719, %mul3A_717 : vector<16xf32>
      %mul3A_721 = arith.mulf %mul3A_710, %add3A_720 : vector<16xf32>
      %add3A_722 = arith.constant 0.333333343 : f32
      %add3A_723 = vector.broadcast %add3A_722 : f32 to vector<16xf32>
      %add3A_724 = arith.addf %add3A_723, %mul3A_721 : vector<16xf32>
      %mul3A_725 = arith.constant 2.000000e+00 : f32
      %mul3A_726 = vector.broadcast %mul3A_725 : f32 to vector<16xf32>
      %mul3A_727 = arith.mulf %mul3A_726, %div3A_709 : vector<16xf32>
      %mul3A_728 = arith.mulf %mul3A_710, %add3A_724 : vector<16xf32>
      %add3A_729 = arith.constant 1.000000e+00 : f32
      %add3A_730 = vector.broadcast %add3A_729 : f32 to vector<16xf32>
      %add3A_731 = arith.addf %add3A_730, %mul3A_728 : vector<16xf32>
      %mul3A_732 = arith.mulf %mul3A_727, %add3A_731 : vector<16xf32>
      %min3A_733 = arith.constant 0.000000e+00 : f32
      %min3A_734 = vector.broadcast %min3A_733 : f32 to vector<16xf32>
      %min3A_735 = arith.minimumf %scan3A_699#0, %min3A_734 : vector<16xf32>
      %sub3A_736 = arith.subf %min3A_735, %mul3A_732 : vector<16xf32>
      %abs3A_737 = math.absf %scan3A_699#1 : vector<16xf32>
      %neg3A_738 = arith.constant 0.000000e+00 : f32
      %neg3A_739 = vector.broadcast %neg3A_738 : f32 to vector<16xf32>
      %neg3A_740 = arith.subf %neg3A_739, %abs3A_737 : vector<16xf32>
      %exp3A_741 = math.exp %neg3A_740 : vector<16xf32>
      %add3A_742 = arith.constant 2.000000e+00 : f32
      %add3A_743 = vector.broadcast %add3A_742 : f32 to vector<16xf32>
      %add3A_744 = arith.addf %add3A_743, %exp3A_741 : vector<16xf32>
      %div3A_745 = arith.divf %exp3A_741, %add3A_744 : vector<16xf32>
      %mul3A_746 = arith.mulf %div3A_745, %div3A_745 : vector<16xf32>
      %mul3A_747 = arith.constant 0.111111112 : f32
      %mul3A_748 = vector.broadcast %mul3A_747 : f32 to vector<16xf32>
      %mul3A_749 = arith.mulf %mul3A_746, %mul3A_748 : vector<16xf32>
      %add3A_750 = arith.constant 0.142857149 : f32
      %add3A_751 = vector.broadcast %add3A_750 : f32 to vector<16xf32>
      %add3A_752 = arith.addf %add3A_751, %mul3A_749 : vector<16xf32>
      %mul3A_753 = arith.mulf %mul3A_746, %add3A_752 : vector<16xf32>
      %add3A_754 = arith.constant 2.000000e-01 : f32
      %add3A_755 = vector.broadcast %add3A_754 : f32 to vector<16xf32>
      %add3A_756 = arith.addf %add3A_755, %mul3A_753 : vector<16xf32>
      %mul3A_757 = arith.mulf %mul3A_746, %add3A_756 : vector<16xf32>
      %add3A_758 = arith.constant 0.333333343 : f32
      %add3A_759 = vector.broadcast %add3A_758 : f32 to vector<16xf32>
      %add3A_760 = arith.addf %add3A_759, %mul3A_757 : vector<16xf32>
      %mul3A_761 = arith.constant 2.000000e+00 : f32
      %mul3A_762 = vector.broadcast %mul3A_761 : f32 to vector<16xf32>
      %mul3A_763 = arith.mulf %mul3A_762, %div3A_745 : vector<16xf32>
      %mul3A_764 = arith.mulf %mul3A_746, %add3A_760 : vector<16xf32>
      %add3A_765 = arith.constant 1.000000e+00 : f32
      %add3A_766 = vector.broadcast %add3A_765 : f32 to vector<16xf32>
      %add3A_767 = arith.addf %add3A_766, %mul3A_764 : vector<16xf32>
      %mul3A_768 = arith.mulf %mul3A_763, %add3A_767 : vector<16xf32>
      %min3A_769 = arith.constant 0.000000e+00 : f32
      %min3A_770 = vector.broadcast %min3A_769 : f32 to vector<16xf32>
      %min3A_771 = arith.minimumf %scan3A_699#1, %min3A_770 : vector<16xf32>
      %sub3A_772 = arith.subf %min3A_771, %mul3A_768 : vector<16xf32>
      %add3A_773 = arith.addf %sub3A_736, %sub3A_772 : vector<16xf32>
      %abs3A_774 = math.absf %scan3A_699#2 : vector<16xf32>
      %neg3A_775 = arith.constant 0.000000e+00 : f32
      %neg3A_776 = vector.broadcast %neg3A_775 : f32 to vector<16xf32>
      %neg3A_777 = arith.subf %neg3A_776, %abs3A_774 : vector<16xf32>
      %exp3A_778 = math.exp %neg3A_777 : vector<16xf32>
      %add3A_779 = arith.constant 2.000000e+00 : f32
      %add3A_780 = vector.broadcast %add3A_779 : f32 to vector<16xf32>
      %add3A_781 = arith.addf %add3A_780, %exp3A_778 : vector<16xf32>
      %div3A_782 = arith.divf %exp3A_778, %add3A_781 : vector<16xf32>
      %mul3A_783 = arith.mulf %div3A_782, %div3A_782 : vector<16xf32>
      %mul3A_784 = arith.constant 0.111111112 : f32
      %mul3A_785 = vector.broadcast %mul3A_784 : f32 to vector<16xf32>
      %mul3A_786 = arith.mulf %mul3A_783, %mul3A_785 : vector<16xf32>
      %add3A_787 = arith.constant 0.142857149 : f32
      %add3A_788 = vector.broadcast %add3A_787 : f32 to vector<16xf32>
      %add3A_789 = arith.addf %add3A_788, %mul3A_786 : vector<16xf32>
      %mul3A_790 = arith.mulf %mul3A_783, %add3A_789 : vector<16xf32>
      %add3A_791 = arith.constant 2.000000e-01 : f32
      %add3A_792 = vector.broadcast %add3A_791 : f32 to vector<16xf32>
      %add3A_793 = arith.addf %add3A_792, %mul3A_790 : vector<16xf32>
      %mul3A_794 = arith.mulf %mul3A_783, %add3A_793 : vector<16xf32>
      %add3A_795 = arith.constant 0.333333343 : f32
      %add3A_796 = vector.broadcast %add3A_795 : f32 to vector<16xf32>
      %add3A_797 = arith.addf %add3A_796, %mul3A_794 : vector<16xf32>
      %mul3A_798 = arith.constant 2.000000e+00 : f32
      %mul3A_799 = vector.broadcast %mul3A_798 : f32 to vector<16xf32>
      %mul3A_800 = arith.mulf %mul3A_799, %div3A_782 : vector<16xf32>
      %mul3A_801 = arith.mulf %mul3A_783, %add3A_797 : vector<16xf32>
      %add3A_802 = arith.constant 1.000000e+00 : f32
      %add3A_803 = vector.broadcast %add3A_802 : f32 to vector<16xf32>
      %add3A_804 = arith.addf %add3A_803, %mul3A_801 : vector<16xf32>
      %mul3A_805 = arith.mulf %mul3A_800, %add3A_804 : vector<16xf32>
      %min3A_806 = arith.constant 0.000000e+00 : f32
      %min3A_807 = vector.broadcast %min3A_806 : f32 to vector<16xf32>
      %min3A_808 = arith.minimumf %scan3A_699#2, %min3A_807 : vector<16xf32>
      %sub3A_809 = arith.subf %min3A_808, %mul3A_805 : vector<16xf32>
      %add3A_810 = arith.addf %add3A_773, %sub3A_809 : vector<16xf32>
      %abs3A_811 = math.absf %scan3A_699#3 : vector<16xf32>
      %neg3A_812 = arith.constant 0.000000e+00 : f32
      %neg3A_813 = vector.broadcast %neg3A_812 : f32 to vector<16xf32>
      %neg3A_814 = arith.subf %neg3A_813, %abs3A_811 : vector<16xf32>
      %exp3A_815 = math.exp %neg3A_814 : vector<16xf32>
      %add3A_816 = arith.constant 2.000000e+00 : f32
      %add3A_817 = vector.broadcast %add3A_816 : f32 to vector<16xf32>
      %add3A_818 = arith.addf %add3A_817, %exp3A_815 : vector<16xf32>
      %div3A_819 = arith.divf %exp3A_815, %add3A_818 : vector<16xf32>
      %mul3A_820 = arith.mulf %div3A_819, %div3A_819 : vector<16xf32>
      %mul3A_821 = arith.constant 0.111111112 : f32
      %mul3A_822 = vector.broadcast %mul3A_821 : f32 to vector<16xf32>
      %mul3A_823 = arith.mulf %mul3A_820, %mul3A_822 : vector<16xf32>
      %add3A_824 = arith.constant 0.142857149 : f32
      %add3A_825 = vector.broadcast %add3A_824 : f32 to vector<16xf32>
      %add3A_826 = arith.addf %add3A_825, %mul3A_823 : vector<16xf32>
      %mul3A_827 = arith.mulf %mul3A_820, %add3A_826 : vector<16xf32>
      %add3A_828 = arith.constant 2.000000e-01 : f32
      %add3A_829 = vector.broadcast %add3A_828 : f32 to vector<16xf32>
      %add3A_830 = arith.addf %add3A_829, %mul3A_827 : vector<16xf32>
      %mul3A_831 = arith.mulf %mul3A_820, %add3A_830 : vector<16xf32>
      %add3A_832 = arith.constant 0.333333343 : f32
      %add3A_833 = vector.broadcast %add3A_832 : f32 to vector<16xf32>
      %add3A_834 = arith.addf %add3A_833, %mul3A_831 : vector<16xf32>
      %mul3A_835 = arith.constant 2.000000e+00 : f32
      %mul3A_836 = vector.broadcast %mul3A_835 : f32 to vector<16xf32>
      %mul3A_837 = arith.mulf %mul3A_836, %div3A_819 : vector<16xf32>
      %mul3A_838 = arith.mulf %mul3A_820, %add3A_834 : vector<16xf32>
      %add3A_839 = arith.constant 1.000000e+00 : f32
      %add3A_840 = vector.broadcast %add3A_839 : f32 to vector<16xf32>
      %add3A_841 = arith.addf %add3A_840, %mul3A_838 : vector<16xf32>
      %mul3A_842 = arith.mulf %mul3A_837, %add3A_841 : vector<16xf32>
      %min3A_843 = arith.constant 0.000000e+00 : f32
      %min3A_844 = vector.broadcast %min3A_843 : f32 to vector<16xf32>
      %min3A_845 = arith.minimumf %scan3A_699#3, %min3A_844 : vector<16xf32>
      %sub3A_846 = arith.subf %min3A_845, %mul3A_842 : vector<16xf32>
      %add3A_847 = arith.addf %add3A_810, %sub3A_846 : vector<16xf32>
      %abs3A_848 = math.absf %scan3A_699#4 : vector<16xf32>
      %neg3A_849 = arith.constant 0.000000e+00 : f32
      %neg3A_850 = vector.broadcast %neg3A_849 : f32 to vector<16xf32>
      %neg3A_851 = arith.subf %neg3A_850, %abs3A_848 : vector<16xf32>
      %exp3A_852 = math.exp %neg3A_851 : vector<16xf32>
      %add3A_853 = arith.constant 2.000000e+00 : f32
      %add3A_854 = vector.broadcast %add3A_853 : f32 to vector<16xf32>
      %add3A_855 = arith.addf %add3A_854, %exp3A_852 : vector<16xf32>
      %div3A_856 = arith.divf %exp3A_852, %add3A_855 : vector<16xf32>
      %mul3A_857 = arith.mulf %div3A_856, %div3A_856 : vector<16xf32>
      %mul3A_858 = arith.constant 0.111111112 : f32
      %mul3A_859 = vector.broadcast %mul3A_858 : f32 to vector<16xf32>
      %mul3A_860 = arith.mulf %mul3A_857, %mul3A_859 : vector<16xf32>
      %add3A_861 = arith.constant 0.142857149 : f32
      %add3A_862 = vector.broadcast %add3A_861 : f32 to vector<16xf32>
      %add3A_863 = arith.addf %add3A_862, %mul3A_860 : vector<16xf32>
      %mul3A_864 = arith.mulf %mul3A_857, %add3A_863 : vector<16xf32>
      %add3A_865 = arith.constant 2.000000e-01 : f32
      %add3A_866 = vector.broadcast %add3A_865 : f32 to vector<16xf32>
      %add3A_867 = arith.addf %add3A_866, %mul3A_864 : vector<16xf32>
      %mul3A_868 = arith.mulf %mul3A_857, %add3A_867 : vector<16xf32>
      %add3A_869 = arith.constant 0.333333343 : f32
      %add3A_870 = vector.broadcast %add3A_869 : f32 to vector<16xf32>
      %add3A_871 = arith.addf %add3A_870, %mul3A_868 : vector<16xf32>
      %mul3A_872 = arith.constant 2.000000e+00 : f32
      %mul3A_873 = vector.broadcast %mul3A_872 : f32 to vector<16xf32>
      %mul3A_874 = arith.mulf %mul3A_873, %div3A_856 : vector<16xf32>
      %mul3A_875 = arith.mulf %mul3A_857, %add3A_871 : vector<16xf32>
      %add3A_876 = arith.constant 1.000000e+00 : f32
      %add3A_877 = vector.broadcast %add3A_876 : f32 to vector<16xf32>
      %add3A_878 = arith.addf %add3A_877, %mul3A_875 : vector<16xf32>
      %mul3A_879 = arith.mulf %mul3A_874, %add3A_878 : vector<16xf32>
      %min3A_880 = arith.constant 0.000000e+00 : f32
      %min3A_881 = vector.broadcast %min3A_880 : f32 to vector<16xf32>
      %min3A_882 = arith.minimumf %scan3A_699#4, %min3A_881 : vector<16xf32>
      %sub3A_883 = arith.subf %min3A_882, %mul3A_879 : vector<16xf32>
      %add3A_884 = arith.addf %add3A_847, %sub3A_883 : vector<16xf32>
      %abs3A_885 = math.absf %scan3A_699#5 : vector<16xf32>
      %neg3A_886 = arith.constant 0.000000e+00 : f32
      %neg3A_887 = vector.broadcast %neg3A_886 : f32 to vector<16xf32>
      %neg3A_888 = arith.subf %neg3A_887, %abs3A_885 : vector<16xf32>
      %exp3A_889 = math.exp %neg3A_888 : vector<16xf32>
      %add3A_890 = arith.constant 2.000000e+00 : f32
      %add3A_891 = vector.broadcast %add3A_890 : f32 to vector<16xf32>
      %add3A_892 = arith.addf %add3A_891, %exp3A_889 : vector<16xf32>
      %div3A_893 = arith.divf %exp3A_889, %add3A_892 : vector<16xf32>
      %mul3A_894 = arith.mulf %div3A_893, %div3A_893 : vector<16xf32>
      %mul3A_895 = arith.constant 0.111111112 : f32
      %mul3A_896 = vector.broadcast %mul3A_895 : f32 to vector<16xf32>
      %mul3A_897 = arith.mulf %mul3A_894, %mul3A_896 : vector<16xf32>
      %add3A_898 = arith.constant 0.142857149 : f32
      %add3A_899 = vector.broadcast %add3A_898 : f32 to vector<16xf32>
      %add3A_900 = arith.addf %add3A_899, %mul3A_897 : vector<16xf32>
      %mul3A_901 = arith.mulf %mul3A_894, %add3A_900 : vector<16xf32>
      %add3A_902 = arith.constant 2.000000e-01 : f32
      %add3A_903 = vector.broadcast %add3A_902 : f32 to vector<16xf32>
      %add3A_904 = arith.addf %add3A_903, %mul3A_901 : vector<16xf32>
      %mul3A_905 = arith.mulf %mul3A_894, %add3A_904 : vector<16xf32>
      %add3A_906 = arith.constant 0.333333343 : f32
      %add3A_907 = vector.broadcast %add3A_906 : f32 to vector<16xf32>
      %add3A_908 = arith.addf %add3A_907, %mul3A_905 : vector<16xf32>
      %mul3A_909 = arith.constant 2.000000e+00 : f32
      %mul3A_910 = vector.broadcast %mul3A_909 : f32 to vector<16xf32>
      %mul3A_911 = arith.mulf %mul3A_910, %div3A_893 : vector<16xf32>
      %mul3A_912 = arith.mulf %mul3A_894, %add3A_908 : vector<16xf32>
      %add3A_913 = arith.constant 1.000000e+00 : f32
      %add3A_914 = vector.broadcast %add3A_913 : f32 to vector<16xf32>
      %add3A_915 = arith.addf %add3A_914, %mul3A_912 : vector<16xf32>
      %mul3A_916 = arith.mulf %mul3A_911, %add3A_915 : vector<16xf32>
      %min3A_917 = arith.constant 0.000000e+00 : f32
      %min3A_918 = vector.broadcast %min3A_917 : f32 to vector<16xf32>
      %min3A_919 = arith.minimumf %scan3A_699#5, %min3A_918 : vector<16xf32>
      %sub3A_920 = arith.subf %min3A_919, %mul3A_916 : vector<16xf32>
      %add3A_921 = arith.addf %add3A_884, %sub3A_920 : vector<16xf32>
      %add3A_922 = arith.addf %add3A_670, %add3A_921 : vector<16xf32>
      %lt3A_923 = arith.constant 7 : i32
      %lt3A_924 = arith.cmpi slt, %scan3A_180, %lt3A_923 : i32
      %convert_element_type3A_925 = arith.extui %lt3A_924 : i1 to i32
      %cond3A_926 = arith.constant 0 : i32
      %cond3A_927 = arith.cmpi ne, %convert_element_type3A_925, %cond3A_926 : i32
      scf.if %cond3A_927 {
        %add3A_1180 = arith.constant 4 : i32
        %add3A_1181 = arith.addi %add3A_679, %add3A_1180 : i32
        %mul3A_1182 = arith.constant 16 : i32
        %mul3A_1183 = arith.muli %add3A_1181, %mul3A_1182 : i32
        %get3A_1184 = arith.constant 0 : i32
        %get3A_1185 = arith.index_cast %get3A_1184 : i32 to index
        %get3A_1186 = arith.index_cast %mul3A_1183 : i32 to index
        %get3A_1187 = tpu.vector_load %arg10[%get3A_1185, %get3A_1186] {strides = array<i32>} : memref<5x512xi32, #tpu.memory_space<vmem>>, vector<16xi32>,
        %swap3A_1188 = arith.constant 0 : index
        %swap3A_1189 = tpu.vector_load %arg13[%swap3A_1188] {strides = array<i32>} : memref<80xi32, #tpu.memory_space<vmem>>, vector<16xi32>,
        tpu.vector_store %arg13[%swap3A_1188], %get3A_1187 {strides = array<i32>} : memref<80xi32, #tpu.memory_space<vmem>>, vector<16xi32>,
        %get3A_1190 = arith.constant 1 : i32
        %get3A_1191 = arith.index_cast %get3A_1190 : i32 to index
        %get3A_1192 = arith.index_cast %mul3A_1183 : i32 to index
        %get3A_1193 = tpu.vector_load %arg10[%get3A_1191, %get3A_1192] {strides = array<i32>} : memref<5x512xi32, #tpu.memory_space<vmem>>, vector<16xi32>,
        %swap3A_1194 = arith.constant 16 : index
        %swap3A_1195 = tpu.vector_load %arg13[%swap3A_1194] {strides = array<i32>} : memref<80xi32, #tpu.memory_space<vmem>>, vector<16xi32>,
        tpu.vector_store %arg13[%swap3A_1194], %get3A_1193 {strides = array<i32>} : memref<80xi32, #tpu.memory_space<vmem>>, vector<16xi32>,
        %get3A_1196 = arith.constant 2 : i32
        %get3A_1197 = arith.index_cast %get3A_1196 : i32 to index
        %get3A_1198 = arith.index_cast %mul3A_1183 : i32 to index
        %get3A_1199 = tpu.vector_load %arg10[%get3A_1197, %get3A_1198] {strides = array<i32>} : memref<5x512xi32, #tpu.memory_space<vmem>>, vector<16xi32>,
        %swap3A_1200 = arith.constant 32 : index
        %swap3A_1201 = tpu.vector_load %arg13[%swap3A_1200] {strides = array<i32>} : memref<80xi32, #tpu.memory_space<vmem>>, vector<16xi32>,
        tpu.vector_store %arg13[%swap3A_1200], %get3A_1199 {strides = array<i32>} : memref<80xi32, #tpu.memory_space<vmem>>, vector<16xi32>,
        %get3A_1202 = arith.constant 3 : i32
        %get3A_1203 = arith.index_cast %get3A_1202 : i32 to index
        %get3A_1204 = arith.index_cast %mul3A_1183 : i32 to index
        %get3A_1205 = tpu.vector_load %arg10[%get3A_1203, %get3A_1204] {strides = array<i32>} : memref<5x512xi32, #tpu.memory_space<vmem>>, vector<16xi32>,
        %swap3A_1206 = arith.constant 48 : index
        %swap3A_1207 = tpu.vector_load %arg13[%swap3A_1206] {strides = array<i32>} : memref<80xi32, #tpu.memory_space<vmem>>, vector<16xi32>,
        tpu.vector_store %arg13[%swap3A_1206], %get3A_1205 {strides = array<i32>} : memref<80xi32, #tpu.memory_space<vmem>>, vector<16xi32>,
        %get3A_1208 = arith.constant 4 : i32
        %get3A_1209 = arith.index_cast %get3A_1208 : i32 to index
        %get3A_1210 = arith.index_cast %mul3A_1183 : i32 to index
        %get3A_1211 = tpu.vector_load %arg10[%get3A_1209, %get3A_1210] {strides = array<i32>} : memref<5x512xi32, #tpu.memory_space<vmem>>, vector<16xi32>,
        %swap3A_1212 = arith.constant 64 : index
        %swap3A_1213 = tpu.vector_load %arg13[%swap3A_1212] {strides = array<i32>} : memref<80xi32, #tpu.memory_space<vmem>>, vector<16xi32>,
        tpu.vector_store %arg13[%swap3A_1212], %get3A_1211 {strides = array<i32>} : memref<80xi32, #tpu.memory_space<vmem>>, vector<16xi32>,
        %mul3A_1214 = arith.constant 16 : i32
        %mul3A_1215 = arith.muli %add3A_1181, %mul3A_1214 : i32
        %dma_start3A_1216 = tpu.memref_slice %arg8[%mul3A_1215] : memref<512xi32, #tpu.memory_space<vmem>> -> memref<16xi32, #tpu.memory_space<vmem>>
        %dma_start3A_1217 = arith.constant 0 : i32
        %dma_start3A_1218 = arith.constant 0 : i32
        %dma_start3A_1219 = tpu.memref_slice %arg5[%dma_start3A_1217, %dma_start3A_1218] : memref<1000000x128xf32, #tpu.memory_space<hbm>> -> memref<1000000x128xf32, #tpu.memory_space<hbm>>
        tpu.enqueue_indirect_dma source(%dma_start3A_1219 : memref<1000000x128xf32, #tpu.memory_space<hbm>>) target(%arg17 : memref<16x128xf32, #tpu.memory_space<vmem>>) offsets(%dma_start3A_1216 : memref<16xi32, #tpu.memory_space<vmem>>) semaphore(%arg30 : memref<!tpu.dma_semaphore, #tpu.memory_space<semaphore_mem>>)
        %dma_start3A_1220 = tpu.memref_slice %arg9[%mul3A_1215] : memref<512xi32, #tpu.memory_space<vmem>> -> memref<16xi32, #tpu.memory_space<vmem>>
        %dma_start3A_1221 = arith.constant 0 : i32
        %dma_start3A_1222 = arith.constant 0 : i32
        %dma_start3A_1223 = tpu.memref_slice %arg6[%dma_start3A_1221, %dma_start3A_1222] : memref<1000000x128xf32, #tpu.memory_space<hbm>> -> memref<1000000x128xf32, #tpu.memory_space<hbm>>
        tpu.enqueue_indirect_dma source(%dma_start3A_1223 : memref<1000000x128xf32, #tpu.memory_space<hbm>>) target(%arg21 : memref<16x128xf32, #tpu.memory_space<vmem>>) offsets(%dma_start3A_1220 : memref<16xi32, #tpu.memory_space<vmem>>) semaphore(%arg30 : memref<!tpu.dma_semaphore, #tpu.memory_space<semaphore_mem>>)
        %dma_start3A_1224 = arith.constant 0 : i32
        %dma_start3A_1225 = arith.constant 0 : i32
        %dma_start3A_1226 = tpu.memref_slice %arg6[%dma_start3A_1224, %dma_start3A_1225] : memref<1000000x128xf32, #tpu.memory_space<hbm>> -> memref<1000000x128xf32, #tpu.memory_space<hbm>>
        tpu.enqueue_indirect_dma source(%dma_start3A_1226 : memref<1000000x128xf32, #tpu.memory_space<hbm>>) target(%arg25 : memref<80x128xf32, #tpu.memory_space<vmem>>) offsets(%arg13 : memref<80xi32, #tpu.memory_space<vmem>>) semaphore(%arg30 : memref<!tpu.dma_semaphore, #tpu.memory_space<semaphore_mem>>)
      } else {
      }
      %mul3A_928 = arith.constant 4 : i32
      %mul3A_929 = arith.muli %mul3A_928, %scan3A_180 : i32
      %add3A_930 = arith.constant 3 : i32
      %add3A_931 = arith.addi %mul3A_929, %add3A_930 : i32
      %mul3A_932 = arith.constant 16 : i32
      %mul3A_933 = arith.muli %add3A_931, %mul3A_932 : i32
      %dma_wait3A_934 = tpu.memref_slice %arg8[%mul3A_933] : memref<512xi32, #tpu.memory_space<vmem>> -> memref<16xi32, #tpu.memory_space<vmem>>
      %dma_wait3A_935 = arith.constant 0 : i32
      %dma_wait3A_936 = arith.constant 0 : i32
      %dma_wait3A_937 = tpu.memref_slice %arg5[%dma_wait3A_935, %dma_wait3A_936] : memref<1000000x128xf32, #tpu.memory_space<hbm>> -> memref<1000000x128xf32, #tpu.memory_space<hbm>>
      tpu.wait_indirect_dma semaphore(%arg31 : memref<!tpu.dma_semaphore, #tpu.memory_space<semaphore_mem>>) src(%dma_wait3A_937 : memref<1000000x128xf32, #tpu.memory_space<hbm>>) dst(%arg18 : memref<16x128xf32, #tpu.memory_space<vmem>>)
      %dma_wait3A_938 = tpu.memref_slice %arg9[%mul3A_933] : memref<512xi32, #tpu.memory_space<vmem>> -> memref<16xi32, #tpu.memory_space<vmem>>
      %dma_wait3A_939 = arith.constant 0 : i32
      %dma_wait3A_940 = arith.constant 0 : i32
      %dma_wait3A_941 = tpu.memref_slice %arg6[%dma_wait3A_939, %dma_wait3A_940] : memref<1000000x128xf32, #tpu.memory_space<hbm>> -> memref<1000000x128xf32, #tpu.memory_space<hbm>>
      tpu.wait_indirect_dma semaphore(%arg31 : memref<!tpu.dma_semaphore, #tpu.memory_space<semaphore_mem>>) src(%dma_wait3A_941 : memref<1000000x128xf32, #tpu.memory_space<hbm>>) dst(%arg22 : memref<16x128xf32, #tpu.memory_space<vmem>>)
      %dma_wait3A_942 = arith.constant 0 : i32
      %dma_wait3A_943 = arith.constant 0 : i32
      %dma_wait3A_944 = tpu.memref_slice %arg6[%dma_wait3A_942, %dma_wait3A_943] : memref<1000000x128xf32, #tpu.memory_space<hbm>> -> memref<1000000x128xf32, #tpu.memory_space<hbm>>
      tpu.wait_indirect_dma semaphore(%arg31 : memref<!tpu.dma_semaphore, #tpu.memory_space<semaphore_mem>>) src(%dma_wait3A_944 : memref<1000000x128xf32, #tpu.memory_space<hbm>>) dst(%arg26 : memref<80x128xf32, #tpu.memory_space<vmem>>)
      %broadcast_in_dim3A_945 = arith.constant 0.000000e+00 : f32
      %broadcast_in_dim3A_946 = vector.broadcast %broadcast_in_dim3A_945 : f32 to vector<16xf32>
      %scan3A_947 = arith.constant 0 : i32
      %scan3A_948 = arith.constant 16 : i32
      %scan3A_949 = arith.addi %scan3A_947, %scan3A_948 : i32
      %scan3A_950 = arith.constant 1 : i32
      %scan3A_951:6 = scf.for %scan3A_1180 = %scan3A_947 to %scan3A_949 step %scan3A_950 iter_args(%scan3A_1181 = %broadcast_in_dim3A_946, %scan3A_1182 = %broadcast_in_dim3A_946, %scan3A_1183 = %broadcast_in_dim3A_946, %scan3A_1184 = %broadcast_in_dim3A_946, %scan3A_1185 = %broadcast_in_dim3A_946, %scan3A_1186 = %broadcast_in_dim3A_946) -> (vector<16xf32>, vector<16xf32>, vector<16xf32>, vector<16xf32>, vector<16xf32>, vector<16xf32>)  : i32 {
        %get3A_1187 = arith.index_cast %scan3A_1180 : i32 to index
        %get3A_1188 = arith.constant 0 : index
        %get3A_1189 = tpu.vector_load %arg18[%get3A_1187, %get3A_1188] {strides = array<i32>} : memref<16x128xf32, #tpu.memory_space<vmem>>, vector<16xf32>,
        %get3A_1190 = arith.index_cast %scan3A_1180 : i32 to index
        %get3A_1191 = arith.constant 16 : index
        %get3A_1192 = tpu.vector_load %arg18[%get3A_1190, %get3A_1191] {strides = array<i32>} : memref<16x128xf32, #tpu.memory_space<vmem>>, vector<16xf32>,
        %get3A_1193 = arith.index_cast %scan3A_1180 : i32 to index
        %get3A_1194 = arith.constant 32 : index
        %get3A_1195 = tpu.vector_load %arg18[%get3A_1193, %get3A_1194] {strides = array<i32>} : memref<16x128xf32, #tpu.memory_space<vmem>>, vector<16xf32>,
        %get3A_1196 = arith.index_cast %scan3A_1180 : i32 to index
        %get3A_1197 = arith.constant 48 : index
        %get3A_1198 = tpu.vector_load %arg18[%get3A_1196, %get3A_1197] {strides = array<i32>} : memref<16x128xf32, #tpu.memory_space<vmem>>, vector<16xf32>,
        %get3A_1199 = arith.index_cast %scan3A_1180 : i32 to index
        %get3A_1200 = arith.constant 64 : index
        %get3A_1201 = tpu.vector_load %arg18[%get3A_1199, %get3A_1200] {strides = array<i32>} : memref<16x128xf32, #tpu.memory_space<vmem>>, vector<16xf32>,
        %get3A_1202 = arith.index_cast %scan3A_1180 : i32 to index
        %get3A_1203 = arith.constant 80 : index
        %get3A_1204 = tpu.vector_load %arg18[%get3A_1202, %get3A_1203] {strides = array<i32>} : memref<16x128xf32, #tpu.memory_space<vmem>>, vector<16xf32>,
        %get3A_1205 = arith.index_cast %scan3A_1180 : i32 to index
        %get3A_1206 = arith.constant 96 : index
        %get3A_1207 = tpu.vector_load %arg18[%get3A_1205, %get3A_1206] {strides = array<i32>} : memref<16x128xf32, #tpu.memory_space<vmem>>, vector<16xf32>,
        %get3A_1208 = arith.index_cast %scan3A_1180 : i32 to index
        %get3A_1209 = arith.constant 112 : index
        %get3A_1210 = tpu.vector_load %arg18[%get3A_1208, %get3A_1209] {strides = array<i32>} : memref<16x128xf32, #tpu.memory_space<vmem>>, vector<16xf32>,
        %eq3A = vector.broadcast %scan3A_1180 : i32 to vector<16xi32>
        %eq3A_1211 = arith.cmpi eq, %iota3A, %eq3A : vector<16xi32>
        %get3A_1212 = arith.index_cast %scan3A_1180 : i32 to index
        %get3A_1213 = arith.constant 0 : index
        %get3A_1214 = tpu.vector_load %arg22[%get3A_1212, %get3A_1213] {strides = array<i32>} : memref<16x128xf32, #tpu.memory_space<vmem>>, vector<16xf32>,
        %mul3A_1215 = arith.mulf %get3A_1189, %get3A_1214 : vector<16xf32>
        %get3A_1216 = arith.index_cast %scan3A_1180 : i32 to index
        %get3A_1217 = arith.constant 16 : index
        %get3A_1218 = tpu.vector_load %arg22[%get3A_1216, %get3A_1217] {strides = array<i32>} : memref<16x128xf32, #tpu.memory_space<vmem>>, vector<16xf32>,
        %mul3A_1219 = arith.mulf %get3A_1192, %get3A_1218 : vector<16xf32>
        %add3A_1220 = arith.addf %mul3A_1215, %mul3A_1219 : vector<16xf32>
        %get3A_1221 = arith.index_cast %scan3A_1180 : i32 to index
        %get3A_1222 = arith.constant 32 : index
        %get3A_1223 = tpu.vector_load %arg22[%get3A_1221, %get3A_1222] {strides = array<i32>} : memref<16x128xf32, #tpu.memory_space<vmem>>, vector<16xf32>,
        %mul3A_1224 = arith.mulf %get3A_1195, %get3A_1223 : vector<16xf32>
        %add3A_1225 = arith.addf %add3A_1220, %mul3A_1224 : vector<16xf32>
        %get3A_1226 = arith.index_cast %scan3A_1180 : i32 to index
        %get3A_1227 = arith.constant 48 : index
        %get3A_1228 = tpu.vector_load %arg22[%get3A_1226, %get3A_1227] {strides = array<i32>} : memref<16x128xf32, #tpu.memory_space<vmem>>, vector<16xf32>,
        %mul3A_1229 = arith.mulf %get3A_1198, %get3A_1228 : vector<16xf32>
        %add3A_1230 = arith.addf %add3A_1225, %mul3A_1229 : vector<16xf32>
        %get3A_1231 = arith.index_cast %scan3A_1180 : i32 to index
        %get3A_1232 = arith.constant 64 : index
        %get3A_1233 = tpu.vector_load %arg22[%get3A_1231, %get3A_1232] {strides = array<i32>} : memref<16x128xf32, #tpu.memory_space<vmem>>, vector<16xf32>,
        %mul3A_1234 = arith.mulf %get3A_1201, %get3A_1233 : vector<16xf32>
        %add3A_1235 = arith.addf %add3A_1230, %mul3A_1234 : vector<16xf32>
        %get3A_1236 = arith.index_cast %scan3A_1180 : i32 to index
        %get3A_1237 = arith.constant 80 : index
        %get3A_1238 = tpu.vector_load %arg22[%get3A_1236, %get3A_1237] {strides = array<i32>} : memref<16x128xf32, #tpu.memory_space<vmem>>, vector<16xf32>,
        %mul3A_1239 = arith.mulf %get3A_1204, %get3A_1238 : vector<16xf32>
        %add3A_1240 = arith.addf %add3A_1235, %mul3A_1239 : vector<16xf32>
        %get3A_1241 = arith.index_cast %scan3A_1180 : i32 to index
        %get3A_1242 = arith.constant 96 : index
        %get3A_1243 = tpu.vector_load %arg22[%get3A_1241, %get3A_1242] {strides = array<i32>} : memref<16x128xf32, #tpu.memory_space<vmem>>, vector<16xf32>,
        %mul3A_1244 = arith.mulf %get3A_1207, %get3A_1243 : vector<16xf32>
        %add3A_1245 = arith.addf %add3A_1240, %mul3A_1244 : vector<16xf32>
        %get3A_1246 = arith.index_cast %scan3A_1180 : i32 to index
        %get3A_1247 = arith.constant 112 : index
        %get3A_1248 = tpu.vector_load %arg22[%get3A_1246, %get3A_1247] {strides = array<i32>} : memref<16x128xf32, #tpu.memory_space<vmem>>, vector<16xf32>,
        %mul3A_1249 = arith.mulf %get3A_1210, %get3A_1248 : vector<16xf32>
        %add3A_1250 = arith.addf %add3A_1245, %mul3A_1249 : vector<16xf32>
        %reduce_sum3A = arith.constant true
        %reduce_sum3A_1251 = vector.broadcast %reduce_sum3A : i1 to vector<16xi1>
        %reduce_sum3A_1252 = tpu.scan <sum>, %add3A_1250 masked %reduce_sum3A_1251 : vector<16xf32>, vector<16xi1> -> vector<16xf32>
        %reduce_sum3A_1253 = vector.extract %reduce_sum3A_1252[15] : f32 from vector<16xf32>
        %broadcast_in_dim3A_1254 = vector.broadcast %reduce_sum3A_1253 : f32 to vector<16xf32>
        %select_n3A = arith.select %eq3A_1211, %broadcast_in_dim3A_1254, %scan3A_1181 : vector<16xi1>, vector<16xf32>
        %add3A_1255 = arith.constant 0 : i32
        %add3A_1256 = arith.addi %add3A_1255, %scan3A_1180 : i32
        %get3A_1257 = arith.index_cast %add3A_1256 : i32 to index
        %get3A_1258 = arith.constant 0 : index
        %get3A_1259 = tpu.vector_load %arg26[%get3A_1257, %get3A_1258] {strides = array<i32>} : memref<80x128xf32, #tpu.memory_space<vmem>>, vector<16xf32>,
        %mul3A_1260 = arith.mulf %get3A_1189, %get3A_1259 : vector<16xf32>
        %get3A_1261 = arith.index_cast %add3A_1256 : i32 to index
        %get3A_1262 = arith.constant 16 : index
        %get3A_1263 = tpu.vector_load %arg26[%get3A_1261, %get3A_1262] {strides = array<i32>} : memref<80x128xf32, #tpu.memory_space<vmem>>, vector<16xf32>,
        %mul3A_1264 = arith.mulf %get3A_1192, %get3A_1263 : vector<16xf32>
        %add3A_1265 = arith.addf %mul3A_1260, %mul3A_1264 : vector<16xf32>
        %get3A_1266 = arith.index_cast %add3A_1256 : i32 to index
        %get3A_1267 = arith.constant 32 : index
        %get3A_1268 = tpu.vector_load %arg26[%get3A_1266, %get3A_1267] {strides = array<i32>} : memref<80x128xf32, #tpu.memory_space<vmem>>, vector<16xf32>,
        %mul3A_1269 = arith.mulf %get3A_1195, %get3A_1268 : vector<16xf32>
        %add3A_1270 = arith.addf %add3A_1265, %mul3A_1269 : vector<16xf32>
        %get3A_1271 = arith.index_cast %add3A_1256 : i32 to index
        %get3A_1272 = arith.constant 48 : index
        %get3A_1273 = tpu.vector_load %arg26[%get3A_1271, %get3A_1272] {strides = array<i32>} : memref<80x128xf32, #tpu.memory_space<vmem>>, vector<16xf32>,
        %mul3A_1274 = arith.mulf %get3A_1198, %get3A_1273 : vector<16xf32>
        %add3A_1275 = arith.addf %add3A_1270, %mul3A_1274 : vector<16xf32>
        %get3A_1276 = arith.index_cast %add3A_1256 : i32 to index
        %get3A_1277 = arith.constant 64 : index
        %get3A_1278 = tpu.vector_load %arg26[%get3A_1276, %get3A_1277] {strides = array<i32>} : memref<80x128xf32, #tpu.memory_space<vmem>>, vector<16xf32>,
        %mul3A_1279 = arith.mulf %get3A_1201, %get3A_1278 : vector<16xf32>
        %add3A_1280 = arith.addf %add3A_1275, %mul3A_1279 : vector<16xf32>
        %get3A_1281 = arith.index_cast %add3A_1256 : i32 to index
        %get3A_1282 = arith.constant 80 : index
        %get3A_1283 = tpu.vector_load %arg26[%get3A_1281, %get3A_1282] {strides = array<i32>} : memref<80x128xf32, #tpu.memory_space<vmem>>, vector<16xf32>,
        %mul3A_1284 = arith.mulf %get3A_1204, %get3A_1283 : vector<16xf32>
        %add3A_1285 = arith.addf %add3A_1280, %mul3A_1284 : vector<16xf32>
        %get3A_1286 = arith.index_cast %add3A_1256 : i32 to index
        %get3A_1287 = arith.constant 96 : index
        %get3A_1288 = tpu.vector_load %arg26[%get3A_1286, %get3A_1287] {strides = array<i32>} : memref<80x128xf32, #tpu.memory_space<vmem>>, vector<16xf32>,
        %mul3A_1289 = arith.mulf %get3A_1207, %get3A_1288 : vector<16xf32>
        %add3A_1290 = arith.addf %add3A_1285, %mul3A_1289 : vector<16xf32>
        %get3A_1291 = arith.index_cast %add3A_1256 : i32 to index
        %get3A_1292 = arith.constant 112 : index
        %get3A_1293 = tpu.vector_load %arg26[%get3A_1291, %get3A_1292] {strides = array<i32>} : memref<80x128xf32, #tpu.memory_space<vmem>>, vector<16xf32>,
        %mul3A_1294 = arith.mulf %get3A_1210, %get3A_1293 : vector<16xf32>
        %add3A_1295 = arith.addf %add3A_1290, %mul3A_1294 : vector<16xf32>
        %reduce_sum3A_1296 = arith.constant true
        %reduce_sum3A_1297 = vector.broadcast %reduce_sum3A_1296 : i1 to vector<16xi1>
        %reduce_sum3A_1298 = tpu.scan <sum>, %add3A_1295 masked %reduce_sum3A_1297 : vector<16xf32>, vector<16xi1> -> vector<16xf32>
        %reduce_sum3A_1299 = vector.extract %reduce_sum3A_1298[15] : f32 from vector<16xf32>
        %neg3A_1300 = arith.constant 0.000000e+00 : f32
        %neg3A_1301 = arith.subf %neg3A_1300, %reduce_sum3A_1299 : f32
        %broadcast_in_dim3A_1302 = vector.broadcast %neg3A_1301 : f32 to vector<16xf32>
        %select_n3A_1303 = arith.select %eq3A_1211, %broadcast_in_dim3A_1302, %scan3A_1182 : vector<16xi1>, vector<16xf32>
        %add3A_1304 = arith.constant 16 : i32
        %add3A_1305 = arith.addi %add3A_1304, %scan3A_1180 : i32
        %get3A_1306 = arith.index_cast %add3A_1305 : i32 to index
        %get3A_1307 = arith.constant 0 : index
        %get3A_1308 = tpu.vector_load %arg26[%get3A_1306, %get3A_1307] {strides = array<i32>} : memref<80x128xf32, #tpu.memory_space<vmem>>, vector<16xf32>,
        %mul3A_1309 = arith.mulf %get3A_1189, %get3A_1308 : vector<16xf32>
        %get3A_1310 = arith.index_cast %add3A_1305 : i32 to index
        %get3A_1311 = arith.constant 16 : index
        %get3A_1312 = tpu.vector_load %arg26[%get3A_1310, %get3A_1311] {strides = array<i32>} : memref<80x128xf32, #tpu.memory_space<vmem>>, vector<16xf32>,
        %mul3A_1313 = arith.mulf %get3A_1192, %get3A_1312 : vector<16xf32>
        %add3A_1314 = arith.addf %mul3A_1309, %mul3A_1313 : vector<16xf32>
        %get3A_1315 = arith.index_cast %add3A_1305 : i32 to index
        %get3A_1316 = arith.constant 32 : index
        %get3A_1317 = tpu.vector_load %arg26[%get3A_1315, %get3A_1316] {strides = array<i32>} : memref<80x128xf32, #tpu.memory_space<vmem>>, vector<16xf32>,
        %mul3A_1318 = arith.mulf %get3A_1195, %get3A_1317 : vector<16xf32>
        %add3A_1319 = arith.addf %add3A_1314, %mul3A_1318 : vector<16xf32>
        %get3A_1320 = arith.index_cast %add3A_1305 : i32 to index
        %get3A_1321 = arith.constant 48 : index
        %get3A_1322 = tpu.vector_load %arg26[%get3A_1320, %get3A_1321] {strides = array<i32>} : memref<80x128xf32, #tpu.memory_space<vmem>>, vector<16xf32>,
        %mul3A_1323 = arith.mulf %get3A_1198, %get3A_1322 : vector<16xf32>
        %add3A_1324 = arith.addf %add3A_1319, %mul3A_1323 : vector<16xf32>
        %get3A_1325 = arith.index_cast %add3A_1305 : i32 to index
        %get3A_1326 = arith.constant 64 : index
        %get3A_1327 = tpu.vector_load %arg26[%get3A_1325, %get3A_1326] {strides = array<i32>} : memref<80x128xf32, #tpu.memory_space<vmem>>, vector<16xf32>,
        %mul3A_1328 = arith.mulf %get3A_1201, %get3A_1327 : vector<16xf32>
        %add3A_1329 = arith.addf %add3A_1324, %mul3A_1328 : vector<16xf32>
        %get3A_1330 = arith.index_cast %add3A_1305 : i32 to index
        %get3A_1331 = arith.constant 80 : index
        %get3A_1332 = tpu.vector_load %arg26[%get3A_1330, %get3A_1331] {strides = array<i32>} : memref<80x128xf32, #tpu.memory_space<vmem>>, vector<16xf32>,
        %mul3A_1333 = arith.mulf %get3A_1204, %get3A_1332 : vector<16xf32>
        %add3A_1334 = arith.addf %add3A_1329, %mul3A_1333 : vector<16xf32>
        %get3A_1335 = arith.index_cast %add3A_1305 : i32 to index
        %get3A_1336 = arith.constant 96 : index
        %get3A_1337 = tpu.vector_load %arg26[%get3A_1335, %get3A_1336] {strides = array<i32>} : memref<80x128xf32, #tpu.memory_space<vmem>>, vector<16xf32>,
        %mul3A_1338 = arith.mulf %get3A_1207, %get3A_1337 : vector<16xf32>
        %add3A_1339 = arith.addf %add3A_1334, %mul3A_1338 : vector<16xf32>
        %get3A_1340 = arith.index_cast %add3A_1305 : i32 to index
        %get3A_1341 = arith.constant 112 : index
        %get3A_1342 = tpu.vector_load %arg26[%get3A_1340, %get3A_1341] {strides = array<i32>} : memref<80x128xf32, #tpu.memory_space<vmem>>, vector<16xf32>,
        %mul3A_1343 = arith.mulf %get3A_1210, %get3A_1342 : vector<16xf32>
        %add3A_1344 = arith.addf %add3A_1339, %mul3A_1343 : vector<16xf32>
        %reduce_sum3A_1345 = arith.constant true
        %reduce_sum3A_1346 = vector.broadcast %reduce_sum3A_1345 : i1 to vector<16xi1>
        %reduce_sum3A_1347 = tpu.scan <sum>, %add3A_1344 masked %reduce_sum3A_1346 : vector<16xf32>, vector<16xi1> -> vector<16xf32>
        %reduce_sum3A_1348 = vector.extract %reduce_sum3A_1347[15] : f32 from vector<16xf32>
        %neg3A_1349 = arith.constant 0.000000e+00 : f32
        %neg3A_1350 = arith.subf %neg3A_1349, %reduce_sum3A_1348 : f32
        %broadcast_in_dim3A_1351 = vector.broadcast %neg3A_1350 : f32 to vector<16xf32>
        %select_n3A_1352 = arith.select %eq3A_1211, %broadcast_in_dim3A_1351, %scan3A_1183 : vector<16xi1>, vector<16xf32>
        %add3A_1353 = arith.constant 32 : i32
        %add3A_1354 = arith.addi %add3A_1353, %scan3A_1180 : i32
        %get3A_1355 = arith.index_cast %add3A_1354 : i32 to index
        %get3A_1356 = arith.constant 0 : index
        %get3A_1357 = tpu.vector_load %arg26[%get3A_1355, %get3A_1356] {strides = array<i32>} : memref<80x128xf32, #tpu.memory_space<vmem>>, vector<16xf32>,
        %mul3A_1358 = arith.mulf %get3A_1189, %get3A_1357 : vector<16xf32>
        %get3A_1359 = arith.index_cast %add3A_1354 : i32 to index
        %get3A_1360 = arith.constant 16 : index
        %get3A_1361 = tpu.vector_load %arg26[%get3A_1359, %get3A_1360] {strides = array<i32>} : memref<80x128xf32, #tpu.memory_space<vmem>>, vector<16xf32>,
        %mul3A_1362 = arith.mulf %get3A_1192, %get3A_1361 : vector<16xf32>
        %add3A_1363 = arith.addf %mul3A_1358, %mul3A_1362 : vector<16xf32>
        %get3A_1364 = arith.index_cast %add3A_1354 : i32 to index
        %get3A_1365 = arith.constant 32 : index
        %get3A_1366 = tpu.vector_load %arg26[%get3A_1364, %get3A_1365] {strides = array<i32>} : memref<80x128xf32, #tpu.memory_space<vmem>>, vector<16xf32>,
        %mul3A_1367 = arith.mulf %get3A_1195, %get3A_1366 : vector<16xf32>
        %add3A_1368 = arith.addf %add3A_1363, %mul3A_1367 : vector<16xf32>
        %get3A_1369 = arith.index_cast %add3A_1354 : i32 to index
        %get3A_1370 = arith.constant 48 : index
        %get3A_1371 = tpu.vector_load %arg26[%get3A_1369, %get3A_1370] {strides = array<i32>} : memref<80x128xf32, #tpu.memory_space<vmem>>, vector<16xf32>,
        %mul3A_1372 = arith.mulf %get3A_1198, %get3A_1371 : vector<16xf32>
        %add3A_1373 = arith.addf %add3A_1368, %mul3A_1372 : vector<16xf32>
        %get3A_1374 = arith.index_cast %add3A_1354 : i32 to index
        %get3A_1375 = arith.constant 64 : index
        %get3A_1376 = tpu.vector_load %arg26[%get3A_1374, %get3A_1375] {strides = array<i32>} : memref<80x128xf32, #tpu.memory_space<vmem>>, vector<16xf32>,
        %mul3A_1377 = arith.mulf %get3A_1201, %get3A_1376 : vector<16xf32>
        %add3A_1378 = arith.addf %add3A_1373, %mul3A_1377 : vector<16xf32>
        %get3A_1379 = arith.index_cast %add3A_1354 : i32 to index
        %get3A_1380 = arith.constant 80 : index
        %get3A_1381 = tpu.vector_load %arg26[%get3A_1379, %get3A_1380] {strides = array<i32>} : memref<80x128xf32, #tpu.memory_space<vmem>>, vector<16xf32>,
        %mul3A_1382 = arith.mulf %get3A_1204, %get3A_1381 : vector<16xf32>
        %add3A_1383 = arith.addf %add3A_1378, %mul3A_1382 : vector<16xf32>
        %get3A_1384 = arith.index_cast %add3A_1354 : i32 to index
        %get3A_1385 = arith.constant 96 : index
        %get3A_1386 = tpu.vector_load %arg26[%get3A_1384, %get3A_1385] {strides = array<i32>} : memref<80x128xf32, #tpu.memory_space<vmem>>, vector<16xf32>,
        %mul3A_1387 = arith.mulf %get3A_1207, %get3A_1386 : vector<16xf32>
        %add3A_1388 = arith.addf %add3A_1383, %mul3A_1387 : vector<16xf32>
        %get3A_1389 = arith.index_cast %add3A_1354 : i32 to index
        %get3A_1390 = arith.constant 112 : index
        %get3A_1391 = tpu.vector_load %arg26[%get3A_1389, %get3A_1390] {strides = array<i32>} : memref<80x128xf32, #tpu.memory_space<vmem>>, vector<16xf32>,
        %mul3A_1392 = arith.mulf %get3A_1210, %get3A_1391 : vector<16xf32>
        %add3A_1393 = arith.addf %add3A_1388, %mul3A_1392 : vector<16xf32>
        %reduce_sum3A_1394 = arith.constant true
        %reduce_sum3A_1395 = vector.broadcast %reduce_sum3A_1394 : i1 to vector<16xi1>
        %reduce_sum3A_1396 = tpu.scan <sum>, %add3A_1393 masked %reduce_sum3A_1395 : vector<16xf32>, vector<16xi1> -> vector<16xf32>
        %reduce_sum3A_1397 = vector.extract %reduce_sum3A_1396[15] : f32 from vector<16xf32>
        %neg3A_1398 = arith.constant 0.000000e+00 : f32
        %neg3A_1399 = arith.subf %neg3A_1398, %reduce_sum3A_1397 : f32
        %broadcast_in_dim3A_1400 = vector.broadcast %neg3A_1399 : f32 to vector<16xf32>
        %select_n3A_1401 = arith.select %eq3A_1211, %broadcast_in_dim3A_1400, %scan3A_1184 : vector<16xi1>, vector<16xf32>
        %add3A_1402 = arith.constant 48 : i32
        %add3A_1403 = arith.addi %add3A_1402, %scan3A_1180 : i32
        %get3A_1404 = arith.index_cast %add3A_1403 : i32 to index
        %get3A_1405 = arith.constant 0 : index
        %get3A_1406 = tpu.vector_load %arg26[%get3A_1404, %get3A_1405] {strides = array<i32>} : memref<80x128xf32, #tpu.memory_space<vmem>>, vector<16xf32>,
        %mul3A_1407 = arith.mulf %get3A_1189, %get3A_1406 : vector<16xf32>
        %get3A_1408 = arith.index_cast %add3A_1403 : i32 to index
        %get3A_1409 = arith.constant 16 : index
        %get3A_1410 = tpu.vector_load %arg26[%get3A_1408, %get3A_1409] {strides = array<i32>} : memref<80x128xf32, #tpu.memory_space<vmem>>, vector<16xf32>,
        %mul3A_1411 = arith.mulf %get3A_1192, %get3A_1410 : vector<16xf32>
        %add3A_1412 = arith.addf %mul3A_1407, %mul3A_1411 : vector<16xf32>
        %get3A_1413 = arith.index_cast %add3A_1403 : i32 to index
        %get3A_1414 = arith.constant 32 : index
        %get3A_1415 = tpu.vector_load %arg26[%get3A_1413, %get3A_1414] {strides = array<i32>} : memref<80x128xf32, #tpu.memory_space<vmem>>, vector<16xf32>,
        %mul3A_1416 = arith.mulf %get3A_1195, %get3A_1415 : vector<16xf32>
        %add3A_1417 = arith.addf %add3A_1412, %mul3A_1416 : vector<16xf32>
        %get3A_1418 = arith.index_cast %add3A_1403 : i32 to index
        %get3A_1419 = arith.constant 48 : index
        %get3A_1420 = tpu.vector_load %arg26[%get3A_1418, %get3A_1419] {strides = array<i32>} : memref<80x128xf32, #tpu.memory_space<vmem>>, vector<16xf32>,
        %mul3A_1421 = arith.mulf %get3A_1198, %get3A_1420 : vector<16xf32>
        %add3A_1422 = arith.addf %add3A_1417, %mul3A_1421 : vector<16xf32>
        %get3A_1423 = arith.index_cast %add3A_1403 : i32 to index
        %get3A_1424 = arith.constant 64 : index
        %get3A_1425 = tpu.vector_load %arg26[%get3A_1423, %get3A_1424] {strides = array<i32>} : memref<80x128xf32, #tpu.memory_space<vmem>>, vector<16xf32>,
        %mul3A_1426 = arith.mulf %get3A_1201, %get3A_1425 : vector<16xf32>
        %add3A_1427 = arith.addf %add3A_1422, %mul3A_1426 : vector<16xf32>
        %get3A_1428 = arith.index_cast %add3A_1403 : i32 to index
        %get3A_1429 = arith.constant 80 : index
        %get3A_1430 = tpu.vector_load %arg26[%get3A_1428, %get3A_1429] {strides = array<i32>} : memref<80x128xf32, #tpu.memory_space<vmem>>, vector<16xf32>,
        %mul3A_1431 = arith.mulf %get3A_1204, %get3A_1430 : vector<16xf32>
        %add3A_1432 = arith.addf %add3A_1427, %mul3A_1431 : vector<16xf32>
        %get3A_1433 = arith.index_cast %add3A_1403 : i32 to index
        %get3A_1434 = arith.constant 96 : index
        %get3A_1435 = tpu.vector_load %arg26[%get3A_1433, %get3A_1434] {strides = array<i32>} : memref<80x128xf32, #tpu.memory_space<vmem>>, vector<16xf32>,
        %mul3A_1436 = arith.mulf %get3A_1207, %get3A_1435 : vector<16xf32>
        %add3A_1437 = arith.addf %add3A_1432, %mul3A_1436 : vector<16xf32>
        %get3A_1438 = arith.index_cast %add3A_1403 : i32 to index
        %get3A_1439 = arith.constant 112 : index
        %get3A_1440 = tpu.vector_load %arg26[%get3A_1438, %get3A_1439] {strides = array<i32>} : memref<80x128xf32, #tpu.memory_space<vmem>>, vector<16xf32>,
        %mul3A_1441 = arith.mulf %get3A_1210, %get3A_1440 : vector<16xf32>
        %add3A_1442 = arith.addf %add3A_1437, %mul3A_1441 : vector<16xf32>
        %reduce_sum3A_1443 = arith.constant true
        %reduce_sum3A_1444 = vector.broadcast %reduce_sum3A_1443 : i1 to vector<16xi1>
        %reduce_sum3A_1445 = tpu.scan <sum>, %add3A_1442 masked %reduce_sum3A_1444 : vector<16xf32>, vector<16xi1> -> vector<16xf32>
        %reduce_sum3A_1446 = vector.extract %reduce_sum3A_1445[15] : f32 from vector<16xf32>
        %neg3A_1447 = arith.constant 0.000000e+00 : f32
        %neg3A_1448 = arith.subf %neg3A_1447, %reduce_sum3A_1446 : f32
        %broadcast_in_dim3A_1449 = vector.broadcast %neg3A_1448 : f32 to vector<16xf32>
        %select_n3A_1450 = arith.select %eq3A_1211, %broadcast_in_dim3A_1449, %scan3A_1185 : vector<16xi1>, vector<16xf32>
        %add3A_1451 = arith.constant 64 : i32
        %add3A_1452 = arith.addi %add3A_1451, %scan3A_1180 : i32
        %get3A_1453 = arith.index_cast %add3A_1452 : i32 to index
        %get3A_1454 = arith.constant 0 : index
        %get3A_1455 = tpu.vector_load %arg26[%get3A_1453, %get3A_1454] {strides = array<i32>} : memref<80x128xf32, #tpu.memory_space<vmem>>, vector<16xf32>,
        %mul3A_1456 = arith.mulf %get3A_1189, %get3A_1455 : vector<16xf32>
        %get3A_1457 = arith.index_cast %add3A_1452 : i32 to index
        %get3A_1458 = arith.constant 16 : index
        %get3A_1459 = tpu.vector_load %arg26[%get3A_1457, %get3A_1458] {strides = array<i32>} : memref<80x128xf32, #tpu.memory_space<vmem>>, vector<16xf32>,
        %mul3A_1460 = arith.mulf %get3A_1192, %get3A_1459 : vector<16xf32>
        %add3A_1461 = arith.addf %mul3A_1456, %mul3A_1460 : vector<16xf32>
        %get3A_1462 = arith.index_cast %add3A_1452 : i32 to index
        %get3A_1463 = arith.constant 32 : index
        %get3A_1464 = tpu.vector_load %arg26[%get3A_1462, %get3A_1463] {strides = array<i32>} : memref<80x128xf32, #tpu.memory_space<vmem>>, vector<16xf32>,
        %mul3A_1465 = arith.mulf %get3A_1195, %get3A_1464 : vector<16xf32>
        %add3A_1466 = arith.addf %add3A_1461, %mul3A_1465 : vector<16xf32>
        %get3A_1467 = arith.index_cast %add3A_1452 : i32 to index
        %get3A_1468 = arith.constant 48 : index
        %get3A_1469 = tpu.vector_load %arg26[%get3A_1467, %get3A_1468] {strides = array<i32>} : memref<80x128xf32, #tpu.memory_space<vmem>>, vector<16xf32>,
        %mul3A_1470 = arith.mulf %get3A_1198, %get3A_1469 : vector<16xf32>
        %add3A_1471 = arith.addf %add3A_1466, %mul3A_1470 : vector<16xf32>
        %get3A_1472 = arith.index_cast %add3A_1452 : i32 to index
        %get3A_1473 = arith.constant 64 : index
        %get3A_1474 = tpu.vector_load %arg26[%get3A_1472, %get3A_1473] {strides = array<i32>} : memref<80x128xf32, #tpu.memory_space<vmem>>, vector<16xf32>,
        %mul3A_1475 = arith.mulf %get3A_1201, %get3A_1474 : vector<16xf32>
        %add3A_1476 = arith.addf %add3A_1471, %mul3A_1475 : vector<16xf32>
        %get3A_1477 = arith.index_cast %add3A_1452 : i32 to index
        %get3A_1478 = arith.constant 80 : index
        %get3A_1479 = tpu.vector_load %arg26[%get3A_1477, %get3A_1478] {strides = array<i32>} : memref<80x128xf32, #tpu.memory_space<vmem>>, vector<16xf32>,
        %mul3A_1480 = arith.mulf %get3A_1204, %get3A_1479 : vector<16xf32>
        %add3A_1481 = arith.addf %add3A_1476, %mul3A_1480 : vector<16xf32>
        %get3A_1482 = arith.index_cast %add3A_1452 : i32 to index
        %get3A_1483 = arith.constant 96 : index
        %get3A_1484 = tpu.vector_load %arg26[%get3A_1482, %get3A_1483] {strides = array<i32>} : memref<80x128xf32, #tpu.memory_space<vmem>>, vector<16xf32>,
        %mul3A_1485 = arith.mulf %get3A_1207, %get3A_1484 : vector<16xf32>
        %add3A_1486 = arith.addf %add3A_1481, %mul3A_1485 : vector<16xf32>
        %get3A_1487 = arith.index_cast %add3A_1452 : i32 to index
        %get3A_1488 = arith.constant 112 : index
        %get3A_1489 = tpu.vector_load %arg26[%get3A_1487, %get3A_1488] {strides = array<i32>} : memref<80x128xf32, #tpu.memory_space<vmem>>, vector<16xf32>,
        %mul3A_1490 = arith.mulf %get3A_1210, %get3A_1489 : vector<16xf32>
        %add3A_1491 = arith.addf %add3A_1486, %mul3A_1490 : vector<16xf32>
        %reduce_sum3A_1492 = arith.constant true
        %reduce_sum3A_1493 = vector.broadcast %reduce_sum3A_1492 : i1 to vector<16xi1>
        %reduce_sum3A_1494 = tpu.scan <sum>, %add3A_1491 masked %reduce_sum3A_1493 : vector<16xf32>, vector<16xi1> -> vector<16xf32>
        %reduce_sum3A_1495 = vector.extract %reduce_sum3A_1494[15] : f32 from vector<16xf32>
        %neg3A_1496 = arith.constant 0.000000e+00 : f32
        %neg3A_1497 = arith.subf %neg3A_1496, %reduce_sum3A_1495 : f32
        %broadcast_in_dim3A_1498 = vector.broadcast %neg3A_1497 : f32 to vector<16xf32>
        %select_n3A_1499 = arith.select %eq3A_1211, %broadcast_in_dim3A_1498, %scan3A_1186 : vector<16xi1>, vector<16xf32>
        scf.yield %select_n3A, %select_n3A_1303, %select_n3A_1352, %select_n3A_1401, %select_n3A_1450, %select_n3A_1499 : vector<16xf32>, vector<16xf32>, vector<16xf32>, vector<16xf32>, vector<16xf32>, vector<16xf32>
      }
      %scan3A_952 = arith.constant 16 : i32
      %abs3A_953 = math.absf %scan3A_951#0 : vector<16xf32>
      %neg3A_954 = arith.constant 0.000000e+00 : f32
      %neg3A_955 = vector.broadcast %neg3A_954 : f32 to vector<16xf32>
      %neg3A_956 = arith.subf %neg3A_955, %abs3A_953 : vector<16xf32>
      %exp3A_957 = math.exp %neg3A_956 : vector<16xf32>
      %add3A_958 = arith.constant 2.000000e+00 : f32
      %add3A_959 = vector.broadcast %add3A_958 : f32 to vector<16xf32>
      %add3A_960 = arith.addf %add3A_959, %exp3A_957 : vector<16xf32>
      %div3A_961 = arith.divf %exp3A_957, %add3A_960 : vector<16xf32>
      %mul3A_962 = arith.mulf %div3A_961, %div3A_961 : vector<16xf32>
      %mul3A_963 = arith.constant 0.111111112 : f32
      %mul3A_964 = vector.broadcast %mul3A_963 : f32 to vector<16xf32>
      %mul3A_965 = arith.mulf %mul3A_962, %mul3A_964 : vector<16xf32>
      %add3A_966 = arith.constant 0.142857149 : f32
      %add3A_967 = vector.broadcast %add3A_966 : f32 to vector<16xf32>
      %add3A_968 = arith.addf %add3A_967, %mul3A_965 : vector<16xf32>
      %mul3A_969 = arith.mulf %mul3A_962, %add3A_968 : vector<16xf32>
      %add3A_970 = arith.constant 2.000000e-01 : f32
      %add3A_971 = vector.broadcast %add3A_970 : f32 to vector<16xf32>
      %add3A_972 = arith.addf %add3A_971, %mul3A_969 : vector<16xf32>
      %mul3A_973 = arith.mulf %mul3A_962, %add3A_972 : vector<16xf32>
      %add3A_974 = arith.constant 0.333333343 : f32
      %add3A_975 = vector.broadcast %add3A_974 : f32 to vector<16xf32>
      %add3A_976 = arith.addf %add3A_975, %mul3A_973 : vector<16xf32>
      %mul3A_977 = arith.constant 2.000000e+00 : f32
      %mul3A_978 = vector.broadcast %mul3A_977 : f32 to vector<16xf32>
      %mul3A_979 = arith.mulf %mul3A_978, %div3A_961 : vector<16xf32>
      %mul3A_980 = arith.mulf %mul3A_962, %add3A_976 : vector<16xf32>
      %add3A_981 = arith.constant 1.000000e+00 : f32
      %add3A_982 = vector.broadcast %add3A_981 : f32 to vector<16xf32>
      %add3A_983 = arith.addf %add3A_982, %mul3A_980 : vector<16xf32>
      %mul3A_984 = arith.mulf %mul3A_979, %add3A_983 : vector<16xf32>
      %min3A_985 = arith.constant 0.000000e+00 : f32
      %min3A_986 = vector.broadcast %min3A_985 : f32 to vector<16xf32>
      %min3A_987 = arith.minimumf %scan3A_951#0, %min3A_986 : vector<16xf32>
      %sub3A_988 = arith.subf %min3A_987, %mul3A_984 : vector<16xf32>
      %abs3A_989 = math.absf %scan3A_951#1 : vector<16xf32>
      %neg3A_990 = arith.constant 0.000000e+00 : f32
      %neg3A_991 = vector.broadcast %neg3A_990 : f32 to vector<16xf32>
      %neg3A_992 = arith.subf %neg3A_991, %abs3A_989 : vector<16xf32>
      %exp3A_993 = math.exp %neg3A_992 : vector<16xf32>
      %add3A_994 = arith.constant 2.000000e+00 : f32
      %add3A_995 = vector.broadcast %add3A_994 : f32 to vector<16xf32>
      %add3A_996 = arith.addf %add3A_995, %exp3A_993 : vector<16xf32>
      %div3A_997 = arith.divf %exp3A_993, %add3A_996 : vector<16xf32>
      %mul3A_998 = arith.mulf %div3A_997, %div3A_997 : vector<16xf32>
      %mul3A_999 = arith.constant 0.111111112 : f32
      %mul3A_1000 = vector.broadcast %mul3A_999 : f32 to vector<16xf32>
      %mul3A_1001 = arith.mulf %mul3A_998, %mul3A_1000 : vector<16xf32>
      %add3A_1002 = arith.constant 0.142857149 : f32
      %add3A_1003 = vector.broadcast %add3A_1002 : f32 to vector<16xf32>
      %add3A_1004 = arith.addf %add3A_1003, %mul3A_1001 : vector<16xf32>
      %mul3A_1005 = arith.mulf %mul3A_998, %add3A_1004 : vector<16xf32>
      %add3A_1006 = arith.constant 2.000000e-01 : f32
      %add3A_1007 = vector.broadcast %add3A_1006 : f32 to vector<16xf32>
      %add3A_1008 = arith.addf %add3A_1007, %mul3A_1005 : vector<16xf32>
      %mul3A_1009 = arith.mulf %mul3A_998, %add3A_1008 : vector<16xf32>
      %add3A_1010 = arith.constant 0.333333343 : f32
      %add3A_1011 = vector.broadcast %add3A_1010 : f32 to vector<16xf32>
      %add3A_1012 = arith.addf %add3A_1011, %mul3A_1009 : vector<16xf32>
      %mul3A_1013 = arith.constant 2.000000e+00 : f32
      %mul3A_1014 = vector.broadcast %mul3A_1013 : f32 to vector<16xf32>
      %mul3A_1015 = arith.mulf %mul3A_1014, %div3A_997 : vector<16xf32>
      %mul3A_1016 = arith.mulf %mul3A_998, %add3A_1012 : vector<16xf32>
      %add3A_1017 = arith.constant 1.000000e+00 : f32
      %add3A_1018 = vector.broadcast %add3A_1017 : f32 to vector<16xf32>
      %add3A_1019 = arith.addf %add3A_1018, %mul3A_1016 : vector<16xf32>
      %mul3A_1020 = arith.mulf %mul3A_1015, %add3A_1019 : vector<16xf32>
      %min3A_1021 = arith.constant 0.000000e+00 : f32
      %min3A_1022 = vector.broadcast %min3A_1021 : f32 to vector<16xf32>
      %min3A_1023 = arith.minimumf %scan3A_951#1, %min3A_1022 : vector<16xf32>
      %sub3A_1024 = arith.subf %min3A_1023, %mul3A_1020 : vector<16xf32>
      %add3A_1025 = arith.addf %sub3A_988, %sub3A_1024 : vector<16xf32>
      %abs3A_1026 = math.absf %scan3A_951#2 : vector<16xf32>
      %neg3A_1027 = arith.constant 0.000000e+00 : f32
      %neg3A_1028 = vector.broadcast %neg3A_1027 : f32 to vector<16xf32>
      %neg3A_1029 = arith.subf %neg3A_1028, %abs3A_1026 : vector<16xf32>
      %exp3A_1030 = math.exp %neg3A_1029 : vector<16xf32>
      %add3A_1031 = arith.constant 2.000000e+00 : f32
      %add3A_1032 = vector.broadcast %add3A_1031 : f32 to vector<16xf32>
      %add3A_1033 = arith.addf %add3A_1032, %exp3A_1030 : vector<16xf32>
      %div3A_1034 = arith.divf %exp3A_1030, %add3A_1033 : vector<16xf32>
      %mul3A_1035 = arith.mulf %div3A_1034, %div3A_1034 : vector<16xf32>
      %mul3A_1036 = arith.constant 0.111111112 : f32
      %mul3A_1037 = vector.broadcast %mul3A_1036 : f32 to vector<16xf32>
      %mul3A_1038 = arith.mulf %mul3A_1035, %mul3A_1037 : vector<16xf32>
      %add3A_1039 = arith.constant 0.142857149 : f32
      %add3A_1040 = vector.broadcast %add3A_1039 : f32 to vector<16xf32>
      %add3A_1041 = arith.addf %add3A_1040, %mul3A_1038 : vector<16xf32>
      %mul3A_1042 = arith.mulf %mul3A_1035, %add3A_1041 : vector<16xf32>
      %add3A_1043 = arith.constant 2.000000e-01 : f32
      %add3A_1044 = vector.broadcast %add3A_1043 : f32 to vector<16xf32>
      %add3A_1045 = arith.addf %add3A_1044, %mul3A_1042 : vector<16xf32>
      %mul3A_1046 = arith.mulf %mul3A_1035, %add3A_1045 : vector<16xf32>
      %add3A_1047 = arith.constant 0.333333343 : f32
      %add3A_1048 = vector.broadcast %add3A_1047 : f32 to vector<16xf32>
      %add3A_1049 = arith.addf %add3A_1048, %mul3A_1046 : vector<16xf32>
      %mul3A_1050 = arith.constant 2.000000e+00 : f32
      %mul3A_1051 = vector.broadcast %mul3A_1050 : f32 to vector<16xf32>
      %mul3A_1052 = arith.mulf %mul3A_1051, %div3A_1034 : vector<16xf32>
      %mul3A_1053 = arith.mulf %mul3A_1035, %add3A_1049 : vector<16xf32>
      %add3A_1054 = arith.constant 1.000000e+00 : f32
      %add3A_1055 = vector.broadcast %add3A_1054 : f32 to vector<16xf32>
      %add3A_1056 = arith.addf %add3A_1055, %mul3A_1053 : vector<16xf32>
      %mul3A_1057 = arith.mulf %mul3A_1052, %add3A_1056 : vector<16xf32>
      %min3A_1058 = arith.constant 0.000000e+00 : f32
      %min3A_1059 = vector.broadcast %min3A_1058 : f32 to vector<16xf32>
      %min3A_1060 = arith.minimumf %scan3A_951#2, %min3A_1059 : vector<16xf32>
      %sub3A_1061 = arith.subf %min3A_1060, %mul3A_1057 : vector<16xf32>
      %add3A_1062 = arith.addf %add3A_1025, %sub3A_1061 : vector<16xf32>
      %abs3A_1063 = math.absf %scan3A_951#3 : vector<16xf32>
      %neg3A_1064 = arith.constant 0.000000e+00 : f32
      %neg3A_1065 = vector.broadcast %neg3A_1064 : f32 to vector<16xf32>
      %neg3A_1066 = arith.subf %neg3A_1065, %abs3A_1063 : vector<16xf32>
      %exp3A_1067 = math.exp %neg3A_1066 : vector<16xf32>
      %add3A_1068 = arith.constant 2.000000e+00 : f32
      %add3A_1069 = vector.broadcast %add3A_1068 : f32 to vector<16xf32>
      %add3A_1070 = arith.addf %add3A_1069, %exp3A_1067 : vector<16xf32>
      %div3A_1071 = arith.divf %exp3A_1067, %add3A_1070 : vector<16xf32>
      %mul3A_1072 = arith.mulf %div3A_1071, %div3A_1071 : vector<16xf32>
      %mul3A_1073 = arith.constant 0.111111112 : f32
      %mul3A_1074 = vector.broadcast %mul3A_1073 : f32 to vector<16xf32>
      %mul3A_1075 = arith.mulf %mul3A_1072, %mul3A_1074 : vector<16xf32>
      %add3A_1076 = arith.constant 0.142857149 : f32
      %add3A_1077 = vector.broadcast %add3A_1076 : f32 to vector<16xf32>
      %add3A_1078 = arith.addf %add3A_1077, %mul3A_1075 : vector<16xf32>
      %mul3A_1079 = arith.mulf %mul3A_1072, %add3A_1078 : vector<16xf32>
      %add3A_1080 = arith.constant 2.000000e-01 : f32
      %add3A_1081 = vector.broadcast %add3A_1080 : f32 to vector<16xf32>
      %add3A_1082 = arith.addf %add3A_1081, %mul3A_1079 : vector<16xf32>
      %mul3A_1083 = arith.mulf %mul3A_1072, %add3A_1082 : vector<16xf32>
      %add3A_1084 = arith.constant 0.333333343 : f32
      %add3A_1085 = vector.broadcast %add3A_1084 : f32 to vector<16xf32>
      %add3A_1086 = arith.addf %add3A_1085, %mul3A_1083 : vector<16xf32>
      %mul3A_1087 = arith.constant 2.000000e+00 : f32
      %mul3A_1088 = vector.broadcast %mul3A_1087 : f32 to vector<16xf32>
      %mul3A_1089 = arith.mulf %mul3A_1088, %div3A_1071 : vector<16xf32>
      %mul3A_1090 = arith.mulf %mul3A_1072, %add3A_1086 : vector<16xf32>
      %add3A_1091 = arith.constant 1.000000e+00 : f32
      %add3A_1092 = vector.broadcast %add3A_1091 : f32 to vector<16xf32>
      %add3A_1093 = arith.addf %add3A_1092, %mul3A_1090 : vector<16xf32>
      %mul3A_1094 = arith.mulf %mul3A_1089, %add3A_1093 : vector<16xf32>
      %min3A_1095 = arith.constant 0.000000e+00 : f32
      %min3A_1096 = vector.broadcast %min3A_1095 : f32 to vector<16xf32>
      %min3A_1097 = arith.minimumf %scan3A_951#3, %min3A_1096 : vector<16xf32>
      %sub3A_1098 = arith.subf %min3A_1097, %mul3A_1094 : vector<16xf32>
      %add3A_1099 = arith.addf %add3A_1062, %sub3A_1098 : vector<16xf32>
      %abs3A_1100 = math.absf %scan3A_951#4 : vector<16xf32>
      %neg3A_1101 = arith.constant 0.000000e+00 : f32
      %neg3A_1102 = vector.broadcast %neg3A_1101 : f32 to vector<16xf32>
      %neg3A_1103 = arith.subf %neg3A_1102, %abs3A_1100 : vector<16xf32>
      %exp3A_1104 = math.exp %neg3A_1103 : vector<16xf32>
      %add3A_1105 = arith.constant 2.000000e+00 : f32
      %add3A_1106 = vector.broadcast %add3A_1105 : f32 to vector<16xf32>
      %add3A_1107 = arith.addf %add3A_1106, %exp3A_1104 : vector<16xf32>
      %div3A_1108 = arith.divf %exp3A_1104, %add3A_1107 : vector<16xf32>
      %mul3A_1109 = arith.mulf %div3A_1108, %div3A_1108 : vector<16xf32>
      %mul3A_1110 = arith.constant 0.111111112 : f32
      %mul3A_1111 = vector.broadcast %mul3A_1110 : f32 to vector<16xf32>
      %mul3A_1112 = arith.mulf %mul3A_1109, %mul3A_1111 : vector<16xf32>
      %add3A_1113 = arith.constant 0.142857149 : f32
      %add3A_1114 = vector.broadcast %add3A_1113 : f32 to vector<16xf32>
      %add3A_1115 = arith.addf %add3A_1114, %mul3A_1112 : vector<16xf32>
      %mul3A_1116 = arith.mulf %mul3A_1109, %add3A_1115 : vector<16xf32>
      %add3A_1117 = arith.constant 2.000000e-01 : f32
      %add3A_1118 = vector.broadcast %add3A_1117 : f32 to vector<16xf32>
      %add3A_1119 = arith.addf %add3A_1118, %mul3A_1116 : vector<16xf32>
      %mul3A_1120 = arith.mulf %mul3A_1109, %add3A_1119 : vector<16xf32>
      %add3A_1121 = arith.constant 0.333333343 : f32
      %add3A_1122 = vector.broadcast %add3A_1121 : f32 to vector<16xf32>
      %add3A_1123 = arith.addf %add3A_1122, %mul3A_1120 : vector<16xf32>
      %mul3A_1124 = arith.constant 2.000000e+00 : f32
      %mul3A_1125 = vector.broadcast %mul3A_1124 : f32 to vector<16xf32>
      %mul3A_1126 = arith.mulf %mul3A_1125, %div3A_1108 : vector<16xf32>
      %mul3A_1127 = arith.mulf %mul3A_1109, %add3A_1123 : vector<16xf32>
      %add3A_1128 = arith.constant 1.000000e+00 : f32
      %add3A_1129 = vector.broadcast %add3A_1128 : f32 to vector<16xf32>
      %add3A_1130 = arith.addf %add3A_1129, %mul3A_1127 : vector<16xf32>
      %mul3A_1131 = arith.mulf %mul3A_1126, %add3A_1130 : vector<16xf32>
      %min3A_1132 = arith.constant 0.000000e+00 : f32
      %min3A_1133 = vector.broadcast %min3A_1132 : f32 to vector<16xf32>
      %min3A_1134 = arith.minimumf %scan3A_951#4, %min3A_1133 : vector<16xf32>
      %sub3A_1135 = arith.subf %min3A_1134, %mul3A_1131 : vector<16xf32>
      %add3A_1136 = arith.addf %add3A_1099, %sub3A_1135 : vector<16xf32>
      %abs3A_1137 = math.absf %scan3A_951#5 : vector<16xf32>
      %neg3A_1138 = arith.constant 0.000000e+00 : f32
      %neg3A_1139 = vector.broadcast %neg3A_1138 : f32 to vector<16xf32>
      %neg3A_1140 = arith.subf %neg3A_1139, %abs3A_1137 : vector<16xf32>
      %exp3A_1141 = math.exp %neg3A_1140 : vector<16xf32>
      %add3A_1142 = arith.constant 2.000000e+00 : f32
      %add3A_1143 = vector.broadcast %add3A_1142 : f32 to vector<16xf32>
      %add3A_1144 = arith.addf %add3A_1143, %exp3A_1141 : vector<16xf32>
      %div3A_1145 = arith.divf %exp3A_1141, %add3A_1144 : vector<16xf32>
      %mul3A_1146 = arith.mulf %div3A_1145, %div3A_1145 : vector<16xf32>
      %mul3A_1147 = arith.constant 0.111111112 : f32
      %mul3A_1148 = vector.broadcast %mul3A_1147 : f32 to vector<16xf32>
      %mul3A_1149 = arith.mulf %mul3A_1146, %mul3A_1148 : vector<16xf32>
      %add3A_1150 = arith.constant 0.142857149 : f32
      %add3A_1151 = vector.broadcast %add3A_1150 : f32 to vector<16xf32>
      %add3A_1152 = arith.addf %add3A_1151, %mul3A_1149 : vector<16xf32>
      %mul3A_1153 = arith.mulf %mul3A_1146, %add3A_1152 : vector<16xf32>
      %add3A_1154 = arith.constant 2.000000e-01 : f32
      %add3A_1155 = vector.broadcast %add3A_1154 : f32 to vector<16xf32>
      %add3A_1156 = arith.addf %add3A_1155, %mul3A_1153 : vector<16xf32>
      %mul3A_1157 = arith.mulf %mul3A_1146, %add3A_1156 : vector<16xf32>
      %add3A_1158 = arith.constant 0.333333343 : f32
      %add3A_1159 = vector.broadcast %add3A_1158 : f32 to vector<16xf32>
      %add3A_1160 = arith.addf %add3A_1159, %mul3A_1157 : vector<16xf32>
      %mul3A_1161 = arith.constant 2.000000e+00 : f32
      %mul3A_1162 = vector.broadcast %mul3A_1161 : f32 to vector<16xf32>
      %mul3A_1163 = arith.mulf %mul3A_1162, %div3A_1145 : vector<16xf32>
      %mul3A_1164 = arith.mulf %mul3A_1146, %add3A_1160 : vector<16xf32>
      %add3A_1165 = arith.constant 1.000000e+00 : f32
      %add3A_1166 = vector.broadcast %add3A_1165 : f32 to vector<16xf32>
      %add3A_1167 = arith.addf %add3A_1166, %mul3A_1164 : vector<16xf32>
      %mul3A_1168 = arith.mulf %mul3A_1163, %add3A_1167 : vector<16xf32>
      %min3A_1169 = arith.constant 0.000000e+00 : f32
      %min3A_1170 = vector.broadcast %min3A_1169 : f32 to vector<16xf32>
      %min3A_1171 = arith.minimumf %scan3A_951#5, %min3A_1170 : vector<16xf32>
      %sub3A_1172 = arith.subf %min3A_1171, %mul3A_1168 : vector<16xf32>
      %add3A_1173 = arith.addf %add3A_1136, %sub3A_1172 : vector<16xf32>
      %add3A_1174 = arith.addf %add3A_922, %add3A_1173 : vector<16xf32>
      %lt3A_1175 = arith.constant 7 : i32
      %lt3A_1176 = arith.cmpi slt, %scan3A_180, %lt3A_1175 : i32
      %convert_element_type3A_1177 = arith.extui %lt3A_1176 : i1 to i32
      %cond3A_1178 = arith.constant 0 : i32
      %cond3A_1179 = arith.cmpi ne, %convert_element_type3A_1177, %cond3A_1178 : i32
      scf.if %cond3A_1179 {
        %add3A_1180 = arith.constant 4 : i32
        %add3A_1181 = arith.addi %add3A_931, %add3A_1180 : i32
        %mul3A_1182 = arith.constant 16 : i32
        %mul3A_1183 = arith.muli %add3A_1181, %mul3A_1182 : i32
        %get3A_1184 = arith.constant 0 : i32
        %get3A_1185 = arith.index_cast %get3A_1184 : i32 to index
        %get3A_1186 = arith.index_cast %mul3A_1183 : i32 to index
        %get3A_1187 = tpu.vector_load %arg10[%get3A_1185, %get3A_1186] {strides = array<i32>} : memref<5x512xi32, #tpu.memory_space<vmem>>, vector<16xi32>,
        %swap3A_1188 = arith.constant 0 : index
        %swap3A_1189 = tpu.vector_load %arg14[%swap3A_1188] {strides = array<i32>} : memref<80xi32, #tpu.memory_space<vmem>>, vector<16xi32>,
        tpu.vector_store %arg14[%swap3A_1188], %get3A_1187 {strides = array<i32>} : memref<80xi32, #tpu.memory_space<vmem>>, vector<16xi32>,
        %get3A_1190 = arith.constant 1 : i32
        %get3A_1191 = arith.index_cast %get3A_1190 : i32 to index
        %get3A_1192 = arith.index_cast %mul3A_1183 : i32 to index
        %get3A_1193 = tpu.vector_load %arg10[%get3A_1191, %get3A_1192] {strides = array<i32>} : memref<5x512xi32, #tpu.memory_space<vmem>>, vector<16xi32>,
        %swap3A_1194 = arith.constant 16 : index
        %swap3A_1195 = tpu.vector_load %arg14[%swap3A_1194] {strides = array<i32>} : memref<80xi32, #tpu.memory_space<vmem>>, vector<16xi32>,
        tpu.vector_store %arg14[%swap3A_1194], %get3A_1193 {strides = array<i32>} : memref<80xi32, #tpu.memory_space<vmem>>, vector<16xi32>,
        %get3A_1196 = arith.constant 2 : i32
        %get3A_1197 = arith.index_cast %get3A_1196 : i32 to index
        %get3A_1198 = arith.index_cast %mul3A_1183 : i32 to index
        %get3A_1199 = tpu.vector_load %arg10[%get3A_1197, %get3A_1198] {strides = array<i32>} : memref<5x512xi32, #tpu.memory_space<vmem>>, vector<16xi32>,
        %swap3A_1200 = arith.constant 32 : index
        %swap3A_1201 = tpu.vector_load %arg14[%swap3A_1200] {strides = array<i32>} : memref<80xi32, #tpu.memory_space<vmem>>, vector<16xi32>,
        tpu.vector_store %arg14[%swap3A_1200], %get3A_1199 {strides = array<i32>} : memref<80xi32, #tpu.memory_space<vmem>>, vector<16xi32>,
        %get3A_1202 = arith.constant 3 : i32
        %get3A_1203 = arith.index_cast %get3A_1202 : i32 to index
        %get3A_1204 = arith.index_cast %mul3A_1183 : i32 to index
        %get3A_1205 = tpu.vector_load %arg10[%get3A_1203, %get3A_1204] {strides = array<i32>} : memref<5x512xi32, #tpu.memory_space<vmem>>, vector<16xi32>,
        %swap3A_1206 = arith.constant 48 : index
        %swap3A_1207 = tpu.vector_load %arg14[%swap3A_1206] {strides = array<i32>} : memref<80xi32, #tpu.memory_space<vmem>>, vector<16xi32>,
        tpu.vector_store %arg14[%swap3A_1206], %get3A_1205 {strides = array<i32>} : memref<80xi32, #tpu.memory_space<vmem>>, vector<16xi32>,
        %get3A_1208 = arith.constant 4 : i32
        %get3A_1209 = arith.index_cast %get3A_1208 : i32 to index
        %get3A_1210 = arith.index_cast %mul3A_1183 : i32 to index
        %get3A_1211 = tpu.vector_load %arg10[%get3A_1209, %get3A_1210] {strides = array<i32>} : memref<5x512xi32, #tpu.memory_space<vmem>>, vector<16xi32>,
        %swap3A_1212 = arith.constant 64 : index
        %swap3A_1213 = tpu.vector_load %arg14[%swap3A_1212] {strides = array<i32>} : memref<80xi32, #tpu.memory_space<vmem>>, vector<16xi32>,
        tpu.vector_store %arg14[%swap3A_1212], %get3A_1211 {strides = array<i32>} : memref<80xi32, #tpu.memory_space<vmem>>, vector<16xi32>,
        %mul3A_1214 = arith.constant 16 : i32
        %mul3A_1215 = arith.muli %add3A_1181, %mul3A_1214 : i32
        %dma_start3A_1216 = tpu.memref_slice %arg8[%mul3A_1215] : memref<512xi32, #tpu.memory_space<vmem>> -> memref<16xi32, #tpu.memory_space<vmem>>
        %dma_start3A_1217 = arith.constant 0 : i32
        %dma_start3A_1218 = arith.constant 0 : i32
        %dma_start3A_1219 = tpu.memref_slice %arg5[%dma_start3A_1217, %dma_start3A_1218] : memref<1000000x128xf32, #tpu.memory_space<hbm>> -> memref<1000000x128xf32, #tpu.memory_space<hbm>>
        tpu.enqueue_indirect_dma source(%dma_start3A_1219 : memref<1000000x128xf32, #tpu.memory_space<hbm>>) target(%arg18 : memref<16x128xf32, #tpu.memory_space<vmem>>) offsets(%dma_start3A_1216 : memref<16xi32, #tpu.memory_space<vmem>>) semaphore(%arg31 : memref<!tpu.dma_semaphore, #tpu.memory_space<semaphore_mem>>)
        %dma_start3A_1220 = tpu.memref_slice %arg9[%mul3A_1215] : memref<512xi32, #tpu.memory_space<vmem>> -> memref<16xi32, #tpu.memory_space<vmem>>
        %dma_start3A_1221 = arith.constant 0 : i32
        %dma_start3A_1222 = arith.constant 0 : i32
        %dma_start3A_1223 = tpu.memref_slice %arg6[%dma_start3A_1221, %dma_start3A_1222] : memref<1000000x128xf32, #tpu.memory_space<hbm>> -> memref<1000000x128xf32, #tpu.memory_space<hbm>>
        tpu.enqueue_indirect_dma source(%dma_start3A_1223 : memref<1000000x128xf32, #tpu.memory_space<hbm>>) target(%arg22 : memref<16x128xf32, #tpu.memory_space<vmem>>) offsets(%dma_start3A_1220 : memref<16xi32, #tpu.memory_space<vmem>>) semaphore(%arg31 : memref<!tpu.dma_semaphore, #tpu.memory_space<semaphore_mem>>)
        %dma_start3A_1224 = arith.constant 0 : i32
        %dma_start3A_1225 = arith.constant 0 : i32
        %dma_start3A_1226 = tpu.memref_slice %arg6[%dma_start3A_1224, %dma_start3A_1225] : memref<1000000x128xf32, #tpu.memory_space<hbm>> -> memref<1000000x128xf32, #tpu.memory_space<hbm>>
        tpu.enqueue_indirect_dma source(%dma_start3A_1226 : memref<1000000x128xf32, #tpu.memory_space<hbm>>) target(%arg26 : memref<80x128xf32, #tpu.memory_space<vmem>>) offsets(%arg14 : memref<80xi32, #tpu.memory_space<vmem>>) semaphore(%arg31 : memref<!tpu.dma_semaphore, #tpu.memory_space<semaphore_mem>>)
      } else {
      }
      scf.yield %add3A_1174 : vector<16xf32>
    }
    %scan3A_177 = arith.constant 8 : i32
    %swap3A_178 = arith.constant 0 : index
    %swap3A_179 = tpu.vector_load %arg27[%swap3A_178] {strides = array<i32>} : memref<16xf32, #tpu.memory_space<vmem>>, vector<16xf32>,
    tpu.vector_store %arg27[%swap3A_178], %scan3A_176 {strides = array<i32>} : memref<16xf32, #tpu.memory_space<vmem>>, vector<16xf32>,
    "tpu.region"() ({
      %run_scoped3A = tpu.sem_alloc : memref<!tpu.dma_semaphore, #tpu.memory_space<semaphore_mem>>
      %dma_start3A_180 = arith.constant 0 : i32
      %dma_start3A_181 = tpu.memref_slice %arg7[%add3A, %dma_start3A_180] : memref<32x16xf32, #tpu.memory_space<hbm>> -> memref<1x16xf32, #tpu.memory_space<hbm>>
      %dma_start3A_182 = tpu.memref_squeeze %dma_start3A_181 : memref<1x16xf32, #tpu.memory_space<hbm>> -> memref<16xf32, #tpu.memory_space<hbm>>
      %dma_start3A_183 = arith.constant 0 : i32
      %dma_start3A_184 = tpu.memref_slice %arg7[%add3A, %dma_start3A_183] : memref<32x16xf32, #tpu.memory_space<hbm>> -> memref<1x16xf32, #tpu.memory_space<hbm>>
      %dma_start3A_185 = tpu.memref_squeeze %dma_start3A_184 : memref<1x16xf32, #tpu.memory_space<hbm>> -> memref<16xf32, #tpu.memory_space<hbm>>
      tpu.enqueue_dma source(%arg27 : memref<16xf32, #tpu.memory_space<vmem>>) target(%dma_start3A_185 : memref<16xf32, #tpu.memory_space<hbm>>) target_semaphore(%run_scoped3A : memref<!tpu.dma_semaphore, #tpu.memory_space<semaphore_mem>>)
      %dma_wait3A = arith.constant 0 : i32
      %dma_wait3A_186 = tpu.memref_slice %arg7[%add3A, %dma_wait3A] : memref<32x16xf32, #tpu.memory_space<hbm>> -> memref<1x16xf32, #tpu.memory_space<hbm>>
      %dma_wait3A_187 = tpu.memref_squeeze %dma_wait3A_186 : memref<1x16xf32, #tpu.memory_space<hbm>> -> memref<16xf32, #tpu.memory_space<hbm>>
      %dma_wait3A_188 = arith.constant 0 : i32
      %dma_wait3A_189 = tpu.memref_slice %arg7[%add3A, %dma_wait3A_188] : memref<32x16xf32, #tpu.memory_space<hbm>> -> memref<1x16xf32, #tpu.memory_space<hbm>>
      %dma_wait3A_190 = tpu.memref_squeeze %dma_wait3A_189 : memref<1x16xf32, #tpu.memory_space<hbm>> -> memref<16xf32, #tpu.memory_space<hbm>>
      tpu.wait_dma2 semaphore(%run_scoped3A : memref<!tpu.dma_semaphore, #tpu.memory_space<semaphore_mem>>) src(%arg27 : memref<16xf32, #tpu.memory_space<vmem>>) dst(%dma_wait3A_190 : memref<16xf32, #tpu.memory_space<hbm>>)
      tpu.yield
    }) : () -> ()
    return
  }
}

module attributes {stable_mosaic.version = 14 : i64} {
  func.func @body(%arg0: memref<32x16xf32, #tpu.memory_space<vmem>>, %arg1: memref<1x1xf32, #tpu.memory_space<vmem>>) attributes {dimension_semantics = [], scalar_prefetch = 0 : i64, scratch_operands = 0 : i64, tpu.core_type = #tpu.core_type<tc>} {
    %get3A = arith.constant 0 : index
    %get3A_0 = arith.constant 0 : index
    %get3A_1 = vector.load %arg0[%get3A, %get3A_0] : memref<32x16xf32, #tpu.memory_space<vmem>>, vector<32x16xf32>
    %reduce_sum3A = vector.shape_cast %get3A_1 : vector<32x16xf32> to vector<1x32x16xf32>
    %reduce_sum3A_2 = arith.constant dense<0.000000e+00> : vector<1xf32>
    %reduce_sum3A_3 = vector.multi_reduction <add>, %reduce_sum3A, %reduce_sum3A_2 [1, 2] : vector<1x32x16xf32> to vector<1xf32>
    %reduce_sum3A_4 = vector.shape_cast %reduce_sum3A_3 : vector<1xf32> to vector<1x1x1xf32>
    %reduce_sum3A_5 = vector.extract %reduce_sum3A_4[0, 0, 0] : f32 from vector<1x1x1xf32>
    %neg3A = arith.constant 0.000000e+00 : f32
    %neg3A_6 = arith.subf %neg3A, %reduce_sum3A_5 : f32
    %broadcast_in_dim3A = vector.broadcast %neg3A_6 : f32 to vector<1x1xf32>
    %swap3A = arith.constant 0 : index
    %swap3A_7 = arith.constant 0 : index
    %swap3A_8 = vector.load %arg1[%swap3A, %swap3A_7] : memref<1x1xf32, #tpu.memory_space<vmem>>, vector<1x1xf32>
    tpu.vector_store %arg1[%swap3A, %swap3A_7], %broadcast_in_dim3A {strides = array<i32>} : memref<1x1xf32, #tpu.memory_space<vmem>>, vector<1x1xf32>,
    return
  }
}

</mosaic_0001>

<sc_bundles>
// kernel: kernel.4.cloned.1.call-start
scs
__scs_entry_jumppad:
0x0: {  	(pc) =	sbr.rel $0x88, $3  }
0x1: {  	(tag) =	ssettag $0x0;
	lr =	simm.s32 $0x1  }
0x2: {  	[smem:$0x3F9C] =	sst lr;
	_ =	strace $0xD0000000  }
0x3: {  	_ = 	snop  }
0x4: {  	_ = 	snop  }
0x5: {  	_ = 	snop  }
0x6: {  	_ = 	snop  }
0x7: {  	_ = 	snop  }
__scs_overlays_trampoline_lowered:
0x8: {  	[smem:$0x3FAB] =	sst s0  }
0x9: {  	[smem:$0x3FAC] =	sst s1  }
0xa: {  	[smem:$0x3FAD] =	sst s2  }
0xb: {  	[smem:$0x3FAE] =	sst s3  }
0xc: {  	[smem:$0x3FAF] =	sst s4  }
0xd: {  	[smem:$0x3FB0] =	sst s5  }
0xe: {  	[smem:$0x3FB1] =	sst s6  }
0xf: {  	[smem:$0x3FB2] =	sst s7  }
0x10: {  	[smem:$0x3FB3] =	sst s8  }
0x11: {  	[smem:$0x3FB4] =	sst s9;
	s0 =	simm.s32 @!p0 $0x0  }
0x12: {  	s1 =	sld [smem:$0x3F9A];
	s0 =	simm.s32 @p0 $0x1  }
0x13: {  	[smem:$0x3FB5] =	sst s0;
	s0 =	simm.s32 @!p1 $0x0  }
0x14: {  	s2 =	sld [smem:$0x3F99];
	s0 =	simm.s32 @p1 $0x1  }
0x15: {  	[smem:$0x3FB6] =	sst s0;
	s0 =	simm.s32 @!p2 $0x0  }
0x16: {  	s3 =	sld [smem:$0x3FDB];
	s0 =	simm.s32 @p2 $0x1  }
0x17: {  	s4 =	simm.s32 $0x1BF5;
	[smem:$0x3FB8] =	sst s0  }
0x18: {  	s0 =	sld [smem:$0x3F9B];
	_ =	swait.ge [sflag:s4], $0x0  }
0x19: {  	s7 =	sld [smem:$0x3F9C]  }
0x1a: {  	s8 =	sadd.s32 $0xFFFFE003, lr  }
0x1b: {  	s9 =	sadd.s32 $0xFFFFFEF7, lr;
	s5 =	simm.s32 $0xFFFFFFFF;
	p2 =	slt.u32 s8, $0xFFFFF086  }
0x1c: {  	p1 =	slt.u32 s9, $0xF7A;
	s5 =	simm.s32 @!p2 $0x0  }
0x1d: {  	s5 =	simm.s32 @p1 $0x1;
	p0 =	seq.s32 s7, s2  }
0x1e: {  	s7 =	smul.u32 @!p0 $0xF7A, s2;
	p2 =	seq.s32 @!p0 s5, $0x0  }
0x1f: {  	s9 =	smul.u32 $0xF7A, s1;
	s8 =	simm.s32 @!p0 $0x1BF5;
	p2 =	por !p2, p0  }
0x20: {  	[sflag:s8] =	ssyncset.s32 @!p0 $0xFFFFF086;
	s6 =	sadd.s32 @!p0 s3, s7;
	s7 =	simm.s32 @!p0 $0x108  }
0x21: {  	s3 =	sadd.s32 s3, s9;
	s6 =	sadd.s32 @!p0 $0x88, s6;
	s7 =	simm.s32 @p2 $0x1082  }
0x22: {  	[simem:s7], [sflag:s8] =	dma.local @!p0 [hbm:s6], $0xF7A  }
0x23: {  	s9 =	sor.u32 $0xD0000000, s2;
	s6 =	simm.s32 $0x108;
	_ =	swait.ge @!p0 [sflag:s8], $0x0  }
0x24: {  	s3 =	sadd.s32 $0x88, s3;
	s6 =	simm.s32 @!p1 $0x1082;
	[sflag:s4] =	ssyncset.s32 $0xFFFFF086  }
0x25: {  	[simem:s6], [sflag:s4] =	dma.local [hbm:s3], $0xF7A  }
0x26: {  	[smem:$0x3F9C] =	sst s1;
	(tag) =	ssettag s2;
	_ =	strace s9  }
0x27: {  	s1 =	sld [smem:$0x3FAC]  }
0x28: {  	s2 =	sld [smem:$0x3FAD]  }
0x29: {  	s4 =	sld [smem:$0x3FAF]  }
0x2a: {  	p0 =	seq.s32 s5, $0x0;
	s5 =	sld [smem:$0x3FB0]  }
0x2b: {  	s6 =	sld [smem:$0x3FB1]  }
0x2c: {  	s7 =	sld [smem:$0x3FB2]  }
0x2d: {  	s3 =	simm.s32 $0x108;
	s8 =	sld [smem:$0x3FB3]  }
0x2e: {  	s3 =	simm.s32 @!p0 $0x1082;
	s9 =	sld [smem:$0x3FB4]  }
0x2f: {  	lr =	sadd.s32 s0, s3;
	s0 =	sld [smem:$0x3FAB]  }
0x30: {  	s3 =	sld [smem:$0x3FAE]  }
0x31: {  	[smem:$0x3FB7] =	sst s10  }
0x32: {  	s10 =	sld [smem:$0x3FB5];
	_ =	sdelay $0x3  }
0x33: {  	p0 =	seq.s32 s10, $0x1;
	s10 =	sld [smem:$0x3FB7];
	_ =	sdelay $0x3  }
0x34: {  	[smem:$0x3FB7] =	sst s10  }
0x35: {  	s10 =	sld [smem:$0x3FB6];
	_ =	sdelay $0x3  }
0x36: {  	p1 =	seq.s32 s10, $0x1;
	s10 =	sld [smem:$0x3FB7];
	_ =	sdelay $0x3  }
0x37: {  	[smem:$0x3FB7] =	sst s10  }
0x38: {  	s10 =	sld [smem:$0x3FB8]  }
0x39: {  	_ = 	snop;
	(pc) =	sbr.ind lr, $3  }
0x3a: {  	_ = 	snop  }
0x3b: {  	_ = 	snop  }
0x3c: {  	p2 =	seq.s32 s10, $0x1;
	s10 =	sld [smem:$0x3FB7]  }
0x3d: {  	_ =	shalt  }
0x3e: {  	_ =	shalt  }
0x3f: {  	_ =	shalt  }
0x40: {  	_ =	shalt  }
0x41: {  	_ =	shalt  }
0x42: {  	_ =	shalt  }
0x43: {  	_ =	shalt  }
0x44: {  	_ =	shalt  }
0x45: {  	_ =	shalt  }
0x46: {  	_ =	shalt  }
0x47: {  	_ =	shalt  }
0x48: {  	_ =	shalt  }
0x49: {  	_ =	shalt  }
0x4a: {  	_ =	shalt  }
0x4b: {  	_ =	shalt  }
0x4c: {  	_ =	shalt  }
0x4d: {  	_ =	shalt  }
0x4e: {  	_ =	shalt  }
0x4f: {  	_ =	shalt  }
0x50: {  	_ =	shalt  }
0x51: {  	_ =	shalt  }
0x52: {  	_ =	shalt  }
0x53: {  	_ =	shalt  }
0x54: {  	_ =	shalt  }
0x55: {  	_ =	shalt  }
0x56: {  	_ =	shalt  }
0x57: {  	_ =	shalt  }
0x58: {  	_ =	shalt  }
0x59: {  	_ =	shalt  }
0x5a: {  	_ =	shalt  }
0x5b: {  	_ =	shalt  }
0x5c: {  	_ =	shalt  }
0x5d: {  	_ =	shalt  }
0x5e: {  	_ =	shalt  }
0x5f: {  	_ =	shalt  }
0x60: {  	_ =	shalt  }
0x61: {  	_ =	shalt  }
0x62: {  	_ =	shalt  }
0x63: {  	_ =	shalt  }
0x64: {  	_ =	shalt  }
0x65: {  	_ =	shalt  }
0x66: {  	_ =	shalt  }
0x67: {  	_ =	shalt  }
0x68: {  	_ =	shalt  }
0x69: {  	_ =	shalt  }
0x6a: {  	_ =	shalt  }
0x6b: {  	_ =	shalt  }
0x6c: {  	_ =	shalt  }
0x6d: {  	_ =	shalt  }
0x6e: {  	_ =	shalt  }
0x6f: {  	_ =	shalt  }
0x70: {  	_ =	shalt  }
0x71: {  	_ =	shalt  }
0x72: {  	_ =	shalt  }
0x73: {  	_ =	shalt  }
0x74: {  	_ =	shalt  }
0x75: {  	_ =	shalt  }
0x76: {  	_ =	shalt  }
0x77: {  	_ =	shalt  }
0x78: {  	_ =	shalt  }
0x79: {  	_ =	shalt  }
0x7a: {  	_ =	shalt  }
0x7b: {  	_ =	shalt  }
0x7c: {  	_ =	shalt  }
0x7d: {  	_ =	shalt  }
0x7e: {  	_ =	shalt  }
0x7f: {  	_ =	shalt  }
0x80: {  	_ =	shalt  }
0x81: {  	_ =	shalt  }
0x82: {  	_ =	shalt  }
0x83: {  	_ =	shalt  }
0x84: {  	_ =	shalt  }
0x85: {  	_ =	shalt  }
0x86: {  	_ =	shalt  }
0x87: {  	_ =	shalt  }
.Lfunc_end0:
.L_simem_size_0:
called_computation_lowered:
.L_overlay_start_0:
0x88: {  	s2 =	sld [smem:$0x3FD9]  }
0x89: {  	s3 =	sld [smem:$0x3FFE];
	_ =	sdelay $0x1  }
0x8a: {  	s1 =	srdreg.scid  }
0x8b: {  	s0 =	sand.u32 $0x1, s1  }
0x8c: {  	s17 =	sshll.u32 s0, $0xA;
	s2 =	sadd.s32 s3, s2  }
0x8d: {  	s2 =	sadd.s32 s2, s17  }
0x8e: {  	[smem:$0x3FC3] =	sst s2  }
0x8f: {  	_ = 	snop  }
0x90: {  	s2 =	sld [smem:$0x3FC9]  }
0x91: {  	s18 =	sld [smem:$0x3FC8]  }
0x92: {  	s4 =	sld [smem:$0x3FC7]  }
0x93: {  	s5 =	sld [smem:$0x3FC6]  }
0x94: {  	s6 =	sld [smem:$0x3FC5];
	(tm) =	ssettm $0x1  }
0x95: {  	s7 =	sld [smem:$0x3FFB];
	_ =	sdelay $0x3  }
0x96: {  	_ =	strace s7  }
0x97: {  	s7 =	sld [smem:$0x3FFC];
	_ =	sdelay $0x3  }
0x98: {  	_ =	strace s7  }
0x99: {  	s7 =	sld [smem:$0x3FFD];
	_ =	sdelay $0x3  }
0x9a: {  	_ =	strace s7  }
0x9b: {  	_ =	strace $0x8FFFFFFF  }
0x9c: {  	s19 =	sld [smem:$0x3FDB];
	_ =	sdelay $0x1  }
0x9d: {  	s8 =	simm.s32 $_scs_section_size  }
0x9e: {  	s9 =	simm.s32 $_size__tile_overlayer_lowered;
	s10 =	simm.s32 $_tile_overlayer_lowered  }
0x9f: {  	s22 =	simm.s32 $0x1BFF;
	s21 =	sshll.u32 s10, $0x1;
	s7 =	sadd.s32 s8, s19  }
0xa0: {  	s11 =	simm.s32 $0x0;
	s20 =	sshll.u32 s9, $0x1;
	s9 =	sadd.s32 s21, s7  }
0xa1: {  	[timem:s11], [sflag:s22] =	dma.local [hbm:s9], s20  }
0xa2: {  	_ =	swait.ge [sflag:s22], s20  }
0xa3: {  	s8 =	ssub.s32 $0x0, s20;
	[sflag:s22] =	ssyncset.done $0x0  }
0xa4: {  	[sflag:s22] =	ssyncadd.s32 s8;
	_ =	sdelay $0x1  }
0xa5: {  	s23 =	simm.s32 $0x1B8B  }
0xa6: {  	_ =	swait.ge [sflag:s23], $0x1  }
0xa7: {  	[sflag:s23] =	ssyncset.done $0x0  }
0xa8: {  	s25 =	simm.s32 $0x1B8E;
	s24 =	sld [smem:$0x3FFE];
	[sflag:s23] =	ssyncadd.s32 $0xFFFFFFFF  }
0xa9: {  	s26 =	simm.s32 $execute0_lowered;
	[smem:$0x3FD2] =	sst s25  }
0xaa: {  	s9 =	sshll.u32 s26, $0x1;
	_ =	strace $0x80000046;
	[dreg:$0x1] =	wrdreg $0xFFFFFFFF  }
0xab: {  	s28 =	simm.s32 $_size_execute0_lowered;
	s7 =	sadd.s32 s7, s9;
	[dreg:$0x0] =	wrdreg $0x0  }
0xac: {  	s9 =	sshll.u32 s28, $0x1;
	[dreg:$0x2] =	wrdreg s7  }
0xad: {  	[dreg:$0x3] =	wrdreg s9  }
0xae: {  	[dreg:$0x4] =	wrdreg $0xC0  }
0xaf: {  	_ =	task [dreg:s11], $0x5FFFF  }
0xb0: {  	[dreg:$0x1] =	wrdreg $0xFFFFFFFF  }
0xb1: {  	[dreg:$0x0] =	wrdreg $0x60  }
0xb2: {  	[dreg:$0x2] =	wrdreg s2  }
0xb3: {  	[dreg:$0x3] =	wrdreg s18  }
0xb4: {  	[dreg:$0x4] =	wrdreg s4  }
0xb5: {  	[dreg:$0x5] =	wrdreg s5  }
0xb6: {  	[dreg:$0x6] =	wrdreg s6  }
0xb7: {  	[dreg:$0x7] =	wrdreg s24  }
0xb8: {  	[dreg:$0x8] =	wrdreg $0x9  }
0xb9: {  	_ =	task.clear_ibuf [dreg:s11], $0x9FFFF;
	_ =	strace $0x90000046  }
0xba: {  	s29 =	simm.s32 $0x9;
	_ =	strace $0x80000048  }
0xbb: {  	_ =	swait.ge [sflag:s29], $0x1  }
0xbc: {  	[sflag:s29] =	ssyncadd.s32 $0xFFFFFFFF  }
0xbd: {  	_ =	strace $0x90000048  }
0xbe: {  	_ =	sfence  }
0xbf: {  	s30 =	sld [smem:$0x0];
	_ =	sdelay $0x2  }
0xc0: {  	s31 =	sshll.u32 s1, $0xD;
	s1 =	sshrl.u32 s1, $0x2  }
0xc1: {  	s3 =	sand.u32 $0x4000, s31;
	s1 =	sadd.s32 s1, s30  }
0xc2: {  	s0 =	sor.u32 s3, s0;
	s1 =	sshll.u32 s1, $0x11  }
0xc3: {  	s0 =	sor.u32 s1, s0  }
0xc4: {  	s0 =	sadd.s32 $0x8F2B, s0  }
0xc5: {  	[sflag:s0] =	ssyncadd.remote.s32 $0x1  }
0xc6: {  	_ =	sfence.sel $0xFFFF  }
0xc7: {  	[dreg:$0x0] =	wrdreg $0xFFFFFFFF;
	(pc) =	sbr.abs _section_cstart, $3  }
0xc8: {  	[dreg:$0x1] =	wrdreg $0xFFFFFFFF  }
0xc9: {  	_ =	task.clear_ibuf [dreg:s11], $0x2FFFF;
	_ =	strace $0x9FFFFFFF  }
0xca: {  	(tm) =	ssettm $0x7FFFFFFF  }
0xcb: {  	_ =	shalt  }
tec
execute0_lowered:
.L_overlay_start_1:
0x0: {  	(tag) =	ssettag $0x1  }
0x1: {  	s0 =	rddreg [dreg:$0x0]  }
0x2: {  	s2 =	rddreg [dreg:$0x1]  }
0x3: {  	s7 =	rddreg [dreg:$0x2]  }
0x4: {  	s1 =	rddreg [dreg:$0x3]  }
0x5: {  	s3 =	rddreg [dreg:$0x4]  }
0x6: {  	s5 =	rddreg [dreg:$0x5]  }
0x7: {  	s6 =	srdreg.scid;
	s8 =	stileid.u32  }
0x8: {  	s4 =	simm.s32 $0x0;
	s13 =	simm.s32 $0x10;
	s16 =	simm.s32 $0x50  }
0x9: {  	s12 =	simm.s32 $0x4E00;
	s14 =	simm.s32 $0x1580;
	s15 =	simm.s32 $0xCE00  }
0xa: {  	s17 =	simm.s32 $0x1;
	s18 =	simm.s32 $0x2;
	s19 =	simm.s32 $0x3  }
0xb: {  	s20 =	simm.s32 $0x4;
	s21 =	simm.s32 $0xF600;
	s22 =	simm.s32 $0x0  }
0xc: {  	s6 =	sand.u32 $0x1, s6;
	s8 =	sshll.u32 s8, $0x1;
	[smem:$0x7FF] =	sst s4  }
0xd: {  	s8 =	sor.u32 s6, s8;
	_ =	strace $0x80000047;
	s6 =	ssub.s32 $0x2, s6  }
.Ltmp0:
0xe: {  	s9 =	sshll.u32 s8, $0x4;
	s31 =	sshrl.u32 s6, $0x1;
	(pc) =	sbr.rel .LBB2_1-.Ltmp0, $4  }
0xf: {  	s10 =	sshll.u32 s8, $0x6;
	s8 =	sshll.u32 s8, $0x9;
	s9 =	sadd.s32 s9, s5  }
0x10: {  	s11 =	ssub.s32 s6, s31;
	s5 =	sadd.s32 s0, s10;
	s6 =	sadd.s32 s2, s10  }
0x11: {  	s7 =	sadd.s32 s7, s8;
	s10 =	simm.s32 $0x5;
	s0 =	simm.s32 $0x2E00  }
0x12: {  	v0 =	vlaneseq.u32;
	s8 =	sadd.s32 $0x600, s9;
	s9 =	smax.u32 s11, $0x1;
	s11 =	simm.s32 $0x200  }
.LBB2_12:
0x13: {  	s22 =	sadd.s32 $0x1, s22  }
0x14: {  	p0 =	sne.s32 s22, s9  }
.Ltmp1:
0x15: {  	[tilespmem:$0xF600] =	vst v2;
	(pc) =	sbr.rel @!p0 .LBB2_13-.Ltmp1, $4  }
0x16: {  	[hbm4b:s8+s4] =	stream.linear.scatter [tilespmem:s21], [sflag:$0x5], $0x80, $0x38;
	[tilespmem:$0xF680] =	vst v63  }
0x17: {  	_ =	swait.ge [sflag:s10], $0x80  }
0x18: {  	[sflag:s10] =	ssyncset.done $0x0  }
0x19: {  	[sflag:s10] =	ssyncadd.s32 $0xFFFFFF80  }
.LBB2_1:
0x1a: {  	[tilespmem:s4], [sflag:$0x5] =	stream.linear.gather [hbm4b:s5+s4], $0x200, $0x38;
	[tilespmem:$0xF680] =	vst v63  }
0x1b: {  	_ =	swait.ge [sflag:s10], $0x200  }
0x1c: {  	[sflag:s10] =	ssyncset.done $0x0  }
0x1d: {  	[sflag:s10] =	ssyncadd.s32 $0xFFFFFE00  }
0x1e: {  	[tilespmem:s11], [sflag:$0x5] =	stream.linear.gather [hbm4b:s6+s4], $0x200, $0x38;
	[tilespmem:$0xF680] =	vst v63  }
0x1f: {  	_ =	swait.ge [sflag:s10], $0x200  }
0x20: {  	[sflag:s10] =	ssyncset.done $0x0  }
0x21: {  	s2 =	simm.s32 $0x400;
	[sflag:s10] =	ssyncadd.s32 $0xFFFFFE00  }
0x22: {  	[tilespmem:s2], [sflag:$0x5] =	stream.linear.gather [hbm4b:s7+s4], $0x1000, $0x38;
	[tilespmem:$0xF680] =	vst v63  }
0x23: {  	_ =	swait.ge [sflag:s10], $0x1000  }
0x24: {  	[sflag:s10] =	ssyncset.done $0x0  }
0x25: {  	[sflag:s10] =	ssyncadd.s32 $0xFFFFF000  }
0x26: {  	v1 =	vld [tilespmem:$0x400]  }
0x27: {  	v2 =	vld [tilespmem:$0x480]  }
0x28: {  	v3 =	vld [tilespmem:$0x500]  }
0x29: {  	v4 =	vld [tilespmem:$0x580]  }
0x2a: {  	v5 =	vld [tilespmem:$0x600]  }
0x2b: {  	[tilespmem:$0x1400] =	vst v1  }
0x2c: {  	[tilespmem:$0x1410] =	vst v2  }
0x2d: {  	[tilespmem:$0x1420] =	vst v3  }
0x2e: {  	[tilespmem:$0x1430] =	vst v4  }
0x2f: {  	s23 =	simm.s32 $0x1600;
	[tilespmem:$0x1440] =	vst v5  }
0x30: {  	[tilespmem:s23], [sflag:$0x1] =	stream.indirect.gather [hbm4b:s1+s13], $0x80, s4, s13, $0xb8;
	[tilespmem:$0xF680] =	vst v63  }
0x31: {  	s24 =	simm.s32 $0x3600  }
0x32: {  	[tilespmem:s24], [sflag:$0x1] =	stream.indirect.gather [hbm4b:s3+s13], $0x80, s11, s13, $0xb8;
	[tilespmem:$0xF680] =	vst v63  }
0x33: {  	s25 =	simm.s32 $0x1400;
	s23 =	simm.s32 $0x5600  }
0x34: {  	[tilespmem:s23], [sflag:$0x1] =	stream.indirect.gather [hbm4b:s3+s16], $0x80, s25, s16, $0xb8;
	[tilespmem:$0xF680] =	vst v63  }
0x35: {  	v1 =	vld [tilespmem:$0x410]  }
0x36: {  	v2 =	vld [tilespmem:$0x490]  }
0x37: {  	v3 =	vld [tilespmem:$0x510]  }
0x38: {  	v58 =	vld [tilespmem:$0x590]  }
0x39: {  	v59 =	vld [tilespmem:$0x610]  }
0x3a: {  	[tilespmem:$0x1480] =	vst v1  }
0x3b: {  	[tilespmem:$0x1490] =	vst v2  }
0x3c: {  	[tilespmem:$0x14A0] =	vst v3  }
0x3d: {  	[tilespmem:$0x14B0] =	vst v58  }
0x3e: {  	s26 =	simm.s32 $0x1E00;
	[tilespmem:$0x14C0] =	vst v59  }
0x3f: {  	[tilespmem:s26], [sflag:$0x2] =	stream.indirect.gather [hbm4b:s1+s13], $0x80, s13, s13, $0xb8;
	[tilespmem:$0xF680] =	vst v63  }
0x40: {  	s28 =	simm.s32 $0x210;
	s29 =	simm.s32 $0x3E00  }
0x41: {  	[tilespmem:s29], [sflag:$0x2] =	stream.indirect.gather [hbm4b:s3+s13], $0x80, s28, s13, $0xb8;
	[tilespmem:$0xF680] =	vst v63  }
0x42: {  	s30 =	simm.s32 $0x1480;
	s31 =	simm.s32 $0x7E00  }
0x43: {  	[tilespmem:s31], [sflag:$0x2] =	stream.indirect.gather [hbm4b:s3+s16], $0x80, s30, s16, $0xb8;
	[tilespmem:$0xF680] =	vst v63  }
0x44: {  	v1 =	vld [tilespmem:$0x420]  }
0x45: {  	v2 =	vld [tilespmem:$0x4A0]  }
0x46: {  	v3 =	vld [tilespmem:$0x520]  }
0x47: {  	v60 =	vld [tilespmem:$0x5A0]  }
0x48: {  	v61 =	vld [tilespmem:$0x620]  }
0x49: {  	[tilespmem:$0x1500] =	vst v1  }
0x4a: {  	[tilespmem:$0x1510] =	vst v2  }
0x4b: {  	[tilespmem:$0x1520] =	vst v3  }
0x4c: {  	[tilespmem:$0x1530] =	vst v60  }
0x4d: {  	s24 =	simm.s32 $0x2600;
	s23 =	simm.s32 $0x20;
	[tilespmem:$0x1540] =	vst v61  }
0x4e: {  	[tilespmem:s24], [sflag:$0x3] =	stream.indirect.gather [hbm4b:s1+s13], $0x80, s23, s13, $0xb8;
	[tilespmem:$0xF680] =	vst v63  }
0x4f: {  	s25 =	simm.s32 $0x220;
	s26 =	simm.s32 $0x4600  }
0x50: {  	[tilespmem:s26], [sflag:$0x3] =	stream.indirect.gather [hbm4b:s3+s13], $0x80, s25, s13, $0xb8;
	[tilespmem:$0xF680] =	vst v63  }
0x51: {  	s28 =	simm.s32 $0x1500;
	s29 =	simm.s32 $0xA600  }
0x52: {  	[tilespmem:s29], [sflag:$0x3] =	stream.indirect.gather [hbm4b:s3+s16], $0x80, s28, s16, $0xb8;
	[tilespmem:$0xF680] =	vst v63  }
0x53: {  	v1 =	vld [tilespmem:$0x430]  }
0x54: {  	v2 =	vld [tilespmem:$0x4B0]  }
0x55: {  	v3 =	vld [tilespmem:$0x530]  }
0x56: {  	v62 =	vld [tilespmem:$0x5B0]  }
0x57: {  	v63 =	vld [tilespmem:$0x630]  }
0x58: {  	[tilespmem:$0x1580] =	vst v1  }
0x59: {  	[tilespmem:$0x1590] =	vst v2  }
0x5a: {  	[tilespmem:$0x15A0] =	vst v3  }
0x5b: {  	[tilespmem:$0x15B0] =	vst v62  }
0x5c: {  	s30 =	simm.s32 $0x30;
	[tilespmem:$0x15C0] =	vst v63  }
0x5d: {  	[tilespmem:s0], [sflag:$0x4] =	stream.indirect.gather [hbm4b:s1+s13], $0x80, s30, s13, $0xb8;
	[tilespmem:$0xF680] =	vst v63  }
0x5e: {  	s31 =	simm.s32 $0x230  }
0x5f: {  	[tilespmem:s12], [sflag:$0x4] =	stream.indirect.gather [hbm4b:s3+s13], $0x80, s31, s13, $0xb8;
	[tilespmem:$0xF680] =	vst v63  }
0x60: {  	s23 =	simm.s32 $0x0  }
0x61: {  	v1 =	vimm.f32 $0.0e+00;
	v2 =	vimm.f32 $0.0e+00;
	[tilespmem:s15], [sflag:$0x4] =	stream.indirect.gather [hbm4b:s3+s16], $0x80, s14, s16, $0xb8;
	[tilespmem:$0xF680] =	vst v63  }
.LBB2_2:
0x62: {  	_ =	swait.ge [sflag:s17], $0x800  }
0x63: {  	[sflag:s17] =	ssyncset.done $0x0  }
0x64: {  	[sflag:s17] =	ssyncadd.s32 $0xFFFFF800  }
0x65: {  	_ =	swait.ge [sflag:s17], $0x800  }
0x66: {  	[sflag:s17] =	ssyncset.done $0x0  }
0x67: {  	[sflag:s17] =	ssyncadd.s32 $0xFFFFF800  }
0x68: {  	_ =	swait.ge [sflag:s17], $0x2800  }
0x69: {  	[sflag:s17] =	ssyncset.done $0x0  }
0x6a: {  	s24 =	simm.s32 $0x3640;
	[sflag:s17] =	ssyncadd.s32 $0xFFFFD800  }
0x6b: {  	v4 =	vld [tilespmem:s24+$0x30]  }
0x6c: {  	v5 =	vld [tilespmem:s24+$0x20]  }
0x6d: {  	v6 =	vld [tilespmem:s24+$0x10]  }
0x6e: {  	v7 =	vld [tilespmem:s24+$0x0]  }
0x6f: {  	v8 =	vld [tilespmem:s24+$0xFFFFFFF0]  }
0x70: {  	v9 =	vld [tilespmem:s24+$0xFFFFFFE0]  }
0x71: {  	v10 =	vld [tilespmem:s24+$0xFFFFFFC0]  }
0x72: {  	s25 =	simm.s32 $0x1640;
	v11 =	vld [tilespmem:s24+$0xFFFFFFD0]  }
0x73: {  	v12 =	vld [tilespmem:s25+$0xFFFFFFC0]  }
0x74: {  	s26 =	simm.s32 $0x6640;
	v13 =	vld [tilespmem:s25+$0xFFFFFFD0]  }
0x75: {  	v3 =	vld [tilespmem:s26+$0xFC0]  }
0x76: {  	v14 =	vld [tilespmem:s26+$0xFD0]  }
0x77: {  	v15 =	vld [tilespmem:s25+$0xFFFFFFE0]  }
0x78: {  	v16 =	vld [tilespmem:s26+$0xFE0]  }
0x79: {  	v17 =	vld [tilespmem:s25+$0xFFFFFFF0]  }
0x7a: {  	v18 =	vld [tilespmem:s26+$0xFF0]  }
0x7b: {  	v19 =	vld [tilespmem:s25+$0x0]  }
0x7c: {  	v20 =	vld [tilespmem:s26+$0x1000]  }
0x7d: {  	v21 =	vld [tilespmem:s25+$0x10];
	v24 =	vmul.f32 v3, v12;
	v14 =	vmul.f32 v14, v13  }
0x7e: {  	v22 =	vld [tilespmem:s26+$0x1010]  }
0x7f: {  	v23 =	vld [tilespmem:s25+$0x20];
	v16 =	vmul.f32 v16, v15;
	v14 =	vadd.f32 v14, v24  }
0x80: {  	v25 =	vld [tilespmem:s26+$0x1020]  }
0x81: {  	v26 =	vld [tilespmem:s26+$0xFFFFEFC0];
	v14 =	vadd.f32 v16, v14;
	v16 =	vmul.f32 v18, v17  }
0x82: {  	v27 =	vld [tilespmem:s26+$0xFFFFF7C0]  }
0x83: {  	v3 =	vld [tilespmem:s25+$0x30];
	v14 =	vadd.f32 v16, v14;
	v16 =	vmul.f32 v20, v19  }
0x84: {  	v10 =	vmul.f32 v10, v12;
	v24 =	vld [tilespmem:s26+$0x1030]  }
0x85: {  	v28 =	vld [tilespmem:s26+$0xFFFFFFC0];
	v11 =	vmul.f32 v11, v13;
	v14 =	vadd.f32 v16, v14;
	v16 =	vmul.f32 v22, v21  }
0x86: {  	v29 =	vld [tilespmem:s26+$0x7C0];
	v9 =	vmul.f32 v9, v15  }
0x87: {  	v30 =	vld [tilespmem:s26+$0xFFFFFFE0];
	v10 =	vadd.f32 v11, v10;
	v14 =	vadd.f32 v16, v14;
	v16 =	vmul.f32 v25, v23  }
0x88: {  	v31 =	vld [tilespmem:s26+$0xFFFFF000];
	v8 =	vmul.f32 v8, v17  }
0x89: {  	v32 =	vld [tilespmem:s26+$0x0];
	v9 =	vadd.f32 v9, v10;
	v14 =	vadd.f32 v16, v14;
	v16 =	vmul.f32 v24, v3  }
0x8a: {  	v11 =	vld [tilespmem:s26+$0xFFFFEFE0]  }
0x8b: {  	v7 =	vmul.f32 v7, v19;
	v18 =	vld [tilespmem:s26+$0xFFFFEFD0];
	v8 =	vadd.f32 v8, v9;
	v10 =	vadd.f32 v16, v14  }
0x8c: {  	v20 =	vld [tilespmem:s26+$0xFFFFF7D0]  }
0x8d: {  	v6 =	vmul.f32 v6, v21;
	v9 =	vld [tilespmem:s26+$0xFFFFF7F0];
	v7 =	vadd.f32 v7, v8;
	(xrf2) =	vadd.scan.msk.f32 $0xffff, v10  }
0x8e: {  	v8 =	vld [tilespmem:s26+$0x7F0]  }
0x8f: {  	v5 =	vmul.f32 v5, v23;
	v22 =	vld [tilespmem:s26+$0xFFFFFFD0];
	v6 =	vadd.f32 v6, v7  }
0x90: {  	v27 =	vmul.f32 v27, v12;
	v4 =	vmul.f32 v4, v3;
	v25 =	vld [tilespmem:s26+$0x7D0]  }
0x91: {  	v11 =	vmul.f32 v11, v15;
	v18 =	vmul.f32 v18, v13;
	v24 =	vld [tilespmem:s26+$0xFFFFF7E0];
	v5 =	vadd.f32 v5, v6  }
0x92: {  	v9 =	vmul.f32 v9, v17;
	v6 =	vmul.f32 v26, v12;
	v14 =	vld [tilespmem:s26+$0x7E0]  }
0x93: {  	v8 =	vmul.f32 v8, v17;
	v16 =	vld [tilespmem:s26+$0xFFFFEFF0];
	v4 =	vadd.f32 v4, v5;
	v5 =	vmul.f32 v20, v13  }
0x94: {  	v20 =	vmul.f32 v28, v12;
	v6 =	vadd.f32 v18, v6;
	v18 =	vmul.f32 v22, v13;
	v10 =	vld [tilespmem:s26+$0xFFFFFFF0]  }
0x95: {  	v33 =	vld [tilespmem:s26+$0xFFFFF010];
	v12 =	vmul.f32 v29, v12;
	v5 =	vadd.f32 v5, v27;
	(xrf2) =	vadd.scan.msk.f32 $0xffff, v4;
	v4 =	vmul.f32 v25, v13  }
0x96: {  	v7 =	vld [tilespmem:s26+$0xFFFFF800];
	v18 =	vadd.f32 v18, v20;
	v6 =	vadd.f32 v11, v6;
	v20 =	vmul.f32 v24, v15  }
0x97: {  	v26 =	vld [tilespmem:s26+$0x800];
	v11 =	vmul.f32 v30, v15;
	v4 =	vadd.f32 v4, v12;
	v12 =	vmul.f32 v14, v15;
	v13, _, _ =	vpop (xrf2)  }
0x98: {  	v62 =	vld [tilespmem:s26+$0xFFFFF810];
	v5 =	vadd.f32 v20, v5;
	(v2sf) =	vpush v13, $0xF;
	v13 =	vmul.f32 v16, v17  }
0x99: {  	v63 =	vld [tilespmem:s26+$0x30];
	v11 =	vadd.f32 v11, v18;
	v10 =	vmul.f32 v10, v17;
	v4 =	vadd.f32 v12, v4  }
0x9a: {  	v22 =	vld [tilespmem:s26+$0x10];
	v5 =	vadd.f32 v9, v5;
	v9 =	vmul.f32 v31, v19;
	v6 =	vadd.f32 v13, v6  }
0x9b: {  	v7 =	vmul.f32 v7, v19;
	v27 =	vld [tilespmem:s26+$0xFFFFF820];
	v10 =	vadd.f32 v10, v11;
	v4 =	vadd.f32 v8, v4  }
0x9c: {  	v25 =	vld [tilespmem:s26+$0x810];
	v8 =	vmul.f32 v32, v19;
	v6 =	vadd.f32 v9, v6;
	v9 =	vmul.f32 v26, v19  }
0x9d: {  	v24 =	vld [tilespmem:s26+$0xFFFFF020]  }
0x9e: {  	v14 =	vld [tilespmem:s26+$0x20];
	v5 =	vadd.f32 v7, v5;
	v7 =	vadd.f32 v8, v10;
	v8 =	vmul.f32 v62, v21  }
0x9f: {  	v10 =	vmul.f32 v22, v21;
	v16 =	vld [tilespmem:s26+$0xFFFFF030]  }
0xa0: {  	v15 =	vld [tilespmem:s26+$0x820];
	v12 =	vmul.f32 v33, v21;
	v5 =	vadd.f32 v8, v5;
	v4 =	vadd.f32 v9, v4;
	v9, _, _ =	vpop (xrf2)  }
0xa1: {  	v17 =	vld [tilespmem:s26+$0xFFFFF830];
	v7 =	vadd.f32 v10, v7;
	v10 =	vmul.f32 v27, v23;
	v8 =	vbroadcast v9, $0xF  }
0xa2: {  	v19 =	vld [tilespmem:s26+$0x830];
	s26 =	simm.s32 $0x36C0;
	v6 =	vadd.f32 v12, v6;
	v9 =	vmul.f32 v25, v21;
	v21 =	vmul.f32 v24, v23  }
0xa3: {  	v11 =	vld [tilespmem:s26+$0x30]  }
0xa4: {  	v5 =	vadd.f32 v10, v5;
	v13 =	vld [tilespmem:s26+$0x10];
	v10 =	vmul.f32 v16, v3;
	v6 =	vadd.f32 v21, v6  }
0xa5: {  	v18 =	vld [tilespmem:s26+$0x0];
	v4 =	vadd.f32 v9, v4;
	v9 =	vmul.f32 v14, v23  }
0xa6: {  	v20 =	vld [tilespmem:s26+$0xFFFFFFF0];
	v6 =	vadd.f32 v10, v6  }
0xa7: {  	v22 =	vld [tilespmem:s26+$0xFFFFFFE0];
	v7 =	vadd.f32 v9, v7;
	v9 =	vmul.f32 v17, v3  }
0xa8: {  	v12 =	vld [tilespmem:s26+$0x20];
	v14 =	vmul.f32 v15, v23;
	(xrf2) =	vadd.scan.msk.f32 $0xffff, v6  }
0xa9: {  	s30 =	simm.s32 $0x0;
	v23 =	vld [tilespmem:s26+$0xFFFFFFD0];
	v5 =	vadd.f32 v9, v5  }
0xaa: {  	s28 =	simm.s32 $0x16C0;
	v15 =	vmul.f32 v63, v3;
	v4 =	vadd.f32 v14, v4;
	v17 =	vld [tilespmem:s26+$0xFFFFFFC0];
	v14 =	vmov s30  }
0xab: {  	v10 =	vld [tilespmem:s28+$0xFFFFFFC0];
	vm0 =	veq.s32 v14, v0;
	v14 =	vmul.f32 v19, v3;
	s31 =	spop (v2sf);
	(xrf2) =	vadd.scan.msk.f32 $0xffff, v5  }
0xac: {  	s24 =	simm.s32 $0x66C0;
	v8 =	vsel vm0, v8, v1;
	v15 =	vadd.f32 v15, v7;
	v9 =	vld [tilespmem:s28+$0xFFFFFFD0];
	s25 =	ssub.f32 $0.0e+00, s31  }
0xad: {  	v24 =	vld [tilespmem:s24+$0xFC0];
	v7 =	vimm.f32 $0.0e+00;
	v6 =	vimm.f32 $0.0e+00;
	v21 =	vadd.f32 v14, v4  }
0xae: {  	s29 =	simm.s32 $0x2;
	v25 =	vld [tilespmem:s24+$0xFD0];
	v4 =	vimm.f32 $0.0e+00;
	v5 =	vimm.f32 $0.0e+00;
	v3 =	vsel vm0, s25, v1;
	s25 =	simm.s32 $0x1;
	(xrf2) =	vadd.scan.msk.f32 $0xffff, v15  }
.LBB2_3:
0xaf: {  	p0 =	sne.s32 s29, $0xF;
	v26 =	vld [tilespmem:s28+$0xFFFFFFE0]  }
0xb0: {  	v14 =	vmul.f32 v17, v10;
	v15 =	vld [tilespmem:s24+$0xFE0]  }
0xb1: {  	v19 =	vld [tilespmem:s28+$0xFFFFFFF0];
	v16 =	vmul.f32 v23, v9;
	(xrf2) =	vadd.scan.msk.f32 $0xffff, v21  }
0xb2: {  	v21 =	vld [tilespmem:s24+$0xFF0];
	v23, _, _ =	vpop (xrf2)  }
0xb3: {  	v24 =	vmul.f32 v24, v10;
	v17 =	vld [tilespmem:s28+$0x0];
	v14 =	vadd.f32 v16, v14;
	v25 =	vmul.f32 v25, v9  }
0xb4: {  	v22 =	vmul.f32 v22, v26;
	v27 =	vld [tilespmem:s24+$0x1000];
	(v2sf) =	vpush v23, $0xF  }
0xb5: {  	v16 =	vld [tilespmem:s28+$0x10];
	v23 =	vadd.f32 v25, v24;
	v24 =	vmul.f32 v15, v26;
	v15, _, _ =	vpop (xrf2)  }
0xb6: {  	v14 =	vadd.f32 v22, v14;
	v20 =	vmul.f32 v20, v19;
	v22 =	vld [tilespmem:s24+$0x1010];
	(v2sf) =	vpush v15, $0xF  }
0xb7: {  	v15 =	vld [tilespmem:s28+$0x20];
	v23 =	vadd.f32 v24, v23;
	v21 =	vmul.f32 v21, v19  }
0xb8: {  	v20 =	vadd.f32 v20, v14;
	v18 =	vmul.f32 v18, v17;
	v24 =	vld [tilespmem:s24+$0x1020];
	v25, _, _ =	vpop (xrf2)  }
0xb9: {  	v14 =	vld [tilespmem:s28+$0x30];
	v21 =	vadd.f32 v21, v23;
	v27 =	vmul.f32 v27, v17;
	(v2sf) =	vpush v25, $0xF  }
0xba: {  	v18 =	vadd.f32 v18, v20;
	v13 =	vmul.f32 v13, v16;
	v20 =	vld [tilespmem:s24+$0x1030]  }
0xbb: {  	v25 =	vld [tilespmem:s24+$0xFFFFEFC0];
	v21 =	vadd.f32 v27, v21;
	v22 =	vmul.f32 v22, v16;
	v23, _, _ =	vpop (xrf2)  }
0xbc: {  	v13 =	vadd.f32 v13, v18;
	v12 =	vmul.f32 v12, v15;
	v18 =	vld [tilespmem:s24+$0xFFFFEFD0];
	(v2sf) =	vpush v23, $0xF  }
0xbd: {  	v23 =	vld [tilespmem:s24+$0xFFFFF7C0];
	v21 =	vadd.f32 v22, v21;
	v22 =	vmul.f32 v24, v15  }
0xbe: {  	v12 =	vadd.f32 v12, v13;
	v11 =	vmul.f32 v11, v14;
	v13 =	vld [tilespmem:s24+$0xFFFFF7D0]  }
0xbf: {  	v24 =	vld [tilespmem:s24+$0xFFFFFFC0];
	v21 =	vadd.f32 v22, v21;
	v20 =	vmul.f32 v20, v14  }
0xc0: {  	v11 =	vadd.f32 v11, v12;
	v12 =	vmul.f32 v25, v10;
	v22 =	vld [tilespmem:s24+$0xFFFFFFD0]  }
0xc1: {  	v18 =	vmul.f32 v18, v9;
	v25 =	vld [tilespmem:s24+$0x7C0];
	v20 =	vadd.f32 v20, v21  }
0xc2: {  	v21 =	vmul.f32 v23, v10;
	v23 =	vld [tilespmem:s24+$0x7D0]  }
0xc3: {  	v12 =	vadd.f32 v18, v12;
	v18 =	vld [tilespmem:s24+$0xFFFFEFE0];
	v13 =	vmul.f32 v13, v9;
	(xrf2) =	vadd.scan.msk.f32 $0xffff, v20;
	s30 =	spop (v2sf)  }
0xc4: {  	v20 =	vld [tilespmem:s24+$0xFFFFF7E0];
	v24 =	vmul.f32 v24, v10;
	s30 =	ssub.f32 $0.0e+00, s30  }
0xc5: {  	v13 =	vadd.f32 v13, v21;
	v21 =	vmul.f32 v22, v9;
	v22 =	vld [tilespmem:s24+$0xFFFFFFE0];
	s31 =	spop (v2sf)  }
0xc6: {  	v10 =	vmul.f32 v25, v10;
	v25 =	vld [tilespmem:s24+$0x7E0];
	(xrf2) =	vadd.scan.msk.f32 $0xffff, v11;
	v7 =	vsel vm0, s30, v7;
	s30 =	ssub.f32 $0.0e+00, s31  }
0xc7: {  	v11 =	vld [tilespmem:s24+$0xFFFFEFF0];
	v21 =	vadd.f32 v21, v24;
	v9 =	vmul.f32 v23, v9  }
0xc8: {  	v18 =	vmul.f32 v18, v26;
	v23 =	vld [tilespmem:s24+$0xFFFFF7F0];
	v6 =	vsel vm0, s30, v6;
	s30 =	spop (v2sf)  }
0xc9: {  	v20 =	vmul.f32 v20, v26;
	v24 =	vld [tilespmem:s24+$0xFFFFFFF0];
	v9 =	vadd.f32 v9, v10;
	s30 =	ssub.f32 $0.0e+00, s30  }
0xca: {  	v10 =	vadd.f32 v18, v12;
	v12 =	vmul.f32 v22, v26;
	v18 =	vld [tilespmem:s24+$0x7F0]  }
0xcb: {  	v22 =	vld [tilespmem:s24+$0xFFFFF000];
	v13 =	vadd.f32 v20, v13;
	v26 =	vmul.f32 v25, v26;
	v5 =	vsel vm0, s30, v5;
	s30 =	spop (v2sf)  }
0xcc: {  	v11 =	vmul.f32 v11, v19;
	v25 =	vld [tilespmem:s24+$0xFFFFF800];
	v12 =	vadd.f32 v12, v21;
	s30 =	ssub.f32 $0.0e+00, s30  }
0xcd: {  	v21 =	vmul.f32 v23, v19;
	v23 =	vld [tilespmem:s24+$0x0];
	v9 =	vadd.f32 v26, v9;
	v20, _, _ =	vpop (xrf2)  }
0xce: {  	v10 =	vadd.f32 v11, v10;
	v11 =	vmul.f32 v24, v19;
	v24 =	vld [tilespmem:s24+$0x800];
	(v2sf) =	vpush v20, $0xF  }
0xcf: {  	v4 =	vsel vm0, s30, v4;
	v20 =	vld [tilespmem:s24+$0xFFFFF010];
	v13 =	vadd.f32 v21, v13;
	v18 =	vmul.f32 v18, v19  }
0xd0: {  	v19 =	vmul.f32 v22, v17;
	v21 =	vld [tilespmem:s24+$0xFFFFF810];
	v11 =	vadd.f32 v11, v12;
	v12, _, _ =	vpop (xrf2)  }
0xd1: {  	v26 =	vbroadcast v12, $0xF;
	v12 =	vmul.f32 v25, v17;
	v22 =	vld [tilespmem:s24+$0x10];
	v9 =	vadd.f32 v18, v9  }
0xd2: {  	v10 =	vadd.f32 v19, v10;
	v18 =	vmul.f32 v23, v17;
	v19 =	vld [tilespmem:s24+$0x810]  }
0xd3: {  	v23 =	vld [tilespmem:s24+$0xFFFFF020];
	v12 =	vadd.f32 v12, v13;
	v13 =	vmul.f32 v24, v17  }
0xd4: {  	v17 =	vmul.f32 v20, v16;
	v20 =	vld [tilespmem:s24+$0xFFFFF820];
	v11 =	vadd.f32 v18, v11  }
0xd5: {  	v18 =	vmul.f32 v21, v16;
	v21 =	vld [tilespmem:s24+$0x20];
	v9 =	vadd.f32 v13, v9  }
0xd6: {  	v10 =	vadd.f32 v17, v10;
	v13 =	vmul.f32 v22, v16;
	v17 =	vld [tilespmem:s24+$0x820]  }
0xd7: {  	v22 =	vld [tilespmem:s24+$0xFFFFF030];
	v12 =	vadd.f32 v18, v12;
	v16 =	vmul.f32 v19, v16  }
0xd8: {  	v18 =	vmul.f32 v23, v15;
	v19 =	vld [tilespmem:s24+$0xFFFFF830];
	v13 =	vadd.f32 v13, v11  }
0xd9: {  	v20 =	vmul.f32 v20, v15;
	v23 =	vld [tilespmem:s24+$0x30];
	v9 =	vadd.f32 v16, v9  }
0xda: {  	s26 =	sadd.s32 $0x80, s26;
	v10 =	vadd.f32 v18, v10;
	v16 =	vmul.f32 v21, v15;
	v21 =	vld [tilespmem:s24+$0x830]  }
0xdb: {  	v11 =	vld [tilespmem:s26+$0x30];
	v24 =	vadd.f32 v20, v12;
	v15 =	vmul.f32 v17, v15  }
0xdc: {  	v12 =	vld [tilespmem:s26+$0x20];
	v17 =	vmul.f32 v22, v14;
	v16 =	vadd.f32 v16, v13  }
0xdd: {  	v13 =	vld [tilespmem:s26+$0x10];
	v19 =	vmul.f32 v19, v14;
	v9 =	vadd.f32 v15, v9;
	s30 =	spop (v2sf)  }
0xde: {  	v15 =	vmov s25;
	s25 =	smov.u32 s29;
	v18 =	vld [tilespmem:s26+$0x0];
	v10 =	vadd.f32 v17, v10;
	v17 =	vmul.f32 v23, v14;
	s30 =	ssub.f32 $0.0e+00, s30  }
0xdf: {  	vm0 =	veq.s32 v15, v0;
	v20 =	vld [tilespmem:s26+$0xFFFFFFF0];
	v15 =	vadd.f32 v19, v24;
	v14 =	vmul.f32 v21, v14  }
0xe0: {  	v8 =	vsel vm0, v26, v8;
	v22 =	vld [tilespmem:s26+$0xFFFFFFE0];
	v16 =	vadd.f32 v17, v16;
	v3 =	vsel vm0, s30, v3;
	(xrf2) =	vadd.scan.msk.f32 $0xffff, v10  }
0xe1: {  	v17 =	vld [tilespmem:s26+$0xFFFFFFC0];
	v21 =	vadd.f32 v14, v9  }
.Ltmp2:
0xe2: {  	s28 =	sadd.s32 $0x80, s28;
	v23 =	vld [tilespmem:s26+$0xFFFFFFD0];
	(pc) =	sbr.rel @p0 .LBB2_3-.Ltmp2, $4  }
0xe3: {  	v10 =	vld [tilespmem:s28+$0xFFFFFFC0];
	(xrf2) =	vadd.scan.msk.f32 $0xffff, v15  }
0xe4: {  	s24 =	sadd.s32 $0x80, s24;
	v9 =	vld [tilespmem:s28+$0xFFFFFFD0]  }
0xe5: {  	v24 =	vld [tilespmem:s24+$0xFC0]  }
0xe6: {  	s29 =	sadd.s32 $0x1, s29;
	v25 =	vld [tilespmem:s24+$0xFD0];
	(xrf2) =	vadd.scan.msk.f32 $0xffff, v16  }
0xe7: {  	v19 =	vld [tilespmem:s28+$0xFFFFFFE0]  }
0xe8: {  	v26 =	vld [tilespmem:s24+$0xFE0]  }
0xe9: {  	v16 =	vld [tilespmem:s28+$0xFFFFFFF0]  }
0xea: {  	v27 =	vld [tilespmem:s24+$0xFF0]  }
0xeb: {  	v15 =	vld [tilespmem:s28+$0x0]  }
0xec: {  	v28 =	vld [tilespmem:s24+$0x1000]  }
0xed: {  	v14 =	vld [tilespmem:s28+$0x10]  }
0xee: {  	v29 =	vld [tilespmem:s24+$0xFFFFEFC0]  }
0xef: {  	v30 =	vld [tilespmem:s24+$0xFFFFEFD0]  }
0xf0: {  	v31 =	vld [tilespmem:s24+$0x1010]  }
0xf1: {  	v32 =	vld [tilespmem:s24+$0xFFFFEFE0];
	v24 =	vmul.f32 v24, v10;
	v25 =	vmul.f32 v25, v9  }
0xf2: {  	v51 =	vld [tilespmem:s24+$0xFFFFF010];
	v17 =	vmul.f32 v17, v10;
	v23 =	vmul.f32 v23, v9  }
0xf3: {  	v22 =	vmul.f32 v22, v19;
	v24 =	vadd.f32 v25, v24;
	v25 =	vmul.f32 v26, v19;
	v26 =	vld [tilespmem:s24+$0xFFFFEFF0]  }
0xf4: {  	v23 =	vadd.f32 v23, v17;
	v17 =	vld [tilespmem:s28+$0x20];
	v29 =	vmul.f32 v29, v10;
	v30 =	vmul.f32 v30, v9  }
0xf5: {  	v24 =	vadd.f32 v25, v24;
	v25 =	vmul.f32 v27, v16;
	v27 =	vld [tilespmem:s24+$0xFFFFF000]  }
0xf6: {  	v50 =	vmul.f32 v32, v19;
	v22 =	vadd.f32 v22, v23;
	v23 =	vld [tilespmem:s24+$0x1020];
	v29 =	vadd.f32 v30, v29  }
0xf7: {  	v52 =	vld [tilespmem:s24+$0x1030];
	v33 =	vmul.f32 v20, v16;
	v24 =	vadd.f32 v25, v24;
	v25 =	vmul.f32 v28, v15  }
0xf8: {  	v53 =	vld [tilespmem:s24+$0xFFFFF020];
	v18 =	vmul.f32 v18, v15;
	v29 =	vadd.f32 v50, v29;
	v26 =	vmul.f32 v26, v16  }
0xf9: {  	v20 =	vld [tilespmem:s28+$0x30];
	v22 =	vadd.f32 v33, v22;
	v24 =	vadd.f32 v25, v24;
	v25 =	vmul.f32 v31, v14  }
0xfa: {  	v54 =	vld [tilespmem:s24+$0xFFFFF7D0];
	v13 =	vmul.f32 v13, v14;
	v26 =	vadd.f32 v26, v29;
	v27 =	vmul.f32 v27, v15  }
0xfb: {  	v18 =	vadd.f32 v18, v22;
	v23 =	vmul.f32 v23, v17;
	v24 =	vadd.f32 v25, v24;
	v25 =	vld [tilespmem:s24+$0xFFFFF030]  }
0xfc: {  	v22 =	vld [tilespmem:s24+$0xFFFFF7C0];
	v26 =	vadd.f32 v27, v26;
	v27 =	vmul.f32 v51, v14  }
0xfd: {  	v12 =	vmul.f32 v12, v17;
	v13 =	vadd.f32 v13, v18;
	v18 =	vadd.f32 v23, v24  }
0xfe: {  	v23 =	vmul.f32 v52, v20;
	v24 =	vld [tilespmem:s24+$0xFFFFF7E0];
	v26 =	vadd.f32 v27, v26;
	v27 =	vmul.f32 v53, v17  }
0xff: {  	v11 =	vmul.f32 v11, v20;
	v12 =	vadd.f32 v12, v13  }
0x100: {  	v13 =	vadd.f32 v23, v18;
	v18 =	vld [tilespmem:s24+$0xFFFFF7F0];
	v23 =	vadd.f32 v27, v26;
	v25 =	vmul.f32 v25, v20  }
0x101: {  	(xrf2) =	vadd.scan.msk.f32 $0xffff, v21;
	v21 =	vmul.f32 v54, v9;
	v11 =	vadd.f32 v11, v12;
	v12 =	vmul.f32 v22, v10  }
0x102: {  	(xrf2) =	vadd.scan.msk.f32 $0xffff, v13;
	v13 =	vld [tilespmem:s24+$0xFFFFF800];
	v22 =	vadd.f32 v25, v23  }
0x103: {  	v12 =	vadd.f32 v21, v12;
	(xrf2) =	vadd.scan.msk.f32 $0xffff, v11;
	v11 =	vmul.f32 v24, v19  }
0x104: {  	v21 =	vld [tilespmem:s24+$0xFFFFF810];
	(xrf2) =	vadd.scan.msk.f32 $0xffff, v22  }
0x105: {  	v23 =	vld [tilespmem:s24+$0xFFFFFFD0];
	v11 =	vadd.f32 v11, v12;
	v12 =	vmul.f32 v18, v16  }
0x106: {  	v18 =	vld [tilespmem:s24+$0xFFFFF820]  }
0x107: {  	v22 =	vld [tilespmem:s24+$0xFFFFFFC0];
	v11 =	vadd.f32 v12, v11;
	v12 =	vmul.f32 v13, v15;
	v13, _, _ =	vpop (xrf2)  }
0x108: {  	v24 =	vld [tilespmem:s24+$0xFFFFF830];
	v25, _, _ =	vpop (xrf2);
	(v2sf) =	vpush v13, $0xF  }
0x109: {  	v13 =	vld [tilespmem:s24+$0xFFFFFFE0];
	v11 =	vadd.f32 v12, v11;
	v12 =	vmul.f32 v21, v14;
	v21, _, _ =	vpop (xrf2);
	(v2sf) =	vpush v25, $0xF  }
0x10a: {  	(v2sf) =	vpush v21, $0xF;
	v21 =	vmul.f32 v23, v9  }
0x10b: {  	v25, _, _ =	vpop (xrf2);
	v11 =	vadd.f32 v12, v11;
	v12 =	vmul.f32 v18, v17  }
0x10c: {  	v23 =	vld [tilespmem:s24+$0xFFFFFFF0];
	v18 =	vmul.f32 v22, v10;
	v22, _, _ =	vpop (xrf2)  }
0x10d: {  	(v2sf) =	vpush v25, $0xF;
	v25, _, _ =	vpop (xrf2);
	v11 =	vadd.f32 v12, v11;
	v12 =	vmul.f32 v24, v20  }
0x10e: {  	v18 =	vadd.f32 v21, v18;
	(v2sf) =	vpush v22, $0xF;
	v13 =	vmul.f32 v13, v19;
	v22 =	vld [tilespmem:s24+$0x0];
	v21, _, _ =	vpop (xrf2)  }
0x10f: {  	v11 =	vadd.f32 v12, v11;
	(v2sf) =	vpush v21, $0xF  }
0x110: {  	v12 =	vadd.f32 v13, v18;
	v13 =	vld [tilespmem:s24+$0x10]  }
0x111: {  	v18 =	vbroadcast v25, $0xF;
	v21 =	vmov s25;
	(xrf2) =	vadd.scan.msk.f32 $0xffff, v11;
	v11 =	vmul.f32 v23, v16  }
0x112: {  	vm1 =	veq.s32 v21, v0  }
0x113: {  	v24 =	vld [tilespmem:s24+$0x7D0];
	v8 =	vsel vm1, v18, v8;
	v11 =	vadd.f32 v11, v12;
	v12 =	vmul.f32 v22, v15  }
0x114: {  	v23 =	vld [tilespmem:s24+$0x20];
	v22 =	vand.u32 $0x7FFFFFFF, v8  }
0x115: {  	v21 =	vld [tilespmem:s24+$0x7C0];
	v11 =	vadd.f32 v12, v11;
	v12 =	vmul.f32 v13, v14;
	v13 =	vsub.f32 $0.0e+00, v22  }
0x116: {  	v18 =	vld [tilespmem:s24+$0x30]  }
0x117: {  	v22 =	vld [tilespmem:s24+$0x7E0];
	v13 =	vmul.f32 $1.442695020e+00, v13;
	_ =	sdelay $0x1  }
0x118: {  	v11 =	vadd.f32 v12, v11;
	v12 =	vmul.f32 v23, v17;
	s28 =	spop (v2sf);
	v23 =	vld [tilespmem:s24+$0x7F0]  }
0x119: {  	v9 =	vmul.f32 v24, v9;
	v10 =	vmul.f32 v21, v10;
	s29 =	spop (v2sf)  }
0x11a: {  	v11 =	vadd.f32 v12, v11;
	v12 =	vmul.f32 v18, v20;
	(erf) = vpow2.f32 v13;
	s30 =	spop (v2sf);
	v18 =	vld [tilespmem:s24+$0x800];
	v13, _, _ =	vpop (xrf2)  }
0x11b: {  	v9 =	vadd.f32 v9, v10;
	s26 =	spop (v2sf);
	v10 =	vmul.f32 v22, v19;
	(v2sf) =	vpush v13, $0xF  }
0x11c: {  	v11 =	vadd.f32 v12, v11;
	v12 =	vld [tilespmem:s24+$0x810];
	s25 =	spop (v2sf)  }
0x11d: {  	s28 =	ssub.f32 $0.0e+00, s28;
	v9 =	vadd.f32 v10, v9;
	v10 =	vmul.f32 v23, v16;
	s31 =	spop (v2sf)  }
0x11e: {  	(xrf2) =	vadd.scan.msk.f32 $0xffff, v11;
	s31 =	ssub.f32 $0.0e+00, s31  }
0x11f: {  	v7 =	vsel vm0, s28, v7;
	v11 =	vld [tilespmem:s24+$0x820];
	v9 =	vadd.f32 v10, v9;
	v10 =	vmul.f32 v18, v15  }
0x120: {  	v7 =	vsel vm1, s31, v7  }
0x121: {  	v9 =	vadd.f32 v10, v9;
	v10 =	vmul.f32 v12, v14;
	v15 =	vand.u32 $0x7FFFFFFF, v7  }
0x122: {  	v13 =	vld [tilespmem:s24+$0x830];
	v14 =	vsub.f32 $0.0e+00, v15  }
0x123: {  	v12 =	vpop (erf);
	v9 =	vadd.f32 v10, v9  }
0x124: {  	v10 =	vmul.f32 v11, v17;
	v15 =	vadd.f32 $2.000000000e+00, v12;
	v11 =	vmul.f32 $1.442695020e+00, v14;
	_ =	sdelay $0x1  }
0x125: {  	(erf) = vrcp.f32 v15  }
0x126: {  	v9 =	vadd.f32 v10, v9;
	v10 =	vmul.f32 v13, v20;
	(erf) = vpow2.f32 v11  }
0x127: {  	v11, _, _ =	vpop (xrf2)  }
0x128: {  	v9 =	vadd.f32 v10, v9;
	(v2sf) =	vpush v11, $0xF  }
0x129: {  	s31 =	ssub.f32 $0.0e+00, s29;
	s28 =	spop (v2sf)  }
0x12a: {  	(xrf2) =	vadd.scan.msk.f32 $0xffff, v9;
	s28 =	ssub.f32 $0.0e+00, s28  }
0x12b: {  	v6 =	vsel vm0, s31, v6  }
0x12c: {  	v6 =	vsel vm1, s28, v6  }
0x12d: {  	v10 =	vand.u32 $0x7FFFFFFF, v6  }
0x12e: {  	v9 =	vpop (erf);
	v10 =	vsub.f32 $0.0e+00, v10  }
0x12f: {  	v11 =	vpop (erf)  }
0x130: {  	v13 =	vadd.f32 $2.000000000e+00, v11;
	v10 =	vmul.f32 $1.442695020e+00, v10;
	_ =	sdelay $0x1  }
0x131: {  	(erf) = vrcp.f32 v13  }
0x132: {  	(erf) = vpow2.f32 v10  }
0x133: {  	v10, _, _ =	vpop (xrf2)  }
0x134: {  	(v2sf) =	vpush v10, $0xF;
	_ =	sdelay $0x1  }
0x135: {  	s2 =	ssub.f32 $0.0e+00, s30;
	s28 =	spop (v2sf)  }
0x136: {  	s28 =	ssub.f32 $0.0e+00, s28  }
0x137: {  	v5 =	vsel vm0, s2, v5  }
0x138: {  	v5 =	vsel vm1, s28, v5  }
0x139: {  	v10 =	vpop (erf);
	v13 =	vand.u32 $0x7FFFFFFF, v5  }
0x13a: {  	v14 =	vpop (erf);
	v13 =	vsub.f32 $0.0e+00, v13  }
0x13b: {  	v15 =	vadd.f32 $2.000000000e+00, v14  }
0x13c: {  	v13 =	vmul.f32 $1.442695020e+00, v13  }
0x13d: {  	(erf) = vrcp.f32 v15  }
0x13e: {  	(erf) = vpow2.f32 v13;
	_ =	sdelay $0x3  }
0x13f: {  	s31 =	ssub.f32 $0.0e+00, s26;
	s2 =	spop (v2sf)  }
0x140: {  	s26 =	ssub.f32 $0.0e+00, s2  }
0x141: {  	v4 =	vsel vm0, s31, v4  }
0x142: {  	v4 =	vsel vm1, s26, v4  }
0x143: {  	p0 =	seq.s32 s23, $0x7;
	s24 =	sshll.u32 s23, $0x6;
	v13 =	vpop (erf);
	v15 =	vand.u32 $0x7FFFFFFF, v4  }
0x144: {  	s26 =	sadd.s32 @!p0 $0x40, s24;
	v15 =	vsub.f32 $0.0e+00, v15;
	v16 =	vpop (erf)  }
0x145: {  	s28 =	sshll.u32 @!p0 s26, $0x3;
	v17 =	vadd.f32 $2.000000000e+00, v16  }
0x146: {  	s29 =	sand.u32 @!p0 $0x40, s26;
	s30 =	sand.u32 @!p0 $0x1C00, s28;
	v15 =	vmul.f32 $1.442695020e+00, v15  }
0x147: {  	s30 =	sor.u32 @!p0 s29, s30;
	(erf) = vrcp.f32 v17  }
0x148: {  	(erf) = vpow2.f32 v15;
	v15 =	vld @!p0 [tilespmem:s30+$0x400];
	_ =	sdelay $0x4  }
0x149: {  	s25 =	ssub.f32 $0.0e+00, s25;
	[tilespmem:$0x1400] =	vst @!p0 v15  }
0x14a: {  	v15 =	vld @!p0 [tilespmem:s30+$0x480]  }
0x14b: {  	v3 =	vsel vm1, s25, v3  }
0x14c: {  	v18 =	vand.u32 $0x7FFFFFFF, v3;
	v17 =	vpop (erf)  }
0x14d: {  	v18 =	vsub.f32 $0.0e+00, v18;
	v19 =	vpop (erf)  }
0x14e: {  	v20 =	vadd.f32 $2.000000000e+00, v19  }
0x14f: {  	v18 =	vmul.f32 $1.442695020e+00, v18;
	[tilespmem:$0x1410] =	vst @!p0 v15  }
0x150: {  	(erf) = vrcp.f32 v20;
	v15 =	vld @!p0 [tilespmem:s30+$0x500]  }
0x151: {  	(erf) = vpow2.f32 v18;
	_ =	sdelay $0x3  }
0x152: {  	[tilespmem:$0x1420] =	vst @!p0 v15  }
0x153: {  	v15 =	vld @!p0 [tilespmem:s30+$0x580];
	_ =	sdelay $0x2  }
0x154: {  	v18 =	vpop (erf)  }
0x155: {  	s25 =	sor.u32 @!p0 s28, s29;
	v20 =	vpop (erf)  }
0x156: {  	s25 =	sor.u32 @!p0 $0x200, s25;
	v21 =	vadd.f32 $2.000000000e+00, v20;
	[tilespmem:$0x1430] =	vst @!p0 v15  }
0x157: {  	v15 =	vld @!p0 [tilespmem:s25+$0x400]  }
0x158: {  	(erf) = vrcp.f32 v21;
	_ =	sdelay $0x3  }
0x159: {  	s28 =	simm.s32 @!p0 $0x1600;
	s25 =	simm.s32 @!p0 $0x10;
	[tilespmem:$0x1440] =	vst @!p0 v15  }
0x15a: {  	[tilespmem:s28], [sflag:$0x1] =	stream.indirect.gather @!p0 [hbm4b:s1+s25], $0x80, s26, s25, $0xb8;
	[tilespmem:$0xF680] =	vst v63  }
0x15b: {  	s26 =	sadd.s32 @!p0 $0x240, s24;
	s28 =	simm.s32 @!p0 $0x3600  }
0x15c: {  	[tilespmem:s28], [sflag:$0x1] =	stream.indirect.gather @!p0 [hbm4b:s3+s25], $0x80, s26, s25, $0xb8;
	[tilespmem:$0xF680] =	vst v63  }
0x15d: {  	v9 =	vmul.f32 v9, v12;
	s25 =	simm.s32 @!p0 $0x50;
	s26 =	simm.s32 @!p0 $0x1400;
	s28 =	simm.s32 @!p0 $0x5600  }
0x15e: {  	v21 =	vpop (erf);
	[tilespmem:s28], [sflag:$0x1] =	stream.indirect.gather @!p0 [hbm4b:s3+s25], $0x80, s26, s25, $0xb8;
	[tilespmem:$0xF680] =	vst v63  }
0x15f: {  	v12 =	vmul.f32 v9, v9;
	_ =	swait.ge [sflag:s18], $0x800  }
0x160: {  	[sflag:s18] =	ssyncset.done $0x0  }
0x161: {  	v15 =	vmul.f32 $1.111111120e-01, v12;
	[sflag:s18] =	ssyncadd.s32 $0xFFFFF800  }
0x162: {  	v10 =	vmul.f32 v10, v11;
	_ =	swait.ge [sflag:s18], $0x800  }
0x163: {  	v11 =	vadd.f32 $1.428571490e-01, v15;
	[sflag:s18] =	ssyncset.done $0x0  }
0x164: {  	v22 =	vmul.f32 v10, v10;
	[sflag:s18] =	ssyncadd.s32 $0xFFFFF800  }
0x165: {  	v11 =	vmul.f32 v11, v12;
	_ =	swait.ge [sflag:s18], $0x2800  }
0x166: {  	v23 =	vmul.f32 v13, v14;
	v15 =	vmul.f32 $1.111111120e-01, v22;
	[sflag:s18] =	ssyncset.done $0x0  }
0x167: {  	s26 =	simm.s32 $0x3E40;
	v13 =	vadd.f32 $2.000000030e-01, v11;
	[sflag:s18] =	ssyncadd.s32 $0xFFFFD800  }
0x168: {  	v24 =	vmul.f32 v23, v23;
	v14 =	vadd.f32 $1.428571490e-01, v15;
	v11 =	vld [tilespmem:s26+$0x30]  }
0x169: {  	v13 =	vmul.f32 v13, v12;
	v15 =	vld [tilespmem:s26+$0x20]  }
0x16a: {  	v25 =	vmul.f32 $1.111111120e-01, v24;
	v14 =	vmul.f32 v14, v22;
	v26 =	vld [tilespmem:s26+$0x10]  }
0x16b: {  	v16 =	vmul.f32 v17, v16;
	v13 =	vadd.f32 $3.333333430e-01, v13;
	v17 =	vld [tilespmem:s26+$0x0]  }
0x16c: {  	v25 =	vadd.f32 $1.428571490e-01, v25;
	v14 =	vadd.f32 $2.000000030e-01, v14;
	v27 =	vld [tilespmem:s26+$0xFFFFFFF0]  }
0x16d: {  	v55 =	vmul.f32 v16, v16;
	v12 =	vmul.f32 v13, v12;
	v56 =	vld [tilespmem:s26+$0xFFFFFFE0]  }
0x16e: {  	v13 =	vmul.f32 v14, v22;
	v14 =	vmul.f32 v25, v24;
	v25 =	vld [tilespmem:s26+$0xFFFFFFC0]  }
0x16f: {  	s31 =	simm.s32 $0x1E40;
	v58 =	vmul.f32 $1.111111120e-01, v55;
	v59 =	vld [tilespmem:s26+$0xFFFFFFD0]  }
0x170: {  	s2 =	simm.s32 $0x8E40;
	v57 =	vadd.f32 $1.000000000e+00, v12;
	v60 =	vadd.f32 $2.000000030e-01, v14;
	v12 =	vld [tilespmem:s31+$0xFFFFFFC0]  }
0x171: {  	v8 =	vmin.f32 v8, $0.0e+00;
	v31 =	vadd.f32 $1.428571490e-01, v58;
	v13 =	vadd.f32 $3.333333430e-01, v13;
	v14 =	vld [tilespmem:s31+$0xFFFFFFD0]  }
0x172: {  	v7 =	vmin.f32 v7, $0.0e+00;
	v9 =	vadd.f32 v9, v9;
	v62 =	vld [tilespmem:s2+$0xFC0];
	v61 =	vmul.f32 v60, v24  }
0x173: {  	v35 =	vadd.f32 v10, v10;
	v31 =	vmul.f32 v31, v55;
	v34 =	vld [tilespmem:s2+$0xFD0];
	v22 =	vmul.f32 v13, v22  }
0x174: {  	v18 =	vmul.f32 v18, v19;
	v63 =	vld [tilespmem:s2+$0xFE0];
	v9 =	vmul.f32 v57, v9;
	v10 =	vadd.f32 $3.333333430e-01, v61  }
0x175: {  	v6 =	vmin.f32 v6, $0.0e+00;
	v41 =	vld [tilespmem:s2+$0xFF0];
	v19 =	vadd.f32 $1.000000000e+00, v22;
	v22 =	vadd.f32 $2.000000030e-01, v31  }
0x176: {  	v42 =	vld [tilespmem:s2+$0x1010];
	v40 =	vsub.f32 v8, v9;
	v8 =	vmul.f32 v10, v24;
	v24 =	vmul.f32 v18, v18  }
0x177: {  	v23 =	vadd.f32 v23, v23;
	v20 =	vmul.f32 v21, v20;
	v44 =	vld [tilespmem:s2+$0x1020];
	v19 =	vmul.f32 v19, v35  }
0x178: {  	v45 =	vld [tilespmem:s2+$0x1030];
	v22 =	vmul.f32 v22, v55;
	v8 =	vadd.f32 $1.000000000e+00, v8;
	v36 =	vmul.f32 $1.111111120e-01, v24  }
0x179: {  	v5 =	vmin.f32 v5, $0.0e+00;
	v43 =	vmul.f32 v20, v20;
	v48 =	vld [tilespmem:s2+$0xFFFFEFD0];
	v7 =	vsub.f32 v7, v19  }
0x17a: {  	v13 =	vld [tilespmem:s31+$0xFFFFFFE0];
	v19 =	vadd.f32 $3.333333430e-01, v22;
	v23 =	vmul.f32 v8, v23;
	v36 =	vadd.f32 $1.428571490e-01, v36  }
0x17b: {  	v16 =	vadd.f32 v16, v16;
	v20 =	vadd.f32 v20, v20;
	v38 =	vmul.f32 $1.111111120e-01, v43;
	v49 =	vld [tilespmem:s2+$0xFFFFF7C0]  }
0x17c: {  	v10 =	vld [tilespmem:s31+$0xFFFFFFF0];
	v19 =	vmul.f32 v19, v55;
	v23 =	vsub.f32 v6, v23;
	v6 =	vmul.f32 v36, v24  }
0x17d: {  	v46 =	vadd.f32 $1.428571490e-01, v38;
	v50 =	vld [tilespmem:s2+$0xFFFFF7D0];
	v33 =	vmul.f32 v62, v12;
	v34 =	vmul.f32 v34, v14  }
0x17e: {  	v4 =	vmin.f32 v4, $0.0e+00;
	v9 =	vld [tilespmem:s31+$0x0];
	v19 =	vadd.f32 $1.000000000e+00, v19;
	v37 =	vadd.f32 $2.000000030e-01, v6  }
0x17f: {  	v25 =	vmul.f32 v25, v12;
	v30 =	vmul.f32 v63, v13;
	v22 =	vld [tilespmem:s2+$0x1000];
	v33 =	vadd.f32 v34, v33  }
0x180: {  	v51 =	vld [tilespmem:s2+$0xFFFFFFC0];
	v18 =	vadd.f32 v18, v18;
	v16 =	vmul.f32 v19, v16;
	v19 =	vmul.f32 v37, v24  }
0x181: {  	v8 =	vld [tilespmem:s31+$0x10];
	v30 =	vadd.f32 v30, v33;
	v47 =	vmul.f32 v41, v10;
	v37 =	vmul.f32 v46, v43  }
0x182: {  	v53 =	vld [tilespmem:s2+$0xFFFFFFD0];
	v32 =	vmul.f32 v59, v14;
	v21 =	vadd.f32 v7, v40;
	v19 =	vadd.f32 $3.333333430e-01, v19  }
0x183: {  	v17 =	vmul.f32 v17, v9;
	v7 =	vld [tilespmem:s31+$0x20];
	v30 =	vadd.f32 v47, v30;
	v52 =	vadd.f32 $2.000000030e-01, v37  }
0x184: {  	v58 =	vld [tilespmem:s2+$0x7E0];
	v22 =	vmul.f32 v22, v9;
	v21 =	vadd.f32 v23, v21;
	v19 =	vmul.f32 v19, v24  }
0x185: {  	v6 =	vld [tilespmem:s31+$0x30];
	v24 =	vadd.f32 v32, v25;
	v25 =	vmul.f32 v56, v13;
	v32 =	vmul.f32 v52, v43  }
0x186: {  	v57 =	vld [tilespmem:s2+$0xFFFFF7E0];
	v22 =	vadd.f32 v22, v30;
	v28 =	vmul.f32 v42, v8;
	v5 =	vsub.f32 v5, v16  }
0x187: {  	v60 =	vld [tilespmem:s2+$0x10];
	v24 =	vadd.f32 v25, v24;
	v25 =	vmul.f32 v27, v10;
	v32 =	vadd.f32 $3.333333430e-01, v32  }
0x188: {  	v62 =	vld [tilespmem:s2+$0xFFFFF830];
	v54 =	vmul.f32 v44, v7;
	v22 =	vadd.f32 v28, v22;
	v19 =	vadd.f32 $1.000000000e+00, v19  }
0x189: {  	v63 =	vld [tilespmem:s2+$0x30];
	v5 =	vadd.f32 v5, v21;
	v24 =	vadd.f32 v25, v24;
	v16 =	vmul.f32 v32, v43  }
0x18a: {  	v55 =	vld [tilespmem:s2+$0x7D0];
	v22 =	vadd.f32 v54, v22;
	v56 =	vmul.f32 v45, v6;
	v18 =	vmul.f32 v19, v18  }
0x18b: {  	v23 =	vld [tilespmem:s2+$0xFFFFEFC0];
	v17 =	vadd.f32 v17, v24;
	v24 =	vmul.f32 v26, v8;
	v16 =	vadd.f32 $1.000000000e+00, v16  }
0x18c: {  	v22 =	vadd.f32 v56, v22;
	v25 =	vld [tilespmem:s2+$0xFFFFEFE0];
	v4 =	vsub.f32 v4, v18  }
0x18d: {  	v15 =	vmul.f32 v15, v7;
	v19 =	vld [tilespmem:s2+$0xFFFFEFF0];
	v17 =	vadd.f32 v24, v17;
	v16 =	vmul.f32 v16, v20  }
0x18e: {  	v3 =	vmin.f32 v3, $0.0e+00;
	v21 =	vld [tilespmem:s2+$0xFFFFF010];
	(xrf2) =	vadd.scan.msk.f32 $0xffff, v22;
	v4 =	vadd.f32 v4, v5  }
0x18f: {  	v11 =	vmul.f32 v11, v6;
	v27 =	vld [tilespmem:s2+$0x7C0];
	v15 =	vadd.f32 v15, v17;
	v3 =	vsub.f32 v3, v16  }
0x190: {  	v59 =	vmul.f32 v53, v14;
	v61 =	vmul.f32 v57, v13;
	v5 =	vld [tilespmem:s2+$0xFFFFF000]  }
0x191: {  	v20 =	vmul.f32 v48, v14;
	v11 =	vadd.f32 v11, v15;
	v15 =	vld [tilespmem:s2+$0xFFFFF800];
	v3 =	vadd.f32 v3, v4  }
0x192: {  	v26 =	vld [tilespmem:s2+$0xFFFFFFE0];
	v25 =	vmul.f32 v25, v13;
	v19 =	vmul.f32 v19, v10  }
0x193: {  	v22 =	vld [tilespmem:s2+$0xFFFFF7F0];
	(xrf2) =	vadd.scan.msk.f32 $0xffff, v11;
	v11 =	vmul.f32 v23, v12;
	v2 =	vadd.f32 v3, v2;
	v3 =	vmul.f32 v49, v12  }
0x194: {  	v18 =	vld [tilespmem:s2+$0xFFFFFFF0];
	v23 =	vmul.f32 v50, v14;
	v14 =	vmul.f32 v55, v14  }
0x195: {  	v17 =	vld [tilespmem:s2+$0x7F0];
	v11 =	vadd.f32 v20, v11;
	v20 =	vmul.f32 v51, v12;
	v12 =	vmul.f32 v27, v12  }
0x196: {  	v4 =	vld [tilespmem:s2+$0x800];
	v5 =	vmul.f32 v5, v9;
	v3 =	vadd.f32 v23, v3;
	v15 =	vmul.f32 v15, v9  }
0x197: {  	v16 =	vld [tilespmem:s2+$0x0];
	v20 =	vadd.f32 v59, v20;
	v12 =	vadd.f32 v14, v12;
	v14 =	vmul.f32 v26, v13  }
0x198: {  	v24 =	vld [tilespmem:s2+$0xFFFFF810];
	v23, _, _ =	vpop (xrf2);
	v11 =	vadd.f32 v25, v11;
	v13 =	vmul.f32 v58, v13;
	v3 =	vadd.f32 v61, v3  }
0x199: {  	v27 =	vld [tilespmem:s2+$0x810];
	(v2sf) =	vpush v23, $0xF;
	v14 =	vadd.f32 v14, v20;
	v20 =	vmul.f32 v22, v10  }
0x19a: {  	v23 =	vld [tilespmem:s2+$0xFFFFF020];
	v12 =	vadd.f32 v13, v12;
	v13 =	vmul.f32 v18, v10;
	v10 =	vmul.f32 v17, v10  }
0x19b: {  	v4 =	vmul.f32 v4, v9;
	v26 =	vld [tilespmem:s2+$0xFFFFF820];
	v11 =	vadd.f32 v19, v11;
	v3 =	vadd.f32 v20, v3  }
0x19c: {  	v19 =	vld [tilespmem:s2+$0xFFFFF030];
	v13 =	vadd.f32 v13, v14;
	v10 =	vadd.f32 v10, v12;
	v12 =	vmul.f32 v16, v9  }
0x19d: {  	v25 =	vld [tilespmem:s2+$0x20];
	v5 =	vadd.f32 v5, v11;
	v9 =	vmul.f32 v21, v8;
	v3 =	vadd.f32 v15, v3  }
0x19e: {  	v22 =	vld [tilespmem:s2+$0x820];
	v18 =	vmul.f32 v60, v8;
	v17, _, _ =	vpop (xrf2);
	v15 =	vadd.f32 v12, v13;
	v4 =	vadd.f32 v4, v10  }
0x19f: {  	s28 =	simm.s32 $0x3EC0;
	v16 =	vld [tilespmem:s2+$0x830];
	v5 =	vadd.f32 v9, v5;
	v9 =	vmul.f32 v23, v7;
	v14 =	vbroadcast v17, $0xF  }
0x1a0: {  	v11 =	vld [tilespmem:s28+$0x30];
	v17 =	vmul.f32 v24, v8;
	v8 =	vmul.f32 v27, v8;
	v10 =	vadd.f32 v18, v15  }
0x1a1: {  	v20 =	vld [tilespmem:s28+$0xFFFFFFF0];
	v15 =	vmul.f32 v26, v7;
	v5 =	vadd.f32 v9, v5;
	v9 =	vmul.f32 v19, v6  }
0x1a2: {  	v12 =	vld [tilespmem:s28+$0x20];
	v3 =	vadd.f32 v17, v3;
	v4 =	vadd.f32 v8, v4;
	v8 =	vmul.f32 v25, v7  }
0x1a3: {  	v13 =	vld [tilespmem:s28+$0x10];
	v5 =	vadd.f32 v9, v5  }
0x1a4: {  	s25 =	simm.s32 $0x8EC0;
	v23 =	vld [tilespmem:s28+$0xFFFFFFD0];
	v3 =	vadd.f32 v15, v3;
	v8 =	vadd.f32 v8, v10;
	v10 =	vmul.f32 v62, v6  }
0x1a5: {  	v24 =	vld [tilespmem:s25+$0xFC0];
	(xrf2) =	vadd.scan.msk.f32 $0xffff, v5  }
0x1a6: {  	v18 =	vld [tilespmem:s28+$0x0];
	v7 =	vmul.f32 v22, v7;
	v19 =	vadd.f32 v10, v3  }
0x1a7: {  	s29 =	simm.s32 $0x1EC0;
	s26 =	simm.s32 $0x0;
	v17 =	vld [tilespmem:s28+$0xFFFFFFC0];
	v9 =	vmul.f32 v63, v6  }
0x1a8: {  	v4 =	vadd.f32 v7, v4;
	v15 =	vmov s26;
	v6 =	vmul.f32 v16, v6;
	v10 =	vld [tilespmem:s29+$0xFFFFFFC0];
	(xrf2) =	vadd.scan.msk.f32 $0xffff, v19;
	s31 =	spop (v2sf)  }
0x1a9: {  	v7 =	vimm.f32 $0.0e+00;
	vm0 =	veq.s32 v15, v0;
	v15 =	vadd.f32 v9, v8;
	v9 =	vld [tilespmem:s29+$0xFFFFFFD0];
	s26 =	ssub.f32 $0.0e+00, s31  }
0x1aa: {  	v22 =	vld [tilespmem:s28+$0xFFFFFFE0];
	v5 =	vimm.f32 $0.0e+00;
	v8 =	vsel vm0, v14, v7;
	v21 =	vadd.f32 v6, v4  }
0x1ab: {  	s30 =	simm.s32 $0x2;
	v25 =	vld [tilespmem:s25+$0xFD0];
	v6 =	vimm.f32 $0.0e+00;
	v4 =	vimm.f32 $0.0e+00;
	(xrf2) =	vadd.scan.msk.f32 $0xffff, v15;
	v3 =	vsel vm0, s26, v7;
	s26 =	simm.s32 $0x1  }
.LBB2_5:
0x1ac: {  	p1 =	sne.s32 s30, $0xF;
	v26 =	vld [tilespmem:s29+$0xFFFFFFE0]  }
0x1ad: {  	v14 =	vmul.f32 v17, v10;
	v15 =	vld [tilespmem:s25+$0xFE0]  }
0x1ae: {  	v19 =	vld [tilespmem:s29+$0xFFFFFFF0];
	v16 =	vmul.f32 v23, v9;
	(xrf2) =	vadd.scan.msk.f32 $0xffff, v21  }
0x1af: {  	v21 =	vld [tilespmem:s25+$0xFF0];
	v23, _, _ =	vpop (xrf2)  }
0x1b0: {  	v24 =	vmul.f32 v24, v10;
	v17 =	vld [tilespmem:s29+$0x0];
	v14 =	vadd.f32 v16, v14;
	v25 =	vmul.f32 v25, v9  }
0x1b1: {  	v22 =	vmul.f32 v22, v26;
	v27 =	vld [tilespmem:s25+$0x1000];
	(v2sf) =	vpush v23, $0xF  }
0x1b2: {  	v16 =	vld [tilespmem:s29+$0x10];
	v23 =	vadd.f32 v25, v24;
	v24 =	vmul.f32 v15, v26;
	v15, _, _ =	vpop (xrf2)  }
0x1b3: {  	v14 =	vadd.f32 v22, v14;
	v20 =	vmul.f32 v20, v19;
	v22 =	vld [tilespmem:s25+$0x1010];
	(v2sf) =	vpush v15, $0xF  }
0x1b4: {  	v15 =	vld [tilespmem:s29+$0x20];
	v23 =	vadd.f32 v24, v23;
	v21 =	vmul.f32 v21, v19  }
0x1b5: {  	v20 =	vadd.f32 v20, v14;
	v18 =	vmul.f32 v18, v17;
	v24 =	vld [tilespmem:s25+$0x1020];
	v25, _, _ =	vpop (xrf2)  }
0x1b6: {  	v14 =	vld [tilespmem:s29+$0x30];
	v21 =	vadd.f32 v21, v23;
	v27 =	vmul.f32 v27, v17;
	(v2sf) =	vpush v25, $0xF  }
0x1b7: {  	v18 =	vadd.f32 v18, v20;
	v13 =	vmul.f32 v13, v16;
	v20 =	vld [tilespmem:s25+$0x1030]  }
0x1b8: {  	v25 =	vld [tilespmem:s25+$0xFFFFEFC0];
	v21 =	vadd.f32 v27, v21;
	v22 =	vmul.f32 v22, v16;
	v23, _, _ =	vpop (xrf2)  }
0x1b9: {  	v13 =	vadd.f32 v13, v18;
	v12 =	vmul.f32 v12, v15;
	v18 =	vld [tilespmem:s25+$0xFFFFEFD0];
	(v2sf) =	vpush v23, $0xF  }
0x1ba: {  	v23 =	vld [tilespmem:s25+$0xFFFFF7C0];
	v21 =	vadd.f32 v22, v21;
	v22 =	vmul.f32 v24, v15  }
0x1bb: {  	v12 =	vadd.f32 v12, v13;
	v11 =	vmul.f32 v11, v14;
	v13 =	vld [tilespmem:s25+$0xFFFFF7D0]  }
0x1bc: {  	v24 =	vld [tilespmem:s25+$0xFFFFFFC0];
	v21 =	vadd.f32 v22, v21;
	v20 =	vmul.f32 v20, v14  }
0x1bd: {  	v11 =	vadd.f32 v11, v12;
	v12 =	vmul.f32 v25, v10;
	v22 =	vld [tilespmem:s25+$0xFFFFFFD0]  }
0x1be: {  	v18 =	vmul.f32 v18, v9;
	v25 =	vld [tilespmem:s25+$0x7C0];
	v20 =	vadd.f32 v20, v21  }
0x1bf: {  	v21 =	vmul.f32 v23, v10;
	v23 =	vld [tilespmem:s25+$0x7D0]  }
0x1c0: {  	v12 =	vadd.f32 v18, v12;
	v18 =	vld [tilespmem:s25+$0xFFFFEFE0];
	v13 =	vmul.f32 v13, v9;
	(xrf2) =	vadd.scan.msk.f32 $0xffff, v20;
	s31 =	spop (v2sf)  }
0x1c1: {  	v20 =	vld [tilespmem:s25+$0xFFFFF7E0];
	v24 =	vmul.f32 v24, v10;
	s31 =	ssub.f32 $0.0e+00, s31  }
0x1c2: {  	v13 =	vadd.f32 v13, v21;
	v21 =	vmul.f32 v22, v9;
	v22 =	vld [tilespmem:s25+$0xFFFFFFE0];
	s2 =	spop (v2sf)  }
0x1c3: {  	v10 =	vmul.f32 v25, v10;
	v25 =	vld [tilespmem:s25+$0x7E0];
	(xrf2) =	vadd.scan.msk.f32 $0xffff, v11;
	v7 =	vsel vm0, s31, v7;
	s2 =	ssub.f32 $0.0e+00, s2  }
0x1c4: {  	v11 =	vld [tilespmem:s25+$0xFFFFEFF0];
	v21 =	vadd.f32 v21, v24;
	v9 =	vmul.f32 v23, v9  }
0x1c5: {  	v18 =	vmul.f32 v18, v26;
	v23 =	vld [tilespmem:s25+$0xFFFFF7F0];
	v6 =	vsel vm0, s2, v6;
	s2 =	spop (v2sf)  }
0x1c6: {  	v20 =	vmul.f32 v20, v26;
	v24 =	vld [tilespmem:s25+$0xFFFFFFF0];
	v9 =	vadd.f32 v9, v10;
	s2 =	ssub.f32 $0.0e+00, s2  }
0x1c7: {  	v10 =	vadd.f32 v18, v12;
	v12 =	vmul.f32 v22, v26;
	v18 =	vld [tilespmem:s25+$0x7F0]  }
0x1c8: {  	v22 =	vld [tilespmem:s25+$0xFFFFF000];
	v13 =	vadd.f32 v20, v13;
	v26 =	vmul.f32 v25, v26;
	v5 =	vsel vm0, s2, v5;
	s2 =	spop (v2sf)  }
0x1c9: {  	v11 =	vmul.f32 v11, v19;
	v25 =	vld [tilespmem:s25+$0xFFFFF800];
	v12 =	vadd.f32 v12, v21;
	s2 =	ssub.f32 $0.0e+00, s2  }
0x1ca: {  	v21 =	vmul.f32 v23, v19;
	v23 =	vld [tilespmem:s25+$0x0];
	v9 =	vadd.f32 v26, v9;
	v20, _, _ =	vpop (xrf2)  }
0x1cb: {  	v10 =	vadd.f32 v11, v10;
	v11 =	vmul.f32 v24, v19;
	v24 =	vld [tilespmem:s25+$0x800];
	(v2sf) =	vpush v20, $0xF  }
0x1cc: {  	v4 =	vsel vm0, s2, v4;
	v20 =	vld [tilespmem:s25+$0xFFFFF010];
	v13 =	vadd.f32 v21, v13;
	v18 =	vmul.f32 v18, v19  }
0x1cd: {  	v19 =	vmul.f32 v22, v17;
	v21 =	vld [tilespmem:s25+$0xFFFFF810];
	v11 =	vadd.f32 v11, v12;
	v12, _, _ =	vpop (xrf2)  }
0x1ce: {  	v26 =	vbroadcast v12, $0xF;
	v12 =	vmul.f32 v25, v17;
	v22 =	vld [tilespmem:s25+$0x10];
	v9 =	vadd.f32 v18, v9  }
0x1cf: {  	v10 =	vadd.f32 v19, v10;
	v18 =	vmul.f32 v23, v17;
	v19 =	vld [tilespmem:s25+$0x810]  }
0x1d0: {  	v23 =	vld [tilespmem:s25+$0xFFFFF020];
	v12 =	vadd.f32 v12, v13;
	v13 =	vmul.f32 v24, v17  }
0x1d1: {  	v17 =	vmul.f32 v20, v16;
	v20 =	vld [tilespmem:s25+$0xFFFFF820];
	v11 =	vadd.f32 v18, v11  }
0x1d2: {  	v18 =	vmul.f32 v21, v16;
	v21 =	vld [tilespmem:s25+$0x20];
	v9 =	vadd.f32 v13, v9  }
0x1d3: {  	v10 =	vadd.f32 v17, v10;
	v13 =	vmul.f32 v22, v16;
	v17 =	vld [tilespmem:s25+$0x820]  }
0x1d4: {  	v22 =	vld [tilespmem:s25+$0xFFFFF030];
	v12 =	vadd.f32 v18, v12;
	v16 =	vmul.f32 v19, v16  }
0x1d5: {  	v18 =	vmul.f32 v23, v15;
	v19 =	vld [tilespmem:s25+$0xFFFFF830];
	v13 =	vadd.f32 v13, v11  }
0x1d6: {  	v20 =	vmul.f32 v20, v15;
	v23 =	vld [tilespmem:s25+$0x30];
	v9 =	vadd.f32 v16, v9  }
0x1d7: {  	s28 =	sadd.s32 $0x80, s28;
	v10 =	vadd.f32 v18, v10;
	v16 =	vmul.f32 v21, v15;
	v21 =	vld [tilespmem:s25+$0x830]  }
0x1d8: {  	v11 =	vld [tilespmem:s28+$0x30];
	v24 =	vadd.f32 v20, v12;
	v15 =	vmul.f32 v17, v15  }
0x1d9: {  	v12 =	vld [tilespmem:s28+$0x20];
	v17 =	vmul.f32 v22, v14;
	v16 =	vadd.f32 v16, v13  }
0x1da: {  	v13 =	vld [tilespmem:s28+$0x10];
	v19 =	vmul.f32 v19, v14;
	v9 =	vadd.f32 v15, v9;
	s2 =	spop (v2sf)  }
0x1db: {  	v15 =	vmov s26;
	s26 =	smov.u32 s30;
	v18 =	vld [tilespmem:s28+$0x0];
	v10 =	vadd.f32 v17, v10;
	v17 =	vmul.f32 v23, v14;
	s2 =	ssub.f32 $0.0e+00, s2  }
0x1dc: {  	vm0 =	veq.s32 v15, v0;
	v20 =	vld [tilespmem:s28+$0xFFFFFFF0];
	v15 =	vadd.f32 v19, v24;
	v14 =	vmul.f32 v21, v14  }
0x1dd: {  	v8 =	vsel vm0, v26, v8;
	v22 =	vld [tilespmem:s28+$0xFFFFFFE0];
	v16 =	vadd.f32 v17, v16;
	v3 =	vsel vm0, s2, v3;
	(xrf2) =	vadd.scan.msk.f32 $0xffff, v10  }
0x1de: {  	v17 =	vld [tilespmem:s28+$0xFFFFFFC0];
	v21 =	vadd.f32 v14, v9  }
.Ltmp3:
0x1df: {  	s29 =	sadd.s32 $0x80, s29;
	v23 =	vld [tilespmem:s28+$0xFFFFFFD0];
	(pc) =	sbr.rel @p1 .LBB2_5-.Ltmp3, $4  }
0x1e0: {  	v10 =	vld [tilespmem:s29+$0xFFFFFFC0];
	(xrf2) =	vadd.scan.msk.f32 $0xffff, v15  }
0x1e1: {  	s25 =	sadd.s32 $0x80, s25;
	v9 =	vld [tilespmem:s29+$0xFFFFFFD0]  }
0x1e2: {  	v24 =	vld [tilespmem:s25+$0xFC0]  }
0x1e3: {  	s30 =	sadd.s32 $0x1, s30;
	v25 =	vld [tilespmem:s25+$0xFD0];
	(xrf2) =	vadd.scan.msk.f32 $0xffff, v16  }
0x1e4: {  	v19 =	vld [tilespmem:s29+$0xFFFFFFE0]  }
0x1e5: {  	v26 =	vld [tilespmem:s25+$0xFE0]  }
0x1e6: {  	v16 =	vld [tilespmem:s29+$0xFFFFFFF0]  }
0x1e7: {  	v27 =	vld [tilespmem:s25+$0xFF0]  }
0x1e8: {  	v15 =	vld [tilespmem:s29+$0x0]  }
0x1e9: {  	v28 =	vld [tilespmem:s25+$0x1000]  }
0x1ea: {  	v14 =	vld [tilespmem:s29+$0x10]  }
0x1eb: {  	v29 =	vld [tilespmem:s25+$0xFFFFEFC0]  }
0x1ec: {  	v30 =	vld [tilespmem:s25+$0xFFFFEFD0]  }
0x1ed: {  	v31 =	vld [tilespmem:s25+$0x1010]  }
0x1ee: {  	v32 =	vld [tilespmem:s25+$0xFFFFEFE0];
	v24 =	vmul.f32 v24, v10;
	v25 =	vmul.f32 v25, v9  }
0x1ef: {  	v51 =	vld [tilespmem:s25+$0xFFFFF010];
	v17 =	vmul.f32 v17, v10;
	v23 =	vmul.f32 v23, v9  }
0x1f0: {  	v22 =	vmul.f32 v22, v19;
	v24 =	vadd.f32 v25, v24;
	v25 =	vmul.f32 v26, v19;
	v26 =	vld [tilespmem:s25+$0xFFFFEFF0]  }
0x1f1: {  	v23 =	vadd.f32 v23, v17;
	v17 =	vld [tilespmem:s29+$0x20];
	v29 =	vmul.f32 v29, v10;
	v30 =	vmul.f32 v30, v9  }
0x1f2: {  	v24 =	vadd.f32 v25, v24;
	v25 =	vmul.f32 v27, v16;
	v27 =	vld [tilespmem:s25+$0xFFFFF000]  }
0x1f3: {  	v50 =	vmul.f32 v32, v19;
	v22 =	vadd.f32 v22, v23;
	v23 =	vld [tilespmem:s25+$0x1020];
	v29 =	vadd.f32 v30, v29  }
0x1f4: {  	v52 =	vld [tilespmem:s25+$0x1030];
	v33 =	vmul.f32 v20, v16;
	v24 =	vadd.f32 v25, v24;
	v25 =	vmul.f32 v28, v15  }
0x1f5: {  	v53 =	vld [tilespmem:s25+$0xFFFFF020];
	v18 =	vmul.f32 v18, v15;
	v29 =	vadd.f32 v50, v29;
	v26 =	vmul.f32 v26, v16  }
0x1f6: {  	v20 =	vld [tilespmem:s29+$0x30];
	v22 =	vadd.f32 v33, v22;
	v24 =	vadd.f32 v25, v24;
	v25 =	vmul.f32 v31, v14  }
0x1f7: {  	v54 =	vld [tilespmem:s25+$0xFFFFF7D0];
	v13 =	vmul.f32 v13, v14;
	v26 =	vadd.f32 v26, v29;
	v27 =	vmul.f32 v27, v15  }
0x1f8: {  	v18 =	vadd.f32 v18, v22;
	v23 =	vmul.f32 v23, v17;
	v24 =	vadd.f32 v25, v24;
	v25 =	vld [tilespmem:s25+$0xFFFFF030]  }
0x1f9: {  	v22 =	vld [tilespmem:s25+$0xFFFFF7C0];
	v26 =	vadd.f32 v27, v26;
	v27 =	vmul.f32 v51, v14  }
0x1fa: {  	v12 =	vmul.f32 v12, v17;
	v13 =	vadd.f32 v13, v18;
	v18 =	vadd.f32 v23, v24  }
0x1fb: {  	v23 =	vmul.f32 v52, v20;
	v24 =	vld [tilespmem:s25+$0xFFFFF7E0];
	v26 =	vadd.f32 v27, v26;
	v27 =	vmul.f32 v53, v17  }
0x1fc: {  	v11 =	vmul.f32 v11, v20;
	v12 =	vadd.f32 v12, v13  }
0x1fd: {  	v13 =	vadd.f32 v23, v18;
	v18 =	vld [tilespmem:s25+$0xFFFFF7F0];
	v23 =	vadd.f32 v27, v26;
	v25 =	vmul.f32 v25, v20  }
0x1fe: {  	(xrf2) =	vadd.scan.msk.f32 $0xffff, v21;
	v21 =	vmul.f32 v54, v9;
	v11 =	vadd.f32 v11, v12;
	v12 =	vmul.f32 v22, v10  }
0x1ff: {  	(xrf2) =	vadd.scan.msk.f32 $0xffff, v13;
	v13 =	vld [tilespmem:s25+$0xFFFFF800];
	v22 =	vadd.f32 v25, v23  }
0x200: {  	v12 =	vadd.f32 v21, v12;
	(xrf2) =	vadd.scan.msk.f32 $0xffff, v11;
	v11 =	vmul.f32 v24, v19  }
0x201: {  	v21 =	vld [tilespmem:s25+$0xFFFFF810];
	(xrf2) =	vadd.scan.msk.f32 $0xffff, v22  }
0x202: {  	v23 =	vld [tilespmem:s25+$0xFFFFFFD0];
	v11 =	vadd.f32 v11, v12;
	v12 =	vmul.f32 v18, v16  }
0x203: {  	v18 =	vld [tilespmem:s25+$0xFFFFF820]  }
0x204: {  	v22 =	vld [tilespmem:s25+$0xFFFFFFC0];
	v11 =	vadd.f32 v12, v11;
	v12 =	vmul.f32 v13, v15;
	v13, _, _ =	vpop (xrf2)  }
0x205: {  	v24 =	vld [tilespmem:s25+$0xFFFFF830];
	v25, _, _ =	vpop (xrf2);
	(v2sf) =	vpush v13, $0xF  }
0x206: {  	v13 =	vld [tilespmem:s25+$0xFFFFFFE0];
	v11 =	vadd.f32 v12, v11;
	v12 =	vmul.f32 v21, v14;
	v21, _, _ =	vpop (xrf2);
	(v2sf) =	vpush v25, $0xF  }
0x207: {  	(v2sf) =	vpush v21, $0xF;
	v21 =	vmul.f32 v23, v9  }
0x208: {  	v25, _, _ =	vpop (xrf2);
	v11 =	vadd.f32 v12, v11;
	v12 =	vmul.f32 v18, v17  }
0x209: {  	v23 =	vld [tilespmem:s25+$0xFFFFFFF0];
	v18 =	vmul.f32 v22, v10;
	v22, _, _ =	vpop (xrf2)  }
0x20a: {  	(v2sf) =	vpush v25, $0xF;
	v25, _, _ =	vpop (xrf2);
	v11 =	vadd.f32 v12, v11;
	v12 =	vmul.f32 v24, v20  }
0x20b: {  	v18 =	vadd.f32 v21, v18;
	(v2sf) =	vpush v22, $0xF;
	v13 =	vmul.f32 v13, v19;
	v22 =	vld [tilespmem:s25+$0x0];
	v21, _, _ =	vpop (xrf2)  }
0x20c: {  	v11 =	vadd.f32 v12, v11;
	(v2sf) =	vpush v21, $0xF  }
0x20d: {  	v12 =	vadd.f32 v13, v18;
	v13 =	vld [tilespmem:s25+$0x10]  }
0x20e: {  	v18 =	vbroadcast v25, $0xF;
	v21 =	vmov s26;
	(xrf2) =	vadd.scan.msk.f32 $0xffff, v11;
	v11 =	vmul.f32 v23, v16  }
0x20f: {  	vm1 =	veq.s32 v21, v0  }
0x210: {  	v24 =	vld [tilespmem:s25+$0x7D0];
	v8 =	vsel vm1, v18, v8;
	v11 =	vadd.f32 v11, v12;
	v12 =	vmul.f32 v22, v15  }
0x211: {  	v23 =	vld [tilespmem:s25+$0x20];
	v22 =	vand.u32 $0x7FFFFFFF, v8  }
0x212: {  	v21 =	vld [tilespmem:s25+$0x7C0];
	v11 =	vadd.f32 v12, v11;
	v12 =	vmul.f32 v13, v14;
	v13 =	vsub.f32 $0.0e+00, v22  }
0x213: {  	v18 =	vld [tilespmem:s25+$0x30]  }
0x214: {  	v22 =	vld [tilespmem:s25+$0x7E0];
	v13 =	vmul.f32 $1.442695020e+00, v13;
	_ =	sdelay $0x1  }
0x215: {  	v11 =	vadd.f32 v12, v11;
	v12 =	vmul.f32 v23, v17;
	s2 =	spop (v2sf);
	v23 =	vld [tilespmem:s25+$0x7F0]  }
0x216: {  	v9 =	vmul.f32 v24, v9;
	v10 =	vmul.f32 v21, v10;
	s29 =	spop (v2sf)  }
0x217: {  	v11 =	vadd.f32 v12, v11;
	v12 =	vmul.f32 v18, v20;
	(erf) = vpow2.f32 v13;
	s30 =	spop (v2sf);
	v18 =	vld [tilespmem:s25+$0x800];
	v13, _, _ =	vpop (xrf2)  }
0x218: {  	v9 =	vadd.f32 v9, v10;
	s28 =	spop (v2sf);
	v10 =	vmul.f32 v22, v19;
	(v2sf) =	vpush v13, $0xF  }
0x219: {  	v11 =	vadd.f32 v12, v11;
	v12 =	vld [tilespmem:s25+$0x810];
	s26 =	spop (v2sf)  }
0x21a: {  	s2 =	ssub.f32 $0.0e+00, s2;
	v9 =	vadd.f32 v10, v9;
	v10 =	vmul.f32 v23, v16;
	s31 =	spop (v2sf)  }
0x21b: {  	(xrf2) =	vadd.scan.msk.f32 $0xffff, v11;
	s31 =	ssub.f32 $0.0e+00, s31  }
0x21c: {  	v7 =	vsel vm0, s2, v7;
	v11 =	vld [tilespmem:s25+$0x820];
	v9 =	vadd.f32 v10, v9;
	v10 =	vmul.f32 v18, v15  }
0x21d: {  	v7 =	vsel vm1, s31, v7  }
0x21e: {  	v9 =	vadd.f32 v10, v9;
	v10 =	vmul.f32 v12, v14;
	v15 =	vand.u32 $0x7FFFFFFF, v7  }
0x21f: {  	v13 =	vld [tilespmem:s25+$0x830];
	v14 =	vsub.f32 $0.0e+00, v15  }
0x220: {  	v12 =	vpop (erf);
	v9 =	vadd.f32 v10, v9  }
0x221: {  	v10 =	vmul.f32 v11, v17;
	v15 =	vadd.f32 $2.000000000e+00, v12;
	v11 =	vmul.f32 $1.442695020e+00, v14;
	_ =	sdelay $0x1  }
0x222: {  	(erf) = vrcp.f32 v15  }
0x223: {  	v9 =	vadd.f32 v10, v9;
	v10 =	vmul.f32 v13, v20;
	(erf) = vpow2.f32 v11  }
0x224: {  	v11, _, _ =	vpop (xrf2)  }
0x225: {  	v9 =	vadd.f32 v10, v9;
	(v2sf) =	vpush v11, $0xF  }
0x226: {  	s2 =	ssub.f32 $0.0e+00, s29;
	s31 =	spop (v2sf)  }
0x227: {  	(xrf2) =	vadd.scan.msk.f32 $0xffff, v9;
	s25 =	ssub.f32 $0.0e+00, s31  }
0x228: {  	v6 =	vsel vm0, s2, v6  }
0x229: {  	v6 =	vsel vm1, s25, v6  }
0x22a: {  	v10 =	vand.u32 $0x7FFFFFFF, v6  }
0x22b: {  	v9 =	vpop (erf);
	v10 =	vsub.f32 $0.0e+00, v10  }
0x22c: {  	v11 =	vpop (erf)  }
0x22d: {  	v13 =	vadd.f32 $2.000000000e+00, v11;
	v10 =	vmul.f32 $1.442695020e+00, v10;
	_ =	sdelay $0x1  }
0x22e: {  	(erf) = vrcp.f32 v13  }
0x22f: {  	(erf) = vpow2.f32 v10  }
0x230: {  	v10, _, _ =	vpop (xrf2)  }
0x231: {  	(v2sf) =	vpush v10, $0xF;
	_ =	sdelay $0x1  }
0x232: {  	s2 =	ssub.f32 $0.0e+00, s30;
	s31 =	spop (v2sf)  }
0x233: {  	s25 =	ssub.f32 $0.0e+00, s31  }
0x234: {  	v5 =	vsel vm0, s2, v5  }
0x235: {  	v5 =	vsel vm1, s25, v5  }
0x236: {  	v10 =	vpop (erf);
	v13 =	vand.u32 $0x7FFFFFFF, v5  }
0x237: {  	v14 =	vpop (erf);
	v13 =	vsub.f32 $0.0e+00, v13  }
0x238: {  	v15 =	vadd.f32 $2.000000000e+00, v14  }
0x239: {  	v13 =	vmul.f32 $1.442695020e+00, v13  }
0x23a: {  	(erf) = vrcp.f32 v15  }
0x23b: {  	(erf) = vpow2.f32 v13;
	_ =	sdelay $0x3  }
0x23c: {  	s2 =	ssub.f32 $0.0e+00, s28;
	s31 =	spop (v2sf)  }
0x23d: {  	s25 =	ssub.f32 $0.0e+00, s31  }
0x23e: {  	v4 =	vsel vm0, s2, v4  }
0x23f: {  	v4 =	vsel vm1, s25, v4  }
0x240: {  	v13 =	vpop (erf);
	v15 =	vand.u32 $0x7FFFFFFF, v4  }
0x241: {  	s2 =	sadd.s32 @!p0 $0x50, s24;
	v15 =	vsub.f32 $0.0e+00, v15;
	v16 =	vpop (erf)  }
0x242: {  	s25 =	sshll.u32 @!p0 s2, $0x3;
	v17 =	vadd.f32 $2.000000000e+00, v16  }
0x243: {  	s28 =	sand.u32 @!p0 $0x50, s2;
	s25 =	sand.u32 @!p0 $0x1C00, s25;
	v15 =	vmul.f32 $1.442695020e+00, v15  }
0x244: {  	s25 =	sor.u32 @!p0 s28, s25;
	(erf) = vrcp.f32 v17  }
0x245: {  	(erf) = vpow2.f32 v15;
	v15 =	vld @!p0 [tilespmem:s25+$0x400];
	_ =	sdelay $0x4  }
0x246: {  	s26 =	ssub.f32 $0.0e+00, s26;
	[tilespmem:$0x1480] =	vst @!p0 v15  }
0x247: {  	v15 =	vld @!p0 [tilespmem:s25+$0x480]  }
0x248: {  	v3 =	vsel vm1, s26, v3  }
0x249: {  	v18 =	vand.u32 $0x7FFFFFFF, v3;
	v17 =	vpop (erf)  }
0x24a: {  	v18 =	vsub.f32 $0.0e+00, v18;
	v19 =	vpop (erf)  }
0x24b: {  	v20 =	vadd.f32 $2.000000000e+00, v19  }
0x24c: {  	v18 =	vmul.f32 $1.442695020e+00, v18;
	[tilespmem:$0x1490] =	vst @!p0 v15  }
0x24d: {  	(erf) = vrcp.f32 v20;
	v15 =	vld @!p0 [tilespmem:s25+$0x500]  }
0x24e: {  	(erf) = vpow2.f32 v18;
	_ =	sdelay $0x3  }
0x24f: {  	[tilespmem:$0x14A0] =	vst @!p0 v15  }
0x250: {  	v15 =	vld @!p0 [tilespmem:s25+$0x580];
	_ =	sdelay $0x2  }
0x251: {  	v18 =	vpop (erf)  }
0x252: {  	v20 =	vpop (erf)  }
0x253: {  	v21 =	vadd.f32 $2.000000000e+00, v20;
	[tilespmem:$0x14B0] =	vst @!p0 v15  }
0x254: {  	v15 =	vld @!p0 [tilespmem:s25+$0x600]  }
0x255: {  	(erf) = vrcp.f32 v21;
	_ =	sdelay $0x3  }
0x256: {  	s26 =	simm.s32 @!p0 $0x1E00;
	s25 =	simm.s32 @!p0 $0x10;
	[tilespmem:$0x14C0] =	vst @!p0 v15  }
0x257: {  	[tilespmem:s26], [sflag:$0x2] =	stream.indirect.gather @!p0 [hbm4b:s1+s25], $0x80, s2, s25, $0xb8;
	[tilespmem:$0xF680] =	vst v63  }
0x258: {  	s2 =	sadd.s32 @!p0 $0x250, s24;
	s26 =	simm.s32 @!p0 $0x3E00  }
0x259: {  	[tilespmem:s26], [sflag:$0x2] =	stream.indirect.gather @!p0 [hbm4b:s3+s25], $0x80, s2, s25, $0xb8;
	[tilespmem:$0xF680] =	vst v63  }
0x25a: {  	v9 =	vmul.f32 v9, v12;
	s2 =	simm.s32 @!p0 $0x50;
	s25 =	simm.s32 @!p0 $0x1480;
	s26 =	simm.s32 @!p0 $0x7E00  }
0x25b: {  	v21 =	vpop (erf);
	[tilespmem:s26], [sflag:$0x2] =	stream.indirect.gather @!p0 [hbm4b:s3+s2], $0x80, s25, s2, $0xb8;
	[tilespmem:$0xF680] =	vst v63  }
0x25c: {  	v12 =	vmul.f32 v9, v9;
	_ =	swait.ge [sflag:s19], $0x800  }
0x25d: {  	[sflag:s19] =	ssyncset.done $0x0  }
0x25e: {  	v15 =	vmul.f32 $1.111111120e-01, v12;
	[sflag:s19] =	ssyncadd.s32 $0xFFFFF800  }
0x25f: {  	v10 =	vmul.f32 v10, v11;
	_ =	swait.ge [sflag:s19], $0x800  }
0x260: {  	v11 =	vadd.f32 $1.428571490e-01, v15;
	[sflag:s19] =	ssyncset.done $0x0  }
0x261: {  	v22 =	vmul.f32 v10, v10;
	[sflag:s19] =	ssyncadd.s32 $0xFFFFF800  }
0x262: {  	v11 =	vmul.f32 v11, v12;
	_ =	swait.ge [sflag:s19], $0x2800  }
0x263: {  	v23 =	vmul.f32 v13, v14;
	v15 =	vmul.f32 $1.111111120e-01, v22;
	[sflag:s19] =	ssyncset.done $0x0  }
0x264: {  	s26 =	simm.s32 $0x4640;
	v13 =	vadd.f32 $2.000000030e-01, v11;
	[sflag:s19] =	ssyncadd.s32 $0xFFFFD800  }
0x265: {  	v24 =	vmul.f32 v23, v23;
	v14 =	vadd.f32 $1.428571490e-01, v15;
	v11 =	vld [tilespmem:s26+$0x30]  }
0x266: {  	v16 =	vmul.f32 v17, v16;
	v13 =	vmul.f32 v13, v12;
	v15 =	vld [tilespmem:s26+$0x20]  }
0x267: {  	v25 =	vmul.f32 $1.111111120e-01, v24;
	v14 =	vmul.f32 v14, v22;
	v26 =	vld [tilespmem:s26+$0x10]  }
0x268: {  	v55 =	vmul.f32 v16, v16;
	v13 =	vadd.f32 $3.333333430e-01, v13;
	v17 =	vld [tilespmem:s26+$0x0]  }
0x269: {  	v25 =	vadd.f32 $1.428571490e-01, v25;
	v14 =	vadd.f32 $2.000000030e-01, v14;
	v27 =	vld [tilespmem:s26+$0xFFFFFFF0]  }
0x26a: {  	v58 =	vmul.f32 $1.111111120e-01, v55;
	v12 =	vmul.f32 v13, v12;
	v56 =	vld [tilespmem:s26+$0xFFFFFFE0]  }
0x26b: {  	v13 =	vmul.f32 v14, v22;
	v14 =	vmul.f32 v25, v24;
	v25 =	vld [tilespmem:s26+$0xFFFFFFC0]  }
0x26c: {  	s31 =	simm.s32 $0x2640;
	v31 =	vadd.f32 $1.428571490e-01, v58;
	v59 =	vld [tilespmem:s26+$0xFFFFFFD0]  }
0x26d: {  	v57 =	vadd.f32 $1.000000000e+00, v12;
	v60 =	vadd.f32 $2.000000030e-01, v14;
	v12 =	vld [tilespmem:s31+$0xFFFFFFC0]  }
0x26e: {  	v8 =	vmin.f32 v8, $0.0e+00;
	s2 =	simm.s32 $0xB640;
	v13 =	vadd.f32 $3.333333430e-01, v13;
	v14 =	vld [tilespmem:s31+$0xFFFFFFD0]  }
0x26f: {  	v7 =	vmin.f32 v7, $0.0e+00;
	v9 =	vadd.f32 v9, v9;
	v62 =	vld [tilespmem:s2+$0xFC0];
	v61 =	vmul.f32 v60, v24  }
0x270: {  	v35 =	vadd.f32 v10, v10;
	v31 =	vmul.f32 v31, v55;
	v34 =	vld [tilespmem:s2+$0xFD0];
	v22 =	vmul.f32 v13, v22  }
0x271: {  	v18 =	vmul.f32 v18, v19;
	v63 =	vld [tilespmem:s2+$0xFE0];
	v9 =	vmul.f32 v57, v9;
	v10 =	vadd.f32 $3.333333430e-01, v61  }
0x272: {  	v6 =	vmin.f32 v6, $0.0e+00;
	v41 =	vld [tilespmem:s2+$0xFF0];
	v19 =	vadd.f32 $1.000000000e+00, v22;
	v22 =	vadd.f32 $2.000000030e-01, v31  }
0x273: {  	v42 =	vld [tilespmem:s2+$0x1010];
	v40 =	vsub.f32 v8, v9;
	v8 =	vmul.f32 v10, v24;
	v24 =	vmul.f32 v18, v18  }
0x274: {  	v23 =	vadd.f32 v23, v23;
	v20 =	vmul.f32 v21, v20;
	v44 =	vld [tilespmem:s2+$0x1020];
	v19 =	vmul.f32 v19, v35  }
0x275: {  	v45 =	vld [tilespmem:s2+$0x1030];
	v22 =	vmul.f32 v22, v55;
	v8 =	vadd.f32 $1.000000000e+00, v8;
	v36 =	vmul.f32 $1.111111120e-01, v24  }
0x276: {  	v5 =	vmin.f32 v5, $0.0e+00;
	v43 =	vmul.f32 v20, v20;
	v48 =	vld [tilespmem:s2+$0xFFFFEFD0];
	v7 =	vsub.f32 v7, v19  }
0x277: {  	v13 =	vld [tilespmem:s31+$0xFFFFFFE0];
	v19 =	vadd.f32 $3.333333430e-01, v22;
	v23 =	vmul.f32 v8, v23;
	v36 =	vadd.f32 $1.428571490e-01, v36  }
0x278: {  	v16 =	vadd.f32 v16, v16;
	v20 =	vadd.f32 v20, v20;
	v38 =	vmul.f32 $1.111111120e-01, v43;
	v49 =	vld [tilespmem:s2+$0xFFFFF7C0]  }
0x279: {  	v10 =	vld [tilespmem:s31+$0xFFFFFFF0];
	v19 =	vmul.f32 v19, v55;
	v23 =	vsub.f32 v6, v23;
	v6 =	vmul.f32 v36, v24  }
0x27a: {  	v46 =	vadd.f32 $1.428571490e-01, v38;
	v50 =	vld [tilespmem:s2+$0xFFFFF7D0];
	v33 =	vmul.f32 v62, v12;
	v34 =	vmul.f32 v34, v14  }
0x27b: {  	v4 =	vmin.f32 v4, $0.0e+00;
	v9 =	vld [tilespmem:s31+$0x0];
	v19 =	vadd.f32 $1.000000000e+00, v19;
	v37 =	vadd.f32 $2.000000030e-01, v6  }
0x27c: {  	v25 =	vmul.f32 v25, v12;
	v30 =	vmul.f32 v63, v13;
	v22 =	vld [tilespmem:s2+$0x1000];
	v33 =	vadd.f32 v34, v33  }
0x27d: {  	v51 =	vld [tilespmem:s2+$0xFFFFFFC0];
	v18 =	vadd.f32 v18, v18;
	v16 =	vmul.f32 v19, v16;
	v19 =	vmul.f32 v37, v24  }
0x27e: {  	v8 =	vld [tilespmem:s31+$0x10];
	v30 =	vadd.f32 v30, v33;
	v47 =	vmul.f32 v41, v10;
	v37 =	vmul.f32 v46, v43  }
0x27f: {  	v53 =	vld [tilespmem:s2+$0xFFFFFFD0];
	v32 =	vmul.f32 v59, v14;
	v21 =	vadd.f32 v7, v40;
	v19 =	vadd.f32 $3.333333430e-01, v19  }
0x280: {  	v17 =	vmul.f32 v17, v9;
	v7 =	vld [tilespmem:s31+$0x20];
	v30 =	vadd.f32 v47, v30;
	v52 =	vadd.f32 $2.000000030e-01, v37  }
0x281: {  	v58 =	vld [tilespmem:s2+$0x7E0];
	v22 =	vmul.f32 v22, v9;
	v21 =	vadd.f32 v23, v21;
	v19 =	vmul.f32 v19, v24  }
0x282: {  	v6 =	vld [tilespmem:s31+$0x30];
	v24 =	vadd.f32 v32, v25;
	v25 =	vmul.f32 v56, v13;
	v32 =	vmul.f32 v52, v43  }
0x283: {  	v57 =	vld [tilespmem:s2+$0xFFFFF7E0];
	v22 =	vadd.f32 v22, v30;
	v28 =	vmul.f32 v42, v8;
	v5 =	vsub.f32 v5, v16  }
0x284: {  	v60 =	vld [tilespmem:s2+$0x10];
	v24 =	vadd.f32 v25, v24;
	v25 =	vmul.f32 v27, v10;
	v32 =	vadd.f32 $3.333333430e-01, v32  }
0x285: {  	v62 =	vld [tilespmem:s2+$0xFFFFF830];
	v54 =	vmul.f32 v44, v7;
	v22 =	vadd.f32 v28, v22;
	v19 =	vadd.f32 $1.000000000e+00, v19  }
0x286: {  	v63 =	vld [tilespmem:s2+$0x30];
	v5 =	vadd.f32 v5, v21;
	v24 =	vadd.f32 v25, v24;
	v16 =	vmul.f32 v32, v43  }
0x287: {  	v55 =	vld [tilespmem:s2+$0x7D0];
	v22 =	vadd.f32 v54, v22;
	v56 =	vmul.f32 v45, v6;
	v18 =	vmul.f32 v19, v18  }
0x288: {  	v23 =	vld [tilespmem:s2+$0xFFFFEFC0];
	v17 =	vadd.f32 v17, v24;
	v24 =	vmul.f32 v26, v8;
	v16 =	vadd.f32 $1.000000000e+00, v16  }
0x289: {  	v22 =	vadd.f32 v56, v22;
	v25 =	vld [tilespmem:s2+$0xFFFFEFE0];
	v4 =	vsub.f32 v4, v18  }
0x28a: {  	v15 =	vmul.f32 v15, v7;
	v19 =	vld [tilespmem:s2+$0xFFFFEFF0];
	v17 =	vadd.f32 v24, v17;
	v16 =	vmul.f32 v16, v20  }
0x28b: {  	v3 =	vmin.f32 v3, $0.0e+00;
	v21 =	vld [tilespmem:s2+$0xFFFFF010];
	(xrf2) =	vadd.scan.msk.f32 $0xffff, v22;
	v4 =	vadd.f32 v4, v5  }
0x28c: {  	v11 =	vmul.f32 v11, v6;
	v27 =	vld [tilespmem:s2+$0x7C0];
	v15 =	vadd.f32 v15, v17;
	v3 =	vsub.f32 v3, v16  }
0x28d: {  	v59 =	vmul.f32 v53, v14;
	v61 =	vmul.f32 v57, v13;
	v5 =	vld [tilespmem:s2+$0xFFFFF000]  }
0x28e: {  	v20 =	vmul.f32 v48, v14;
	v11 =	vadd.f32 v11, v15;
	v15 =	vld [tilespmem:s2+$0xFFFFF800];
	v3 =	vadd.f32 v3, v4  }
0x28f: {  	v26 =	vld [tilespmem:s2+$0xFFFFFFE0];
	v25 =	vmul.f32 v25, v13;
	v19 =	vmul.f32 v19, v10  }
0x290: {  	v22 =	vld [tilespmem:s2+$0xFFFFF7F0];
	(xrf2) =	vadd.scan.msk.f32 $0xffff, v11;
	v11 =	vmul.f32 v23, v12;
	v2 =	vadd.f32 v3, v2;
	v3 =	vmul.f32 v49, v12  }
0x291: {  	v18 =	vld [tilespmem:s2+$0xFFFFFFF0];
	v23 =	vmul.f32 v50, v14;
	v14 =	vmul.f32 v55, v14  }
0x292: {  	v17 =	vld [tilespmem:s2+$0x7F0];
	v11 =	vadd.f32 v20, v11;
	v20 =	vmul.f32 v51, v12;
	v12 =	vmul.f32 v27, v12  }
0x293: {  	v4 =	vld [tilespmem:s2+$0x800];
	v5 =	vmul.f32 v5, v9;
	v3 =	vadd.f32 v23, v3;
	v15 =	vmul.f32 v15, v9  }
0x294: {  	v16 =	vld [tilespmem:s2+$0x0];
	v20 =	vadd.f32 v59, v20;
	v12 =	vadd.f32 v14, v12;
	v14 =	vmul.f32 v26, v13  }
0x295: {  	v24 =	vld [tilespmem:s2+$0xFFFFF810];
	v23, _, _ =	vpop (xrf2);
	v11 =	vadd.f32 v25, v11;
	v13 =	vmul.f32 v58, v13;
	v3 =	vadd.f32 v61, v3  }
0x296: {  	v27 =	vld [tilespmem:s2+$0x810];
	(v2sf) =	vpush v23, $0xF;
	v14 =	vadd.f32 v14, v20;
	v20 =	vmul.f32 v22, v10  }
0x297: {  	v23 =	vld [tilespmem:s2+$0xFFFFF020];
	v12 =	vadd.f32 v13, v12;
	v13 =	vmul.f32 v18, v10;
	v10 =	vmul.f32 v17, v10  }
0x298: {  	v4 =	vmul.f32 v4, v9;
	v26 =	vld [tilespmem:s2+$0xFFFFF820];
	v11 =	vadd.f32 v19, v11;
	v3 =	vadd.f32 v20, v3  }
0x299: {  	v19 =	vld [tilespmem:s2+$0xFFFFF030];
	v13 =	vadd.f32 v13, v14;
	v10 =	vadd.f32 v10, v12;
	v12 =	vmul.f32 v16, v9  }
0x29a: {  	v25 =	vld [tilespmem:s2+$0x20];
	v5 =	vadd.f32 v5, v11;
	v9 =	vmul.f32 v21, v8;
	v3 =	vadd.f32 v15, v3  }
0x29b: {  	v22 =	vld [tilespmem:s2+$0x820];
	v18 =	vmul.f32 v60, v8;
	v17, _, _ =	vpop (xrf2);
	v15 =	vadd.f32 v12, v13;
	v4 =	vadd.f32 v4, v10  }
0x29c: {  	s28 =	simm.s32 $0x46C0;
	v16 =	vld [tilespmem:s2+$0x830];
	v5 =	vadd.f32 v9, v5;
	v9 =	vmul.f32 v23, v7;
	v14 =	vbroadcast v17, $0xF  }
0x29d: {  	v11 =	vld [tilespmem:s28+$0x30];
	v17 =	vmul.f32 v24, v8;
	v8 =	vmul.f32 v27, v8;
	v10 =	vadd.f32 v18, v15  }
0x29e: {  	v20 =	vld [tilespmem:s28+$0xFFFFFFF0];
	v15 =	vmul.f32 v26, v7;
	v5 =	vadd.f32 v9, v5;
	v9 =	vmul.f32 v19, v6  }
0x29f: {  	v12 =	vld [tilespmem:s28+$0x20];
	v3 =	vadd.f32 v17, v3;
	v4 =	vadd.f32 v8, v4;
	v8 =	vmul.f32 v25, v7  }
0x2a0: {  	v13 =	vld [tilespmem:s28+$0x10];
	v5 =	vadd.f32 v9, v5  }
0x2a1: {  	v23 =	vld [tilespmem:s28+$0xFFFFFFD0];
	v3 =	vadd.f32 v15, v3;
	v8 =	vadd.f32 v8, v10;
	v10 =	vmul.f32 v62, v6  }
0x2a2: {  	v18 =	vld [tilespmem:s28+$0x0];
	(xrf2) =	vadd.scan.msk.f32 $0xffff, v5  }
0x2a3: {  	v7 =	vmul.f32 v22, v7;
	v22 =	vld [tilespmem:s28+$0xFFFFFFE0];
	v19 =	vadd.f32 v10, v3  }
0x2a4: {  	s29 =	simm.s32 $0x26C0;
	s25 =	simm.s32 $0x0;
	v17 =	vld [tilespmem:s28+$0xFFFFFFC0];
	v9 =	vmul.f32 v63, v6  }
0x2a5: {  	v4 =	vadd.f32 v7, v4;
	v15 =	vmov s25;
	v6 =	vmul.f32 v16, v6;
	v10 =	vld [tilespmem:s29+$0xFFFFFFC0];
	(xrf2) =	vadd.scan.msk.f32 $0xffff, v19;
	s26 =	spop (v2sf)  }
0x2a6: {  	v7 =	vimm.f32 $0.0e+00;
	s25 =	simm.s32 $0xB6C0;
	vm0 =	veq.s32 v15, v0;
	v15 =	vadd.f32 v9, v8;
	v9 =	vld [tilespmem:s29+$0xFFFFFFD0];
	s31 =	ssub.f32 $0.0e+00, s26  }
0x2a7: {  	v24 =	vld [tilespmem:s25+$0xFC0];
	v5 =	vimm.f32 $0.0e+00;
	v8 =	vsel vm0, v14, v7;
	v21 =	vadd.f32 v6, v4  }
0x2a8: {  	s30 =	simm.s32 $0x2;
	v25 =	vld [tilespmem:s25+$0xFD0];
	v6 =	vimm.f32 $0.0e+00;
	v4 =	vimm.f32 $0.0e+00;
	(xrf2) =	vadd.scan.msk.f32 $0xffff, v15;
	s26 =	simm.s32 $0x1;
	v3 =	vsel vm0, s31, v7  }
.LBB2_7:
0x2a9: {  	p1 =	sne.s32 s30, $0xF;
	v26 =	vld [tilespmem:s29+$0xFFFFFFE0]  }
0x2aa: {  	v14 =	vmul.f32 v17, v10;
	v15 =	vld [tilespmem:s25+$0xFE0]  }
0x2ab: {  	v19 =	vld [tilespmem:s29+$0xFFFFFFF0];
	v16 =	vmul.f32 v23, v9;
	(xrf2) =	vadd.scan.msk.f32 $0xffff, v21  }
0x2ac: {  	v21 =	vld [tilespmem:s25+$0xFF0];
	v23, _, _ =	vpop (xrf2)  }
0x2ad: {  	v24 =	vmul.f32 v24, v10;
	v17 =	vld [tilespmem:s29+$0x0];
	v14 =	vadd.f32 v16, v14;
	v25 =	vmul.f32 v25, v9  }
0x2ae: {  	v22 =	vmul.f32 v22, v26;
	v27 =	vld [tilespmem:s25+$0x1000];
	(v2sf) =	vpush v23, $0xF  }
0x2af: {  	v16 =	vld [tilespmem:s29+$0x10];
	v23 =	vadd.f32 v25, v24;
	v24 =	vmul.f32 v15, v26;
	v15, _, _ =	vpop (xrf2)  }
0x2b0: {  	v14 =	vadd.f32 v22, v14;
	v20 =	vmul.f32 v20, v19;
	v22 =	vld [tilespmem:s25+$0x1010];
	(v2sf) =	vpush v15, $0xF  }
0x2b1: {  	v15 =	vld [tilespmem:s29+$0x20];
	v23 =	vadd.f32 v24, v23;
	v21 =	vmul.f32 v21, v19  }
0x2b2: {  	v20 =	vadd.f32 v20, v14;
	v18 =	vmul.f32 v18, v17;
	v24 =	vld [tilespmem:s25+$0x1020];
	v25, _, _ =	vpop (xrf2)  }
0x2b3: {  	v14 =	vld [tilespmem:s29+$0x30];
	v21 =	vadd.f32 v21, v23;
	v27 =	vmul.f32 v27, v17;
	(v2sf) =	vpush v25, $0xF  }
0x2b4: {  	v18 =	vadd.f32 v18, v20;
	v13 =	vmul.f32 v13, v16;
	v20 =	vld [tilespmem:s25+$0x1030]  }
0x2b5: {  	v25 =	vld [tilespmem:s25+$0xFFFFEFC0];
	v21 =	vadd.f32 v27, v21;
	v22 =	vmul.f32 v22, v16;
	v23, _, _ =	vpop (xrf2)  }
0x2b6: {  	v13 =	vadd.f32 v13, v18;
	v12 =	vmul.f32 v12, v15;
	v18 =	vld [tilespmem:s25+$0xFFFFEFD0];
	(v2sf) =	vpush v23, $0xF  }
0x2b7: {  	v23 =	vld [tilespmem:s25+$0xFFFFF7C0];
	v21 =	vadd.f32 v22, v21;
	v22 =	vmul.f32 v24, v15  }
0x2b8: {  	v12 =	vadd.f32 v12, v13;
	v11 =	vmul.f32 v11, v14;
	v13 =	vld [tilespmem:s25+$0xFFFFF7D0]  }
0x2b9: {  	v24 =	vld [tilespmem:s25+$0xFFFFFFC0];
	v21 =	vadd.f32 v22, v21;
	v20 =	vmul.f32 v20, v14  }
0x2ba: {  	v11 =	vadd.f32 v11, v12;
	v12 =	vmul.f32 v25, v10;
	v22 =	vld [tilespmem:s25+$0xFFFFFFD0]  }
0x2bb: {  	v18 =	vmul.f32 v18, v9;
	v25 =	vld [tilespmem:s25+$0x7C0];
	v20 =	vadd.f32 v20, v21  }
0x2bc: {  	v21 =	vmul.f32 v23, v10;
	v23 =	vld [tilespmem:s25+$0x7D0]  }
0x2bd: {  	v12 =	vadd.f32 v18, v12;
	v18 =	vld [tilespmem:s25+$0xFFFFEFE0];
	v13 =	vmul.f32 v13, v9;
	(xrf2) =	vadd.scan.msk.f32 $0xffff, v20;
	s2 =	spop (v2sf)  }
0x2be: {  	v20 =	vld [tilespmem:s25+$0xFFFFF7E0];
	v24 =	vmul.f32 v24, v10;
	s2 =	ssub.f32 $0.0e+00, s2  }
0x2bf: {  	v13 =	vadd.f32 v13, v21;
	v21 =	vmul.f32 v22, v9;
	v22 =	vld [tilespmem:s25+$0xFFFFFFE0];
	s31 =	spop (v2sf)  }
0x2c0: {  	v10 =	vmul.f32 v25, v10;
	v25 =	vld [tilespmem:s25+$0x7E0];
	(xrf2) =	vadd.scan.msk.f32 $0xffff, v11;
	v7 =	vsel vm0, s2, v7;
	s2 =	ssub.f32 $0.0e+00, s31  }
0x2c1: {  	v11 =	vld [tilespmem:s25+$0xFFFFEFF0];
	v21 =	vadd.f32 v21, v24;
	v9 =	vmul.f32 v23, v9  }
0x2c2: {  	v18 =	vmul.f32 v18, v26;
	v23 =	vld [tilespmem:s25+$0xFFFFF7F0];
	v6 =	vsel vm0, s2, v6;
	s2 =	spop (v2sf)  }
0x2c3: {  	v20 =	vmul.f32 v20, v26;
	v24 =	vld [tilespmem:s25+$0xFFFFFFF0];
	v9 =	vadd.f32 v9, v10;
	s2 =	ssub.f32 $0.0e+00, s2  }
0x2c4: {  	v10 =	vadd.f32 v18, v12;
	v12 =	vmul.f32 v22, v26;
	v18 =	vld [tilespmem:s25+$0x7F0]  }
0x2c5: {  	v22 =	vld [tilespmem:s25+$0xFFFFF000];
	v13 =	vadd.f32 v20, v13;
	v26 =	vmul.f32 v25, v26;
	v5 =	vsel vm0, s2, v5;
	s2 =	spop (v2sf)  }
0x2c6: {  	v11 =	vmul.f32 v11, v19;
	v25 =	vld [tilespmem:s25+$0xFFFFF800];
	v12 =	vadd.f32 v12, v21;
	s2 =	ssub.f32 $0.0e+00, s2  }
0x2c7: {  	v21 =	vmul.f32 v23, v19;
	v23 =	vld [tilespmem:s25+$0x0];
	v9 =	vadd.f32 v26, v9;
	v20, _, _ =	vpop (xrf2)  }
0x2c8: {  	v10 =	vadd.f32 v11, v10;
	v11 =	vmul.f32 v24, v19;
	v24 =	vld [tilespmem:s25+$0x800];
	(v2sf) =	vpush v20, $0xF  }
0x2c9: {  	v4 =	vsel vm0, s2, v4;
	v20 =	vld [tilespmem:s25+$0xFFFFF010];
	v13 =	vadd.f32 v21, v13;
	v18 =	vmul.f32 v18, v19  }
0x2ca: {  	v19 =	vmul.f32 v22, v17;
	v21 =	vld [tilespmem:s25+$0xFFFFF810];
	v11 =	vadd.f32 v11, v12;
	v12, _, _ =	vpop (xrf2)  }
0x2cb: {  	v26 =	vbroadcast v12, $0xF;
	v12 =	vmul.f32 v25, v17;
	v22 =	vld [tilespmem:s25+$0x10];
	v9 =	vadd.f32 v18, v9  }
0x2cc: {  	v10 =	vadd.f32 v19, v10;
	v18 =	vmul.f32 v23, v17;
	v19 =	vld [tilespmem:s25+$0x810]  }
0x2cd: {  	v23 =	vld [tilespmem:s25+$0xFFFFF020];
	v12 =	vadd.f32 v12, v13;
	v13 =	vmul.f32 v24, v17  }
0x2ce: {  	v17 =	vmul.f32 v20, v16;
	v20 =	vld [tilespmem:s25+$0xFFFFF820];
	v11 =	vadd.f32 v18, v11  }
0x2cf: {  	v18 =	vmul.f32 v21, v16;
	v21 =	vld [tilespmem:s25+$0x20];
	v9 =	vadd.f32 v13, v9  }
0x2d0: {  	v10 =	vadd.f32 v17, v10;
	v13 =	vmul.f32 v22, v16;
	v17 =	vld [tilespmem:s25+$0x820]  }
0x2d1: {  	v22 =	vld [tilespmem:s25+$0xFFFFF030];
	v12 =	vadd.f32 v18, v12;
	v16 =	vmul.f32 v19, v16  }
0x2d2: {  	v18 =	vmul.f32 v23, v15;
	v19 =	vld [tilespmem:s25+$0xFFFFF830];
	v13 =	vadd.f32 v13, v11  }
0x2d3: {  	v20 =	vmul.f32 v20, v15;
	v23 =	vld [tilespmem:s25+$0x30];
	v9 =	vadd.f32 v16, v9  }
0x2d4: {  	s28 =	sadd.s32 $0x80, s28;
	v10 =	vadd.f32 v18, v10;
	v16 =	vmul.f32 v21, v15;
	v21 =	vld [tilespmem:s25+$0x830]  }
0x2d5: {  	v11 =	vld [tilespmem:s28+$0x30];
	v24 =	vadd.f32 v20, v12;
	v15 =	vmul.f32 v17, v15  }
0x2d6: {  	v12 =	vld [tilespmem:s28+$0x20];
	v17 =	vmul.f32 v22, v14;
	v16 =	vadd.f32 v16, v13  }
0x2d7: {  	v13 =	vld [tilespmem:s28+$0x10];
	v19 =	vmul.f32 v19, v14;
	v9 =	vadd.f32 v15, v9;
	s2 =	spop (v2sf)  }
0x2d8: {  	v15 =	vmov s26;
	s26 =	smov.u32 s30;
	v18 =	vld [tilespmem:s28+$0x0];
	v10 =	vadd.f32 v17, v10;
	v17 =	vmul.f32 v23, v14;
	s2 =	ssub.f32 $0.0e+00, s2  }
0x2d9: {  	vm0 =	veq.s32 v15, v0;
	v20 =	vld [tilespmem:s28+$0xFFFFFFF0];
	v15 =	vadd.f32 v19, v24;
	v14 =	vmul.f32 v21, v14  }
0x2da: {  	v8 =	vsel vm0, v26, v8;
	v22 =	vld [tilespmem:s28+$0xFFFFFFE0];
	v16 =	vadd.f32 v17, v16;
	v3 =	vsel vm0, s2, v3;
	(xrf2) =	vadd.scan.msk.f32 $0xffff, v10  }
0x2db: {  	v17 =	vld [tilespmem:s28+$0xFFFFFFC0];
	v21 =	vadd.f32 v14, v9  }
.Ltmp4:
0x2dc: {  	s29 =	sadd.s32 $0x80, s29;
	v23 =	vld [tilespmem:s28+$0xFFFFFFD0];
	(pc) =	sbr.rel @p1 .LBB2_7-.Ltmp4, $4  }
0x2dd: {  	v10 =	vld [tilespmem:s29+$0xFFFFFFC0];
	(xrf2) =	vadd.scan.msk.f32 $0xffff, v15  }
0x2de: {  	s25 =	sadd.s32 $0x80, s25;
	v9 =	vld [tilespmem:s29+$0xFFFFFFD0]  }
0x2df: {  	v24 =	vld [tilespmem:s25+$0xFC0]  }
0x2e0: {  	s30 =	sadd.s32 $0x1, s30;
	v25 =	vld [tilespmem:s25+$0xFD0];
	(xrf2) =	vadd.scan.msk.f32 $0xffff, v16  }
0x2e1: {  	v19 =	vld [tilespmem:s29+$0xFFFFFFE0]  }
0x2e2: {  	v26 =	vld [tilespmem:s25+$0xFE0]  }
0x2e3: {  	v16 =	vld [tilespmem:s29+$0xFFFFFFF0]  }
0x2e4: {  	v27 =	vld [tilespmem:s25+$0xFF0]  }
0x2e5: {  	v15 =	vld [tilespmem:s29+$0x0]  }
0x2e6: {  	v28 =	vld [tilespmem:s25+$0x1000]  }
0x2e7: {  	v14 =	vld [tilespmem:s29+$0x10]  }
0x2e8: {  	v29 =	vld [tilespmem:s25+$0xFFFFEFC0]  }
0x2e9: {  	v30 =	vld [tilespmem:s25+$0xFFFFEFD0]  }
0x2ea: {  	v31 =	vld [tilespmem:s25+$0x1010]  }
0x2eb: {  	v32 =	vld [tilespmem:s25+$0xFFFFEFE0];
	v24 =	vmul.f32 v24, v10;
	v25 =	vmul.f32 v25, v9  }
0x2ec: {  	v51 =	vld [tilespmem:s25+$0xFFFFF010];
	v17 =	vmul.f32 v17, v10;
	v23 =	vmul.f32 v23, v9  }
0x2ed: {  	v22 =	vmul.f32 v22, v19;
	v24 =	vadd.f32 v25, v24;
	v25 =	vmul.f32 v26, v19;
	v26 =	vld [tilespmem:s25+$0xFFFFEFF0]  }
0x2ee: {  	v23 =	vadd.f32 v23, v17;
	v17 =	vld [tilespmem:s29+$0x20];
	v29 =	vmul.f32 v29, v10;
	v30 =	vmul.f32 v30, v9  }
0x2ef: {  	v24 =	vadd.f32 v25, v24;
	v25 =	vmul.f32 v27, v16;
	v27 =	vld [tilespmem:s25+$0xFFFFF000]  }
0x2f0: {  	v50 =	vmul.f32 v32, v19;
	v22 =	vadd.f32 v22, v23;
	v23 =	vld [tilespmem:s25+$0x1020];
	v29 =	vadd.f32 v30, v29  }
0x2f1: {  	v52 =	vld [tilespmem:s25+$0x1030];
	v33 =	vmul.f32 v20, v16;
	v24 =	vadd.f32 v25, v24;
	v25 =	vmul.f32 v28, v15  }
0x2f2: {  	v53 =	vld [tilespmem:s25+$0xFFFFF020];
	v18 =	vmul.f32 v18, v15;
	v29 =	vadd.f32 v50, v29;
	v26 =	vmul.f32 v26, v16  }
0x2f3: {  	v20 =	vld [tilespmem:s29+$0x30];
	v22 =	vadd.f32 v33, v22;
	v24 =	vadd.f32 v25, v24;
	v25 =	vmul.f32 v31, v14  }
0x2f4: {  	v54 =	vld [tilespmem:s25+$0xFFFFF7D0];
	v13 =	vmul.f32 v13, v14;
	v26 =	vadd.f32 v26, v29;
	v27 =	vmul.f32 v27, v15  }
0x2f5: {  	v18 =	vadd.f32 v18, v22;
	v23 =	vmul.f32 v23, v17;
	v24 =	vadd.f32 v25, v24;
	v25 =	vld [tilespmem:s25+$0xFFFFF030]  }
0x2f6: {  	v22 =	vld [tilespmem:s25+$0xFFFFF7C0];
	v26 =	vadd.f32 v27, v26;
	v27 =	vmul.f32 v51, v14  }
0x2f7: {  	v12 =	vmul.f32 v12, v17;
	v13 =	vadd.f32 v13, v18;
	v18 =	vadd.f32 v23, v24  }
0x2f8: {  	v23 =	vmul.f32 v52, v20;
	v24 =	vld [tilespmem:s25+$0xFFFFF7E0];
	v26 =	vadd.f32 v27, v26;
	v27 =	vmul.f32 v53, v17  }
0x2f9: {  	v11 =	vmul.f32 v11, v20;
	v12 =	vadd.f32 v12, v13  }
0x2fa: {  	v13 =	vadd.f32 v23, v18;
	v18 =	vld [tilespmem:s25+$0xFFFFF7F0];
	v23 =	vadd.f32 v27, v26;
	v25 =	vmul.f32 v25, v20  }
0x2fb: {  	(xrf2) =	vadd.scan.msk.f32 $0xffff, v21;
	v21 =	vmul.f32 v54, v9;
	v11 =	vadd.f32 v11, v12;
	v12 =	vmul.f32 v22, v10  }
0x2fc: {  	(xrf2) =	vadd.scan.msk.f32 $0xffff, v13;
	v13 =	vld [tilespmem:s25+$0xFFFFF800];
	v22 =	vadd.f32 v25, v23  }
0x2fd: {  	v12 =	vadd.f32 v21, v12;
	(xrf2) =	vadd.scan.msk.f32 $0xffff, v11;
	v11 =	vmul.f32 v24, v19  }
0x2fe: {  	v21 =	vld [tilespmem:s25+$0xFFFFF810];
	(xrf2) =	vadd.scan.msk.f32 $0xffff, v22  }
0x2ff: {  	v23 =	vld [tilespmem:s25+$0xFFFFFFD0];
	v11 =	vadd.f32 v11, v12;
	v12 =	vmul.f32 v18, v16  }
0x300: {  	v18 =	vld [tilespmem:s25+$0xFFFFF820]  }
0x301: {  	v22 =	vld [tilespmem:s25+$0xFFFFFFC0];
	v11 =	vadd.f32 v12, v11;
	v12 =	vmul.f32 v13, v15;
	v13, _, _ =	vpop (xrf2)  }
0x302: {  	v24 =	vld [tilespmem:s25+$0xFFFFF830];
	v25, _, _ =	vpop (xrf2);
	(v2sf) =	vpush v13, $0xF  }
0x303: {  	v13 =	vld [tilespmem:s25+$0xFFFFFFE0];
	v11 =	vadd.f32 v12, v11;
	v12 =	vmul.f32 v21, v14;
	v21, _, _ =	vpop (xrf2);
	(v2sf) =	vpush v25, $0xF  }
0x304: {  	(v2sf) =	vpush v21, $0xF;
	v21 =	vmul.f32 v23, v9  }
0x305: {  	v25, _, _ =	vpop (xrf2);
	v11 =	vadd.f32 v12, v11;
	v12 =	vmul.f32 v18, v17  }
0x306: {  	v23 =	vld [tilespmem:s25+$0xFFFFFFF0];
	v18 =	vmul.f32 v22, v10;
	v22, _, _ =	vpop (xrf2)  }
0x307: {  	(v2sf) =	vpush v25, $0xF;
	v25, _, _ =	vpop (xrf2);
	v11 =	vadd.f32 v12, v11;
	v12 =	vmul.f32 v24, v20  }
0x308: {  	v18 =	vadd.f32 v21, v18;
	(v2sf) =	vpush v22, $0xF;
	v13 =	vmul.f32 v13, v19;
	v22 =	vld [tilespmem:s25+$0x0];
	v21, _, _ =	vpop (xrf2)  }
0x309: {  	v11 =	vadd.f32 v12, v11;
	(v2sf) =	vpush v21, $0xF  }
0x30a: {  	v12 =	vadd.f32 v13, v18;
	v13 =	vld [tilespmem:s25+$0x10]  }
0x30b: {  	v18 =	vbroadcast v25, $0xF;
	v21 =	vmov s26;
	(xrf2) =	vadd.scan.msk.f32 $0xffff, v11;
	v11 =	vmul.f32 v23, v16  }
0x30c: {  	vm1 =	veq.s32 v21, v0  }
0x30d: {  	v24 =	vld [tilespmem:s25+$0x7D0];
	v8 =	vsel vm1, v18, v8;
	v11 =	vadd.f32 v11, v12;
	v12 =	vmul.f32 v22, v15  }
0x30e: {  	v23 =	vld [tilespmem:s25+$0x20];
	v22 =	vand.u32 $0x7FFFFFFF, v8  }
0x30f: {  	v21 =	vld [tilespmem:s25+$0x7C0];
	v11 =	vadd.f32 v12, v11;
	v12 =	vmul.f32 v13, v14;
	v13 =	vsub.f32 $0.0e+00, v22  }
0x310: {  	v18 =	vld [tilespmem:s25+$0x30]  }
0x311: {  	v22 =	vld [tilespmem:s25+$0x7E0];
	v13 =	vmul.f32 $1.442695020e+00, v13;
	_ =	sdelay $0x1  }
0x312: {  	v11 =	vadd.f32 v12, v11;
	v12 =	vmul.f32 v23, v17;
	s2 =	spop (v2sf);
	v23 =	vld [tilespmem:s25+$0x7F0]  }
0x313: {  	v9 =	vmul.f32 v24, v9;
	v10 =	vmul.f32 v21, v10;
	s29 =	spop (v2sf)  }
0x314: {  	v11 =	vadd.f32 v12, v11;
	v12 =	vmul.f32 v18, v20;
	(erf) = vpow2.f32 v13;
	s30 =	spop (v2sf);
	v18 =	vld [tilespmem:s25+$0x800];
	v13, _, _ =	vpop (xrf2)  }
0x315: {  	v9 =	vadd.f32 v9, v10;
	s28 =	spop (v2sf);
	v10 =	vmul.f32 v22, v19;
	(v2sf) =	vpush v13, $0xF  }
0x316: {  	v11 =	vadd.f32 v12, v11;
	v12 =	vld [tilespmem:s25+$0x810];
	s26 =	spop (v2sf)  }
0x317: {  	s2 =	ssub.f32 $0.0e+00, s2;
	v9 =	vadd.f32 v10, v9;
	v10 =	vmul.f32 v23, v16;
	s31 =	spop (v2sf)  }
0x318: {  	(xrf2) =	vadd.scan.msk.f32 $0xffff, v11;
	s31 =	ssub.f32 $0.0e+00, s31  }
0x319: {  	v7 =	vsel vm0, s2, v7;
	v11 =	vld [tilespmem:s25+$0x820];
	v9 =	vadd.f32 v10, v9;
	v10 =	vmul.f32 v18, v15  }
0x31a: {  	v7 =	vsel vm1, s31, v7  }
0x31b: {  	v9 =	vadd.f32 v10, v9;
	v10 =	vmul.f32 v12, v14;
	v15 =	vand.u32 $0x7FFFFFFF, v7  }
0x31c: {  	v13 =	vld [tilespmem:s25+$0x830];
	v14 =	vsub.f32 $0.0e+00, v15  }
0x31d: {  	v12 =	vpop (erf);
	v9 =	vadd.f32 v10, v9  }
0x31e: {  	v10 =	vmul.f32 v11, v17;
	v15 =	vadd.f32 $2.000000000e+00, v12;
	v11 =	vmul.f32 $1.442695020e+00, v14;
	_ =	sdelay $0x1  }
0x31f: {  	(erf) = vrcp.f32 v15  }
0x320: {  	v9 =	vadd.f32 v10, v9;
	v10 =	vmul.f32 v13, v20;
	(erf) = vpow2.f32 v11  }
0x321: {  	v11, _, _ =	vpop (xrf2)  }
0x322: {  	v9 =	vadd.f32 v10, v9;
	(v2sf) =	vpush v11, $0xF  }
0x323: {  	s2 =	ssub.f32 $0.0e+00, s29;
	s31 =	spop (v2sf)  }
0x324: {  	(xrf2) =	vadd.scan.msk.f32 $0xffff, v9;
	s25 =	ssub.f32 $0.0e+00, s31  }
0x325: {  	v6 =	vsel vm0, s2, v6  }
0x326: {  	v6 =	vsel vm1, s25, v6  }
0x327: {  	v10 =	vand.u32 $0x7FFFFFFF, v6  }
0x328: {  	v9 =	vpop (erf);
	v10 =	vsub.f32 $0.0e+00, v10  }
0x329: {  	v11 =	vpop (erf)  }
0x32a: {  	v13 =	vadd.f32 $2.000000000e+00, v11;
	v10 =	vmul.f32 $1.442695020e+00, v10;
	_ =	sdelay $0x1  }
0x32b: {  	(erf) = vrcp.f32 v13  }
0x32c: {  	(erf) = vpow2.f32 v10  }
0x32d: {  	v10, _, _ =	vpop (xrf2)  }
0x32e: {  	(v2sf) =	vpush v10, $0xF;
	_ =	sdelay $0x1  }
0x32f: {  	s2 =	ssub.f32 $0.0e+00, s30;
	s31 =	spop (v2sf)  }
0x330: {  	s25 =	ssub.f32 $0.0e+00, s31  }
0x331: {  	v5 =	vsel vm0, s2, v5  }
0x332: {  	v5 =	vsel vm1, s25, v5  }
0x333: {  	v10 =	vpop (erf);
	v13 =	vand.u32 $0x7FFFFFFF, v5  }
0x334: {  	v14 =	vpop (erf);
	v13 =	vsub.f32 $0.0e+00, v13  }
0x335: {  	v15 =	vadd.f32 $2.000000000e+00, v14  }
0x336: {  	v13 =	vmul.f32 $1.442695020e+00, v13  }
0x337: {  	(erf) = vrcp.f32 v15  }
0x338: {  	(erf) = vpow2.f32 v13;
	_ =	sdelay $0x3  }
0x339: {  	s2 =	ssub.f32 $0.0e+00, s28;
	s31 =	spop (v2sf)  }
0x33a: {  	s25 =	ssub.f32 $0.0e+00, s31  }
0x33b: {  	v4 =	vsel vm0, s2, v4  }
0x33c: {  	v4 =	vsel vm1, s25, v4  }
0x33d: {  	v13 =	vpop (erf);
	v15 =	vand.u32 $0x7FFFFFFF, v4  }
0x33e: {  	s2 =	sadd.s32 @!p0 $0x60, s24;
	v15 =	vsub.f32 $0.0e+00, v15;
	v16 =	vpop (erf)  }
0x33f: {  	s25 =	sshll.u32 @!p0 s2, $0x3;
	v17 =	vadd.f32 $2.000000000e+00, v16  }
0x340: {  	s28 =	sand.u32 @!p0 $0x60, s2;
	s25 =	sand.u32 @!p0 $0x1C00, s25;
	v15 =	vmul.f32 $1.442695020e+00, v15  }
0x341: {  	s25 =	sor.u32 @!p0 s28, s25;
	(erf) = vrcp.f32 v17  }
0x342: {  	(erf) = vpow2.f32 v15;
	v15 =	vld @!p0 [tilespmem:s25+$0x400];
	_ =	sdelay $0x4  }
0x343: {  	s26 =	ssub.f32 $0.0e+00, s26;
	[tilespmem:$0x1500] =	vst @!p0 v15  }
0x344: {  	v15 =	vld @!p0 [tilespmem:s25+$0x480]  }
0x345: {  	v3 =	vsel vm1, s26, v3  }
0x346: {  	v18 =	vand.u32 $0x7FFFFFFF, v3;
	v17 =	vpop (erf)  }
0x347: {  	v18 =	vsub.f32 $0.0e+00, v18;
	v19 =	vpop (erf)  }
0x348: {  	v20 =	vadd.f32 $2.000000000e+00, v19  }
0x349: {  	v18 =	vmul.f32 $1.442695020e+00, v18;
	[tilespmem:$0x1510] =	vst @!p0 v15  }
0x34a: {  	(erf) = vrcp.f32 v20;
	v15 =	vld @!p0 [tilespmem:s25+$0x500]  }
0x34b: {  	(erf) = vpow2.f32 v18;
	_ =	sdelay $0x3  }
0x34c: {  	[tilespmem:$0x1520] =	vst @!p0 v15  }
0x34d: {  	v15 =	vld @!p0 [tilespmem:s25+$0x580];
	_ =	sdelay $0x2  }
0x34e: {  	v18 =	vpop (erf)  }
0x34f: {  	v20 =	vpop (erf)  }
0x350: {  	v21 =	vadd.f32 $2.000000000e+00, v20;
	[tilespmem:$0x1530] =	vst @!p0 v15  }
0x351: {  	v15 =	vld @!p0 [tilespmem:s25+$0x600]  }
0x352: {  	(erf) = vrcp.f32 v21;
	_ =	sdelay $0x3  }
0x353: {  	s26 =	simm.s32 @!p0 $0x2600;
	s25 =	simm.s32 @!p0 $0x10;
	[tilespmem:$0x1540] =	vst @!p0 v15  }
0x354: {  	[tilespmem:s26], [sflag:$0x3] =	stream.indirect.gather @!p0 [hbm4b:s1+s25], $0x80, s2, s25, $0xb8;
	[tilespmem:$0xF680] =	vst v63  }
0x355: {  	s2 =	sadd.s32 @!p0 $0x260, s24;
	s26 =	simm.s32 @!p0 $0x4600  }
0x356: {  	[tilespmem:s26], [sflag:$0x3] =	stream.indirect.gather @!p0 [hbm4b:s3+s25], $0x80, s2, s25, $0xb8;
	[tilespmem:$0xF680] =	vst v63  }
0x357: {  	v9 =	vmul.f32 v9, v12;
	s2 =	simm.s32 @!p0 $0x50;
	s25 =	simm.s32 @!p0 $0x1500;
	s26 =	simm.s32 @!p0 $0xA600  }
0x358: {  	v21 =	vpop (erf);
	[tilespmem:s26], [sflag:$0x3] =	stream.indirect.gather @!p0 [hbm4b:s3+s2], $0x80, s25, s2, $0xb8;
	[tilespmem:$0xF680] =	vst v63  }
0x359: {  	v12 =	vmul.f32 v9, v9;
	_ =	swait.ge [sflag:s20], $0x800  }
0x35a: {  	[sflag:s20] =	ssyncset.done $0x0  }
0x35b: {  	v15 =	vmul.f32 $1.111111120e-01, v12;
	[sflag:s20] =	ssyncadd.s32 $0xFFFFF800  }
0x35c: {  	v10 =	vmul.f32 v10, v11;
	_ =	swait.ge [sflag:s20], $0x800  }
0x35d: {  	v11 =	vadd.f32 $1.428571490e-01, v15;
	[sflag:s20] =	ssyncset.done $0x0  }
0x35e: {  	v22 =	vmul.f32 v10, v10;
	[sflag:s20] =	ssyncadd.s32 $0xFFFFF800  }
0x35f: {  	v11 =	vmul.f32 v11, v12;
	_ =	swait.ge [sflag:s20], $0x2800  }
0x360: {  	v23 =	vmul.f32 v13, v14;
	v15 =	vmul.f32 $1.111111120e-01, v22;
	[sflag:s20] =	ssyncset.done $0x0  }
0x361: {  	s26 =	simm.s32 $0x4E40;
	v13 =	vadd.f32 $2.000000030e-01, v11;
	[sflag:s20] =	ssyncadd.s32 $0xFFFFD800  }
0x362: {  	v24 =	vmul.f32 v23, v23;
	v14 =	vadd.f32 $1.428571490e-01, v15;
	v11 =	vld [tilespmem:s26+$0x30]  }
0x363: {  	v16 =	vmul.f32 v17, v16;
	v13 =	vmul.f32 v13, v12;
	v15 =	vld [tilespmem:s26+$0x20]  }
0x364: {  	v25 =	vmul.f32 $1.111111120e-01, v24;
	v14 =	vmul.f32 v14, v22;
	v26 =	vld [tilespmem:s26+$0x10]  }
0x365: {  	v55 =	vmul.f32 v16, v16;
	v13 =	vadd.f32 $3.333333430e-01, v13;
	v17 =	vld [tilespmem:s26+$0x0]  }
0x366: {  	v25 =	vadd.f32 $1.428571490e-01, v25;
	v14 =	vadd.f32 $2.000000030e-01, v14;
	v27 =	vld [tilespmem:s26+$0xFFFFFFF0]  }
0x367: {  	v58 =	vmul.f32 $1.111111120e-01, v55;
	v12 =	vmul.f32 v13, v12;
	v56 =	vld [tilespmem:s26+$0xFFFFFFE0]  }
0x368: {  	v13 =	vmul.f32 v14, v22;
	v14 =	vmul.f32 v25, v24;
	v25 =	vld [tilespmem:s26+$0xFFFFFFC0]  }
0x369: {  	s31 =	simm.s32 $0x2E40;
	v31 =	vadd.f32 $1.428571490e-01, v58;
	v59 =	vld [tilespmem:s26+$0xFFFFFFD0]  }
0x36a: {  	v57 =	vadd.f32 $1.000000000e+00, v12;
	v60 =	vadd.f32 $2.000000030e-01, v14;
	v12 =	vld [tilespmem:s31+$0xFFFFFFC0]  }
0x36b: {  	v8 =	vmin.f32 v8, $0.0e+00;
	s2 =	simm.s32 $0xDE40;
	v13 =	vadd.f32 $3.333333430e-01, v13;
	v14 =	vld [tilespmem:s31+$0xFFFFFFD0]  }
0x36c: {  	v7 =	vmin.f32 v7, $0.0e+00;
	v9 =	vadd.f32 v9, v9;
	v62 =	vld [tilespmem:s2+$0xFC0];
	v61 =	vmul.f32 v60, v24  }
0x36d: {  	v35 =	vadd.f32 v10, v10;
	v31 =	vmul.f32 v31, v55;
	v34 =	vld [tilespmem:s2+$0xFD0];
	v22 =	vmul.f32 v13, v22  }
0x36e: {  	v18 =	vmul.f32 v18, v19;
	v63 =	vld [tilespmem:s2+$0xFE0];
	v9 =	vmul.f32 v57, v9;
	v10 =	vadd.f32 $3.333333430e-01, v61  }
0x36f: {  	v6 =	vmin.f32 v6, $0.0e+00;
	v41 =	vld [tilespmem:s2+$0xFF0];
	v19 =	vadd.f32 $1.000000000e+00, v22;
	v22 =	vadd.f32 $2.000000030e-01, v31  }
0x370: {  	v42 =	vld [tilespmem:s2+$0x1010];
	v40 =	vsub.f32 v8, v9;
	v8 =	vmul.f32 v10, v24;
	v24 =	vmul.f32 v18, v18  }
0x371: {  	v23 =	vadd.f32 v23, v23;
	v20 =	vmul.f32 v21, v20;
	v44 =	vld [tilespmem:s2+$0x1020];
	v19 =	vmul.f32 v19, v35  }
0x372: {  	v45 =	vld [tilespmem:s2+$0x1030];
	v22 =	vmul.f32 v22, v55;
	v8 =	vadd.f32 $1.000000000e+00, v8;
	v36 =	vmul.f32 $1.111111120e-01, v24  }
0x373: {  	v5 =	vmin.f32 v5, $0.0e+00;
	v43 =	vmul.f32 v20, v20;
	v48 =	vld [tilespmem:s2+$0xFFFFEFD0];
	v7 =	vsub.f32 v7, v19  }
0x374: {  	v13 =	vld [tilespmem:s31+$0xFFFFFFE0];
	v19 =	vadd.f32 $3.333333430e-01, v22;
	v23 =	vmul.f32 v8, v23;
	v36 =	vadd.f32 $1.428571490e-01, v36  }
0x375: {  	v16 =	vadd.f32 v16, v16;
	v20 =	vadd.f32 v20, v20;
	v38 =	vmul.f32 $1.111111120e-01, v43;
	v49 =	vld [tilespmem:s2+$0xFFFFF7C0]  }
0x376: {  	v10 =	vld [tilespmem:s31+$0xFFFFFFF0];
	v19 =	vmul.f32 v19, v55;
	v23 =	vsub.f32 v6, v23;
	v6 =	vmul.f32 v36, v24  }
0x377: {  	v46 =	vadd.f32 $1.428571490e-01, v38;
	v50 =	vld [tilespmem:s2+$0xFFFFF7D0];
	v33 =	vmul.f32 v62, v12;
	v34 =	vmul.f32 v34, v14  }
0x378: {  	v4 =	vmin.f32 v4, $0.0e+00;
	v9 =	vld [tilespmem:s31+$0x0];
	v19 =	vadd.f32 $1.000000000e+00, v19;
	v37 =	vadd.f32 $2.000000030e-01, v6  }
0x379: {  	v25 =	vmul.f32 v25, v12;
	v30 =	vmul.f32 v63, v13;
	v22 =	vld [tilespmem:s2+$0x1000];
	v33 =	vadd.f32 v34, v33  }
0x37a: {  	v51 =	vld [tilespmem:s2+$0xFFFFFFC0];
	v18 =	vadd.f32 v18, v18;
	v16 =	vmul.f32 v19, v16;
	v19 =	vmul.f32 v37, v24  }
0x37b: {  	v8 =	vld [tilespmem:s31+$0x10];
	v30 =	vadd.f32 v30, v33;
	v47 =	vmul.f32 v41, v10;
	v37 =	vmul.f32 v46, v43  }
0x37c: {  	v53 =	vld [tilespmem:s2+$0xFFFFFFD0];
	v32 =	vmul.f32 v59, v14;
	v21 =	vadd.f32 v7, v40;
	v19 =	vadd.f32 $3.333333430e-01, v19  }
0x37d: {  	v17 =	vmul.f32 v17, v9;
	v7 =	vld [tilespmem:s31+$0x20];
	v30 =	vadd.f32 v47, v30;
	v52 =	vadd.f32 $2.000000030e-01, v37  }
0x37e: {  	v58 =	vld [tilespmem:s2+$0x7E0];
	v22 =	vmul.f32 v22, v9;
	v21 =	vadd.f32 v23, v21;
	v19 =	vmul.f32 v19, v24  }
0x37f: {  	v6 =	vld [tilespmem:s31+$0x30];
	v24 =	vadd.f32 v32, v25;
	v25 =	vmul.f32 v56, v13;
	v32 =	vmul.f32 v52, v43  }
0x380: {  	v57 =	vld [tilespmem:s2+$0xFFFFF7E0];
	v22 =	vadd.f32 v22, v30;
	v28 =	vmul.f32 v42, v8;
	v5 =	vsub.f32 v5, v16  }
0x381: {  	v60 =	vld [tilespmem:s2+$0x10];
	v24 =	vadd.f32 v25, v24;
	v25 =	vmul.f32 v27, v10;
	v32 =	vadd.f32 $3.333333430e-01, v32  }
0x382: {  	v62 =	vld [tilespmem:s2+$0xFFFFF830];
	v54 =	vmul.f32 v44, v7;
	v22 =	vadd.f32 v28, v22;
	v19 =	vadd.f32 $1.000000000e+00, v19  }
0x383: {  	v63 =	vld [tilespmem:s2+$0x30];
	v5 =	vadd.f32 v5, v21;
	v24 =	vadd.f32 v25, v24;
	v16 =	vmul.f32 v32, v43  }
0x384: {  	v55 =	vld [tilespmem:s2+$0x7D0];
	v22 =	vadd.f32 v54, v22;
	v56 =	vmul.f32 v45, v6;
	v18 =	vmul.f32 v19, v18  }
0x385: {  	v23 =	vld [tilespmem:s2+$0xFFFFEFC0];
	v17 =	vadd.f32 v17, v24;
	v24 =	vmul.f32 v26, v8;
	v16 =	vadd.f32 $1.000000000e+00, v16  }
0x386: {  	v22 =	vadd.f32 v56, v22;
	v25 =	vld [tilespmem:s2+$0xFFFFEFE0];
	v4 =	vsub.f32 v4, v18  }
0x387: {  	v15 =	vmul.f32 v15, v7;
	v19 =	vld [tilespmem:s2+$0xFFFFEFF0];
	v17 =	vadd.f32 v24, v17;
	v16 =	vmul.f32 v16, v20  }
0x388: {  	v3 =	vmin.f32 v3, $0.0e+00;
	v21 =	vld [tilespmem:s2+$0xFFFFF010];
	(xrf2) =	vadd.scan.msk.f32 $0xffff, v22;
	v4 =	vadd.f32 v4, v5  }
0x389: {  	v11 =	vmul.f32 v11, v6;
	v27 =	vld [tilespmem:s2+$0x7C0];
	v15 =	vadd.f32 v15, v17;
	v3 =	vsub.f32 v3, v16  }
0x38a: {  	v59 =	vmul.f32 v53, v14;
	v61 =	vmul.f32 v57, v13;
	v5 =	vld [tilespmem:s2+$0xFFFFF000]  }
0x38b: {  	v20 =	vmul.f32 v48, v14;
	v11 =	vadd.f32 v11, v15;
	v15 =	vld [tilespmem:s2+$0xFFFFF800];
	v3 =	vadd.f32 v3, v4  }
0x38c: {  	v26 =	vld [tilespmem:s2+$0xFFFFFFE0];
	v25 =	vmul.f32 v25, v13;
	v19 =	vmul.f32 v19, v10  }
0x38d: {  	v22 =	vld [tilespmem:s2+$0xFFFFF7F0];
	(xrf2) =	vadd.scan.msk.f32 $0xffff, v11;
	v11 =	vmul.f32 v23, v12;
	v2 =	vadd.f32 v3, v2;
	v3 =	vmul.f32 v49, v12  }
0x38e: {  	v18 =	vld [tilespmem:s2+$0xFFFFFFF0];
	v23 =	vmul.f32 v50, v14;
	v14 =	vmul.f32 v55, v14  }
0x38f: {  	v17 =	vld [tilespmem:s2+$0x7F0];
	v11 =	vadd.f32 v20, v11;
	v20 =	vmul.f32 v51, v12;
	v12 =	vmul.f32 v27, v12  }
0x390: {  	v4 =	vld [tilespmem:s2+$0x800];
	v5 =	vmul.f32 v5, v9;
	v3 =	vadd.f32 v23, v3;
	v15 =	vmul.f32 v15, v9  }
0x391: {  	v16 =	vld [tilespmem:s2+$0x0];
	v20 =	vadd.f32 v59, v20;
	v12 =	vadd.f32 v14, v12;
	v14 =	vmul.f32 v26, v13  }
0x392: {  	v24 =	vld [tilespmem:s2+$0xFFFFF810];
	v23, _, _ =	vpop (xrf2);
	v11 =	vadd.f32 v25, v11;
	v13 =	vmul.f32 v58, v13;
	v3 =	vadd.f32 v61, v3  }
0x393: {  	v27 =	vld [tilespmem:s2+$0x810];
	(v2sf) =	vpush v23, $0xF;
	v14 =	vadd.f32 v14, v20;
	v20 =	vmul.f32 v22, v10  }
0x394: {  	v23 =	vld [tilespmem:s2+$0xFFFFF020];
	v12 =	vadd.f32 v13, v12;
	v13 =	vmul.f32 v18, v10;
	v10 =	vmul.f32 v17, v10  }
0x395: {  	v4 =	vmul.f32 v4, v9;
	v26 =	vld [tilespmem:s2+$0xFFFFF820];
	v11 =	vadd.f32 v19, v11;
	v3 =	vadd.f32 v20, v3  }
0x396: {  	v19 =	vld [tilespmem:s2+$0xFFFFF030];
	v13 =	vadd.f32 v13, v14;
	v10 =	vadd.f32 v10, v12;
	v12 =	vmul.f32 v16, v9  }
0x397: {  	v25 =	vld [tilespmem:s2+$0x20];
	v5 =	vadd.f32 v5, v11;
	v9 =	vmul.f32 v21, v8;
	v3 =	vadd.f32 v15, v3  }
0x398: {  	v22 =	vld [tilespmem:s2+$0x820];
	v18 =	vmul.f32 v60, v8;
	v17, _, _ =	vpop (xrf2);
	v15 =	vadd.f32 v12, v13;
	v4 =	vadd.f32 v4, v10  }
0x399: {  	s28 =	simm.s32 $0x4EC0;
	v16 =	vld [tilespmem:s2+$0x830];
	v5 =	vadd.f32 v9, v5;
	v9 =	vmul.f32 v23, v7;
	v14 =	vbroadcast v17, $0xF  }
0x39a: {  	v11 =	vld [tilespmem:s28+$0x30];
	v17 =	vmul.f32 v24, v8;
	v8 =	vmul.f32 v27, v8;
	v10 =	vadd.f32 v18, v15  }
0x39b: {  	v20 =	vld [tilespmem:s28+$0xFFFFFFF0];
	v15 =	vmul.f32 v26, v7;
	v5 =	vadd.f32 v9, v5;
	v9 =	vmul.f32 v19, v6  }
0x39c: {  	v12 =	vld [tilespmem:s28+$0x20];
	v3 =	vadd.f32 v17, v3;
	v4 =	vadd.f32 v8, v4;
	v8 =	vmul.f32 v25, v7  }
0x39d: {  	v13 =	vld [tilespmem:s28+$0x10];
	v5 =	vadd.f32 v9, v5  }
0x39e: {  	v23 =	vld [tilespmem:s28+$0xFFFFFFD0];
	v3 =	vadd.f32 v15, v3;
	v8 =	vadd.f32 v8, v10;
	v10 =	vmul.f32 v62, v6  }
0x39f: {  	v18 =	vld [tilespmem:s28+$0x0];
	(xrf2) =	vadd.scan.msk.f32 $0xffff, v5  }
0x3a0: {  	v7 =	vmul.f32 v22, v7;
	v22 =	vld [tilespmem:s28+$0xFFFFFFE0];
	v19 =	vadd.f32 v10, v3  }
0x3a1: {  	s29 =	simm.s32 $0x2EC0;
	s25 =	simm.s32 $0x0;
	v17 =	vld [tilespmem:s28+$0xFFFFFFC0];
	v9 =	vmul.f32 v63, v6  }
0x3a2: {  	v4 =	vadd.f32 v7, v4;
	v15 =	vmov s25;
	v6 =	vmul.f32 v16, v6;
	v10 =	vld [tilespmem:s29+$0xFFFFFFC0];
	(xrf2) =	vadd.scan.msk.f32 $0xffff, v19;
	s26 =	spop (v2sf)  }
0x3a3: {  	v7 =	vimm.f32 $0.0e+00;
	s25 =	simm.s32 $0xDEC0;
	vm0 =	veq.s32 v15, v0;
	v15 =	vadd.f32 v9, v8;
	v9 =	vld [tilespmem:s29+$0xFFFFFFD0];
	s31 =	ssub.f32 $0.0e+00, s26  }
0x3a4: {  	v24 =	vld [tilespmem:s25+$0xFC0];
	v5 =	vimm.f32 $0.0e+00;
	v8 =	vsel vm0, v14, v7;
	v21 =	vadd.f32 v6, v4  }
0x3a5: {  	s30 =	simm.s32 $0x2;
	v25 =	vld [tilespmem:s25+$0xFD0];
	v6 =	vimm.f32 $0.0e+00;
	v4 =	vimm.f32 $0.0e+00;
	(xrf2) =	vadd.scan.msk.f32 $0xffff, v15;
	s26 =	simm.s32 $0x1;
	v3 =	vsel vm0, s31, v7  }
.LBB2_9:
0x3a6: {  	p1 =	sne.s32 s30, $0xF;
	v26 =	vld [tilespmem:s29+$0xFFFFFFE0]  }
0x3a7: {  	v14 =	vmul.f32 v17, v10;
	v15 =	vld [tilespmem:s25+$0xFE0]  }
0x3a8: {  	v19 =	vld [tilespmem:s29+$0xFFFFFFF0];
	v16 =	vmul.f32 v23, v9;
	(xrf2) =	vadd.scan.msk.f32 $0xffff, v21  }
0x3a9: {  	v21 =	vld [tilespmem:s25+$0xFF0];
	v23, _, _ =	vpop (xrf2)  }
0x3aa: {  	v24 =	vmul.f32 v24, v10;
	v17 =	vld [tilespmem:s29+$0x0];
	v14 =	vadd.f32 v16, v14;
	v25 =	vmul.f32 v25, v9  }
0x3ab: {  	v22 =	vmul.f32 v22, v26;
	v27 =	vld [tilespmem:s25+$0x1000];
	(v2sf) =	vpush v23, $0xF  }
0x3ac: {  	v16 =	vld [tilespmem:s29+$0x10];
	v23 =	vadd.f32 v25, v24;
	v24 =	vmul.f32 v15, v26;
	v15, _, _ =	vpop (xrf2)  }
0x3ad: {  	v14 =	vadd.f32 v22, v14;
	v20 =	vmul.f32 v20, v19;
	v22 =	vld [tilespmem:s25+$0x1010];
	(v2sf) =	vpush v15, $0xF  }
0x3ae: {  	v15 =	vld [tilespmem:s29+$0x20];
	v23 =	vadd.f32 v24, v23;
	v21 =	vmul.f32 v21, v19  }
0x3af: {  	v20 =	vadd.f32 v20, v14;
	v18 =	vmul.f32 v18, v17;
	v24 =	vld [tilespmem:s25+$0x1020];
	v25, _, _ =	vpop (xrf2)  }
0x3b0: {  	v14 =	vld [tilespmem:s29+$0x30];
	v21 =	vadd.f32 v21, v23;
	v27 =	vmul.f32 v27, v17;
	(v2sf) =	vpush v25, $0xF  }
0x3b1: {  	v18 =	vadd.f32 v18, v20;
	v13 =	vmul.f32 v13, v16;
	v20 =	vld [tilespmem:s25+$0x1030]  }
0x3b2: {  	v25 =	vld [tilespmem:s25+$0xFFFFEFC0];
	v21 =	vadd.f32 v27, v21;
	v22 =	vmul.f32 v22, v16;
	v23, _, _ =	vpop (xrf2)  }
0x3b3: {  	v13 =	vadd.f32 v13, v18;
	v12 =	vmul.f32 v12, v15;
	v18 =	vld [tilespmem:s25+$0xFFFFEFD0];
	(v2sf) =	vpush v23, $0xF  }
0x3b4: {  	v23 =	vld [tilespmem:s25+$0xFFFFF7C0];
	v21 =	vadd.f32 v22, v21;
	v22 =	vmul.f32 v24, v15  }
0x3b5: {  	v12 =	vadd.f32 v12, v13;
	v11 =	vmul.f32 v11, v14;
	v13 =	vld [tilespmem:s25+$0xFFFFF7D0]  }
0x3b6: {  	v24 =	vld [tilespmem:s25+$0xFFFFFFC0];
	v21 =	vadd.f32 v22, v21;
	v20 =	vmul.f32 v20, v14  }
0x3b7: {  	v11 =	vadd.f32 v11, v12;
	v12 =	vmul.f32 v25, v10;
	v22 =	vld [tilespmem:s25+$0xFFFFFFD0]  }
0x3b8: {  	v18 =	vmul.f32 v18, v9;
	v25 =	vld [tilespmem:s25+$0x7C0];
	v20 =	vadd.f32 v20, v21  }
0x3b9: {  	v21 =	vmul.f32 v23, v10;
	v23 =	vld [tilespmem:s25+$0x7D0]  }
0x3ba: {  	v12 =	vadd.f32 v18, v12;
	v18 =	vld [tilespmem:s25+$0xFFFFEFE0];
	v13 =	vmul.f32 v13, v9;
	(xrf2) =	vadd.scan.msk.f32 $0xffff, v20;
	s2 =	spop (v2sf)  }
0x3bb: {  	v20 =	vld [tilespmem:s25+$0xFFFFF7E0];
	v24 =	vmul.f32 v24, v10;
	s2 =	ssub.f32 $0.0e+00, s2  }
0x3bc: {  	v13 =	vadd.f32 v13, v21;
	v21 =	vmul.f32 v22, v9;
	v22 =	vld [tilespmem:s25+$0xFFFFFFE0];
	s31 =	spop (v2sf)  }
0x3bd: {  	v10 =	vmul.f32 v25, v10;
	v25 =	vld [tilespmem:s25+$0x7E0];
	(xrf2) =	vadd.scan.msk.f32 $0xffff, v11;
	v7 =	vsel vm0, s2, v7;
	s2 =	ssub.f32 $0.0e+00, s31  }
0x3be: {  	v11 =	vld [tilespmem:s25+$0xFFFFEFF0];
	v21 =	vadd.f32 v21, v24;
	v9 =	vmul.f32 v23, v9  }
0x3bf: {  	v18 =	vmul.f32 v18, v26;
	v23 =	vld [tilespmem:s25+$0xFFFFF7F0];
	v6 =	vsel vm0, s2, v6;
	s2 =	spop (v2sf)  }
0x3c0: {  	v20 =	vmul.f32 v20, v26;
	v24 =	vld [tilespmem:s25+$0xFFFFFFF0];
	v9 =	vadd.f32 v9, v10;
	s2 =	ssub.f32 $0.0e+00, s2  }
0x3c1: {  	v10 =	vadd.f32 v18, v12;
	v12 =	vmul.f32 v22, v26;
	v18 =	vld [tilespmem:s25+$0x7F0]  }
0x3c2: {  	v22 =	vld [tilespmem:s25+$0xFFFFF000];
	v13 =	vadd.f32 v20, v13;
	v26 =	vmul.f32 v25, v26;
	v5 =	vsel vm0, s2, v5;
	s2 =	spop (v2sf)  }
0x3c3: {  	v11 =	vmul.f32 v11, v19;
	v25 =	vld [tilespmem:s25+$0xFFFFF800];
	v12 =	vadd.f32 v12, v21;
	s2 =	ssub.f32 $0.0e+00, s2  }
0x3c4: {  	v21 =	vmul.f32 v23, v19;
	v23 =	vld [tilespmem:s25+$0x0];
	v9 =	vadd.f32 v26, v9;
	v20, _, _ =	vpop (xrf2)  }
0x3c5: {  	v10 =	vadd.f32 v11, v10;
	v11 =	vmul.f32 v24, v19;
	v24 =	vld [tilespmem:s25+$0x800];
	(v2sf) =	vpush v20, $0xF  }
0x3c6: {  	v4 =	vsel vm0, s2, v4;
	v20 =	vld [tilespmem:s25+$0xFFFFF010];
	v13 =	vadd.f32 v21, v13;
	v18 =	vmul.f32 v18, v19  }
0x3c7: {  	v19 =	vmul.f32 v22, v17;
	v21 =	vld [tilespmem:s25+$0xFFFFF810];
	v11 =	vadd.f32 v11, v12;
	v12, _, _ =	vpop (xrf2)  }
0x3c8: {  	v26 =	vbroadcast v12, $0xF;
	v12 =	vmul.f32 v25, v17;
	v22 =	vld [tilespmem:s25+$0x10];
	v9 =	vadd.f32 v18, v9  }
0x3c9: {  	v10 =	vadd.f32 v19, v10;
	v18 =	vmul.f32 v23, v17;
	v19 =	vld [tilespmem:s25+$0x810]  }
0x3ca: {  	v23 =	vld [tilespmem:s25+$0xFFFFF020];
	v12 =	vadd.f32 v12, v13;
	v13 =	vmul.f32 v24, v17  }
0x3cb: {  	v17 =	vmul.f32 v20, v16;
	v20 =	vld [tilespmem:s25+$0xFFFFF820];
	v11 =	vadd.f32 v18, v11  }
0x3cc: {  	v18 =	vmul.f32 v21, v16;
	v21 =	vld [tilespmem:s25+$0x20];
	v9 =	vadd.f32 v13, v9  }
0x3cd: {  	v10 =	vadd.f32 v17, v10;
	v13 =	vmul.f32 v22, v16;
	v17 =	vld [tilespmem:s25+$0x820]  }
0x3ce: {  	v22 =	vld [tilespmem:s25+$0xFFFFF030];
	v12 =	vadd.f32 v18, v12;
	v16 =	vmul.f32 v19, v16  }
0x3cf: {  	v18 =	vmul.f32 v23, v15;
	v19 =	vld [tilespmem:s25+$0xFFFFF830];
	v13 =	vadd.f32 v13, v11  }
0x3d0: {  	v20 =	vmul.f32 v20, v15;
	v23 =	vld [tilespmem:s25+$0x30];
	v9 =	vadd.f32 v16, v9  }
0x3d1: {  	s28 =	sadd.s32 $0x80, s28;
	v10 =	vadd.f32 v18, v10;
	v16 =	vmul.f32 v21, v15;
	v21 =	vld [tilespmem:s25+$0x830]  }
0x3d2: {  	v11 =	vld [tilespmem:s28+$0x30];
	v24 =	vadd.f32 v20, v12;
	v15 =	vmul.f32 v17, v15  }
0x3d3: {  	v12 =	vld [tilespmem:s28+$0x20];
	v17 =	vmul.f32 v22, v14;
	v16 =	vadd.f32 v16, v13  }
0x3d4: {  	v13 =	vld [tilespmem:s28+$0x10];
	v19 =	vmul.f32 v19, v14;
	v9 =	vadd.f32 v15, v9;
	s2 =	spop (v2sf)  }
0x3d5: {  	v15 =	vmov s26;
	s26 =	smov.u32 s30;
	v18 =	vld [tilespmem:s28+$0x0];
	v10 =	vadd.f32 v17, v10;
	v17 =	vmul.f32 v23, v14;
	s2 =	ssub.f32 $0.0e+00, s2  }
0x3d6: {  	vm0 =	veq.s32 v15, v0;
	v20 =	vld [tilespmem:s28+$0xFFFFFFF0];
	v15 =	vadd.f32 v19, v24;
	v14 =	vmul.f32 v21, v14  }
0x3d7: {  	v8 =	vsel vm0, v26, v8;
	v22 =	vld [tilespmem:s28+$0xFFFFFFE0];
	v16 =	vadd.f32 v17, v16;
	v3 =	vsel vm0, s2, v3;
	(xrf2) =	vadd.scan.msk.f32 $0xffff, v10  }
0x3d8: {  	v17 =	vld [tilespmem:s28+$0xFFFFFFC0];
	v21 =	vadd.f32 v14, v9  }
.Ltmp5:
0x3d9: {  	s29 =	sadd.s32 $0x80, s29;
	v23 =	vld [tilespmem:s28+$0xFFFFFFD0];
	(pc) =	sbr.rel @p1 .LBB2_9-.Ltmp5, $4  }
0x3da: {  	v10 =	vld [tilespmem:s29+$0xFFFFFFC0];
	(xrf2) =	vadd.scan.msk.f32 $0xffff, v15  }
0x3db: {  	s25 =	sadd.s32 $0x80, s25;
	v9 =	vld [tilespmem:s29+$0xFFFFFFD0]  }
0x3dc: {  	v24 =	vld [tilespmem:s25+$0xFC0]  }
0x3dd: {  	s30 =	sadd.s32 $0x1, s30;
	v25 =	vld [tilespmem:s25+$0xFD0];
	(xrf2) =	vadd.scan.msk.f32 $0xffff, v16  }
0x3de: {  	v19 =	vld [tilespmem:s29+$0xFFFFFFE0]  }
0x3df: {  	v26 =	vld [tilespmem:s25+$0xFE0]  }
0x3e0: {  	v16 =	vld [tilespmem:s29+$0xFFFFFFF0]  }
0x3e1: {  	v27 =	vld [tilespmem:s25+$0xFF0]  }
0x3e2: {  	v15 =	vld [tilespmem:s29+$0x0]  }
0x3e3: {  	v28 =	vld [tilespmem:s25+$0x1000]  }
0x3e4: {  	v14 =	vld [tilespmem:s29+$0x10]  }
0x3e5: {  	v29 =	vld [tilespmem:s25+$0xFFFFEFC0]  }
0x3e6: {  	v30 =	vld [tilespmem:s25+$0xFFFFEFD0]  }
0x3e7: {  	v31 =	vld [tilespmem:s25+$0x1010]  }
0x3e8: {  	v32 =	vld [tilespmem:s25+$0xFFFFEFE0];
	v17 =	vmul.f32 v17, v10  }
0x3e9: {  	v44 =	vld [tilespmem:s25+$0xFFFFEFF0];
	v24 =	vmul.f32 v24, v10;
	v25 =	vmul.f32 v25, v9  }
0x3ea: {  	v45 =	vld [tilespmem:s25+$0x1020];
	v23 =	vmul.f32 v23, v9;
	v43 =	vmul.f32 v26, v19  }
0x3eb: {  	v47 =	vld [tilespmem:s25+$0xFFFFF000];
	v29 =	vmul.f32 v29, v10;
	v30 =	vmul.f32 v30, v9;
	v24 =	vadd.f32 v25, v24  }
0x3ec: {  	v50 =	vld [tilespmem:s25+$0xFFFFF010];
	v23 =	vadd.f32 v23, v17;
	v22 =	vmul.f32 v22, v19;
	v46 =	vmul.f32 v27, v16  }
0x3ed: {  	v51 =	vld [tilespmem:s25+$0x1030];
	v48 =	vmul.f32 v32, v19;
	v29 =	vadd.f32 v30, v29;
	v24 =	vadd.f32 v43, v24  }
0x3ee: {  	v17 =	vld [tilespmem:s29+$0x20];
	v33 =	vmul.f32 v20, v16;
	v49 =	vmul.f32 v28, v15;
	v22 =	vadd.f32 v22, v23  }
0x3ef: {  	v53 =	vld [tilespmem:s25+$0xFFFFF020];
	v26 =	vmul.f32 v44, v16;
	v29 =	vadd.f32 v48, v29;
	v24 =	vadd.f32 v46, v24  }
0x3f0: {  	v20 =	vld [tilespmem:s29+$0x30];
	v18 =	vmul.f32 v18, v15;
	v52 =	vmul.f32 v31, v14;
	v22 =	vadd.f32 v33, v22  }
0x3f1: {  	v55 =	vld [tilespmem:s25+$0xFFFFF7C0];
	v27 =	vmul.f32 v47, v15;
	v54 =	vadd.f32 v26, v29;
	v24 =	vadd.f32 v49, v24  }
0x3f2: {  	v56 =	vld [tilespmem:s25+$0xFFFFF030];
	v13 =	vmul.f32 v13, v14;
	v28 =	vmul.f32 v50, v14;
	v18 =	vadd.f32 v18, v22  }
0x3f3: {  	v57 =	vld [tilespmem:s25+$0xFFFFF7D0];
	v23 =	vmul.f32 v45, v17;
	v22 =	vadd.f32 v27, v54;
	v24 =	vadd.f32 v52, v24  }
0x3f4: {  	v12 =	vmul.f32 v12, v17;
	v61 =	vmul.f32 v53, v17;
	v13 =	vadd.f32 v13, v18  }
0x3f5: {  	v60 =	vld [tilespmem:s25+$0xFFFFF7E0];
	v59 =	vmul.f32 v51, v20;
	v22 =	vadd.f32 v28, v22;
	v58 =	vadd.f32 v23, v24  }
0x3f6: {  	v11 =	vmul.f32 v11, v20;
	v12 =	vadd.f32 v12, v13  }
0x3f7: {  	v63 =	vld [tilespmem:s25+$0xFFFFF7F0];
	v25 =	vmul.f32 v56, v20;
	v22 =	vadd.f32 v61, v22;
	v62 =	vadd.f32 v59, v58  }
0x3f8: {  	(xrf2) =	vadd.scan.msk.f32 $0xffff, v21;
	v29 =	vmul.f32 v57, v9;
	v28 =	vmul.f32 v55, v10;
	v11 =	vadd.f32 v11, v12  }
0x3f9: {  	v30 =	vld [tilespmem:s25+$0xFFFFF800];
	v22 =	vadd.f32 v25, v22;
	(xrf2) =	vadd.scan.msk.f32 $0xffff, v62  }
0x3fa: {  	v31 =	vmul.f32 v60, v19;
	v12 =	vadd.f32 v29, v28;
	(xrf2) =	vadd.scan.msk.f32 $0xffff, v11  }
0x3fb: {  	v32 =	vld [tilespmem:s25+$0xFFFFF810];
	(xrf2) =	vadd.scan.msk.f32 $0xffff, v22  }
0x3fc: {  	v34 =	vmul.f32 v63, v16;
	v11 =	vadd.f32 v31, v12  }
0x3fd: {  	v35 =	vld [tilespmem:s25+$0xFFFFF820]  }
0x3fe: {  	v36 =	vld [tilespmem:s25+$0xFFFFFFD0];
	v37 =	vmul.f32 v30, v15;
	v11 =	vadd.f32 v34, v11  }
0x3ff: {  	v39 =	vld [tilespmem:s25+$0xFFFFF830];
	v38, _, _ =	vpop (xrf2)  }
0x400: {  	v40, _, _ =	vpop (xrf2);
	v33 =	vld [tilespmem:s25+$0xFFFFFFC0];
	v41 =	vmul.f32 v32, v14;
	v11 =	vadd.f32 v37, v11  }
0x401: {  	(v2sf) =	vpush v38, $0xF;
	v42, _, _ =	vpop (xrf2)  }
0x402: {  	(v2sf) =	vpush v40, $0xF;
	v43 =	vld [tilespmem:s25+$0xFFFFFFE0];
	v45 =	vmul.f32 v35, v17;
	v44, _, _ =	vpop (xrf2);
	v11 =	vadd.f32 v41, v11  }
0x403: {  	(v2sf) =	vpush v42, $0xF;
	v49 =	vld [tilespmem:s25+$0xFFFFFFF0];
	v48, _, _ =	vpop (xrf2)  }
0x404: {  	v51 =	vmul.f32 v39, v20;
	(v2sf) =	vpush v44, $0xF;
	v11 =	vadd.f32 v45, v11;
	v50, _, _ =	vpop (xrf2)  }
0x405: {  	v47 =	vmul.f32 v36, v9;
	v46 =	vmul.f32 v33, v10;
	(v2sf) =	vpush v48, $0xF;
	v52, _, _ =	vpop (xrf2)  }
0x406: {  	v53 =	vld [tilespmem:s25+$0x0];
	v11 =	vadd.f32 v51, v11;
	(v2sf) =	vpush v52, $0xF  }
0x407: {  	v13 =	vmul.f32 v43, v19;
	v18 =	vadd.f32 v47, v46  }
0x408: {  	v55 =	vld [tilespmem:s25+$0x10];
	v56 =	vmul.f32 v49, v16;
	(xrf2) =	vadd.scan.msk.f32 $0xffff, v11  }
0x409: {  	v54 =	vadd.f32 v13, v18;
	v58 =	vmov s26;
	v57 =	vbroadcast v50, $0xF  }
0x40a: {  	v59 =	vld [tilespmem:s25+$0x20];
	vm1 =	veq.s32 v58, v0  }
0x40b: {  	v60 =	vld [tilespmem:s25+$0x7C0];
	v61 =	vmul.f32 v53, v15;
	v11 =	vadd.f32 v56, v54;
	v8 =	vsel vm1, v57, v8  }
0x40c: {  	v62 =	vld [tilespmem:s25+$0x30];
	v63 =	vand.u32 $0x7FFFFFFF, v8  }
0x40d: {  	v28 =	vld [tilespmem:s25+$0x7D0];
	v29 =	vmul.f32 v55, v14;
	v11 =	vadd.f32 v61, v11;
	v30 =	vsub.f32 $0.0e+00, v63;
	_ =	sdelay $0x1  }
0x40e: {  	v31 =	vld [tilespmem:s25+$0x7E0];
	v32 =	vmul.f32 v59, v17;
	v11 =	vadd.f32 v29, v11;
	v13 =	vmul.f32 $1.442695020e+00, v30  }
0x40f: {  	s2 =	spop (v2sf)  }
0x410: {  	v33 =	vld [tilespmem:s25+$0x7F0];
	s29 =	spop (v2sf);
	v34 =	vmul.f32 v62, v20;
	v11 =	vadd.f32 v32, v11;
	(erf) = vpow2.f32 v13  }
0x411: {  	v35 =	vmul.f32 v60, v10;
	v36 =	vmul.f32 v28, v9;
	s30 =	spop (v2sf);
	v37, _, _ =	vpop (xrf2)  }
0x412: {  	v38 =	vld [tilespmem:s25+$0x800];
	s28 =	spop (v2sf);
	v11 =	vadd.f32 v34, v11;
	(v2sf) =	vpush v37, $0xF  }
0x413: {  	v9 =	vadd.f32 v36, v35;
	v39 =	vmul.f32 v31, v19;
	s26 =	spop (v2sf)  }
0x414: {  	v40 =	vld [tilespmem:s25+$0x810];
	s2 =	ssub.f32 $0.0e+00, s2;
	(xrf2) =	vadd.scan.msk.f32 $0xffff, v11;
	s31 =	spop (v2sf)  }
0x415: {  	v41 =	vmul.f32 v33, v16;
	v9 =	vadd.f32 v39, v9;
	s31 =	ssub.f32 $0.0e+00, s31  }
0x416: {  	v42 =	vld [tilespmem:s25+$0x820];
	v7 =	vsel vm0, s2, v7  }
0x417: {  	v43 =	vmul.f32 v38, v15;
	v9 =	vadd.f32 v41, v9;
	v7 =	vsel vm1, s31, v7  }
0x418: {  	v44 =	vld [tilespmem:s25+$0x830];
	v45 =	vand.u32 $0x7FFFFFFF, v7  }
0x419: {  	v46 =	vmul.f32 v40, v14;
	v9 =	vadd.f32 v43, v9;
	v47 =	vpop (erf);
	v48 =	vsub.f32 $0.0e+00, v45  }
0x41a: {  	v49 =	vadd.f32 $2.000000000e+00, v47  }
0x41b: {  	v50 =	vmul.f32 v42, v17;
	v9 =	vadd.f32 v46, v9;
	v51 =	vmul.f32 $1.442695020e+00, v48  }
0x41c: {  	(erf) = vrcp.f32 v49  }
0x41d: {  	v52 =	vmul.f32 v44, v20;
	v9 =	vadd.f32 v50, v9;
	(erf) = vpow2.f32 v51  }
0x41e: {  	v53, _, _ =	vpop (xrf2)  }
0x41f: {  	v9 =	vadd.f32 v52, v9;
	(v2sf) =	vpush v53, $0xF;
	_ =	sdelay $0x1  }
0x420: {  	s31 =	ssub.f32 $0.0e+00, s29;
	(xrf2) =	vadd.scan.msk.f32 $0xffff, v9;
	s29 =	spop (v2sf)  }
0x421: {  	s25 =	ssub.f32 $0.0e+00, s29  }
0x422: {  	v6 =	vsel vm0, s31, v6  }
0x423: {  	v6 =	vsel vm1, s25, v6  }
0x424: {  	v54 =	vpop (erf);
	v55 =	vand.u32 $0x7FFFFFFF, v6  }
0x425: {  	v10 =	vsub.f32 $0.0e+00, v55;
	v56 =	vpop (erf)  }
0x426: {  	v57 =	vadd.f32 $2.000000000e+00, v56  }
0x427: {  	v10 =	vmul.f32 $1.442695020e+00, v10  }
0x428: {  	(erf) = vrcp.f32 v57  }
0x429: {  	(erf) = vpow2.f32 v10  }
0x42a: {  	v58, _, _ =	vpop (xrf2)  }
0x42b: {  	(v2sf) =	vpush v58, $0xF;
	_ =	sdelay $0x1  }
0x42c: {  	s30 =	ssub.f32 $0.0e+00, s30;
	s31 =	spop (v2sf)  }
0x42d: {  	s25 =	ssub.f32 $0.0e+00, s31  }
0x42e: {  	v5 =	vsel vm0, s30, v5  }
0x42f: {  	v5 =	vsel vm1, s25, v5  }
0x430: {  	v60 =	vand.u32 $0x7FFFFFFF, v5;
	v59 =	vpop (erf)  }
0x431: {  	v13 =	vsub.f32 $0.0e+00, v60;
	v61 =	vpop (erf)  }
0x432: {  	v62 =	vadd.f32 $2.000000000e+00, v61  }
0x433: {  	v13 =	vmul.f32 $1.442695020e+00, v13  }
0x434: {  	(erf) = vrcp.f32 v62  }
0x435: {  	(erf) = vpow2.f32 v13;
	_ =	sdelay $0x3  }
0x436: {  	s29 =	ssub.f32 $0.0e+00, s28;
	s30 =	spop (v2sf)  }
0x437: {  	s25 =	ssub.f32 $0.0e+00, s30  }
0x438: {  	v4 =	vsel vm0, s29, v4  }
0x439: {  	v4 =	vsel vm1, s25, v4  }
0x43a: {  	v23 =	vand.u32 $0x7FFFFFFF, v4;
	v63 =	vpop (erf)  }
0x43b: {  	v15 =	vsub.f32 $0.0e+00, v23;
	v24 =	vpop (erf)  }
0x43c: {  	v25 =	vadd.f32 $2.000000000e+00, v24  }
0x43d: {  	v15 =	vmul.f32 $1.442695020e+00, v15  }
0x43e: {  	(erf) = vrcp.f32 v25  }
0x43f: {  	(erf) = vpow2.f32 v15;
	_ =	sdelay $0x4  }
0x440: {  	s31 =	ssub.f32 $0.0e+00, s26;
	_ =	sdelay $0x1  }
0x441: {  	v3 =	vsel vm1, s31, v3  }
0x442: {  	v27 =	vand.u32 $0x7FFFFFFF, v3;
	v26 =	vpop (erf)  }
0x443: {  	v17 =	vsub.f32 $0.0e+00, v27;
	v28 =	vpop (erf)  }
0x444: {  	v29 =	vadd.f32 $2.000000000e+00, v28  }
0x445: {  	v17 =	vmul.f32 $1.442695020e+00, v17  }
0x446: {  	(erf) = vrcp.f32 v29  }
0x447: {  	(erf) = vpow2.f32 v17;
	_ =	sdelay $0x4  }
0x448: {  	v9 =	vmul.f32 v54, v47;
	_ =	sdelay $0x1  }
0x449: {  	v12 =	vmul.f32 v9, v9  }
0x44a: {  	v10 =	vmul.f32 v59, v56;
	v19 =	vpop (erf)  }
0x44b: {  	v30 =	vmul.f32 $1.111111120e-01, v12;
	v31 =	vpop (erf)  }
0x44c: {  	v32 =	vmul.f32 v10, v10;
	v33 =	vadd.f32 $2.000000000e+00, v31  }
0x44d: {  	v17 =	vadd.f32 $1.428571490e-01, v30  }
0x44e: {  	v34 =	vmul.f32 $1.111111120e-01, v32;
	(erf) = vrcp.f32 v33  }
0x44f: {  	v17 =	vmul.f32 v17, v12  }
0x450: {  	v35 =	vadd.f32 $1.428571490e-01, v34;
	v13 =	vmul.f32 v63, v61  }
0x451: {  	v17 =	vadd.f32 $2.000000030e-01, v17  }
0x452: {  	v37 =	vmul.f32 v35, v32;
	v38 =	vmul.f32 v13, v13  }
0x453: {  	v15 =	vmul.f32 v26, v24;
	v17 =	vmul.f32 v17, v12  }
0x454: {  	v39 =	vadd.f32 $2.000000030e-01, v37  }
0x455: {  	v40 =	vmul.f32 $1.111111120e-01, v38;
	v41 =	vmul.f32 v15, v15;
	v36 =	vadd.f32 $3.333333430e-01, v17  }
0x456: {  	v8 =	vmin.f32 v8, $0.0e+00;
	v14 =	vmul.f32 v39, v32;
	v18 =	vmul.f32 v19, v28  }
0x457: {  	v16 =	vadd.f32 $1.428571490e-01, v40;
	v42 =	vmul.f32 $1.111111120e-01, v41;
	v12 =	vmul.f32 v36, v12;
	v43 =	vpop (erf)  }
0x458: {  	v9 =	vadd.f32 v9, v9;
	v44 =	vmul.f32 v18, v18;
	v11 =	vmul.f32 v43, v31  }
0x459: {  	v45 =	vmul.f32 v16, v38;
	v46 =	vadd.f32 $1.428571490e-01, v42;
	v12 =	vadd.f32 $1.000000000e+00, v12  }
0x45a: {  	v7 =	vmin.f32 v7, $0.0e+00;
	v47 =	vmul.f32 $1.111111120e-01, v44;
	v22 =	vmul.f32 v11, v11  }
0x45b: {  	v14 =	vadd.f32 $3.333333430e-01, v14;
	v16 =	vmul.f32 v46, v41;
	v9 =	vmul.f32 v12, v9  }
0x45c: {  	v12 =	vadd.f32 $2.000000030e-01, v45;
	v19 =	vadd.f32 $1.428571490e-01, v47;
	v48 =	vmul.f32 $1.111111120e-01, v22  }
0x45d: {  	v10 =	vadd.f32 v10, v10;
	v14 =	vmul.f32 v14, v32;
	v16 =	vadd.f32 $2.000000030e-01, v16  }
0x45e: {  	v12 =	vmul.f32 v12, v38;
	v19 =	vmul.f32 v19, v44;
	v20 =	vadd.f32 $1.428571490e-01, v48  }
0x45f: {  	v13 =	vadd.f32 v13, v13;
	v14 =	vadd.f32 $1.000000000e+00, v14;
	v50 =	vmul.f32 v16, v41  }
0x460: {  	v49 =	vadd.f32 $3.333333430e-01, v12;
	v51 =	vadd.f32 $2.000000030e-01, v19;
	v52 =	vmul.f32 v20, v22  }
0x461: {  	v10 =	vmul.f32 v14, v10;
	v8 =	vsub.f32 v8, v9;
	v12 =	vadd.f32 $3.333333430e-01, v50  }
0x462: {  	v9 =	vmul.f32 v49, v38;
	v53 =	vmul.f32 v51, v44;
	v54 =	vadd.f32 $2.000000030e-01, v52  }
0x463: {  	v7 =	vsub.f32 v7, v10;
	v57 =	vadd.f32 v15, v15;
	v12 =	vmul.f32 v12, v41  }
0x464: {  	v9 =	vadd.f32 $1.000000000e+00, v9;
	v55 =	vadd.f32 $3.333333430e-01, v53;
	v56 =	vmul.f32 v54, v22  }
0x465: {  	v6 =	vmin.f32 v6, $0.0e+00;
	v7 =	vadd.f32 v7, v8;
	v12 =	vadd.f32 $1.000000000e+00, v12  }
0x466: {  	v9 =	vmul.f32 v9, v13;
	v8 =	vmul.f32 v55, v44;
	v10 =	vadd.f32 $3.333333430e-01, v56  }
0x467: {  	v5 =	vmin.f32 v5, $0.0e+00;
	v59 =	vadd.f32 v18, v18;
	v58 =	vmul.f32 v12, v57  }
0x468: {  	v6 =	vsub.f32 v6, v9;
	v8 =	vadd.f32 $1.000000000e+00, v8;
	v10 =	vmul.f32 v10, v22  }
0x469: {  	v61 =	vadd.f32 v11, v11;
	v5 =	vsub.f32 v5, v58  }
0x46a: {  	v6 =	vadd.f32 v6, v7;
	v60 =	vmul.f32 v8, v59;
	v62 =	vadd.f32 $1.000000000e+00, v10  }
0x46b: {  	v4 =	vmin.f32 v4, $0.0e+00  }
0x46c: {  	v5 =	vadd.f32 v5, v6;
	v4 =	vsub.f32 v4, v60;
	v63 =	vmul.f32 v62, v61  }
0x46d: {  	v3 =	vmin.f32 v3, $0.0e+00  }
.Ltmp6:
0x46e: {  	v4 =	vadd.f32 v4, v5;
	v3 =	vsub.f32 v3, v63;
	(pc) =	sbr.rel @p0 .LBB2_12-.Ltmp6, $3  }
0x46f: {  	_ = 	snop  }
0x470: {  	v3 =	vadd.f32 v3, v4;
	_ =	sdelay $0x1  }
0x471: {  	v2 =	vadd.f32 v3, v2  }
0x472: {  	s2 =	sadd.s32 $0x70, s24  }
0x473: {  	s25 =	sshll.u32 s2, $0x3  }
0x474: {  	s26 =	sand.u32 $0x70, s2;
	s25 =	sand.u32 $0x1C00, s25  }
0x475: {  	s25 =	sor.u32 s26, s25  }
0x476: {  	v3 =	vld [tilespmem:s25+$0x400];
	_ =	sdelay $0x4  }
0x477: {  	[tilespmem:$0x1580] =	vst v3  }
0x478: {  	v3 =	vld [tilespmem:s25+$0x480];
	_ =	sdelay $0x4  }
0x479: {  	[tilespmem:$0x1590] =	vst v3  }
0x47a: {  	v3 =	vld [tilespmem:s25+$0x500];
	_ =	sdelay $0x4  }
0x47b: {  	[tilespmem:$0x15A0] =	vst v3  }
0x47c: {  	v3 =	vld [tilespmem:s25+$0x580];
	_ =	sdelay $0x4  }
0x47d: {  	[tilespmem:$0x15B0] =	vst v3  }
0x47e: {  	v3 =	vld [tilespmem:s25+$0x600];
	_ =	sdelay $0x4  }
0x47f: {  	[tilespmem:$0x15C0] =	vst v3  }
0x480: {  	[tilespmem:s0], [sflag:$0x4] =	stream.indirect.gather [hbm4b:s1+s13], $0x80, s2, s13, $0xb8;
	[tilespmem:$0xF680] =	vst v63  }
.Ltmp7:
0x481: {  	_ = 	snop;
	(pc) =	sbr.rel .LBB2_2-.Ltmp7, $4  }
0x482: {  	s31 =	sadd.s32 $0x270, s24  }
0x483: {  	[tilespmem:s12], [sflag:$0x4] =	stream.indirect.gather [hbm4b:s3+s13], $0x80, s31, s13, $0xb8;
	[tilespmem:$0xF680] =	vst v63  }
0x484: {  	s23 =	sadd.s32 $0x1, s23  }
0x485: {  	[tilespmem:s15], [sflag:$0x4] =	stream.indirect.gather [hbm4b:s3+s16], $0x80, s14, s16, $0xb8;
	[tilespmem:$0xF680] =	vst v63  }
.LBB2_13:
0x486: {  	_ =	sfence.sel $0x180000  }
0x487: {  	[bflag:$0x0] =	sbarrier.arrive $0xFFFF  }
0x488: {  	_ =	strace $0x90000047  }
0x489: {  	s0 =	stileid.u32;
	[bflag:$0x2] =	sbarrier.arrive $0xFFFF  }
0x48a: {  	p0 =	sne.s32 s0, $0x0;
	s0 =	rddreg [dreg:$0x6]  }
0x48b: {  	s0 =	sadd.s32 @!p0 $0x100000, s0  }
0x48c: {  	[sflag:s0] =	ssyncadd.tile.s32 @!p0 $0x1;
	_ =	shalt  }
.Lfunc_end2:
_tile_overlayer_lowered:
.L_overlay_start_2:
0x48d: {  	(tag) =	ssettag $0x2  }
0x48e: {  	s0 =	rddreg [dreg:$0x0];
	s2 =	stileid.u32  }
0x48f: {  	s1 =	rddreg [dreg:$0x1];
	p0 =	sne.s32 s2, $0x0  }
0x490: {  	s3 =	rddreg [dreg:$0x2];
	[bflag:$0x3] =	sbarrier.arrive $0xFFFF;
	s2 =	simm.s32 @!p0 $0x1C05  }
0x491: {  	[timem:s3], [sflag:s2] =	dma.local @!p0 [hbm:s0], s1  }
0x492: {  	s0 =	simm.s32 @!p0 $0x5  }
0x493: {  	_ =	swait.ge @!p0 [sflag:s0], s1  }
0x494: {  	s1 =	ssub.s32 @!p0 $0x0, s1;
	[sflag:s0] =	ssyncset.done @!p0 $0x0  }
0x495: {  	[sflag:s0] =	ssyncadd.s32 @!p0 s1  }
0x496: {  	[bflag:$0x3] =	sbarrier.arrive $0xFFFF  }
0x497: {  	_ =	shalt  }

</sc_bundles>
